<compile_context>
chip_gen: v7x
topology: tpu7x:2x2x1
jax: 0.10.2.dev20260603
libtpu: 0.0.44.dev20260713+nightly
codegen_flags: <defaults>
</compile_context>

<pallas_src>
import functools

import jax
import jax.numpy as jnp
from jax import lax
from jax.experimental import pallas as pl
from jax.experimental.pallas import tpu as pltpu
from jax.experimental.pallas import tpu_sc as plsc

NC, NS, L = 2, 16, 16
NW = NC * NS
D = 128
SUB = 128
GROUPS = SUB // L
NBUF = 2

A_SUB = 152
B_SUB = 8
HALF_MAX = max(A_SUB, B_SUB) // 2


def _sc_body(src_hbm, dst_hbm, et_hbm, z_hbm, w_hbm, out_hbm,
             sidx, didx, eidx,
             srows0, drows0, wrows0, srows1, drows1, wrows1,
             outv0, outv1, gsem0, gsem1, osem0, osem1):
    c = lax.axis_index("c")
    s = lax.axis_index("s")
    lane = lax.iota(jnp.int32, L)
    base_sub = jnp.where(c == 0, s * A_SUB, NS * A_SUB + s * B_SUB)
    my_n = jnp.where(c == 0, A_SUB, B_SUB)
    tbase = base_sub * SUB
    row0 = base_sub

    half = my_n // 2
    rows = ((srows0, drows0, wrows0), (srows1, drows1, wrows1))
    outvs = (outv0, outv1)
    gsems = (gsem0, gsem1)
    osems = (osem0, osem1)

    def fire(j, b):
        s, d, w = rows[b]
        pltpu.async_copy(z_hbm.at[sidx.at[j]], s, gsems[b])
        pltpu.async_copy(z_hbm.at[didx.at[j]], d, gsems[b])
        pltpu.async_copy(w_hbm.at[eidx.at[j]], w, gsems[b])

    def wait_rows(b):
        s, d, w = rows[b]
        pltpu.make_async_copy(z_hbm.at[sidx.at[0]], s, gsems[b]).wait()
        pltpu.make_async_copy(z_hbm.at[didx.at[0]], d, gsems[b]).wait()
        pltpu.make_async_copy(w_hbm.at[eidx.at[0]], w, gsems[b]).wait()

    def wait_out(b):
        pltpu.make_async_copy(outvs[b], out_hbm.at[pl.ds(tbase, SUB)],
                              osems[b]).wait()

    def compute(b):
        srows_b, drows_b, wrows_b = rows[b]
        outv_b = outvs[b]

        def group_body(g, gcarry):
            def edge_body(j, vec):
                e = g * L + j
                acc = jnp.zeros((L,), jnp.float32)
                for c in range(D // 32):
                    sw = lax.bitcast_convert_type(
                        srows_b[e, pl.ds(c * L, L)], jnp.int32)
                    tw = lax.bitcast_convert_type(
                        drows_b[e, pl.ds(c * L, L)], jnp.int32)
                    ww = lax.bitcast_convert_type(
                        wrows_b[e, pl.ds(c * L, L)], jnp.int32)
                    s0 = lax.bitcast_convert_type(sw << 16, jnp.float32)
                    s1 = lax.bitcast_convert_type(
                        sw & jnp.int32(-65536), jnp.float32)
                    t0 = lax.bitcast_convert_type(tw << 16, jnp.float32)
                    t1 = lax.bitcast_convert_type(
                        tw & jnp.int32(-65536), jnp.float32)
                    w0 = lax.bitcast_convert_type(ww << 16, jnp.float32)
                    w1 = lax.bitcast_convert_type(
                        ww & jnp.int32(-65536), jnp.float32)
                    acc = acc + s0 * t0 * w0 + s1 * t1 * w1
                for sh in (8, 4, 2, 1):
                    acc = acc + acc.at[lane ^ sh].get(
                        mode="promise_in_bounds")
                return jnp.where(lane == j, acc, vec)

            vec = lax.fori_loop(0, L, edge_body, jnp.zeros((L,), jnp.float32))
            outv_b[pl.ds(g * L, L)] = 1.0 / (1.0 + jnp.exp(-vec))
            return gcarry

        lax.fori_loop(0, GROUPS, group_body, 0)

    npairs = half // NBUF

    def pair_body(h, jj, carry):
        for b in range(NBUF):
            j = jj * NBUF + b
            wait_rows(b)

            if h == 0:
                @pl.when(jj > 0)
                def _():
                    wait_out(b)
            else:
                wait_out(b)

            compute(b)
            gbase = tbase + (h * half + j) * SUB
            pltpu.async_copy(outvs[b], out_hbm.at[pl.ds(gbase, SUB)],
                             osems[b])

            @pl.when(jj < npairs - 1)
            def _():
                fire(j + NBUF, b)

        return carry

    for h in range(2):
        r0 = row0 + h * half
        pltpu.sync_copy(src_hbm.at[pl.ds(r0, HALF_MAX)], sidx)
        pltpu.sync_copy(dst_hbm.at[pl.ds(r0, HALF_MAX)], didx)
        pltpu.sync_copy(et_hbm.at[pl.ds(r0, HALF_MAX)], eidx)
        fire(0, 0)
        fire(1, 1)
        lax.fori_loop(0, npairs, functools.partial(pair_body, h), 0)

    wait_out(0)
    wait_out(1)


@functools.partial(jax.jit, static_argnames=("e_pad",))
def _decode(src, dst, et, z, weight, e_pad):
    mesh = plsc.VectorSubcoreMesh(core_axis_name="c", subcore_axis_name="s",
                                  num_cores=NC, num_subcores=NS)
    kern = pl.kernel(
        _sc_body,
        out_type=jax.ShapeDtypeStruct((e_pad,), jnp.float32),
        mesh=mesh,
        compiler_params=pltpu.CompilerParams(use_tc_tiling_on_sc=False),
        scratch_types=[
            pltpu.VMEM((HALF_MAX, SUB), jnp.int32),
            pltpu.VMEM((HALF_MAX, SUB), jnp.int32),
            pltpu.VMEM((HALF_MAX, SUB), jnp.int32),
            pltpu.VMEM((SUB, D // 2), jnp.float32),
            pltpu.VMEM((SUB, D // 2), jnp.float32),
            pltpu.VMEM((SUB, D // 2), jnp.float32),
            pltpu.VMEM((SUB, D // 2), jnp.float32),
            pltpu.VMEM((SUB, D // 2), jnp.float32),
            pltpu.VMEM((SUB, D // 2), jnp.float32),
            pltpu.VMEM((SUB,), jnp.float32),
            pltpu.VMEM((SUB,), jnp.float32),
            pltpu.SemaphoreType.DMA,
            pltpu.SemaphoreType.DMA,
            pltpu.SemaphoreType.DMA,
            pltpu.SemaphoreType.DMA,
        ],
    )
    return kern(src.reshape(-1, SUB), dst.reshape(-1, SUB),
                et.reshape(-1, SUB), z, weight)


def kernel(z, edge_index, edge_type, weight):
    e = edge_type.shape[0]
    e_pad = NS * (A_SUB + B_SUB) * SUB
    assert e_pad >= e
    idx_rows = NS * A_SUB + (NS - 1) * B_SUB + B_SUB // 2 + HALF_MAX
    idx_len = max(idx_rows * SUB, e_pad)
    src = edge_index[0].astype(jnp.int32)
    dst = edge_index[1].astype(jnp.int32)
    et = edge_type.astype(jnp.int32)
    if idx_len != e:
        pad = idx_len - e
        zeros = jnp.zeros((pad,), jnp.int32)
        src = jnp.concatenate([src, zeros])
        dst = jnp.concatenate([dst, zeros])
        et = jnp.concatenate([et, zeros])
    zpacked = lax.bitcast_convert_type(
        z.astype(jnp.bfloat16).reshape(z.shape[0], D // 2, 2), jnp.float32)
    wpacked = lax.bitcast_convert_type(
        weight.astype(jnp.bfloat16).reshape(weight.shape[0], D // 2, 2),
        jnp.float32)
    out = _decode(src, dst, et, zpacked, wpacked, e_pad)
    return out[:e]

# --- scband reference (transcript-rebuilt; emitter-appended) ---
"""Pipeline reference for scband-multi-inner-product-decoder-45956150067650 (READ-ONLY COPY).

The authoritative reference and input builder live on the scoring server;
editing this copy changes nothing except your own understanding.
"""

import jax, jax.numpy as jnp
import numpy as np

IN_DIM = 128
NUM_ET = 964
N_NODES = 10000
N_EDGES = 320000


def setup_inputs(seed: int = 0) -> dict:
    key = jax.random.key(seed)
    k1, k2, k3, k4 = jax.random.split(key, 4)
    z = jax.random.normal(k1, (N_NODES, IN_DIM), dtype=jnp.float32)
    edge_index = jax.random.randint(k2, (2, N_EDGES), 0, N_NODES, dtype=jnp.int64)
    edge_type = jax.random.randint(k3, (N_EDGES,), 0, NUM_ET, dtype=jnp.int64)
    # learned parameter: per-edge-type weight vector, init normal(std=1/sqrt(in_dim))
    weight = jax.random.normal(k4, (NUM_ET, IN_DIM), dtype=jnp.float32) * (1.0 / np.sqrt(IN_DIM))
    return {"z": z, "edge_index": edge_index, "edge_type": edge_type, "weight": weight}


def reference(z, edge_index, edge_type, weight):
    # value = (z[src] * z[dst] * weight[edge_type]).sum(dim=1); sigmoid
    src = jnp.take(z, edge_index[0], axis=0)          # gather [E, d]
    dst = jnp.take(z, edge_index[1], axis=0)          # gather [E, d]
    w = jnp.take(weight, edge_type, axis=0)           # gather [E, d]
    value = jnp.sum(src * dst * w, axis=1)            # [E]
    return jax.nn.sigmoid(value)

if __name__ == "__main__":
    import jax
    _d = setup_inputs()
    print(jax.jit(kernel)(*tuple(_d.values())))

</pallas_src>

<mosaic_0001>
#map = affine_map<(d0, d1) -> (0, 0)>
#map1 = affine_map<(d0, d1) -> (0)>
module attributes {stable_mosaic.version = 14 : i64} {
  func.func @_sc_body(%arg0: i32, %arg1: i32, %arg2: memref<2632x128xi32, #tpu.memory_space<hbm>>, %arg3: memref<2632x128xi32, #tpu.memory_space<hbm>>, %arg4: memref<2632x128xi32, #tpu.memory_space<hbm>>, %arg5: memref<10000x64xf32, #tpu.memory_space<hbm>>, %arg6: memref<964x64xf32, #tpu.memory_space<hbm>>, %arg7: memref<327680xf32, #tpu.memory_space<hbm>>, %arg8: memref<76x128xi32, #tpu.memory_space<vmem>>, %arg9: memref<76x128xi32, #tpu.memory_space<vmem>>, %arg10: memref<76x128xi32, #tpu.memory_space<vmem>>, %arg11: memref<128x64xf32, #tpu.memory_space<vmem>>, %arg12: memref<128x64xf32, #tpu.memory_space<vmem>>, %arg13: memref<128x64xf32, #tpu.memory_space<vmem>>, %arg14: memref<128x64xf32, #tpu.memory_space<vmem>>, %arg15: memref<128x64xf32, #tpu.memory_space<vmem>>, %arg16: memref<128x64xf32, #tpu.memory_space<vmem>>, %arg17: memref<128xf32, #tpu.memory_space<vmem>>, %arg18: memref<128xf32, #tpu.memory_space<vmem>>, %arg19: memref<!tpu.dma_semaphore, #tpu.memory_space<semaphore_mem>>, %arg20: memref<!tpu.dma_semaphore, #tpu.memory_space<semaphore_mem>>, %arg21: memref<!tpu.dma_semaphore, #tpu.memory_space<semaphore_mem>>, %arg22: memref<!tpu.dma_semaphore, #tpu.memory_space<semaphore_mem>>) attributes {dimension_semantics = [#tpu.dimension_semantics<core_parallel>, #tpu.dimension_semantics<subcore_parallel>], iteration_bounds = array<i64: 2, 16>, scalar_prefetch = 0 : i64, scratch_operands = 15 : i64, tpu.core_type = #tpu.core_type<sc_vector_subcore>, window_params = [{transform_indices = #map}, {transform_indices = #map}, {transform_indices = #map}, {transform_indices = #map}, {transform_indices = #map}, {transform_indices = #map1}]} {
    %iota3A = tpu.iota {dimensions = array<i32: 0>} : vector<16xi32>
    %eq3A = arith.constant 0 : i32
    %eq3A_0 = arith.cmpi eq, %arg0, %eq3A : i32
    %mul3A = arith.constant 152 : i32
    %mul3A_1 = arith.muli %arg1, %mul3A : i32
    %mul3A_2 = arith.constant 8 : i32
    %mul3A_3 = arith.muli %arg1, %mul3A_2 : i32
    %add3A = arith.constant 2432 : i32
    %add3A_4 = arith.addi %add3A, %mul3A_3 : i32
    %select_n3A = arith.select %eq3A_0, %mul3A_1, %add3A_4 : i32
    %eq3A_5 = arith.constant 0 : i32
    %eq3A_6 = arith.cmpi eq, %arg0, %eq3A_5 : i32
    %jit3A = arith.constant 152 : i32
    %jit3A_7 = arith.constant 8 : i32
    %select_n3A_8 = arith.select %eq3A_6, %jit3A, %jit3A_7 : i32
    %mul3A_9 = arith.constant 128 : i32
    %mul3A_10 = arith.muli %select_n3A, %mul3A_9 : i32
    %jit3A_11 = arith.constant 2 : i32
    %div3A = arith.divsi %select_n3A_8, %jit3A_11 : i32
    %sign3A = arith.constant 0 : i32
    %sign3A_12 = arith.cmpi sgt, %select_n3A_8, %sign3A : i32
    %sign3A_13 = arith.extui %sign3A_12 : i1 to i32
    %sign3A_14 = arith.constant 0 : i32
    %sign3A_15 = arith.cmpi slt, %select_n3A_8, %sign3A_14 : i32
    %sign3A_16 = arith.extui %sign3A_15 : i1 to i32
    %sign3A_17 = arith.subi %sign3A_13, %sign3A_16 : i32
    %sign3A_18 = arith.constant 0 : i32
    %sign3A_19 = arith.cmpi sgt, %jit3A_11, %sign3A_18 : i32
    %sign3A_20 = arith.extui %sign3A_19 : i1 to i32
    %sign3A_21 = arith.constant 0 : i32
    %sign3A_22 = arith.cmpi slt, %jit3A_11, %sign3A_21 : i32
    %sign3A_23 = arith.extui %sign3A_22 : i1 to i32
    %sign3A_24 = arith.subi %sign3A_20, %sign3A_23 : i32
    %ne3A = arith.cmpi ne, %sign3A_17, %sign3A_24 : i32
    %rem3A = arith.remsi %select_n3A_8, %jit3A_11 : i32
    %ne3A_25 = arith.constant 0 : i32
    %ne3A_26 = arith.cmpi ne, %rem3A, %ne3A_25 : i32
    %and3A = arith.andi %ne3A, %ne3A_26 : i1
    %sub3A = arith.constant 1 : i32
    %sub3A_27 = arith.subi %div3A, %sub3A : i32
    %select_n3A_28 = arith.select %and3A, %sub3A_27, %div3A : i32
    %jit3A_29 = arith.constant 2 : i32
    %div3A_30 = arith.divsi %select_n3A_28, %jit3A_29 : i32
    %sign3A_31 = arith.constant 0 : i32
    %sign3A_32 = arith.cmpi sgt, %select_n3A_28, %sign3A_31 : i32
    %sign3A_33 = arith.extui %sign3A_32 : i1 to i32
    %sign3A_34 = arith.constant 0 : i32
    %sign3A_35 = arith.cmpi slt, %select_n3A_28, %sign3A_34 : i32
    %sign3A_36 = arith.extui %sign3A_35 : i1 to i32
    %sign3A_37 = arith.subi %sign3A_33, %sign3A_36 : i32
    %sign3A_38 = arith.constant 0 : i32
    %sign3A_39 = arith.cmpi sgt, %jit3A_29, %sign3A_38 : i32
    %sign3A_40 = arith.extui %sign3A_39 : i1 to i32
    %sign3A_41 = arith.constant 0 : i32
    %sign3A_42 = arith.cmpi slt, %jit3A_29, %sign3A_41 : i32
    %sign3A_43 = arith.extui %sign3A_42 : i1 to i32
    %sign3A_44 = arith.subi %sign3A_40, %sign3A_43 : i32
    %ne3A_45 = arith.cmpi ne, %sign3A_37, %sign3A_44 : i32
    %rem3A_46 = arith.remsi %select_n3A_28, %jit3A_29 : i32
    %ne3A_47 = arith.constant 0 : i32
    %ne3A_48 = arith.cmpi ne, %rem3A_46, %ne3A_47 : i32
    %and3A_49 = arith.andi %ne3A_45, %ne3A_48 : i1
    %sub3A_50 = arith.constant 1 : i32
    %sub3A_51 = arith.subi %div3A_30, %sub3A_50 : i32
    %select_n3A_52 = arith.select %and3A_49, %sub3A_51, %div3A_30 : i32
    %mul3A_53 = arith.constant 0 : i32
    %mul3A_54 = arith.muli %mul3A_53, %select_n3A_28 : i32
    %add3A_55 = arith.addi %select_n3A, %mul3A_54 : i32
    "tpu.region"() ({
      %run_scoped3A = tpu.sem_alloc : memref<!tpu.dma_semaphore, #tpu.memory_space<semaphore_mem>>
      %dma_start3A_164 = arith.constant 0 : i32
      %dma_start3A_165 = tpu.memref_slice %arg2[%add3A_55, %dma_start3A_164] : memref<2632x128xi32, #tpu.memory_space<hbm>> -> memref<76x128xi32, #tpu.memory_space<hbm>>
      %dma_start3A_166 = arith.constant 0 : i32
      %dma_start3A_167 = tpu.memref_slice %arg2[%add3A_55, %dma_start3A_166] : memref<2632x128xi32, #tpu.memory_space<hbm>> -> memref<76x128xi32, #tpu.memory_space<hbm>>
      tpu.enqueue_dma source(%dma_start3A_167 : memref<76x128xi32, #tpu.memory_space<hbm>>) target(%arg8 : memref<76x128xi32, #tpu.memory_space<vmem>>) target_semaphore(%run_scoped3A : memref<!tpu.dma_semaphore, #tpu.memory_space<semaphore_mem>>)
      %dma_wait3A_168 = arith.constant 0 : i32
      %dma_wait3A_169 = tpu.memref_slice %arg2[%add3A_55, %dma_wait3A_168] : memref<2632x128xi32, #tpu.memory_space<hbm>> -> memref<76x128xi32, #tpu.memory_space<hbm>>
      %dma_wait3A_170 = arith.constant 0 : i32
      %dma_wait3A_171 = tpu.memref_slice %arg2[%add3A_55, %dma_wait3A_170] : memref<2632x128xi32, #tpu.memory_space<hbm>> -> memref<76x128xi32, #tpu.memory_space<hbm>>
      tpu.wait_dma2 semaphore(%run_scoped3A : memref<!tpu.dma_semaphore, #tpu.memory_space<semaphore_mem>>) src(%dma_wait3A_171 : memref<76x128xi32, #tpu.memory_space<hbm>>) dst(%arg8 : memref<76x128xi32, #tpu.memory_space<vmem>>)
      tpu.yield
    }) : () -> ()
    "tpu.region"() ({
      %run_scoped3A = tpu.sem_alloc : memref<!tpu.dma_semaphore, #tpu.memory_space<semaphore_mem>>
      %dma_start3A_164 = arith.constant 0 : i32
      %dma_start3A_165 = tpu.memref_slice %arg3[%add3A_55, %dma_start3A_164] : memref<2632x128xi32, #tpu.memory_space<hbm>> -> memref<76x128xi32, #tpu.memory_space<hbm>>
      %dma_start3A_166 = arith.constant 0 : i32
      %dma_start3A_167 = tpu.memref_slice %arg3[%add3A_55, %dma_start3A_166] : memref<2632x128xi32, #tpu.memory_space<hbm>> -> memref<76x128xi32, #tpu.memory_space<hbm>>
      tpu.enqueue_dma source(%dma_start3A_167 : memref<76x128xi32, #tpu.memory_space<hbm>>) target(%arg9 : memref<76x128xi32, #tpu.memory_space<vmem>>) target_semaphore(%run_scoped3A : memref<!tpu.dma_semaphore, #tpu.memory_space<semaphore_mem>>)
      %dma_wait3A_168 = arith.constant 0 : i32
      %dma_wait3A_169 = tpu.memref_slice %arg3[%add3A_55, %dma_wait3A_168] : memref<2632x128xi32, #tpu.memory_space<hbm>> -> memref<76x128xi32, #tpu.memory_space<hbm>>
      %dma_wait3A_170 = arith.constant 0 : i32
      %dma_wait3A_171 = tpu.memref_slice %arg3[%add3A_55, %dma_wait3A_170] : memref<2632x128xi32, #tpu.memory_space<hbm>> -> memref<76x128xi32, #tpu.memory_space<hbm>>
      tpu.wait_dma2 semaphore(%run_scoped3A : memref<!tpu.dma_semaphore, #tpu.memory_space<semaphore_mem>>) src(%dma_wait3A_171 : memref<76x128xi32, #tpu.memory_space<hbm>>) dst(%arg9 : memref<76x128xi32, #tpu.memory_space<vmem>>)
      tpu.yield
    }) : () -> ()
    "tpu.region"() ({
      %run_scoped3A = tpu.sem_alloc : memref<!tpu.dma_semaphore, #tpu.memory_space<semaphore_mem>>
      %dma_start3A_164 = arith.constant 0 : i32
      %dma_start3A_165 = tpu.memref_slice %arg4[%add3A_55, %dma_start3A_164] : memref<2632x128xi32, #tpu.memory_space<hbm>> -> memref<76x128xi32, #tpu.memory_space<hbm>>
      %dma_start3A_166 = arith.constant 0 : i32
      %dma_start3A_167 = tpu.memref_slice %arg4[%add3A_55, %dma_start3A_166] : memref<2632x128xi32, #tpu.memory_space<hbm>> -> memref<76x128xi32, #tpu.memory_space<hbm>>
      tpu.enqueue_dma source(%dma_start3A_167 : memref<76x128xi32, #tpu.memory_space<hbm>>) target(%arg10 : memref<76x128xi32, #tpu.memory_space<vmem>>) target_semaphore(%run_scoped3A : memref<!tpu.dma_semaphore, #tpu.memory_space<semaphore_mem>>)
      %dma_wait3A_168 = arith.constant 0 : i32
      %dma_wait3A_169 = tpu.memref_slice %arg4[%add3A_55, %dma_wait3A_168] : memref<2632x128xi32, #tpu.memory_space<hbm>> -> memref<76x128xi32, #tpu.memory_space<hbm>>
      %dma_wait3A_170 = arith.constant 0 : i32
      %dma_wait3A_171 = tpu.memref_slice %arg4[%add3A_55, %dma_wait3A_170] : memref<2632x128xi32, #tpu.memory_space<hbm>> -> memref<76x128xi32, #tpu.memory_space<hbm>>
      tpu.wait_dma2 semaphore(%run_scoped3A : memref<!tpu.dma_semaphore, #tpu.memory_space<semaphore_mem>>) src(%dma_wait3A_171 : memref<76x128xi32, #tpu.memory_space<hbm>>) dst(%arg10 : memref<76x128xi32, #tpu.memory_space<vmem>>)
      tpu.yield
    }) : () -> ()
    %dma_start3A = arith.constant 0 : i32
    %dma_start3A_56 = arith.constant 0 : i32
    %dma_start3A_57 = tpu.memref_slice %arg8[%dma_start3A, %dma_start3A_56] : memref<76x128xi32, #tpu.memory_space<vmem>> -> memref<1x128xi32, #tpu.memory_space<vmem>>
    %dma_start3A_58 = tpu.memref_squeeze %dma_start3A_57 : memref<1x128xi32, #tpu.memory_space<vmem>> -> memref<128xi32, #tpu.memory_space<vmem>>
    %dma_start3A_59 = arith.constant 0 : i32
    %dma_start3A_60 = arith.constant 0 : i32
    %dma_start3A_61 = tpu.memref_slice %arg5[%dma_start3A_59, %dma_start3A_60] : memref<10000x64xf32, #tpu.memory_space<hbm>> -> memref<10000x64xf32, #tpu.memory_space<hbm>>
    tpu.enqueue_indirect_dma source(%dma_start3A_61 : memref<10000x64xf32, #tpu.memory_space<hbm>>) target(%arg11 : memref<128x64xf32, #tpu.memory_space<vmem>>) offsets(%dma_start3A_58 : memref<128xi32, #tpu.memory_space<vmem>>) semaphore(%arg19 : memref<!tpu.dma_semaphore, #tpu.memory_space<semaphore_mem>>)
    %dma_start3A_62 = arith.constant 0 : i32
    %dma_start3A_63 = arith.constant 0 : i32
    %dma_start3A_64 = tpu.memref_slice %arg9[%dma_start3A_62, %dma_start3A_63] : memref<76x128xi32, #tpu.memory_space<vmem>> -> memref<1x128xi32, #tpu.memory_space<vmem>>
    %dma_start3A_65 = tpu.memref_squeeze %dma_start3A_64 : memref<1x128xi32, #tpu.memory_space<vmem>> -> memref<128xi32, #tpu.memory_space<vmem>>
    %dma_start3A_66 = arith.constant 0 : i32
    %dma_start3A_67 = arith.constant 0 : i32
    %dma_start3A_68 = tpu.memref_slice %arg5[%dma_start3A_66, %dma_start3A_67] : memref<10000x64xf32, #tpu.memory_space<hbm>> -> memref<10000x64xf32, #tpu.memory_space<hbm>>
    tpu.enqueue_indirect_dma source(%dma_start3A_68 : memref<10000x64xf32, #tpu.memory_space<hbm>>) target(%arg12 : memref<128x64xf32, #tpu.memory_space<vmem>>) offsets(%dma_start3A_65 : memref<128xi32, #tpu.memory_space<vmem>>) semaphore(%arg19 : memref<!tpu.dma_semaphore, #tpu.memory_space<semaphore_mem>>)
    %dma_start3A_69 = arith.constant 0 : i32
    %dma_start3A_70 = arith.constant 0 : i32
    %dma_start3A_71 = tpu.memref_slice %arg10[%dma_start3A_69, %dma_start3A_70] : memref<76x128xi32, #tpu.memory_space<vmem>> -> memref<1x128xi32, #tpu.memory_space<vmem>>
    %dma_start3A_72 = tpu.memref_squeeze %dma_start3A_71 : memref<1x128xi32, #tpu.memory_space<vmem>> -> memref<128xi32, #tpu.memory_space<vmem>>
    %dma_start3A_73 = arith.constant 0 : i32
    %dma_start3A_74 = arith.constant 0 : i32
    %dma_start3A_75 = tpu.memref_slice %arg6[%dma_start3A_73, %dma_start3A_74] : memref<964x64xf32, #tpu.memory_space<hbm>> -> memref<964x64xf32, #tpu.memory_space<hbm>>
    tpu.enqueue_indirect_dma source(%dma_start3A_75 : memref<964x64xf32, #tpu.memory_space<hbm>>) target(%arg13 : memref<128x64xf32, #tpu.memory_space<vmem>>) offsets(%dma_start3A_72 : memref<128xi32, #tpu.memory_space<vmem>>) semaphore(%arg19 : memref<!tpu.dma_semaphore, #tpu.memory_space<semaphore_mem>>)
    %dma_start3A_76 = arith.constant 1 : i32
    %dma_start3A_77 = arith.constant 0 : i32
    %dma_start3A_78 = tpu.memref_slice %arg8[%dma_start3A_76, %dma_start3A_77] : memref<76x128xi32, #tpu.memory_space<vmem>> -> memref<1x128xi32, #tpu.memory_space<vmem>>
    %dma_start3A_79 = tpu.memref_squeeze %dma_start3A_78 : memref<1x128xi32, #tpu.memory_space<vmem>> -> memref<128xi32, #tpu.memory_space<vmem>>
    %dma_start3A_80 = arith.constant 0 : i32
    %dma_start3A_81 = arith.constant 0 : i32
    %dma_start3A_82 = tpu.memref_slice %arg5[%dma_start3A_80, %dma_start3A_81] : memref<10000x64xf32, #tpu.memory_space<hbm>> -> memref<10000x64xf32, #tpu.memory_space<hbm>>
    tpu.enqueue_indirect_dma source(%dma_start3A_82 : memref<10000x64xf32, #tpu.memory_space<hbm>>) target(%arg14 : memref<128x64xf32, #tpu.memory_space<vmem>>) offsets(%dma_start3A_79 : memref<128xi32, #tpu.memory_space<vmem>>) semaphore(%arg20 : memref<!tpu.dma_semaphore, #tpu.memory_space<semaphore_mem>>)
    %dma_start3A_83 = arith.constant 1 : i32
    %dma_start3A_84 = arith.constant 0 : i32
    %dma_start3A_85 = tpu.memref_slice %arg9[%dma_start3A_83, %dma_start3A_84] : memref<76x128xi32, #tpu.memory_space<vmem>> -> memref<1x128xi32, #tpu.memory_space<vmem>>
    %dma_start3A_86 = tpu.memref_squeeze %dma_start3A_85 : memref<1x128xi32, #tpu.memory_space<vmem>> -> memref<128xi32, #tpu.memory_space<vmem>>
    %dma_start3A_87 = arith.constant 0 : i32
    %dma_start3A_88 = arith.constant 0 : i32
    %dma_start3A_89 = tpu.memref_slice %arg5[%dma_start3A_87, %dma_start3A_88] : memref<10000x64xf32, #tpu.memory_space<hbm>> -> memref<10000x64xf32, #tpu.memory_space<hbm>>
    tpu.enqueue_indirect_dma source(%dma_start3A_89 : memref<10000x64xf32, #tpu.memory_space<hbm>>) target(%arg15 : memref<128x64xf32, #tpu.memory_space<vmem>>) offsets(%dma_start3A_86 : memref<128xi32, #tpu.memory_space<vmem>>) semaphore(%arg20 : memref<!tpu.dma_semaphore, #tpu.memory_space<semaphore_mem>>)
    %dma_start3A_90 = arith.constant 1 : i32
    %dma_start3A_91 = arith.constant 0 : i32
    %dma_start3A_92 = tpu.memref_slice %arg10[%dma_start3A_90, %dma_start3A_91] : memref<76x128xi32, #tpu.memory_space<vmem>> -> memref<1x128xi32, #tpu.memory_space<vmem>>
    %dma_start3A_93 = tpu.memref_squeeze %dma_start3A_92 : memref<1x128xi32, #tpu.memory_space<vmem>> -> memref<128xi32, #tpu.memory_space<vmem>>
    %dma_start3A_94 = arith.constant 0 : i32
    %dma_start3A_95 = arith.constant 0 : i32
    %dma_start3A_96 = tpu.memref_slice %arg6[%dma_start3A_94, %dma_start3A_95] : memref<964x64xf32, #tpu.memory_space<hbm>> -> memref<964x64xf32, #tpu.memory_space<hbm>>
    tpu.enqueue_indirect_dma source(%dma_start3A_96 : memref<964x64xf32, #tpu.memory_space<hbm>>) target(%arg16 : memref<128x64xf32, #tpu.memory_space<vmem>>) offsets(%dma_start3A_93 : memref<128xi32, #tpu.memory_space<vmem>>) semaphore(%arg20 : memref<!tpu.dma_semaphore, #tpu.memory_space<semaphore_mem>>)
    %while3A = arith.constant 0 : i32
    %while3A_97 = arith.constant 0 : i32
    %while3A_98 = arith.subi %select_n3A_52, %while3A_97 : i32
    %while3A_99 = arith.addi %while3A_97, %while3A_98 : i32
    %while3A_100 = arith.constant 1 : i32
    %while3A_101 = arith.divsi %while3A_98, %while3A_100 : i32
    %while3A_102 = arith.muli %while3A_101, %while3A_100 : i32
    %while3A_103 = arith.addi %while3A_97, %while3A_102 : i32
    %while3A_104 = arith.constant 1 : i32
    scf.for %while3A_164 = %while3A_97 to %while3A_103 step %while3A_104  : i32 {
      %mul3A_165 = arith.constant 2 : i32
      %mul3A_166 = arith.muli %while3A_164, %mul3A_165 : i32
      %add3A_167 = arith.constant 0 : i32
      %add3A_168 = arith.addi %mul3A_166, %add3A_167 : i32
      %dma_wait3A_169 = arith.constant 0 : i32
      %dma_wait3A_170 = arith.constant 0 : i32
      %dma_wait3A_171 = tpu.memref_slice %arg8[%dma_wait3A_169, %dma_wait3A_170] : memref<76x128xi32, #tpu.memory_space<vmem>> -> memref<1x128xi32, #tpu.memory_space<vmem>>
      %dma_wait3A_172 = tpu.memref_squeeze %dma_wait3A_171 : memref<1x128xi32, #tpu.memory_space<vmem>> -> memref<128xi32, #tpu.memory_space<vmem>>
      %dma_wait3A_173 = arith.constant 0 : i32
      %dma_wait3A_174 = arith.constant 0 : i32
      %dma_wait3A_175 = tpu.memref_slice %arg5[%dma_wait3A_173, %dma_wait3A_174] : memref<10000x64xf32, #tpu.memory_space<hbm>> -> memref<10000x64xf32, #tpu.memory_space<hbm>>
      tpu.wait_indirect_dma semaphore(%arg19 : memref<!tpu.dma_semaphore, #tpu.memory_space<semaphore_mem>>) src(%dma_wait3A_175 : memref<10000x64xf32, #tpu.memory_space<hbm>>) dst(%arg11 : memref<128x64xf32, #tpu.memory_space<vmem>>)
      %dma_wait3A_176 = arith.constant 0 : i32
      %dma_wait3A_177 = arith.constant 0 : i32
      %dma_wait3A_178 = tpu.memref_slice %arg9[%dma_wait3A_176, %dma_wait3A_177] : memref<76x128xi32, #tpu.memory_space<vmem>> -> memref<1x128xi32, #tpu.memory_space<vmem>>
      %dma_wait3A_179 = tpu.memref_squeeze %dma_wait3A_178 : memref<1x128xi32, #tpu.memory_space<vmem>> -> memref<128xi32, #tpu.memory_space<vmem>>
      %dma_wait3A_180 = arith.constant 0 : i32
      %dma_wait3A_181 = arith.constant 0 : i32
      %dma_wait3A_182 = tpu.memref_slice %arg5[%dma_wait3A_180, %dma_wait3A_181] : memref<10000x64xf32, #tpu.memory_space<hbm>> -> memref<10000x64xf32, #tpu.memory_space<hbm>>
      tpu.wait_indirect_dma semaphore(%arg19 : memref<!tpu.dma_semaphore, #tpu.memory_space<semaphore_mem>>) src(%dma_wait3A_182 : memref<10000x64xf32, #tpu.memory_space<hbm>>) dst(%arg12 : memref<128x64xf32, #tpu.memory_space<vmem>>)
      %dma_wait3A_183 = arith.constant 0 : i32
      %dma_wait3A_184 = arith.constant 0 : i32
      %dma_wait3A_185 = tpu.memref_slice %arg10[%dma_wait3A_183, %dma_wait3A_184] : memref<76x128xi32, #tpu.memory_space<vmem>> -> memref<1x128xi32, #tpu.memory_space<vmem>>
      %dma_wait3A_186 = tpu.memref_squeeze %dma_wait3A_185 : memref<1x128xi32, #tpu.memory_space<vmem>> -> memref<128xi32, #tpu.memory_space<vmem>>
      %dma_wait3A_187 = arith.constant 0 : i32
      %dma_wait3A_188 = arith.constant 0 : i32
      %dma_wait3A_189 = tpu.memref_slice %arg6[%dma_wait3A_187, %dma_wait3A_188] : memref<964x64xf32, #tpu.memory_space<hbm>> -> memref<964x64xf32, #tpu.memory_space<hbm>>
      tpu.wait_indirect_dma semaphore(%arg19 : memref<!tpu.dma_semaphore, #tpu.memory_space<semaphore_mem>>) src(%dma_wait3A_189 : memref<964x64xf32, #tpu.memory_space<hbm>>) dst(%arg13 : memref<128x64xf32, #tpu.memory_space<vmem>>)
      %gt3A = arith.constant 0 : i32
      %gt3A_190 = arith.cmpi sgt, %while3A_164, %gt3A : i32
      %convert_element_type3A = arith.extui %gt3A_190 : i1 to i32
      %cond3A = arith.constant 0 : i32
      %cond3A_191 = arith.cmpi ne, %convert_element_type3A, %cond3A : i32
      scf.if %cond3A_191 {
        %dma_wait3A_260 = tpu.memref_slice %arg7[%mul3A_10] : memref<327680xf32, #tpu.memory_space<hbm>> -> memref<128xf32, #tpu.memory_space<hbm>>
        %dma_wait3A_261 = tpu.memref_slice %arg7[%mul3A_10] : memref<327680xf32, #tpu.memory_space<hbm>> -> memref<128xf32, #tpu.memory_space<hbm>>
        tpu.wait_dma2 semaphore(%arg21 : memref<!tpu.dma_semaphore, #tpu.memory_space<semaphore_mem>>) src(%arg17 : memref<128xf32, #tpu.memory_space<vmem>>) dst(%dma_wait3A_261 : memref<128xf32, #tpu.memory_space<hbm>>)
      } else {
      }
      %scan3A = arith.constant 0 : i32
      %scan3A_192 = arith.constant 0 : i32
      %scan3A_193 = arith.constant 8 : i32
      %scan3A_194 = arith.addi %scan3A_192, %scan3A_193 : i32
      %scan3A_195 = arith.constant 1 : i32
      scf.for %scan3A_260 = %scan3A_192 to %scan3A_194 step %scan3A_195  : i32 {
        %broadcast_in_dim3A = arith.constant 0.000000e+00 : f32
        %broadcast_in_dim3A_261 = vector.broadcast %broadcast_in_dim3A : f32 to vector<16xf32>
        %scan3A_262 = arith.constant 0 : i32
        %scan3A_263 = arith.constant 16 : i32
        %scan3A_264 = arith.addi %scan3A_262, %scan3A_263 : i32
        %scan3A_265 = arith.constant 1 : i32
        %scan3A_266 = scf.for %scan3A_281 = %scan3A_262 to %scan3A_264 step %scan3A_265 iter_args(%scan3A_282 = %broadcast_in_dim3A_261) -> (vector<16xf32>)  : i32 {
          %mul3A_283 = arith.constant 16 : i32
          %mul3A_284 = arith.muli %scan3A_260, %mul3A_283 : i32
          %add3A_285 = arith.addi %mul3A_284, %scan3A_281 : i32
          %broadcast_in_dim3A_286 = arith.constant 0.000000e+00 : f32
          %broadcast_in_dim3A_287 = vector.broadcast %broadcast_in_dim3A_286 : f32 to vector<16xf32>
          %get3A = arith.index_cast %add3A_285 : i32 to index
          %get3A_288 = arith.constant 0 : index
          %get3A_289 = tpu.vector_load %arg11[%get3A, %get3A_288] {strides = array<i32>} : memref<128x64xf32, #tpu.memory_space<vmem>>, vector<1x16xf32>,
          %get3A_290 = vector.shape_cast %get3A_289 : vector<1x16xf32> to vector<16xf32>
          %bitcast_convert_type3A = tpu.bitcast %get3A_290 : vector<16xf32> -> vector<16xi32>
          %get3A_291 = arith.index_cast %add3A_285 : i32 to index
          %get3A_292 = arith.constant 0 : index
          %get3A_293 = tpu.vector_load %arg12[%get3A_291, %get3A_292] {strides = array<i32>} : memref<128x64xf32, #tpu.memory_space<vmem>>, vector<1x16xf32>,
          %get3A_294 = vector.shape_cast %get3A_293 : vector<1x16xf32> to vector<16xf32>
          %bitcast_convert_type3A_295 = tpu.bitcast %get3A_294 : vector<16xf32> -> vector<16xi32>
          %get3A_296 = arith.index_cast %add3A_285 : i32 to index
          %get3A_297 = arith.constant 0 : index
          %get3A_298 = tpu.vector_load %arg13[%get3A_296, %get3A_297] {strides = array<i32>} : memref<128x64xf32, #tpu.memory_space<vmem>>, vector<1x16xf32>,
          %get3A_299 = vector.shape_cast %get3A_298 : vector<1x16xf32> to vector<16xf32>
          %bitcast_convert_type3A_300 = tpu.bitcast %get3A_299 : vector<16xf32> -> vector<16xi32>
          %shift_left3A = arith.constant 16 : i32
          %shift_left3A_301 = vector.broadcast %shift_left3A : i32 to vector<16xi32>
          %shift_left3A_302 = arith.shli %bitcast_convert_type3A, %shift_left3A_301 : vector<16xi32>
          %bitcast_convert_type3A_303 = tpu.bitcast %shift_left3A_302 : vector<16xi32> -> vector<16xf32>
          %and3A_304 = arith.constant -65536 : i32
          %and3A_305 = vector.broadcast %and3A_304 : i32 to vector<16xi32>
          %and3A_306 = arith.andi %bitcast_convert_type3A, %and3A_305 : vector<16xi32>
          %bitcast_convert_type3A_307 = tpu.bitcast %and3A_306 : vector<16xi32> -> vector<16xf32>
          %shift_left3A_308 = arith.constant 16 : i32
          %shift_left3A_309 = vector.broadcast %shift_left3A_308 : i32 to vector<16xi32>
          %shift_left3A_310 = arith.shli %bitcast_convert_type3A_295, %shift_left3A_309 : vector<16xi32>
          %bitcast_convert_type3A_311 = tpu.bitcast %shift_left3A_310 : vector<16xi32> -> vector<16xf32>
          %and3A_312 = arith.constant -65536 : i32
          %and3A_313 = vector.broadcast %and3A_312 : i32 to vector<16xi32>
          %and3A_314 = arith.andi %bitcast_convert_type3A_295, %and3A_313 : vector<16xi32>
          %bitcast_convert_type3A_315 = tpu.bitcast %and3A_314 : vector<16xi32> -> vector<16xf32>
          %shift_left3A_316 = arith.constant 16 : i32
          %shift_left3A_317 = vector.broadcast %shift_left3A_316 : i32 to vector<16xi32>
          %shift_left3A_318 = arith.shli %bitcast_convert_type3A_300, %shift_left3A_317 : vector<16xi32>
          %bitcast_convert_type3A_319 = tpu.bitcast %shift_left3A_318 : vector<16xi32> -> vector<16xf32>
          %and3A_320 = arith.constant -65536 : i32
          %and3A_321 = vector.broadcast %and3A_320 : i32 to vector<16xi32>
          %and3A_322 = arith.andi %bitcast_convert_type3A_300, %and3A_321 : vector<16xi32>
          %bitcast_convert_type3A_323 = tpu.bitcast %and3A_322 : vector<16xi32> -> vector<16xf32>
          %mul3A_324 = arith.mulf %bitcast_convert_type3A_303, %bitcast_convert_type3A_311 : vector<16xf32>
          %mul3A_325 = arith.mulf %mul3A_324, %bitcast_convert_type3A_319 : vector<16xf32>
          %add3A_326 = arith.addf %broadcast_in_dim3A_287, %mul3A_325 : vector<16xf32>
          %mul3A_327 = arith.mulf %bitcast_convert_type3A_307, %bitcast_convert_type3A_315 : vector<16xf32>
          %mul3A_328 = arith.mulf %mul3A_327, %bitcast_convert_type3A_323 : vector<16xf32>
          %add3A_329 = arith.addf %add3A_326, %mul3A_328 : vector<16xf32>
          %get3A_330 = arith.index_cast %add3A_285 : i32 to index
          %get3A_331 = arith.constant 16 : index
          %get3A_332 = tpu.vector_load %arg11[%get3A_330, %get3A_331] {strides = array<i32>} : memref<128x64xf32, #tpu.memory_space<vmem>>, vector<1x16xf32>,
          %get3A_333 = vector.shape_cast %get3A_332 : vector<1x16xf32> to vector<16xf32>
          %bitcast_convert_type3A_334 = tpu.bitcast %get3A_333 : vector<16xf32> -> vector<16xi32>
          %get3A_335 = arith.index_cast %add3A_285 : i32 to index
          %get3A_336 = arith.constant 16 : index
          %get3A_337 = tpu.vector_load %arg12[%get3A_335, %get3A_336] {strides = array<i32>} : memref<128x64xf32, #tpu.memory_space<vmem>>, vector<1x16xf32>,
          %get3A_338 = vector.shape_cast %get3A_337 : vector<1x16xf32> to vector<16xf32>
          %bitcast_convert_type3A_339 = tpu.bitcast %get3A_338 : vector<16xf32> -> vector<16xi32>
          %get3A_340 = arith.index_cast %add3A_285 : i32 to index
          %get3A_341 = arith.constant 16 : index
          %get3A_342 = tpu.vector_load %arg13[%get3A_340, %get3A_341] {strides = array<i32>} : memref<128x64xf32, #tpu.memory_space<vmem>>, vector<1x16xf32>,
          %get3A_343 = vector.shape_cast %get3A_342 : vector<1x16xf32> to vector<16xf32>
          %bitcast_convert_type3A_344 = tpu.bitcast %get3A_343 : vector<16xf32> -> vector<16xi32>
          %shift_left3A_345 = arith.constant 16 : i32
          %shift_left3A_346 = vector.broadcast %shift_left3A_345 : i32 to vector<16xi32>
          %shift_left3A_347 = arith.shli %bitcast_convert_type3A_334, %shift_left3A_346 : vector<16xi32>
          %bitcast_convert_type3A_348 = tpu.bitcast %shift_left3A_347 : vector<16xi32> -> vector<16xf32>
          %and3A_349 = arith.constant -65536 : i32
          %and3A_350 = vector.broadcast %and3A_349 : i32 to vector<16xi32>
          %and3A_351 = arith.andi %bitcast_convert_type3A_334, %and3A_350 : vector<16xi32>
          %bitcast_convert_type3A_352 = tpu.bitcast %and3A_351 : vector<16xi32> -> vector<16xf32>
          %shift_left3A_353 = arith.constant 16 : i32
          %shift_left3A_354 = vector.broadcast %shift_left3A_353 : i32 to vector<16xi32>
          %shift_left3A_355 = arith.shli %bitcast_convert_type3A_339, %shift_left3A_354 : vector<16xi32>
          %bitcast_convert_type3A_356 = tpu.bitcast %shift_left3A_355 : vector<16xi32> -> vector<16xf32>
          %and3A_357 = arith.constant -65536 : i32
          %and3A_358 = vector.broadcast %and3A_357 : i32 to vector<16xi32>
          %and3A_359 = arith.andi %bitcast_convert_type3A_339, %and3A_358 : vector<16xi32>
          %bitcast_convert_type3A_360 = tpu.bitcast %and3A_359 : vector<16xi32> -> vector<16xf32>
          %shift_left3A_361 = arith.constant 16 : i32
          %shift_left3A_362 = vector.broadcast %shift_left3A_361 : i32 to vector<16xi32>
          %shift_left3A_363 = arith.shli %bitcast_convert_type3A_344, %shift_left3A_362 : vector<16xi32>
          %bitcast_convert_type3A_364 = tpu.bitcast %shift_left3A_363 : vector<16xi32> -> vector<16xf32>
          %and3A_365 = arith.constant -65536 : i32
          %and3A_366 = vector.broadcast %and3A_365 : i32 to vector<16xi32>
          %and3A_367 = arith.andi %bitcast_convert_type3A_344, %and3A_366 : vector<16xi32>
          %bitcast_convert_type3A_368 = tpu.bitcast %and3A_367 : vector<16xi32> -> vector<16xf32>
          %mul3A_369 = arith.mulf %bitcast_convert_type3A_348, %bitcast_convert_type3A_356 : vector<16xf32>
          %mul3A_370 = arith.mulf %mul3A_369, %bitcast_convert_type3A_364 : vector<16xf32>
          %add3A_371 = arith.addf %add3A_329, %mul3A_370 : vector<16xf32>
          %mul3A_372 = arith.mulf %bitcast_convert_type3A_352, %bitcast_convert_type3A_360 : vector<16xf32>
          %mul3A_373 = arith.mulf %mul3A_372, %bitcast_convert_type3A_368 : vector<16xf32>
          %add3A_374 = arith.addf %add3A_371, %mul3A_373 : vector<16xf32>
          %get3A_375 = arith.index_cast %add3A_285 : i32 to index
          %get3A_376 = arith.constant 32 : index
          %get3A_377 = tpu.vector_load %arg11[%get3A_375, %get3A_376] {strides = array<i32>} : memref<128x64xf32, #tpu.memory_space<vmem>>, vector<1x16xf32>,
          %get3A_378 = vector.shape_cast %get3A_377 : vector<1x16xf32> to vector<16xf32>
          %bitcast_convert_type3A_379 = tpu.bitcast %get3A_378 : vector<16xf32> -> vector<16xi32>
          %get3A_380 = arith.index_cast %add3A_285 : i32 to index
          %get3A_381 = arith.constant 32 : index
          %get3A_382 = tpu.vector_load %arg12[%get3A_380, %get3A_381] {strides = array<i32>} : memref<128x64xf32, #tpu.memory_space<vmem>>, vector<1x16xf32>,
          %get3A_383 = vector.shape_cast %get3A_382 : vector<1x16xf32> to vector<16xf32>
          %bitcast_convert_type3A_384 = tpu.bitcast %get3A_383 : vector<16xf32> -> vector<16xi32>
          %get3A_385 = arith.index_cast %add3A_285 : i32 to index
          %get3A_386 = arith.constant 32 : index
          %get3A_387 = tpu.vector_load %arg13[%get3A_385, %get3A_386] {strides = array<i32>} : memref<128x64xf32, #tpu.memory_space<vmem>>, vector<1x16xf32>,
          %get3A_388 = vector.shape_cast %get3A_387 : vector<1x16xf32> to vector<16xf32>
          %bitcast_convert_type3A_389 = tpu.bitcast %get3A_388 : vector<16xf32> -> vector<16xi32>
          %shift_left3A_390 = arith.constant 16 : i32
          %shift_left3A_391 = vector.broadcast %shift_left3A_390 : i32 to vector<16xi32>
          %shift_left3A_392 = arith.shli %bitcast_convert_type3A_379, %shift_left3A_391 : vector<16xi32>
          %bitcast_convert_type3A_393 = tpu.bitcast %shift_left3A_392 : vector<16xi32> -> vector<16xf32>
          %and3A_394 = arith.constant -65536 : i32
          %and3A_395 = vector.broadcast %and3A_394 : i32 to vector<16xi32>
          %and3A_396 = arith.andi %bitcast_convert_type3A_379, %and3A_395 : vector<16xi32>
          %bitcast_convert_type3A_397 = tpu.bitcast %and3A_396 : vector<16xi32> -> vector<16xf32>
          %shift_left3A_398 = arith.constant 16 : i32
          %shift_left3A_399 = vector.broadcast %shift_left3A_398 : i32 to vector<16xi32>
          %shift_left3A_400 = arith.shli %bitcast_convert_type3A_384, %shift_left3A_399 : vector<16xi32>
          %bitcast_convert_type3A_401 = tpu.bitcast %shift_left3A_400 : vector<16xi32> -> vector<16xf32>
          %and3A_402 = arith.constant -65536 : i32
          %and3A_403 = vector.broadcast %and3A_402 : i32 to vector<16xi32>
          %and3A_404 = arith.andi %bitcast_convert_type3A_384, %and3A_403 : vector<16xi32>
          %bitcast_convert_type3A_405 = tpu.bitcast %and3A_404 : vector<16xi32> -> vector<16xf32>
          %shift_left3A_406 = arith.constant 16 : i32
          %shift_left3A_407 = vector.broadcast %shift_left3A_406 : i32 to vector<16xi32>
          %shift_left3A_408 = arith.shli %bitcast_convert_type3A_389, %shift_left3A_407 : vector<16xi32>
          %bitcast_convert_type3A_409 = tpu.bitcast %shift_left3A_408 : vector<16xi32> -> vector<16xf32>
          %and3A_410 = arith.constant -65536 : i32
          %and3A_411 = vector.broadcast %and3A_410 : i32 to vector<16xi32>
          %and3A_412 = arith.andi %bitcast_convert_type3A_389, %and3A_411 : vector<16xi32>
          %bitcast_convert_type3A_413 = tpu.bitcast %and3A_412 : vector<16xi32> -> vector<16xf32>
          %mul3A_414 = arith.mulf %bitcast_convert_type3A_393, %bitcast_convert_type3A_401 : vector<16xf32>
          %mul3A_415 = arith.mulf %mul3A_414, %bitcast_convert_type3A_409 : vector<16xf32>
          %add3A_416 = arith.addf %add3A_374, %mul3A_415 : vector<16xf32>
          %mul3A_417 = arith.mulf %bitcast_convert_type3A_397, %bitcast_convert_type3A_405 : vector<16xf32>
          %mul3A_418 = arith.mulf %mul3A_417, %bitcast_convert_type3A_413 : vector<16xf32>
          %add3A_419 = arith.addf %add3A_416, %mul3A_418 : vector<16xf32>
          %get3A_420 = arith.index_cast %add3A_285 : i32 to index
          %get3A_421 = arith.constant 48 : index
          %get3A_422 = tpu.vector_load %arg11[%get3A_420, %get3A_421] {strides = array<i32>} : memref<128x64xf32, #tpu.memory_space<vmem>>, vector<1x16xf32>,
          %get3A_423 = vector.shape_cast %get3A_422 : vector<1x16xf32> to vector<16xf32>
          %bitcast_convert_type3A_424 = tpu.bitcast %get3A_423 : vector<16xf32> -> vector<16xi32>
          %get3A_425 = arith.index_cast %add3A_285 : i32 to index
          %get3A_426 = arith.constant 48 : index
          %get3A_427 = tpu.vector_load %arg12[%get3A_425, %get3A_426] {strides = array<i32>} : memref<128x64xf32, #tpu.memory_space<vmem>>, vector<1x16xf32>,
          %get3A_428 = vector.shape_cast %get3A_427 : vector<1x16xf32> to vector<16xf32>
          %bitcast_convert_type3A_429 = tpu.bitcast %get3A_428 : vector<16xf32> -> vector<16xi32>
          %get3A_430 = arith.index_cast %add3A_285 : i32 to index
          %get3A_431 = arith.constant 48 : index
          %get3A_432 = tpu.vector_load %arg13[%get3A_430, %get3A_431] {strides = array<i32>} : memref<128x64xf32, #tpu.memory_space<vmem>>, vector<1x16xf32>,
          %get3A_433 = vector.shape_cast %get3A_432 : vector<1x16xf32> to vector<16xf32>
          %bitcast_convert_type3A_434 = tpu.bitcast %get3A_433 : vector<16xf32> -> vector<16xi32>
          %shift_left3A_435 = arith.constant 16 : i32
          %shift_left3A_436 = vector.broadcast %shift_left3A_435 : i32 to vector<16xi32>
          %shift_left3A_437 = arith.shli %bitcast_convert_type3A_424, %shift_left3A_436 : vector<16xi32>
          %bitcast_convert_type3A_438 = tpu.bitcast %shift_left3A_437 : vector<16xi32> -> vector<16xf32>
          %and3A_439 = arith.constant -65536 : i32
          %and3A_440 = vector.broadcast %and3A_439 : i32 to vector<16xi32>
          %and3A_441 = arith.andi %bitcast_convert_type3A_424, %and3A_440 : vector<16xi32>
          %bitcast_convert_type3A_442 = tpu.bitcast %and3A_441 : vector<16xi32> -> vector<16xf32>
          %shift_left3A_443 = arith.constant 16 : i32
          %shift_left3A_444 = vector.broadcast %shift_left3A_443 : i32 to vector<16xi32>
          %shift_left3A_445 = arith.shli %bitcast_convert_type3A_429, %shift_left3A_444 : vector<16xi32>
          %bitcast_convert_type3A_446 = tpu.bitcast %shift_left3A_445 : vector<16xi32> -> vector<16xf32>
          %and3A_447 = arith.constant -65536 : i32
          %and3A_448 = vector.broadcast %and3A_447 : i32 to vector<16xi32>
          %and3A_449 = arith.andi %bitcast_convert_type3A_429, %and3A_448 : vector<16xi32>
          %bitcast_convert_type3A_450 = tpu.bitcast %and3A_449 : vector<16xi32> -> vector<16xf32>
          %shift_left3A_451 = arith.constant 16 : i32
          %shift_left3A_452 = vector.broadcast %shift_left3A_451 : i32 to vector<16xi32>
          %shift_left3A_453 = arith.shli %bitcast_convert_type3A_434, %shift_left3A_452 : vector<16xi32>
          %bitcast_convert_type3A_454 = tpu.bitcast %shift_left3A_453 : vector<16xi32> -> vector<16xf32>
          %and3A_455 = arith.constant -65536 : i32
          %and3A_456 = vector.broadcast %and3A_455 : i32 to vector<16xi32>
          %and3A_457 = arith.andi %bitcast_convert_type3A_434, %and3A_456 : vector<16xi32>
          %bitcast_convert_type3A_458 = tpu.bitcast %and3A_457 : vector<16xi32> -> vector<16xf32>
          %mul3A_459 = arith.mulf %bitcast_convert_type3A_438, %bitcast_convert_type3A_446 : vector<16xf32>
          %mul3A_460 = arith.mulf %mul3A_459, %bitcast_convert_type3A_454 : vector<16xf32>
          %add3A_461 = arith.addf %add3A_419, %mul3A_460 : vector<16xf32>
          %mul3A_462 = arith.mulf %bitcast_convert_type3A_442, %bitcast_convert_type3A_450 : vector<16xf32>
          %mul3A_463 = arith.mulf %mul3A_462, %bitcast_convert_type3A_458 : vector<16xf32>
          %add3A_464 = arith.addf %add3A_461, %mul3A_463 : vector<16xf32>
          %xor3A = arith.constant 8 : i32
          %xor3A_465 = vector.broadcast %xor3A : i32 to vector<16xi32>
          %xor3A_466 = arith.xori %iota3A, %xor3A_465 : vector<16xi32>
          %lt3A_467 = arith.constant 0 : i32
          %lt3A_468 = vector.broadcast %lt3A_467 : i32 to vector<16xi32>
          %lt3A_469 = arith.cmpi slt, %xor3A_466, %lt3A_468 : vector<16xi32>
          %add3A_470 = arith.constant 16 : i32
          %add3A_471 = vector.broadcast %add3A_470 : i32 to vector<16xi32>
          %add3A_472 = arith.addi %xor3A_466, %add3A_471 : vector<16xi32>
          %select_n3A_473 = arith.select %lt3A_469, %add3A_472, %xor3A_466 : vector<16xi1>, vector<16xi32>
          %broadcast_in_dim3A_474 = vector.shape_cast %select_n3A_473 : vector<16xi32> to vector<16x1xi32>
          %gather3A = vector.shape_cast %broadcast_in_dim3A_474 : vector<16x1xi32> to vector<16xi32>
          %gather3A_475 = tpu.dynamic_gather %add3A_464[%gather3A] in [0] : vector<16xf32>, vector<16xi32> -> vector<16xf32>
          %add3A_476 = arith.addf %add3A_464, %gather3A_475 : vector<16xf32>
          %xor3A_477 = arith.constant 4 : i32
          %xor3A_478 = vector.broadcast %xor3A_477 : i32 to vector<16xi32>
          %xor3A_479 = arith.xori %iota3A, %xor3A_478 : vector<16xi32>
          %lt3A_480 = arith.constant 0 : i32
          %lt3A_481 = vector.broadcast %lt3A_480 : i32 to vector<16xi32>
          %lt3A_482 = arith.cmpi slt, %xor3A_479, %lt3A_481 : vector<16xi32>
          %add3A_483 = arith.constant 16 : i32
          %add3A_484 = vector.broadcast %add3A_483 : i32 to vector<16xi32>
          %add3A_485 = arith.addi %xor3A_479, %add3A_484 : vector<16xi32>
          %select_n3A_486 = arith.select %lt3A_482, %add3A_485, %xor3A_479 : vector<16xi1>, vector<16xi32>
          %broadcast_in_dim3A_487 = vector.shape_cast %select_n3A_486 : vector<16xi32> to vector<16x1xi32>
          %gather3A_488 = vector.shape_cast %broadcast_in_dim3A_487 : vector<16x1xi32> to vector<16xi32>
          %gather3A_489 = tpu.dynamic_gather %add3A_476[%gather3A_488] in [0] : vector<16xf32>, vector<16xi32> -> vector<16xf32>
          %add3A_490 = arith.addf %add3A_476, %gather3A_489 : vector<16xf32>
          %xor3A_491 = arith.constant 2 : i32
          %xor3A_492 = vector.broadcast %xor3A_491 : i32 to vector<16xi32>
          %xor3A_493 = arith.xori %iota3A, %xor3A_492 : vector<16xi32>
          %lt3A_494 = arith.constant 0 : i32
          %lt3A_495 = vector.broadcast %lt3A_494 : i32 to vector<16xi32>
          %lt3A_496 = arith.cmpi slt, %xor3A_493, %lt3A_495 : vector<16xi32>
          %add3A_497 = arith.constant 16 : i32
          %add3A_498 = vector.broadcast %add3A_497 : i32 to vector<16xi32>
          %add3A_499 = arith.addi %xor3A_493, %add3A_498 : vector<16xi32>
          %select_n3A_500 = arith.select %lt3A_496, %add3A_499, %xor3A_493 : vector<16xi1>, vector<16xi32>
          %broadcast_in_dim3A_501 = vector.shape_cast %select_n3A_500 : vector<16xi32> to vector<16x1xi32>
          %gather3A_502 = vector.shape_cast %broadcast_in_dim3A_501 : vector<16x1xi32> to vector<16xi32>
          %gather3A_503 = tpu.dynamic_gather %add3A_490[%gather3A_502] in [0] : vector<16xf32>, vector<16xi32> -> vector<16xf32>
          %add3A_504 = arith.addf %add3A_490, %gather3A_503 : vector<16xf32>
          %xor3A_505 = arith.constant 1 : i32
          %xor3A_506 = vector.broadcast %xor3A_505 : i32 to vector<16xi32>
          %xor3A_507 = arith.xori %iota3A, %xor3A_506 : vector<16xi32>
          %lt3A_508 = arith.constant 0 : i32
          %lt3A_509 = vector.broadcast %lt3A_508 : i32 to vector<16xi32>
          %lt3A_510 = arith.cmpi slt, %xor3A_507, %lt3A_509 : vector<16xi32>
          %add3A_511 = arith.constant 16 : i32
          %add3A_512 = vector.broadcast %add3A_511 : i32 to vector<16xi32>
          %add3A_513 = arith.addi %xor3A_507, %add3A_512 : vector<16xi32>
          %select_n3A_514 = arith.select %lt3A_510, %add3A_513, %xor3A_507 : vector<16xi1>, vector<16xi32>
          %broadcast_in_dim3A_515 = vector.shape_cast %select_n3A_514 : vector<16xi32> to vector<16x1xi32>
          %gather3A_516 = vector.shape_cast %broadcast_in_dim3A_515 : vector<16x1xi32> to vector<16xi32>
          %gather3A_517 = tpu.dynamic_gather %add3A_504[%gather3A_516] in [0] : vector<16xf32>, vector<16xi32> -> vector<16xf32>
          %add3A_518 = arith.addf %add3A_504, %gather3A_517 : vector<16xf32>
          %eq3A_519 = vector.broadcast %scan3A_281 : i32 to vector<16xi32>
          %eq3A_520 = arith.cmpi eq, %iota3A, %eq3A_519 : vector<16xi32>
          %select_n3A_521 = arith.select %eq3A_520, %add3A_518, %scan3A_282 : vector<16xi1>, vector<16xf32>
          scf.yield %select_n3A_521 : vector<16xf32>
        }
        %scan3A_267 = arith.constant 16 : i32
        %neg3A = arith.constant 0.000000e+00 : f32
        %neg3A_268 = vector.broadcast %neg3A : f32 to vector<16xf32>
        %neg3A_269 = arith.subf %neg3A_268, %scan3A_266 : vector<16xf32>
        %exp3A = math.exp %neg3A_269 : vector<16xf32>
        %add3A_270 = arith.constant 1.000000e+00 : f32
        %add3A_271 = vector.broadcast %add3A_270 : f32 to vector<16xf32>
        %add3A_272 = arith.addf %add3A_271, %exp3A : vector<16xf32>
        %div3A_273 = arith.constant 1.000000e+00 : f32
        %div3A_274 = vector.broadcast %div3A_273 : f32 to vector<16xf32>
        %div3A_275 = arith.divf %div3A_274, %add3A_272 : vector<16xf32>
        %mul3A_276 = arith.constant 16 : i32
        %mul3A_277 = arith.muli %scan3A_260, %mul3A_276 : i32
        %swap3A = arith.index_cast %mul3A_277 : i32 to index
        %swap3A_278 = tpu.vector_load %arg17[%swap3A] {strides = array<i32>} : memref<128xf32, #tpu.memory_space<vmem>>, vector<16xf32>,
        %swap3A_279 = vector.shape_cast %swap3A_278 : vector<16xf32> to vector<16xf32>
        %swap3A_280 = vector.shape_cast %div3A_275 : vector<16xf32> to vector<16xf32>
        tpu.vector_store %arg17[%swap3A], %swap3A_280 {strides = array<i32>} : memref<128xf32, #tpu.memory_space<vmem>>, vector<16xf32>,
      }
      %scan3A_196 = arith.constant 8 : i32
      %mul3A_197 = arith.constant 0 : i32
      %mul3A_198 = arith.muli %mul3A_197, %select_n3A_28 : i32
      %add3A_199 = arith.addi %mul3A_198, %add3A_168 : i32
      %mul3A_200 = arith.constant 128 : i32
      %mul3A_201 = arith.muli %add3A_199, %mul3A_200 : i32
      %add3A_202 = arith.addi %mul3A_10, %mul3A_201 : i32
      %dma_start3A_203 = tpu.memref_slice %arg7[%add3A_202] : memref<327680xf32, #tpu.memory_space<hbm>> -> memref<128xf32, #tpu.memory_space<hbm>>
      %dma_start3A_204 = tpu.memref_slice %arg7[%add3A_202] : memref<327680xf32, #tpu.memory_space<hbm>> -> memref<128xf32, #tpu.memory_space<hbm>>
      tpu.enqueue_dma source(%arg17 : memref<128xf32, #tpu.memory_space<vmem>>) target(%dma_start3A_204 : memref<128xf32, #tpu.memory_space<hbm>>) target_semaphore(%arg21 : memref<!tpu.dma_semaphore, #tpu.memory_space<semaphore_mem>>)
      %sub3A_205 = arith.constant 1 : i32
      %sub3A_206 = arith.subi %select_n3A_52, %sub3A_205 : i32
      %lt3A = arith.cmpi slt, %while3A_164, %sub3A_206 : i32
      %convert_element_type3A_207 = arith.extui %lt3A : i1 to i32
      %cond3A_208 = arith.constant 0 : i32
      %cond3A_209 = arith.cmpi ne, %convert_element_type3A_207, %cond3A_208 : i32
      scf.if %cond3A_209 {
        %add3A_260 = arith.constant 2 : i32
        %add3A_261 = arith.addi %add3A_168, %add3A_260 : i32
        %dma_start3A_262 = arith.constant 0 : i32
        %dma_start3A_263 = tpu.memref_slice %arg8[%add3A_261, %dma_start3A_262] : memref<76x128xi32, #tpu.memory_space<vmem>> -> memref<1x128xi32, #tpu.memory_space<vmem>>
        %dma_start3A_264 = tpu.memref_squeeze %dma_start3A_263 : memref<1x128xi32, #tpu.memory_space<vmem>> -> memref<128xi32, #tpu.memory_space<vmem>>
        %dma_start3A_265 = arith.constant 0 : i32
        %dma_start3A_266 = arith.constant 0 : i32
        %dma_start3A_267 = tpu.memref_slice %arg5[%dma_start3A_265, %dma_start3A_266] : memref<10000x64xf32, #tpu.memory_space<hbm>> -> memref<10000x64xf32, #tpu.memory_space<hbm>>
        tpu.enqueue_indirect_dma source(%dma_start3A_267 : memref<10000x64xf32, #tpu.memory_space<hbm>>) target(%arg11 : memref<128x64xf32, #tpu.memory_space<vmem>>) offsets(%dma_start3A_264 : memref<128xi32, #tpu.memory_space<vmem>>) semaphore(%arg19 : memref<!tpu.dma_semaphore, #tpu.memory_space<semaphore_mem>>)
        %dma_start3A_268 = arith.constant 0 : i32
        %dma_start3A_269 = tpu.memref_slice %arg9[%add3A_261, %dma_start3A_268] : memref<76x128xi32, #tpu.memory_space<vmem>> -> memref<1x128xi32, #tpu.memory_space<vmem>>
        %dma_start3A_270 = tpu.memref_squeeze %dma_start3A_269 : memref<1x128xi32, #tpu.memory_space<vmem>> -> memref<128xi32, #tpu.memory_space<vmem>>
        %dma_start3A_271 = arith.constant 0 : i32
        %dma_start3A_272 = arith.constant 0 : i32
        %dma_start3A_273 = tpu.memref_slice %arg5[%dma_start3A_271, %dma_start3A_272] : memref<10000x64xf32, #tpu.memory_space<hbm>> -> memref<10000x64xf32, #tpu.memory_space<hbm>>
        tpu.enqueue_indirect_dma source(%dma_start3A_273 : memref<10000x64xf32, #tpu.memory_space<hbm>>) target(%arg12 : memref<128x64xf32, #tpu.memory_space<vmem>>) offsets(%dma_start3A_270 : memref<128xi32, #tpu.memory_space<vmem>>) semaphore(%arg19 : memref<!tpu.dma_semaphore, #tpu.memory_space<semaphore_mem>>)
        %dma_start3A_274 = arith.constant 0 : i32
        %dma_start3A_275 = tpu.memref_slice %arg10[%add3A_261, %dma_start3A_274] : memref<76x128xi32, #tpu.memory_space<vmem>> -> memref<1x128xi32, #tpu.memory_space<vmem>>
        %dma_start3A_276 = tpu.memref_squeeze %dma_start3A_275 : memref<1x128xi32, #tpu.memory_space<vmem>> -> memref<128xi32, #tpu.memory_space<vmem>>
        %dma_start3A_277 = arith.constant 0 : i32
        %dma_start3A_278 = arith.constant 0 : i32
        %dma_start3A_279 = tpu.memref_slice %arg6[%dma_start3A_277, %dma_start3A_278] : memref<964x64xf32, #tpu.memory_space<hbm>> -> memref<964x64xf32, #tpu.memory_space<hbm>>
        tpu.enqueue_indirect_dma source(%dma_start3A_279 : memref<964x64xf32, #tpu.memory_space<hbm>>) target(%arg13 : memref<128x64xf32, #tpu.memory_space<vmem>>) offsets(%dma_start3A_276 : memref<128xi32, #tpu.memory_space<vmem>>) semaphore(%arg19 : memref<!tpu.dma_semaphore, #tpu.memory_space<semaphore_mem>>)
      } else {
      }
      %mul3A_210 = arith.constant 2 : i32
      %mul3A_211 = arith.muli %while3A_164, %mul3A_210 : i32
      %add3A_212 = arith.constant 1 : i32
      %add3A_213 = arith.addi %mul3A_211, %add3A_212 : i32
      %dma_wait3A_214 = arith.constant 0 : i32
      %dma_wait3A_215 = arith.constant 0 : i32
      %dma_wait3A_216 = tpu.memref_slice %arg8[%dma_wait3A_214, %dma_wait3A_215] : memref<76x128xi32, #tpu.memory_space<vmem>> -> memref<1x128xi32, #tpu.memory_space<vmem>>
      %dma_wait3A_217 = tpu.memref_squeeze %dma_wait3A_216 : memref<1x128xi32, #tpu.memory_space<vmem>> -> memref<128xi32, #tpu.memory_space<vmem>>
      %dma_wait3A_218 = arith.constant 0 : i32
      %dma_wait3A_219 = arith.constant 0 : i32
      %dma_wait3A_220 = tpu.memref_slice %arg5[%dma_wait3A_218, %dma_wait3A_219] : memref<10000x64xf32, #tpu.memory_space<hbm>> -> memref<10000x64xf32, #tpu.memory_space<hbm>>
      tpu.wait_indirect_dma semaphore(%arg20 : memref<!tpu.dma_semaphore, #tpu.memory_space<semaphore_mem>>) src(%dma_wait3A_220 : memref<10000x64xf32, #tpu.memory_space<hbm>>) dst(%arg14 : memref<128x64xf32, #tpu.memory_space<vmem>>)
      %dma_wait3A_221 = arith.constant 0 : i32
      %dma_wait3A_222 = arith.constant 0 : i32
      %dma_wait3A_223 = tpu.memref_slice %arg9[%dma_wait3A_221, %dma_wait3A_222] : memref<76x128xi32, #tpu.memory_space<vmem>> -> memref<1x128xi32, #tpu.memory_space<vmem>>
      %dma_wait3A_224 = tpu.memref_squeeze %dma_wait3A_223 : memref<1x128xi32, #tpu.memory_space<vmem>> -> memref<128xi32, #tpu.memory_space<vmem>>
      %dma_wait3A_225 = arith.constant 0 : i32
      %dma_wait3A_226 = arith.constant 0 : i32
      %dma_wait3A_227 = tpu.memref_slice %arg5[%dma_wait3A_225, %dma_wait3A_226] : memref<10000x64xf32, #tpu.memory_space<hbm>> -> memref<10000x64xf32, #tpu.memory_space<hbm>>
      tpu.wait_indirect_dma semaphore(%arg20 : memref<!tpu.dma_semaphore, #tpu.memory_space<semaphore_mem>>) src(%dma_wait3A_227 : memref<10000x64xf32, #tpu.memory_space<hbm>>) dst(%arg15 : memref<128x64xf32, #tpu.memory_space<vmem>>)
      %dma_wait3A_228 = arith.constant 0 : i32
      %dma_wait3A_229 = arith.constant 0 : i32
      %dma_wait3A_230 = tpu.memref_slice %arg10[%dma_wait3A_228, %dma_wait3A_229] : memref<76x128xi32, #tpu.memory_space<vmem>> -> memref<1x128xi32, #tpu.memory_space<vmem>>
      %dma_wait3A_231 = tpu.memref_squeeze %dma_wait3A_230 : memref<1x128xi32, #tpu.memory_space<vmem>> -> memref<128xi32, #tpu.memory_space<vmem>>
      %dma_wait3A_232 = arith.constant 0 : i32
      %dma_wait3A_233 = arith.constant 0 : i32
      %dma_wait3A_234 = tpu.memref_slice %arg6[%dma_wait3A_232, %dma_wait3A_233] : memref<964x64xf32, #tpu.memory_space<hbm>> -> memref<964x64xf32, #tpu.memory_space<hbm>>
      tpu.wait_indirect_dma semaphore(%arg20 : memref<!tpu.dma_semaphore, #tpu.memory_space<semaphore_mem>>) src(%dma_wait3A_234 : memref<964x64xf32, #tpu.memory_space<hbm>>) dst(%arg16 : memref<128x64xf32, #tpu.memory_space<vmem>>)
      %gt3A_235 = arith.constant 0 : i32
      %gt3A_236 = arith.cmpi sgt, %while3A_164, %gt3A_235 : i32
      %convert_element_type3A_237 = arith.extui %gt3A_236 : i1 to i32
      %cond3A_238 = arith.constant 0 : i32
      %cond3A_239 = arith.cmpi ne, %convert_element_type3A_237, %cond3A_238 : i32
      scf.if %cond3A_239 {
        %dma_wait3A_260 = tpu.memref_slice %arg7[%mul3A_10] : memref<327680xf32, #tpu.memory_space<hbm>> -> memref<128xf32, #tpu.memory_space<hbm>>
        %dma_wait3A_261 = tpu.memref_slice %arg7[%mul3A_10] : memref<327680xf32, #tpu.memory_space<hbm>> -> memref<128xf32, #tpu.memory_space<hbm>>
        tpu.wait_dma2 semaphore(%arg22 : memref<!tpu.dma_semaphore, #tpu.memory_space<semaphore_mem>>) src(%arg18 : memref<128xf32, #tpu.memory_space<vmem>>) dst(%dma_wait3A_261 : memref<128xf32, #tpu.memory_space<hbm>>)
      } else {
      }
      %scan3A_240 = arith.constant 0 : i32
      %scan3A_241 = arith.constant 0 : i32
      %scan3A_242 = arith.constant 8 : i32
      %scan3A_243 = arith.addi %scan3A_241, %scan3A_242 : i32
      %scan3A_244 = arith.constant 1 : i32
      scf.for %scan3A_260 = %scan3A_241 to %scan3A_243 step %scan3A_244  : i32 {
        %broadcast_in_dim3A = arith.constant 0.000000e+00 : f32
        %broadcast_in_dim3A_261 = vector.broadcast %broadcast_in_dim3A : f32 to vector<16xf32>
        %scan3A_262 = arith.constant 0 : i32
        %scan3A_263 = arith.constant 16 : i32
        %scan3A_264 = arith.addi %scan3A_262, %scan3A_263 : i32
        %scan3A_265 = arith.constant 1 : i32
        %scan3A_266 = scf.for %scan3A_281 = %scan3A_262 to %scan3A_264 step %scan3A_265 iter_args(%scan3A_282 = %broadcast_in_dim3A_261) -> (vector<16xf32>)  : i32 {
          %mul3A_283 = arith.constant 16 : i32
          %mul3A_284 = arith.muli %scan3A_260, %mul3A_283 : i32
          %add3A_285 = arith.addi %mul3A_284, %scan3A_281 : i32
          %broadcast_in_dim3A_286 = arith.constant 0.000000e+00 : f32
          %broadcast_in_dim3A_287 = vector.broadcast %broadcast_in_dim3A_286 : f32 to vector<16xf32>
          %get3A = arith.index_cast %add3A_285 : i32 to index
          %get3A_288 = arith.constant 0 : index
          %get3A_289 = tpu.vector_load %arg14[%get3A, %get3A_288] {strides = array<i32>} : memref<128x64xf32, #tpu.memory_space<vmem>>, vector<1x16xf32>,
          %get3A_290 = vector.shape_cast %get3A_289 : vector<1x16xf32> to vector<16xf32>
          %bitcast_convert_type3A = tpu.bitcast %get3A_290 : vector<16xf32> -> vector<16xi32>
          %get3A_291 = arith.index_cast %add3A_285 : i32 to index
          %get3A_292 = arith.constant 0 : index
          %get3A_293 = tpu.vector_load %arg15[%get3A_291, %get3A_292] {strides = array<i32>} : memref<128x64xf32, #tpu.memory_space<vmem>>, vector<1x16xf32>,
          %get3A_294 = vector.shape_cast %get3A_293 : vector<1x16xf32> to vector<16xf32>
          %bitcast_convert_type3A_295 = tpu.bitcast %get3A_294 : vector<16xf32> -> vector<16xi32>
          %get3A_296 = arith.index_cast %add3A_285 : i32 to index
          %get3A_297 = arith.constant 0 : index
          %get3A_298 = tpu.vector_load %arg16[%get3A_296, %get3A_297] {strides = array<i32>} : memref<128x64xf32, #tpu.memory_space<vmem>>, vector<1x16xf32>,
          %get3A_299 = vector.shape_cast %get3A_298 : vector<1x16xf32> to vector<16xf32>
          %bitcast_convert_type3A_300 = tpu.bitcast %get3A_299 : vector<16xf32> -> vector<16xi32>
          %shift_left3A = arith.constant 16 : i32
          %shift_left3A_301 = vector.broadcast %shift_left3A : i32 to vector<16xi32>
          %shift_left3A_302 = arith.shli %bitcast_convert_type3A, %shift_left3A_301 : vector<16xi32>
          %bitcast_convert_type3A_303 = tpu.bitcast %shift_left3A_302 : vector<16xi32> -> vector<16xf32>
          %and3A_304 = arith.constant -65536 : i32
          %and3A_305 = vector.broadcast %and3A_304 : i32 to vector<16xi32>
          %and3A_306 = arith.andi %bitcast_convert_type3A, %and3A_305 : vector<16xi32>
          %bitcast_convert_type3A_307 = tpu.bitcast %and3A_306 : vector<16xi32> -> vector<16xf32>
          %shift_left3A_308 = arith.constant 16 : i32
          %shift_left3A_309 = vector.broadcast %shift_left3A_308 : i32 to vector<16xi32>
          %shift_left3A_310 = arith.shli %bitcast_convert_type3A_295, %shift_left3A_309 : vector<16xi32>
          %bitcast_convert_type3A_311 = tpu.bitcast %shift_left3A_310 : vector<16xi32> -> vector<16xf32>
          %and3A_312 = arith.constant -65536 : i32
          %and3A_313 = vector.broadcast %and3A_312 : i32 to vector<16xi32>
          %and3A_314 = arith.andi %bitcast_convert_type3A_295, %and3A_313 : vector<16xi32>
          %bitcast_convert_type3A_315 = tpu.bitcast %and3A_314 : vector<16xi32> -> vector<16xf32>
          %shift_left3A_316 = arith.constant 16 : i32
          %shift_left3A_317 = vector.broadcast %shift_left3A_316 : i32 to vector<16xi32>
          %shift_left3A_318 = arith.shli %bitcast_convert_type3A_300, %shift_left3A_317 : vector<16xi32>
          %bitcast_convert_type3A_319 = tpu.bitcast %shift_left3A_318 : vector<16xi32> -> vector<16xf32>
          %and3A_320 = arith.constant -65536 : i32
          %and3A_321 = vector.broadcast %and3A_320 : i32 to vector<16xi32>
          %and3A_322 = arith.andi %bitcast_convert_type3A_300, %and3A_321 : vector<16xi32>
          %bitcast_convert_type3A_323 = tpu.bitcast %and3A_322 : vector<16xi32> -> vector<16xf32>
          %mul3A_324 = arith.mulf %bitcast_convert_type3A_303, %bitcast_convert_type3A_311 : vector<16xf32>
          %mul3A_325 = arith.mulf %mul3A_324, %bitcast_convert_type3A_319 : vector<16xf32>
          %add3A_326 = arith.addf %broadcast_in_dim3A_287, %mul3A_325 : vector<16xf32>
          %mul3A_327 = arith.mulf %bitcast_convert_type3A_307, %bitcast_convert_type3A_315 : vector<16xf32>
          %mul3A_328 = arith.mulf %mul3A_327, %bitcast_convert_type3A_323 : vector<16xf32>
          %add3A_329 = arith.addf %add3A_326, %mul3A_328 : vector<16xf32>
          %get3A_330 = arith.index_cast %add3A_285 : i32 to index
          %get3A_331 = arith.constant 16 : index
          %get3A_332 = tpu.vector_load %arg14[%get3A_330, %get3A_331] {strides = array<i32>} : memref<128x64xf32, #tpu.memory_space<vmem>>, vector<1x16xf32>,
          %get3A_333 = vector.shape_cast %get3A_332 : vector<1x16xf32> to vector<16xf32>
          %bitcast_convert_type3A_334 = tpu.bitcast %get3A_333 : vector<16xf32> -> vector<16xi32>
          %get3A_335 = arith.index_cast %add3A_285 : i32 to index
          %get3A_336 = arith.constant 16 : index
          %get3A_337 = tpu.vector_load %arg15[%get3A_335, %get3A_336] {strides = array<i32>} : memref<128x64xf32, #tpu.memory_space<vmem>>, vector<1x16xf32>,
          %get3A_338 = vector.shape_cast %get3A_337 : vector<1x16xf32> to vector<16xf32>
          %bitcast_convert_type3A_339 = tpu.bitcast %get3A_338 : vector<16xf32> -> vector<16xi32>
          %get3A_340 = arith.index_cast %add3A_285 : i32 to index
          %get3A_341 = arith.constant 16 : index
          %get3A_342 = tpu.vector_load %arg16[%get3A_340, %get3A_341] {strides = array<i32>} : memref<128x64xf32, #tpu.memory_space<vmem>>, vector<1x16xf32>,
          %get3A_343 = vector.shape_cast %get3A_342 : vector<1x16xf32> to vector<16xf32>
          %bitcast_convert_type3A_344 = tpu.bitcast %get3A_343 : vector<16xf32> -> vector<16xi32>
          %shift_left3A_345 = arith.constant 16 : i32
          %shift_left3A_346 = vector.broadcast %shift_left3A_345 : i32 to vector<16xi32>
          %shift_left3A_347 = arith.shli %bitcast_convert_type3A_334, %shift_left3A_346 : vector<16xi32>
          %bitcast_convert_type3A_348 = tpu.bitcast %shift_left3A_347 : vector<16xi32> -> vector<16xf32>
          %and3A_349 = arith.constant -65536 : i32
          %and3A_350 = vector.broadcast %and3A_349 : i32 to vector<16xi32>
          %and3A_351 = arith.andi %bitcast_convert_type3A_334, %and3A_350 : vector<16xi32>
          %bitcast_convert_type3A_352 = tpu.bitcast %and3A_351 : vector<16xi32> -> vector<16xf32>
          %shift_left3A_353 = arith.constant 16 : i32
          %shift_left3A_354 = vector.broadcast %shift_left3A_353 : i32 to vector<16xi32>
          %shift_left3A_355 = arith.shli %bitcast_convert_type3A_339, %shift_left3A_354 : vector<16xi32>
          %bitcast_convert_type3A_356 = tpu.bitcast %shift_left3A_355 : vector<16xi32> -> vector<16xf32>
          %and3A_357 = arith.constant -65536 : i32
          %and3A_358 = vector.broadcast %and3A_357 : i32 to vector<16xi32>
          %and3A_359 = arith.andi %bitcast_convert_type3A_339, %and3A_358 : vector<16xi32>
          %bitcast_convert_type3A_360 = tpu.bitcast %and3A_359 : vector<16xi32> -> vector<16xf32>
          %shift_left3A_361 = arith.constant 16 : i32
          %shift_left3A_362 = vector.broadcast %shift_left3A_361 : i32 to vector<16xi32>
          %shift_left3A_363 = arith.shli %bitcast_convert_type3A_344, %shift_left3A_362 : vector<16xi32>
          %bitcast_convert_type3A_364 = tpu.bitcast %shift_left3A_363 : vector<16xi32> -> vector<16xf32>
          %and3A_365 = arith.constant -65536 : i32
          %and3A_366 = vector.broadcast %and3A_365 : i32 to vector<16xi32>
          %and3A_367 = arith.andi %bitcast_convert_type3A_344, %and3A_366 : vector<16xi32>
          %bitcast_convert_type3A_368 = tpu.bitcast %and3A_367 : vector<16xi32> -> vector<16xf32>
          %mul3A_369 = arith.mulf %bitcast_convert_type3A_348, %bitcast_convert_type3A_356 : vector<16xf32>
          %mul3A_370 = arith.mulf %mul3A_369, %bitcast_convert_type3A_364 : vector<16xf32>
          %add3A_371 = arith.addf %add3A_329, %mul3A_370 : vector<16xf32>
          %mul3A_372 = arith.mulf %bitcast_convert_type3A_352, %bitcast_convert_type3A_360 : vector<16xf32>
          %mul3A_373 = arith.mulf %mul3A_372, %bitcast_convert_type3A_368 : vector<16xf32>
          %add3A_374 = arith.addf %add3A_371, %mul3A_373 : vector<16xf32>
          %get3A_375 = arith.index_cast %add3A_285 : i32 to index
          %get3A_376 = arith.constant 32 : index
          %get3A_377 = tpu.vector_load %arg14[%get3A_375, %get3A_376] {strides = array<i32>} : memref<128x64xf32, #tpu.memory_space<vmem>>, vector<1x16xf32>,
          %get3A_378 = vector.shape_cast %get3A_377 : vector<1x16xf32> to vector<16xf32>
          %bitcast_convert_type3A_379 = tpu.bitcast %get3A_378 : vector<16xf32> -> vector<16xi32>
          %get3A_380 = arith.index_cast %add3A_285 : i32 to index
          %get3A_381 = arith.constant 32 : index
          %get3A_382 = tpu.vector_load %arg15[%get3A_380, %get3A_381] {strides = array<i32>} : memref<128x64xf32, #tpu.memory_space<vmem>>, vector<1x16xf32>,
          %get3A_383 = vector.shape_cast %get3A_382 : vector<1x16xf32> to vector<16xf32>
          %bitcast_convert_type3A_384 = tpu.bitcast %get3A_383 : vector<16xf32> -> vector<16xi32>
          %get3A_385 = arith.index_cast %add3A_285 : i32 to index
          %get3A_386 = arith.constant 32 : index
          %get3A_387 = tpu.vector_load %arg16[%get3A_385, %get3A_386] {strides = array<i32>} : memref<128x64xf32, #tpu.memory_space<vmem>>, vector<1x16xf32>,
          %get3A_388 = vector.shape_cast %get3A_387 : vector<1x16xf32> to vector<16xf32>
          %bitcast_convert_type3A_389 = tpu.bitcast %get3A_388 : vector<16xf32> -> vector<16xi32>
          %shift_left3A_390 = arith.constant 16 : i32
          %shift_left3A_391 = vector.broadcast %shift_left3A_390 : i32 to vector<16xi32>
          %shift_left3A_392 = arith.shli %bitcast_convert_type3A_379, %shift_left3A_391 : vector<16xi32>
          %bitcast_convert_type3A_393 = tpu.bitcast %shift_left3A_392 : vector<16xi32> -> vector<16xf32>
          %and3A_394 = arith.constant -65536 : i32
          %and3A_395 = vector.broadcast %and3A_394 : i32 to vector<16xi32>
          %and3A_396 = arith.andi %bitcast_convert_type3A_379, %and3A_395 : vector<16xi32>
          %bitcast_convert_type3A_397 = tpu.bitcast %and3A_396 : vector<16xi32> -> vector<16xf32>
          %shift_left3A_398 = arith.constant 16 : i32
          %shift_left3A_399 = vector.broadcast %shift_left3A_398 : i32 to vector<16xi32>
          %shift_left3A_400 = arith.shli %bitcast_convert_type3A_384, %shift_left3A_399 : vector<16xi32>
          %bitcast_convert_type3A_401 = tpu.bitcast %shift_left3A_400 : vector<16xi32> -> vector<16xf32>
          %and3A_402 = arith.constant -65536 : i32
          %and3A_403 = vector.broadcast %and3A_402 : i32 to vector<16xi32>
          %and3A_404 = arith.andi %bitcast_convert_type3A_384, %and3A_403 : vector<16xi32>
          %bitcast_convert_type3A_405 = tpu.bitcast %and3A_404 : vector<16xi32> -> vector<16xf32>
          %shift_left3A_406 = arith.constant 16 : i32
          %shift_left3A_407 = vector.broadcast %shift_left3A_406 : i32 to vector<16xi32>
          %shift_left3A_408 = arith.shli %bitcast_convert_type3A_389, %shift_left3A_407 : vector<16xi32>
          %bitcast_convert_type3A_409 = tpu.bitcast %shift_left3A_408 : vector<16xi32> -> vector<16xf32>
          %and3A_410 = arith.constant -65536 : i32
          %and3A_411 = vector.broadcast %and3A_410 : i32 to vector<16xi32>
          %and3A_412 = arith.andi %bitcast_convert_type3A_389, %and3A_411 : vector<16xi32>
          %bitcast_convert_type3A_413 = tpu.bitcast %and3A_412 : vector<16xi32> -> vector<16xf32>
          %mul3A_414 = arith.mulf %bitcast_convert_type3A_393, %bitcast_convert_type3A_401 : vector<16xf32>
          %mul3A_415 = arith.mulf %mul3A_414, %bitcast_convert_type3A_409 : vector<16xf32>
          %add3A_416 = arith.addf %add3A_374, %mul3A_415 : vector<16xf32>
          %mul3A_417 = arith.mulf %bitcast_convert_type3A_397, %bitcast_convert_type3A_405 : vector<16xf32>
          %mul3A_418 = arith.mulf %mul3A_417, %bitcast_convert_type3A_413 : vector<16xf32>
          %add3A_419 = arith.addf %add3A_416, %mul3A_418 : vector<16xf32>
          %get3A_420 = arith.index_cast %add3A_285 : i32 to index
          %get3A_421 = arith.constant 48 : index
          %get3A_422 = tpu.vector_load %arg14[%get3A_420, %get3A_421] {strides = array<i32>} : memref<128x64xf32, #tpu.memory_space<vmem>>, vector<1x16xf32>,
          %get3A_423 = vector.shape_cast %get3A_422 : vector<1x16xf32> to vector<16xf32>
          %bitcast_convert_type3A_424 = tpu.bitcast %get3A_423 : vector<16xf32> -> vector<16xi32>
          %get3A_425 = arith.index_cast %add3A_285 : i32 to index
          %get3A_426 = arith.constant 48 : index
          %get3A_427 = tpu.vector_load %arg15[%get3A_425, %get3A_426] {strides = array<i32>} : memref<128x64xf32, #tpu.memory_space<vmem>>, vector<1x16xf32>,
          %get3A_428 = vector.shape_cast %get3A_427 : vector<1x16xf32> to vector<16xf32>
          %bitcast_convert_type3A_429 = tpu.bitcast %get3A_428 : vector<16xf32> -> vector<16xi32>
          %get3A_430 = arith.index_cast %add3A_285 : i32 to index
          %get3A_431 = arith.constant 48 : index
          %get3A_432 = tpu.vector_load %arg16[%get3A_430, %get3A_431] {strides = array<i32>} : memref<128x64xf32, #tpu.memory_space<vmem>>, vector<1x16xf32>,
          %get3A_433 = vector.shape_cast %get3A_432 : vector<1x16xf32> to vector<16xf32>
          %bitcast_convert_type3A_434 = tpu.bitcast %get3A_433 : vector<16xf32> -> vector<16xi32>
          %shift_left3A_435 = arith.constant 16 : i32
          %shift_left3A_436 = vector.broadcast %shift_left3A_435 : i32 to vector<16xi32>
          %shift_left3A_437 = arith.shli %bitcast_convert_type3A_424, %shift_left3A_436 : vector<16xi32>
          %bitcast_convert_type3A_438 = tpu.bitcast %shift_left3A_437 : vector<16xi32> -> vector<16xf32>
          %and3A_439 = arith.constant -65536 : i32
          %and3A_440 = vector.broadcast %and3A_439 : i32 to vector<16xi32>
          %and3A_441 = arith.andi %bitcast_convert_type3A_424, %and3A_440 : vector<16xi32>
          %bitcast_convert_type3A_442 = tpu.bitcast %and3A_441 : vector<16xi32> -> vector<16xf32>
          %shift_left3A_443 = arith.constant 16 : i32
          %shift_left3A_444 = vector.broadcast %shift_left3A_443 : i32 to vector<16xi32>
          %shift_left3A_445 = arith.shli %bitcast_convert_type3A_429, %shift_left3A_444 : vector<16xi32>
          %bitcast_convert_type3A_446 = tpu.bitcast %shift_left3A_445 : vector<16xi32> -> vector<16xf32>
          %and3A_447 = arith.constant -65536 : i32
          %and3A_448 = vector.broadcast %and3A_447 : i32 to vector<16xi32>
          %and3A_449 = arith.andi %bitcast_convert_type3A_429, %and3A_448 : vector<16xi32>
          %bitcast_convert_type3A_450 = tpu.bitcast %and3A_449 : vector<16xi32> -> vector<16xf32>
          %shift_left3A_451 = arith.constant 16 : i32
          %shift_left3A_452 = vector.broadcast %shift_left3A_451 : i32 to vector<16xi32>
          %shift_left3A_453 = arith.shli %bitcast_convert_type3A_434, %shift_left3A_452 : vector<16xi32>
          %bitcast_convert_type3A_454 = tpu.bitcast %shift_left3A_453 : vector<16xi32> -> vector<16xf32>
          %and3A_455 = arith.constant -65536 : i32
          %and3A_456 = vector.broadcast %and3A_455 : i32 to vector<16xi32>
          %and3A_457 = arith.andi %bitcast_convert_type3A_434, %and3A_456 : vector<16xi32>
          %bitcast_convert_type3A_458 = tpu.bitcast %and3A_457 : vector<16xi32> -> vector<16xf32>
          %mul3A_459 = arith.mulf %bitcast_convert_type3A_438, %bitcast_convert_type3A_446 : vector<16xf32>
          %mul3A_460 = arith.mulf %mul3A_459, %bitcast_convert_type3A_454 : vector<16xf32>
          %add3A_461 = arith.addf %add3A_419, %mul3A_460 : vector<16xf32>
          %mul3A_462 = arith.mulf %bitcast_convert_type3A_442, %bitcast_convert_type3A_450 : vector<16xf32>
          %mul3A_463 = arith.mulf %mul3A_462, %bitcast_convert_type3A_458 : vector<16xf32>
          %add3A_464 = arith.addf %add3A_461, %mul3A_463 : vector<16xf32>
          %xor3A = arith.constant 8 : i32
          %xor3A_465 = vector.broadcast %xor3A : i32 to vector<16xi32>
          %xor3A_466 = arith.xori %iota3A, %xor3A_465 : vector<16xi32>
          %lt3A_467 = arith.constant 0 : i32
          %lt3A_468 = vector.broadcast %lt3A_467 : i32 to vector<16xi32>
          %lt3A_469 = arith.cmpi slt, %xor3A_466, %lt3A_468 : vector<16xi32>
          %add3A_470 = arith.constant 16 : i32
          %add3A_471 = vector.broadcast %add3A_470 : i32 to vector<16xi32>
          %add3A_472 = arith.addi %xor3A_466, %add3A_471 : vector<16xi32>
          %select_n3A_473 = arith.select %lt3A_469, %add3A_472, %xor3A_466 : vector<16xi1>, vector<16xi32>
          %broadcast_in_dim3A_474 = vector.shape_cast %select_n3A_473 : vector<16xi32> to vector<16x1xi32>
          %gather3A = vector.shape_cast %broadcast_in_dim3A_474 : vector<16x1xi32> to vector<16xi32>
          %gather3A_475 = tpu.dynamic_gather %add3A_464[%gather3A] in [0] : vector<16xf32>, vector<16xi32> -> vector<16xf32>
          %add3A_476 = arith.addf %add3A_464, %gather3A_475 : vector<16xf32>
          %xor3A_477 = arith.constant 4 : i32
          %xor3A_478 = vector.broadcast %xor3A_477 : i32 to vector<16xi32>
          %xor3A_479 = arith.xori %iota3A, %xor3A_478 : vector<16xi32>
          %lt3A_480 = arith.constant 0 : i32
          %lt3A_481 = vector.broadcast %lt3A_480 : i32 to vector<16xi32>
          %lt3A_482 = arith.cmpi slt, %xor3A_479, %lt3A_481 : vector<16xi32>
          %add3A_483 = arith.constant 16 : i32
          %add3A_484 = vector.broadcast %add3A_483 : i32 to vector<16xi32>
          %add3A_485 = arith.addi %xor3A_479, %add3A_484 : vector<16xi32>
          %select_n3A_486 = arith.select %lt3A_482, %add3A_485, %xor3A_479 : vector<16xi1>, vector<16xi32>
          %broadcast_in_dim3A_487 = vector.shape_cast %select_n3A_486 : vector<16xi32> to vector<16x1xi32>
          %gather3A_488 = vector.shape_cast %broadcast_in_dim3A_487 : vector<16x1xi32> to vector<16xi32>
          %gather3A_489 = tpu.dynamic_gather %add3A_476[%gather3A_488] in [0] : vector<16xf32>, vector<16xi32> -> vector<16xf32>
          %add3A_490 = arith.addf %add3A_476, %gather3A_489 : vector<16xf32>
          %xor3A_491 = arith.constant 2 : i32
          %xor3A_492 = vector.broadcast %xor3A_491 : i32 to vector<16xi32>
          %xor3A_493 = arith.xori %iota3A, %xor3A_492 : vector<16xi32>
          %lt3A_494 = arith.constant 0 : i32
          %lt3A_495 = vector.broadcast %lt3A_494 : i32 to vector<16xi32>
          %lt3A_496 = arith.cmpi slt, %xor3A_493, %lt3A_495 : vector<16xi32>
          %add3A_497 = arith.constant 16 : i32
          %add3A_498 = vector.broadcast %add3A_497 : i32 to vector<16xi32>
          %add3A_499 = arith.addi %xor3A_493, %add3A_498 : vector<16xi32>
          %select_n3A_500 = arith.select %lt3A_496, %add3A_499, %xor3A_493 : vector<16xi1>, vector<16xi32>
          %broadcast_in_dim3A_501 = vector.shape_cast %select_n3A_500 : vector<16xi32> to vector<16x1xi32>
          %gather3A_502 = vector.shape_cast %broadcast_in_dim3A_501 : vector<16x1xi32> to vector<16xi32>
          %gather3A_503 = tpu.dynamic_gather %add3A_490[%gather3A_502] in [0] : vector<16xf32>, vector<16xi32> -> vector<16xf32>
          %add3A_504 = arith.addf %add3A_490, %gather3A_503 : vector<16xf32>
          %xor3A_505 = arith.constant 1 : i32
          %xor3A_506 = vector.broadcast %xor3A_505 : i32 to vector<16xi32>
          %xor3A_507 = arith.xori %iota3A, %xor3A_506 : vector<16xi32>
          %lt3A_508 = arith.constant 0 : i32
          %lt3A_509 = vector.broadcast %lt3A_508 : i32 to vector<16xi32>
          %lt3A_510 = arith.cmpi slt, %xor3A_507, %lt3A_509 : vector<16xi32>
          %add3A_511 = arith.constant 16 : i32
          %add3A_512 = vector.broadcast %add3A_511 : i32 to vector<16xi32>
          %add3A_513 = arith.addi %xor3A_507, %add3A_512 : vector<16xi32>
          %select_n3A_514 = arith.select %lt3A_510, %add3A_513, %xor3A_507 : vector<16xi1>, vector<16xi32>
          %broadcast_in_dim3A_515 = vector.shape_cast %select_n3A_514 : vector<16xi32> to vector<16x1xi32>
          %gather3A_516 = vector.shape_cast %broadcast_in_dim3A_515 : vector<16x1xi32> to vector<16xi32>
          %gather3A_517 = tpu.dynamic_gather %add3A_504[%gather3A_516] in [0] : vector<16xf32>, vector<16xi32> -> vector<16xf32>
          %add3A_518 = arith.addf %add3A_504, %gather3A_517 : vector<16xf32>
          %eq3A_519 = vector.broadcast %scan3A_281 : i32 to vector<16xi32>
          %eq3A_520 = arith.cmpi eq, %iota3A, %eq3A_519 : vector<16xi32>
          %select_n3A_521 = arith.select %eq3A_520, %add3A_518, %scan3A_282 : vector<16xi1>, vector<16xf32>
          scf.yield %select_n3A_521 : vector<16xf32>
        }
        %scan3A_267 = arith.constant 16 : i32
        %neg3A = arith.constant 0.000000e+00 : f32
        %neg3A_268 = vector.broadcast %neg3A : f32 to vector<16xf32>
        %neg3A_269 = arith.subf %neg3A_268, %scan3A_266 : vector<16xf32>
        %exp3A = math.exp %neg3A_269 : vector<16xf32>
        %add3A_270 = arith.constant 1.000000e+00 : f32
        %add3A_271 = vector.broadcast %add3A_270 : f32 to vector<16xf32>
        %add3A_272 = arith.addf %add3A_271, %exp3A : vector<16xf32>
        %div3A_273 = arith.constant 1.000000e+00 : f32
        %div3A_274 = vector.broadcast %div3A_273 : f32 to vector<16xf32>
        %div3A_275 = arith.divf %div3A_274, %add3A_272 : vector<16xf32>
        %mul3A_276 = arith.constant 16 : i32
        %mul3A_277 = arith.muli %scan3A_260, %mul3A_276 : i32
        %swap3A = arith.index_cast %mul3A_277 : i32 to index
        %swap3A_278 = tpu.vector_load %arg18[%swap3A] {strides = array<i32>} : memref<128xf32, #tpu.memory_space<vmem>>, vector<16xf32>,
        %swap3A_279 = vector.shape_cast %swap3A_278 : vector<16xf32> to vector<16xf32>
        %swap3A_280 = vector.shape_cast %div3A_275 : vector<16xf32> to vector<16xf32>
        tpu.vector_store %arg18[%swap3A], %swap3A_280 {strides = array<i32>} : memref<128xf32, #tpu.memory_space<vmem>>, vector<16xf32>,
      }
      %scan3A_245 = arith.constant 8 : i32
      %mul3A_246 = arith.constant 0 : i32
      %mul3A_247 = arith.muli %mul3A_246, %select_n3A_28 : i32
      %add3A_248 = arith.addi %mul3A_247, %add3A_213 : i32
      %mul3A_249 = arith.constant 128 : i32
      %mul3A_250 = arith.muli %add3A_248, %mul3A_249 : i32
      %add3A_251 = arith.addi %mul3A_10, %mul3A_250 : i32
      %dma_start3A_252 = tpu.memref_slice %arg7[%add3A_251] : memref<327680xf32, #tpu.memory_space<hbm>> -> memref<128xf32, #tpu.memory_space<hbm>>
      %dma_start3A_253 = tpu.memref_slice %arg7[%add3A_251] : memref<327680xf32, #tpu.memory_space<hbm>> -> memref<128xf32, #tpu.memory_space<hbm>>
      tpu.enqueue_dma source(%arg18 : memref<128xf32, #tpu.memory_space<vmem>>) target(%dma_start3A_253 : memref<128xf32, #tpu.memory_space<hbm>>) target_semaphore(%arg22 : memref<!tpu.dma_semaphore, #tpu.memory_space<semaphore_mem>>)
      %sub3A_254 = arith.constant 1 : i32
      %sub3A_255 = arith.subi %select_n3A_52, %sub3A_254 : i32
      %lt3A_256 = arith.cmpi slt, %while3A_164, %sub3A_255 : i32
      %convert_element_type3A_257 = arith.extui %lt3A_256 : i1 to i32
      %cond3A_258 = arith.constant 0 : i32
      %cond3A_259 = arith.cmpi ne, %convert_element_type3A_257, %cond3A_258 : i32
      scf.if %cond3A_259 {
        %add3A_260 = arith.constant 2 : i32
        %add3A_261 = arith.addi %add3A_213, %add3A_260 : i32
        %dma_start3A_262 = arith.constant 0 : i32
        %dma_start3A_263 = tpu.memref_slice %arg8[%add3A_261, %dma_start3A_262] : memref<76x128xi32, #tpu.memory_space<vmem>> -> memref<1x128xi32, #tpu.memory_space<vmem>>
        %dma_start3A_264 = tpu.memref_squeeze %dma_start3A_263 : memref<1x128xi32, #tpu.memory_space<vmem>> -> memref<128xi32, #tpu.memory_space<vmem>>
        %dma_start3A_265 = arith.constant 0 : i32
        %dma_start3A_266 = arith.constant 0 : i32
        %dma_start3A_267 = tpu.memref_slice %arg5[%dma_start3A_265, %dma_start3A_266] : memref<10000x64xf32, #tpu.memory_space<hbm>> -> memref<10000x64xf32, #tpu.memory_space<hbm>>
        tpu.enqueue_indirect_dma source(%dma_start3A_267 : memref<10000x64xf32, #tpu.memory_space<hbm>>) target(%arg14 : memref<128x64xf32, #tpu.memory_space<vmem>>) offsets(%dma_start3A_264 : memref<128xi32, #tpu.memory_space<vmem>>) semaphore(%arg20 : memref<!tpu.dma_semaphore, #tpu.memory_space<semaphore_mem>>)
        %dma_start3A_268 = arith.constant 0 : i32
        %dma_start3A_269 = tpu.memref_slice %arg9[%add3A_261, %dma_start3A_268] : memref<76x128xi32, #tpu.memory_space<vmem>> -> memref<1x128xi32, #tpu.memory_space<vmem>>
        %dma_start3A_270 = tpu.memref_squeeze %dma_start3A_269 : memref<1x128xi32, #tpu.memory_space<vmem>> -> memref<128xi32, #tpu.memory_space<vmem>>
        %dma_start3A_271 = arith.constant 0 : i32
        %dma_start3A_272 = arith.constant 0 : i32
        %dma_start3A_273 = tpu.memref_slice %arg5[%dma_start3A_271, %dma_start3A_272] : memref<10000x64xf32, #tpu.memory_space<hbm>> -> memref<10000x64xf32, #tpu.memory_space<hbm>>
        tpu.enqueue_indirect_dma source(%dma_start3A_273 : memref<10000x64xf32, #tpu.memory_space<hbm>>) target(%arg15 : memref<128x64xf32, #tpu.memory_space<vmem>>) offsets(%dma_start3A_270 : memref<128xi32, #tpu.memory_space<vmem>>) semaphore(%arg20 : memref<!tpu.dma_semaphore, #tpu.memory_space<semaphore_mem>>)
        %dma_start3A_274 = arith.constant 0 : i32
        %dma_start3A_275 = tpu.memref_slice %arg10[%add3A_261, %dma_start3A_274] : memref<76x128xi32, #tpu.memory_space<vmem>> -> memref<1x128xi32, #tpu.memory_space<vmem>>
        %dma_start3A_276 = tpu.memref_squeeze %dma_start3A_275 : memref<1x128xi32, #tpu.memory_space<vmem>> -> memref<128xi32, #tpu.memory_space<vmem>>
        %dma_start3A_277 = arith.constant 0 : i32
        %dma_start3A_278 = arith.constant 0 : i32
        %dma_start3A_279 = tpu.memref_slice %arg6[%dma_start3A_277, %dma_start3A_278] : memref<964x64xf32, #tpu.memory_space<hbm>> -> memref<964x64xf32, #tpu.memory_space<hbm>>
        tpu.enqueue_indirect_dma source(%dma_start3A_279 : memref<964x64xf32, #tpu.memory_space<hbm>>) target(%arg16 : memref<128x64xf32, #tpu.memory_space<vmem>>) offsets(%dma_start3A_276 : memref<128xi32, #tpu.memory_space<vmem>>) semaphore(%arg20 : memref<!tpu.dma_semaphore, #tpu.memory_space<semaphore_mem>>)
      } else {
      }
    }
    %while3A_105 = arith.constant 1 : i32
    scf.for %while3A_164 = %while3A_103 to %while3A_99 step %while3A_105  : i32 {
      %mul3A_165 = arith.constant 2 : i32
      %mul3A_166 = arith.muli %while3A_164, %mul3A_165 : i32
      %add3A_167 = arith.constant 0 : i32
      %add3A_168 = arith.addi %mul3A_166, %add3A_167 : i32
      %dma_wait3A_169 = arith.constant 0 : i32
      %dma_wait3A_170 = arith.constant 0 : i32
      %dma_wait3A_171 = tpu.memref_slice %arg8[%dma_wait3A_169, %dma_wait3A_170] : memref<76x128xi32, #tpu.memory_space<vmem>> -> memref<1x128xi32, #tpu.memory_space<vmem>>
      %dma_wait3A_172 = tpu.memref_squeeze %dma_wait3A_171 : memref<1x128xi32, #tpu.memory_space<vmem>> -> memref<128xi32, #tpu.memory_space<vmem>>
      %dma_wait3A_173 = arith.constant 0 : i32
      %dma_wait3A_174 = arith.constant 0 : i32
      %dma_wait3A_175 = tpu.memref_slice %arg5[%dma_wait3A_173, %dma_wait3A_174] : memref<10000x64xf32, #tpu.memory_space<hbm>> -> memref<10000x64xf32, #tpu.memory_space<hbm>>
      tpu.wait_indirect_dma semaphore(%arg19 : memref<!tpu.dma_semaphore, #tpu.memory_space<semaphore_mem>>) src(%dma_wait3A_175 : memref<10000x64xf32, #tpu.memory_space<hbm>>) dst(%arg11 : memref<128x64xf32, #tpu.memory_space<vmem>>)
      %dma_wait3A_176 = arith.constant 0 : i32
      %dma_wait3A_177 = arith.constant 0 : i32
      %dma_wait3A_178 = tpu.memref_slice %arg9[%dma_wait3A_176, %dma_wait3A_177] : memref<76x128xi32, #tpu.memory_space<vmem>> -> memref<1x128xi32, #tpu.memory_space<vmem>>
      %dma_wait3A_179 = tpu.memref_squeeze %dma_wait3A_178 : memref<1x128xi32, #tpu.memory_space<vmem>> -> memref<128xi32, #tpu.memory_space<vmem>>
      %dma_wait3A_180 = arith.constant 0 : i32
      %dma_wait3A_181 = arith.constant 0 : i32
      %dma_wait3A_182 = tpu.memref_slice %arg5[%dma_wait3A_180, %dma_wait3A_181] : memref<10000x64xf32, #tpu.memory_space<hbm>> -> memref<10000x64xf32, #tpu.memory_space<hbm>>
      tpu.wait_indirect_dma semaphore(%arg19 : memref<!tpu.dma_semaphore, #tpu.memory_space<semaphore_mem>>) src(%dma_wait3A_182 : memref<10000x64xf32, #tpu.memory_space<hbm>>) dst(%arg12 : memref<128x64xf32, #tpu.memory_space<vmem>>)
      %dma_wait3A_183 = arith.constant 0 : i32
      %dma_wait3A_184 = arith.constant 0 : i32
      %dma_wait3A_185 = tpu.memref_slice %arg10[%dma_wait3A_183, %dma_wait3A_184] : memref<76x128xi32, #tpu.memory_space<vmem>> -> memref<1x128xi32, #tpu.memory_space<vmem>>
      %dma_wait3A_186 = tpu.memref_squeeze %dma_wait3A_185 : memref<1x128xi32, #tpu.memory_space<vmem>> -> memref<128xi32, #tpu.memory_space<vmem>>
      %dma_wait3A_187 = arith.constant 0 : i32
      %dma_wait3A_188 = arith.constant 0 : i32
      %dma_wait3A_189 = tpu.memref_slice %arg6[%dma_wait3A_187, %dma_wait3A_188] : memref<964x64xf32, #tpu.memory_space<hbm>> -> memref<964x64xf32, #tpu.memory_space<hbm>>
      tpu.wait_indirect_dma semaphore(%arg19 : memref<!tpu.dma_semaphore, #tpu.memory_space<semaphore_mem>>) src(%dma_wait3A_189 : memref<964x64xf32, #tpu.memory_space<hbm>>) dst(%arg13 : memref<128x64xf32, #tpu.memory_space<vmem>>)
      %gt3A = arith.constant 0 : i32
      %gt3A_190 = arith.cmpi sgt, %while3A_164, %gt3A : i32
      %convert_element_type3A = arith.extui %gt3A_190 : i1 to i32
      %cond3A = arith.constant 0 : i32
      %cond3A_191 = arith.cmpi ne, %convert_element_type3A, %cond3A : i32
      scf.if %cond3A_191 {
        %dma_wait3A_260 = tpu.memref_slice %arg7[%mul3A_10] : memref<327680xf32, #tpu.memory_space<hbm>> -> memref<128xf32, #tpu.memory_space<hbm>>
        %dma_wait3A_261 = tpu.memref_slice %arg7[%mul3A_10] : memref<327680xf32, #tpu.memory_space<hbm>> -> memref<128xf32, #tpu.memory_space<hbm>>
        tpu.wait_dma2 semaphore(%arg21 : memref<!tpu.dma_semaphore, #tpu.memory_space<semaphore_mem>>) src(%arg17 : memref<128xf32, #tpu.memory_space<vmem>>) dst(%dma_wait3A_261 : memref<128xf32, #tpu.memory_space<hbm>>)
      } else {
      }
      %scan3A = arith.constant 0 : i32
      %scan3A_192 = arith.constant 0 : i32
      %scan3A_193 = arith.constant 8 : i32
      %scan3A_194 = arith.addi %scan3A_192, %scan3A_193 : i32
      %scan3A_195 = arith.constant 1 : i32
      scf.for %scan3A_260 = %scan3A_192 to %scan3A_194 step %scan3A_195  : i32 {
        %broadcast_in_dim3A = arith.constant 0.000000e+00 : f32
        %broadcast_in_dim3A_261 = vector.broadcast %broadcast_in_dim3A : f32 to vector<16xf32>
        %scan3A_262 = arith.constant 0 : i32
        %scan3A_263 = arith.constant 16 : i32
        %scan3A_264 = arith.addi %scan3A_262, %scan3A_263 : i32
        %scan3A_265 = arith.constant 1 : i32
        %scan3A_266 = scf.for %scan3A_281 = %scan3A_262 to %scan3A_264 step %scan3A_265 iter_args(%scan3A_282 = %broadcast_in_dim3A_261) -> (vector<16xf32>)  : i32 {
          %mul3A_283 = arith.constant 16 : i32
          %mul3A_284 = arith.muli %scan3A_260, %mul3A_283 : i32
          %add3A_285 = arith.addi %mul3A_284, %scan3A_281 : i32
          %broadcast_in_dim3A_286 = arith.constant 0.000000e+00 : f32
          %broadcast_in_dim3A_287 = vector.broadcast %broadcast_in_dim3A_286 : f32 to vector<16xf32>
          %get3A = arith.index_cast %add3A_285 : i32 to index
          %get3A_288 = arith.constant 0 : index
          %get3A_289 = tpu.vector_load %arg11[%get3A, %get3A_288] {strides = array<i32>} : memref<128x64xf32, #tpu.memory_space<vmem>>, vector<1x16xf32>,
          %get3A_290 = vector.shape_cast %get3A_289 : vector<1x16xf32> to vector<16xf32>
          %bitcast_convert_type3A = tpu.bitcast %get3A_290 : vector<16xf32> -> vector<16xi32>
          %get3A_291 = arith.index_cast %add3A_285 : i32 to index
          %get3A_292 = arith.constant 0 : index
          %get3A_293 = tpu.vector_load %arg12[%get3A_291, %get3A_292] {strides = array<i32>} : memref<128x64xf32, #tpu.memory_space<vmem>>, vector<1x16xf32>,
          %get3A_294 = vector.shape_cast %get3A_293 : vector<1x16xf32> to vector<16xf32>
          %bitcast_convert_type3A_295 = tpu.bitcast %get3A_294 : vector<16xf32> -> vector<16xi32>
          %get3A_296 = arith.index_cast %add3A_285 : i32 to index
          %get3A_297 = arith.constant 0 : index
          %get3A_298 = tpu.vector_load %arg13[%get3A_296, %get3A_297] {strides = array<i32>} : memref<128x64xf32, #tpu.memory_space<vmem>>, vector<1x16xf32>,
          %get3A_299 = vector.shape_cast %get3A_298 : vector<1x16xf32> to vector<16xf32>
          %bitcast_convert_type3A_300 = tpu.bitcast %get3A_299 : vector<16xf32> -> vector<16xi32>
          %shift_left3A = arith.constant 16 : i32
          %shift_left3A_301 = vector.broadcast %shift_left3A : i32 to vector<16xi32>
          %shift_left3A_302 = arith.shli %bitcast_convert_type3A, %shift_left3A_301 : vector<16xi32>
          %bitcast_convert_type3A_303 = tpu.bitcast %shift_left3A_302 : vector<16xi32> -> vector<16xf32>
          %and3A_304 = arith.constant -65536 : i32
          %and3A_305 = vector.broadcast %and3A_304 : i32 to vector<16xi32>
          %and3A_306 = arith.andi %bitcast_convert_type3A, %and3A_305 : vector<16xi32>
          %bitcast_convert_type3A_307 = tpu.bitcast %and3A_306 : vector<16xi32> -> vector<16xf32>
          %shift_left3A_308 = arith.constant 16 : i32
          %shift_left3A_309 = vector.broadcast %shift_left3A_308 : i32 to vector<16xi32>
          %shift_left3A_310 = arith.shli %bitcast_convert_type3A_295, %shift_left3A_309 : vector<16xi32>
          %bitcast_convert_type3A_311 = tpu.bitcast %shift_left3A_310 : vector<16xi32> -> vector<16xf32>
          %and3A_312 = arith.constant -65536 : i32
          %and3A_313 = vector.broadcast %and3A_312 : i32 to vector<16xi32>
          %and3A_314 = arith.andi %bitcast_convert_type3A_295, %and3A_313 : vector<16xi32>
          %bitcast_convert_type3A_315 = tpu.bitcast %and3A_314 : vector<16xi32> -> vector<16xf32>
          %shift_left3A_316 = arith.constant 16 : i32
          %shift_left3A_317 = vector.broadcast %shift_left3A_316 : i32 to vector<16xi32>
          %shift_left3A_318 = arith.shli %bitcast_convert_type3A_300, %shift_left3A_317 : vector<16xi32>
          %bitcast_convert_type3A_319 = tpu.bitcast %shift_left3A_318 : vector<16xi32> -> vector<16xf32>
          %and3A_320 = arith.constant -65536 : i32
          %and3A_321 = vector.broadcast %and3A_320 : i32 to vector<16xi32>
          %and3A_322 = arith.andi %bitcast_convert_type3A_300, %and3A_321 : vector<16xi32>
          %bitcast_convert_type3A_323 = tpu.bitcast %and3A_322 : vector<16xi32> -> vector<16xf32>
          %mul3A_324 = arith.mulf %bitcast_convert_type3A_303, %bitcast_convert_type3A_311 : vector<16xf32>
          %mul3A_325 = arith.mulf %mul3A_324, %bitcast_convert_type3A_319 : vector<16xf32>
          %add3A_326 = arith.addf %broadcast_in_dim3A_287, %mul3A_325 : vector<16xf32>
          %mul3A_327 = arith.mulf %bitcast_convert_type3A_307, %bitcast_convert_type3A_315 : vector<16xf32>
          %mul3A_328 = arith.mulf %mul3A_327, %bitcast_convert_type3A_323 : vector<16xf32>
          %add3A_329 = arith.addf %add3A_326, %mul3A_328 : vector<16xf32>
          %get3A_330 = arith.index_cast %add3A_285 : i32 to index
          %get3A_331 = arith.constant 16 : index
          %get3A_332 = tpu.vector_load %arg11[%get3A_330, %get3A_331] {strides = array<i32>} : memref<128x64xf32, #tpu.memory_space<vmem>>, vector<1x16xf32>,
          %get3A_333 = vector.shape_cast %get3A_332 : vector<1x16xf32> to vector<16xf32>
          %bitcast_convert_type3A_334 = tpu.bitcast %get3A_333 : vector<16xf32> -> vector<16xi32>
          %get3A_335 = arith.index_cast %add3A_285 : i32 to index
          %get3A_336 = arith.constant 16 : index
          %get3A_337 = tpu.vector_load %arg12[%get3A_335, %get3A_336] {strides = array<i32>} : memref<128x64xf32, #tpu.memory_space<vmem>>, vector<1x16xf32>,
          %get3A_338 = vector.shape_cast %get3A_337 : vector<1x16xf32> to vector<16xf32>
          %bitcast_convert_type3A_339 = tpu.bitcast %get3A_338 : vector<16xf32> -> vector<16xi32>
          %get3A_340 = arith.index_cast %add3A_285 : i32 to index
          %get3A_341 = arith.constant 16 : index
          %get3A_342 = tpu.vector_load %arg13[%get3A_340, %get3A_341] {strides = array<i32>} : memref<128x64xf32, #tpu.memory_space<vmem>>, vector<1x16xf32>,
          %get3A_343 = vector.shape_cast %get3A_342 : vector<1x16xf32> to vector<16xf32>
          %bitcast_convert_type3A_344 = tpu.bitcast %get3A_343 : vector<16xf32> -> vector<16xi32>
          %shift_left3A_345 = arith.constant 16 : i32
          %shift_left3A_346 = vector.broadcast %shift_left3A_345 : i32 to vector<16xi32>
          %shift_left3A_347 = arith.shli %bitcast_convert_type3A_334, %shift_left3A_346 : vector<16xi32>
          %bitcast_convert_type3A_348 = tpu.bitcast %shift_left3A_347 : vector<16xi32> -> vector<16xf32>
          %and3A_349 = arith.constant -65536 : i32
          %and3A_350 = vector.broadcast %and3A_349 : i32 to vector<16xi32>
          %and3A_351 = arith.andi %bitcast_convert_type3A_334, %and3A_350 : vector<16xi32>
          %bitcast_convert_type3A_352 = tpu.bitcast %and3A_351 : vector<16xi32> -> vector<16xf32>
          %shift_left3A_353 = arith.constant 16 : i32
          %shift_left3A_354 = vector.broadcast %shift_left3A_353 : i32 to vector<16xi32>
          %shift_left3A_355 = arith.shli %bitcast_convert_type3A_339, %shift_left3A_354 : vector<16xi32>
          %bitcast_convert_type3A_356 = tpu.bitcast %shift_left3A_355 : vector<16xi32> -> vector<16xf32>
          %and3A_357 = arith.constant -65536 : i32
          %and3A_358 = vector.broadcast %and3A_357 : i32 to vector<16xi32>
          %and3A_359 = arith.andi %bitcast_convert_type3A_339, %and3A_358 : vector<16xi32>
          %bitcast_convert_type3A_360 = tpu.bitcast %and3A_359 : vector<16xi32> -> vector<16xf32>
          %shift_left3A_361 = arith.constant 16 : i32
          %shift_left3A_362 = vector.broadcast %shift_left3A_361 : i32 to vector<16xi32>
          %shift_left3A_363 = arith.shli %bitcast_convert_type3A_344, %shift_left3A_362 : vector<16xi32>
          %bitcast_convert_type3A_364 = tpu.bitcast %shift_left3A_363 : vector<16xi32> -> vector<16xf32>
          %and3A_365 = arith.constant -65536 : i32
          %and3A_366 = vector.broadcast %and3A_365 : i32 to vector<16xi32>
          %and3A_367 = arith.andi %bitcast_convert_type3A_344, %and3A_366 : vector<16xi32>
          %bitcast_convert_type3A_368 = tpu.bitcast %and3A_367 : vector<16xi32> -> vector<16xf32>
          %mul3A_369 = arith.mulf %bitcast_convert_type3A_348, %bitcast_convert_type3A_356 : vector<16xf32>
          %mul3A_370 = arith.mulf %mul3A_369, %bitcast_convert_type3A_364 : vector<16xf32>
          %add3A_371 = arith.addf %add3A_329, %mul3A_370 : vector<16xf32>
          %mul3A_372 = arith.mulf %bitcast_convert_type3A_352, %bitcast_convert_type3A_360 : vector<16xf32>
          %mul3A_373 = arith.mulf %mul3A_372, %bitcast_convert_type3A_368 : vector<16xf32>
          %add3A_374 = arith.addf %add3A_371, %mul3A_373 : vector<16xf32>
          %get3A_375 = arith.index_cast %add3A_285 : i32 to index
          %get3A_376 = arith.constant 32 : index
          %get3A_377 = tpu.vector_load %arg11[%get3A_375, %get3A_376] {strides = array<i32>} : memref<128x64xf32, #tpu.memory_space<vmem>>, vector<1x16xf32>,
          %get3A_378 = vector.shape_cast %get3A_377 : vector<1x16xf32> to vector<16xf32>
          %bitcast_convert_type3A_379 = tpu.bitcast %get3A_378 : vector<16xf32> -> vector<16xi32>
          %get3A_380 = arith.index_cast %add3A_285 : i32 to index
          %get3A_381 = arith.constant 32 : index
          %get3A_382 = tpu.vector_load %arg12[%get3A_380, %get3A_381] {strides = array<i32>} : memref<128x64xf32, #tpu.memory_space<vmem>>, vector<1x16xf32>,
          %get3A_383 = vector.shape_cast %get3A_382 : vector<1x16xf32> to vector<16xf32>
          %bitcast_convert_type3A_384 = tpu.bitcast %get3A_383 : vector<16xf32> -> vector<16xi32>
          %get3A_385 = arith.index_cast %add3A_285 : i32 to index
          %get3A_386 = arith.constant 32 : index
          %get3A_387 = tpu.vector_load %arg13[%get3A_385, %get3A_386] {strides = array<i32>} : memref<128x64xf32, #tpu.memory_space<vmem>>, vector<1x16xf32>,
          %get3A_388 = vector.shape_cast %get3A_387 : vector<1x16xf32> to vector<16xf32>
          %bitcast_convert_type3A_389 = tpu.bitcast %get3A_388 : vector<16xf32> -> vector<16xi32>
          %shift_left3A_390 = arith.constant 16 : i32
          %shift_left3A_391 = vector.broadcast %shift_left3A_390 : i32 to vector<16xi32>
          %shift_left3A_392 = arith.shli %bitcast_convert_type3A_379, %shift_left3A_391 : vector<16xi32>
          %bitcast_convert_type3A_393 = tpu.bitcast %shift_left3A_392 : vector<16xi32> -> vector<16xf32>
          %and3A_394 = arith.constant -65536 : i32
          %and3A_395 = vector.broadcast %and3A_394 : i32 to vector<16xi32>
          %and3A_396 = arith.andi %bitcast_convert_type3A_379, %and3A_395 : vector<16xi32>
          %bitcast_convert_type3A_397 = tpu.bitcast %and3A_396 : vector<16xi32> -> vector<16xf32>
          %shift_left3A_398 = arith.constant 16 : i32
          %shift_left3A_399 = vector.broadcast %shift_left3A_398 : i32 to vector<16xi32>
          %shift_left3A_400 = arith.shli %bitcast_convert_type3A_384, %shift_left3A_399 : vector<16xi32>
          %bitcast_convert_type3A_401 = tpu.bitcast %shift_left3A_400 : vector<16xi32> -> vector<16xf32>
          %and3A_402 = arith.constant -65536 : i32
          %and3A_403 = vector.broadcast %and3A_402 : i32 to vector<16xi32>
          %and3A_404 = arith.andi %bitcast_convert_type3A_384, %and3A_403 : vector<16xi32>
          %bitcast_convert_type3A_405 = tpu.bitcast %and3A_404 : vector<16xi32> -> vector<16xf32>
          %shift_left3A_406 = arith.constant 16 : i32
          %shift_left3A_407 = vector.broadcast %shift_left3A_406 : i32 to vector<16xi32>
          %shift_left3A_408 = arith.shli %bitcast_convert_type3A_389, %shift_left3A_407 : vector<16xi32>
          %bitcast_convert_type3A_409 = tpu.bitcast %shift_left3A_408 : vector<16xi32> -> vector<16xf32>
          %and3A_410 = arith.constant -65536 : i32
          %and3A_411 = vector.broadcast %and3A_410 : i32 to vector<16xi32>
          %and3A_412 = arith.andi %bitcast_convert_type3A_389, %and3A_411 : vector<16xi32>
          %bitcast_convert_type3A_413 = tpu.bitcast %and3A_412 : vector<16xi32> -> vector<16xf32>
          %mul3A_414 = arith.mulf %bitcast_convert_type3A_393, %bitcast_convert_type3A_401 : vector<16xf32>
          %mul3A_415 = arith.mulf %mul3A_414, %bitcast_convert_type3A_409 : vector<16xf32>
          %add3A_416 = arith.addf %add3A_374, %mul3A_415 : vector<16xf32>
          %mul3A_417 = arith.mulf %bitcast_convert_type3A_397, %bitcast_convert_type3A_405 : vector<16xf32>
          %mul3A_418 = arith.mulf %mul3A_417, %bitcast_convert_type3A_413 : vector<16xf32>
          %add3A_419 = arith.addf %add3A_416, %mul3A_418 : vector<16xf32>
          %get3A_420 = arith.index_cast %add3A_285 : i32 to index
          %get3A_421 = arith.constant 48 : index
          %get3A_422 = tpu.vector_load %arg11[%get3A_420, %get3A_421] {strides = array<i32>} : memref<128x64xf32, #tpu.memory_space<vmem>>, vector<1x16xf32>,
          %get3A_423 = vector.shape_cast %get3A_422 : vector<1x16xf32> to vector<16xf32>
          %bitcast_convert_type3A_424 = tpu.bitcast %get3A_423 : vector<16xf32> -> vector<16xi32>
          %get3A_425 = arith.index_cast %add3A_285 : i32 to index
          %get3A_426 = arith.constant 48 : index
          %get3A_427 = tpu.vector_load %arg12[%get3A_425, %get3A_426] {strides = array<i32>} : memref<128x64xf32, #tpu.memory_space<vmem>>, vector<1x16xf32>,
          %get3A_428 = vector.shape_cast %get3A_427 : vector<1x16xf32> to vector<16xf32>
          %bitcast_convert_type3A_429 = tpu.bitcast %get3A_428 : vector<16xf32> -> vector<16xi32>
          %get3A_430 = arith.index_cast %add3A_285 : i32 to index
          %get3A_431 = arith.constant 48 : index
          %get3A_432 = tpu.vector_load %arg13[%get3A_430, %get3A_431] {strides = array<i32>} : memref<128x64xf32, #tpu.memory_space<vmem>>, vector<1x16xf32>,
          %get3A_433 = vector.shape_cast %get3A_432 : vector<1x16xf32> to vector<16xf32>
          %bitcast_convert_type3A_434 = tpu.bitcast %get3A_433 : vector<16xf32> -> vector<16xi32>
          %shift_left3A_435 = arith.constant 16 : i32
          %shift_left3A_436 = vector.broadcast %shift_left3A_435 : i32 to vector<16xi32>
          %shift_left3A_437 = arith.shli %bitcast_convert_type3A_424, %shift_left3A_436 : vector<16xi32>
          %bitcast_convert_type3A_438 = tpu.bitcast %shift_left3A_437 : vector<16xi32> -> vector<16xf32>
          %and3A_439 = arith.constant -65536 : i32
          %and3A_440 = vector.broadcast %and3A_439 : i32 to vector<16xi32>
          %and3A_441 = arith.andi %bitcast_convert_type3A_424, %and3A_440 : vector<16xi32>
          %bitcast_convert_type3A_442 = tpu.bitcast %and3A_441 : vector<16xi32> -> vector<16xf32>
          %shift_left3A_443 = arith.constant 16 : i32
          %shift_left3A_444 = vector.broadcast %shift_left3A_443 : i32 to vector<16xi32>
          %shift_left3A_445 = arith.shli %bitcast_convert_type3A_429, %shift_left3A_444 : vector<16xi32>
          %bitcast_convert_type3A_446 = tpu.bitcast %shift_left3A_445 : vector<16xi32> -> vector<16xf32>
          %and3A_447 = arith.constant -65536 : i32
          %and3A_448 = vector.broadcast %and3A_447 : i32 to vector<16xi32>
          %and3A_449 = arith.andi %bitcast_convert_type3A_429, %and3A_448 : vector<16xi32>
          %bitcast_convert_type3A_450 = tpu.bitcast %and3A_449 : vector<16xi32> -> vector<16xf32>
          %shift_left3A_451 = arith.constant 16 : i32
          %shift_left3A_452 = vector.broadcast %shift_left3A_451 : i32 to vector<16xi32>
          %shift_left3A_453 = arith.shli %bitcast_convert_type3A_434, %shift_left3A_452 : vector<16xi32>
          %bitcast_convert_type3A_454 = tpu.bitcast %shift_left3A_453 : vector<16xi32> -> vector<16xf32>
          %and3A_455 = arith.constant -65536 : i32
          %and3A_456 = vector.broadcast %and3A_455 : i32 to vector<16xi32>
          %and3A_457 = arith.andi %bitcast_convert_type3A_434, %and3A_456 : vector<16xi32>
          %bitcast_convert_type3A_458 = tpu.bitcast %and3A_457 : vector<16xi32> -> vector<16xf32>
          %mul3A_459 = arith.mulf %bitcast_convert_type3A_438, %bitcast_convert_type3A_446 : vector<16xf32>
          %mul3A_460 = arith.mulf %mul3A_459, %bitcast_convert_type3A_454 : vector<16xf32>
          %add3A_461 = arith.addf %add3A_419, %mul3A_460 : vector<16xf32>
          %mul3A_462 = arith.mulf %bitcast_convert_type3A_442, %bitcast_convert_type3A_450 : vector<16xf32>
          %mul3A_463 = arith.mulf %mul3A_462, %bitcast_convert_type3A_458 : vector<16xf32>
          %add3A_464 = arith.addf %add3A_461, %mul3A_463 : vector<16xf32>
          %xor3A = arith.constant 8 : i32
          %xor3A_465 = vector.broadcast %xor3A : i32 to vector<16xi32>
          %xor3A_466 = arith.xori %iota3A, %xor3A_465 : vector<16xi32>
          %lt3A_467 = arith.constant 0 : i32
          %lt3A_468 = vector.broadcast %lt3A_467 : i32 to vector<16xi32>
          %lt3A_469 = arith.cmpi slt, %xor3A_466, %lt3A_468 : vector<16xi32>
          %add3A_470 = arith.constant 16 : i32
          %add3A_471 = vector.broadcast %add3A_470 : i32 to vector<16xi32>
          %add3A_472 = arith.addi %xor3A_466, %add3A_471 : vector<16xi32>
          %select_n3A_473 = arith.select %lt3A_469, %add3A_472, %xor3A_466 : vector<16xi1>, vector<16xi32>
          %broadcast_in_dim3A_474 = vector.shape_cast %select_n3A_473 : vector<16xi32> to vector<16x1xi32>
          %gather3A = vector.shape_cast %broadcast_in_dim3A_474 : vector<16x1xi32> to vector<16xi32>
          %gather3A_475 = tpu.dynamic_gather %add3A_464[%gather3A] in [0] : vector<16xf32>, vector<16xi32> -> vector<16xf32>
          %add3A_476 = arith.addf %add3A_464, %gather3A_475 : vector<16xf32>
          %xor3A_477 = arith.constant 4 : i32
          %xor3A_478 = vector.broadcast %xor3A_477 : i32 to vector<16xi32>
          %xor3A_479 = arith.xori %iota3A, %xor3A_478 : vector<16xi32>
          %lt3A_480 = arith.constant 0 : i32
          %lt3A_481 = vector.broadcast %lt3A_480 : i32 to vector<16xi32>
          %lt3A_482 = arith.cmpi slt, %xor3A_479, %lt3A_481 : vector<16xi32>
          %add3A_483 = arith.constant 16 : i32
          %add3A_484 = vector.broadcast %add3A_483 : i32 to vector<16xi32>
          %add3A_485 = arith.addi %xor3A_479, %add3A_484 : vector<16xi32>
          %select_n3A_486 = arith.select %lt3A_482, %add3A_485, %xor3A_479 : vector<16xi1>, vector<16xi32>
          %broadcast_in_dim3A_487 = vector.shape_cast %select_n3A_486 : vector<16xi32> to vector<16x1xi32>
          %gather3A_488 = vector.shape_cast %broadcast_in_dim3A_487 : vector<16x1xi32> to vector<16xi32>
          %gather3A_489 = tpu.dynamic_gather %add3A_476[%gather3A_488] in [0] : vector<16xf32>, vector<16xi32> -> vector<16xf32>
          %add3A_490 = arith.addf %add3A_476, %gather3A_489 : vector<16xf32>
          %xor3A_491 = arith.constant 2 : i32
          %xor3A_492 = vector.broadcast %xor3A_491 : i32 to vector<16xi32>
          %xor3A_493 = arith.xori %iota3A, %xor3A_492 : vector<16xi32>
          %lt3A_494 = arith.constant 0 : i32
          %lt3A_495 = vector.broadcast %lt3A_494 : i32 to vector<16xi32>
          %lt3A_496 = arith.cmpi slt, %xor3A_493, %lt3A_495 : vector<16xi32>
          %add3A_497 = arith.constant 16 : i32
          %add3A_498 = vector.broadcast %add3A_497 : i32 to vector<16xi32>
          %add3A_499 = arith.addi %xor3A_493, %add3A_498 : vector<16xi32>
          %select_n3A_500 = arith.select %lt3A_496, %add3A_499, %xor3A_493 : vector<16xi1>, vector<16xi32>
          %broadcast_in_dim3A_501 = vector.shape_cast %select_n3A_500 : vector<16xi32> to vector<16x1xi32>
          %gather3A_502 = vector.shape_cast %broadcast_in_dim3A_501 : vector<16x1xi32> to vector<16xi32>
          %gather3A_503 = tpu.dynamic_gather %add3A_490[%gather3A_502] in [0] : vector<16xf32>, vector<16xi32> -> vector<16xf32>
          %add3A_504 = arith.addf %add3A_490, %gather3A_503 : vector<16xf32>
          %xor3A_505 = arith.constant 1 : i32
          %xor3A_506 = vector.broadcast %xor3A_505 : i32 to vector<16xi32>
          %xor3A_507 = arith.xori %iota3A, %xor3A_506 : vector<16xi32>
          %lt3A_508 = arith.constant 0 : i32
          %lt3A_509 = vector.broadcast %lt3A_508 : i32 to vector<16xi32>
          %lt3A_510 = arith.cmpi slt, %xor3A_507, %lt3A_509 : vector<16xi32>
          %add3A_511 = arith.constant 16 : i32
          %add3A_512 = vector.broadcast %add3A_511 : i32 to vector<16xi32>
          %add3A_513 = arith.addi %xor3A_507, %add3A_512 : vector<16xi32>
          %select_n3A_514 = arith.select %lt3A_510, %add3A_513, %xor3A_507 : vector<16xi1>, vector<16xi32>
          %broadcast_in_dim3A_515 = vector.shape_cast %select_n3A_514 : vector<16xi32> to vector<16x1xi32>
          %gather3A_516 = vector.shape_cast %broadcast_in_dim3A_515 : vector<16x1xi32> to vector<16xi32>
          %gather3A_517 = tpu.dynamic_gather %add3A_504[%gather3A_516] in [0] : vector<16xf32>, vector<16xi32> -> vector<16xf32>
          %add3A_518 = arith.addf %add3A_504, %gather3A_517 : vector<16xf32>
          %eq3A_519 = vector.broadcast %scan3A_281 : i32 to vector<16xi32>
          %eq3A_520 = arith.cmpi eq, %iota3A, %eq3A_519 : vector<16xi32>
          %select_n3A_521 = arith.select %eq3A_520, %add3A_518, %scan3A_282 : vector<16xi1>, vector<16xf32>
          scf.yield %select_n3A_521 : vector<16xf32>
        }
        %scan3A_267 = arith.constant 16 : i32
        %neg3A = arith.constant 0.000000e+00 : f32
        %neg3A_268 = vector.broadcast %neg3A : f32 to vector<16xf32>
        %neg3A_269 = arith.subf %neg3A_268, %scan3A_266 : vector<16xf32>
        %exp3A = math.exp %neg3A_269 : vector<16xf32>
        %add3A_270 = arith.constant 1.000000e+00 : f32
        %add3A_271 = vector.broadcast %add3A_270 : f32 to vector<16xf32>
        %add3A_272 = arith.addf %add3A_271, %exp3A : vector<16xf32>
        %div3A_273 = arith.constant 1.000000e+00 : f32
        %div3A_274 = vector.broadcast %div3A_273 : f32 to vector<16xf32>
        %div3A_275 = arith.divf %div3A_274, %add3A_272 : vector<16xf32>
        %mul3A_276 = arith.constant 16 : i32
        %mul3A_277 = arith.muli %scan3A_260, %mul3A_276 : i32
        %swap3A = arith.index_cast %mul3A_277 : i32 to index
        %swap3A_278 = tpu.vector_load %arg17[%swap3A] {strides = array<i32>} : memref<128xf32, #tpu.memory_space<vmem>>, vector<16xf32>,
        %swap3A_279 = vector.shape_cast %swap3A_278 : vector<16xf32> to vector<16xf32>
        %swap3A_280 = vector.shape_cast %div3A_275 : vector<16xf32> to vector<16xf32>
        tpu.vector_store %arg17[%swap3A], %swap3A_280 {strides = array<i32>} : memref<128xf32, #tpu.memory_space<vmem>>, vector<16xf32>,
      }
      %scan3A_196 = arith.constant 8 : i32
      %mul3A_197 = arith.constant 0 : i32
      %mul3A_198 = arith.muli %mul3A_197, %select_n3A_28 : i32
      %add3A_199 = arith.addi %mul3A_198, %add3A_168 : i32
      %mul3A_200 = arith.constant 128 : i32
      %mul3A_201 = arith.muli %add3A_199, %mul3A_200 : i32
      %add3A_202 = arith.addi %mul3A_10, %mul3A_201 : i32
      %dma_start3A_203 = tpu.memref_slice %arg7[%add3A_202] : memref<327680xf32, #tpu.memory_space<hbm>> -> memref<128xf32, #tpu.memory_space<hbm>>
      %dma_start3A_204 = tpu.memref_slice %arg7[%add3A_202] : memref<327680xf32, #tpu.memory_space<hbm>> -> memref<128xf32, #tpu.memory_space<hbm>>
      tpu.enqueue_dma source(%arg17 : memref<128xf32, #tpu.memory_space<vmem>>) target(%dma_start3A_204 : memref<128xf32, #tpu.memory_space<hbm>>) target_semaphore(%arg21 : memref<!tpu.dma_semaphore, #tpu.memory_space<semaphore_mem>>)
      %sub3A_205 = arith.constant 1 : i32
      %sub3A_206 = arith.subi %select_n3A_52, %sub3A_205 : i32
      %lt3A = arith.cmpi slt, %while3A_164, %sub3A_206 : i32
      %convert_element_type3A_207 = arith.extui %lt3A : i1 to i32
      %cond3A_208 = arith.constant 0 : i32
      %cond3A_209 = arith.cmpi ne, %convert_element_type3A_207, %cond3A_208 : i32
      scf.if %cond3A_209 {
        %add3A_260 = arith.constant 2 : i32
        %add3A_261 = arith.addi %add3A_168, %add3A_260 : i32
        %dma_start3A_262 = arith.constant 0 : i32
        %dma_start3A_263 = tpu.memref_slice %arg8[%add3A_261, %dma_start3A_262] : memref<76x128xi32, #tpu.memory_space<vmem>> -> memref<1x128xi32, #tpu.memory_space<vmem>>
        %dma_start3A_264 = tpu.memref_squeeze %dma_start3A_263 : memref<1x128xi32, #tpu.memory_space<vmem>> -> memref<128xi32, #tpu.memory_space<vmem>>
        %dma_start3A_265 = arith.constant 0 : i32
        %dma_start3A_266 = arith.constant 0 : i32
        %dma_start3A_267 = tpu.memref_slice %arg5[%dma_start3A_265, %dma_start3A_266] : memref<10000x64xf32, #tpu.memory_space<hbm>> -> memref<10000x64xf32, #tpu.memory_space<hbm>>
        tpu.enqueue_indirect_dma source(%dma_start3A_267 : memref<10000x64xf32, #tpu.memory_space<hbm>>) target(%arg11 : memref<128x64xf32, #tpu.memory_space<vmem>>) offsets(%dma_start3A_264 : memref<128xi32, #tpu.memory_space<vmem>>) semaphore(%arg19 : memref<!tpu.dma_semaphore, #tpu.memory_space<semaphore_mem>>)
        %dma_start3A_268 = arith.constant 0 : i32
        %dma_start3A_269 = tpu.memref_slice %arg9[%add3A_261, %dma_start3A_268] : memref<76x128xi32, #tpu.memory_space<vmem>> -> memref<1x128xi32, #tpu.memory_space<vmem>>
        %dma_start3A_270 = tpu.memref_squeeze %dma_start3A_269 : memref<1x128xi32, #tpu.memory_space<vmem>> -> memref<128xi32, #tpu.memory_space<vmem>>
        %dma_start3A_271 = arith.constant 0 : i32
        %dma_start3A_272 = arith.constant 0 : i32
        %dma_start3A_273 = tpu.memref_slice %arg5[%dma_start3A_271, %dma_start3A_272] : memref<10000x64xf32, #tpu.memory_space<hbm>> -> memref<10000x64xf32, #tpu.memory_space<hbm>>
        tpu.enqueue_indirect_dma source(%dma_start3A_273 : memref<10000x64xf32, #tpu.memory_space<hbm>>) target(%arg12 : memref<128x64xf32, #tpu.memory_space<vmem>>) offsets(%dma_start3A_270 : memref<128xi32, #tpu.memory_space<vmem>>) semaphore(%arg19 : memref<!tpu.dma_semaphore, #tpu.memory_space<semaphore_mem>>)
        %dma_start3A_274 = arith.constant 0 : i32
        %dma_start3A_275 = tpu.memref_slice %arg10[%add3A_261, %dma_start3A_274] : memref<76x128xi32, #tpu.memory_space<vmem>> -> memref<1x128xi32, #tpu.memory_space<vmem>>
        %dma_start3A_276 = tpu.memref_squeeze %dma_start3A_275 : memref<1x128xi32, #tpu.memory_space<vmem>> -> memref<128xi32, #tpu.memory_space<vmem>>
        %dma_start3A_277 = arith.constant 0 : i32
        %dma_start3A_278 = arith.constant 0 : i32
        %dma_start3A_279 = tpu.memref_slice %arg6[%dma_start3A_277, %dma_start3A_278] : memref<964x64xf32, #tpu.memory_space<hbm>> -> memref<964x64xf32, #tpu.memory_space<hbm>>
        tpu.enqueue_indirect_dma source(%dma_start3A_279 : memref<964x64xf32, #tpu.memory_space<hbm>>) target(%arg13 : memref<128x64xf32, #tpu.memory_space<vmem>>) offsets(%dma_start3A_276 : memref<128xi32, #tpu.memory_space<vmem>>) semaphore(%arg19 : memref<!tpu.dma_semaphore, #tpu.memory_space<semaphore_mem>>)
      } else {
      }
      %mul3A_210 = arith.constant 2 : i32
      %mul3A_211 = arith.muli %while3A_164, %mul3A_210 : i32
      %add3A_212 = arith.constant 1 : i32
      %add3A_213 = arith.addi %mul3A_211, %add3A_212 : i32
      %dma_wait3A_214 = arith.constant 0 : i32
      %dma_wait3A_215 = arith.constant 0 : i32
      %dma_wait3A_216 = tpu.memref_slice %arg8[%dma_wait3A_214, %dma_wait3A_215] : memref<76x128xi32, #tpu.memory_space<vmem>> -> memref<1x128xi32, #tpu.memory_space<vmem>>
      %dma_wait3A_217 = tpu.memref_squeeze %dma_wait3A_216 : memref<1x128xi32, #tpu.memory_space<vmem>> -> memref<128xi32, #tpu.memory_space<vmem>>
      %dma_wait3A_218 = arith.constant 0 : i32
      %dma_wait3A_219 = arith.constant 0 : i32
      %dma_wait3A_220 = tpu.memref_slice %arg5[%dma_wait3A_218, %dma_wait3A_219] : memref<10000x64xf32, #tpu.memory_space<hbm>> -> memref<10000x64xf32, #tpu.memory_space<hbm>>
      tpu.wait_indirect_dma semaphore(%arg20 : memref<!tpu.dma_semaphore, #tpu.memory_space<semaphore_mem>>) src(%dma_wait3A_220 : memref<10000x64xf32, #tpu.memory_space<hbm>>) dst(%arg14 : memref<128x64xf32, #tpu.memory_space<vmem>>)
      %dma_wait3A_221 = arith.constant 0 : i32
      %dma_wait3A_222 = arith.constant 0 : i32
      %dma_wait3A_223 = tpu.memref_slice %arg9[%dma_wait3A_221, %dma_wait3A_222] : memref<76x128xi32, #tpu.memory_space<vmem>> -> memref<1x128xi32, #tpu.memory_space<vmem>>
      %dma_wait3A_224 = tpu.memref_squeeze %dma_wait3A_223 : memref<1x128xi32, #tpu.memory_space<vmem>> -> memref<128xi32, #tpu.memory_space<vmem>>
      %dma_wait3A_225 = arith.constant 0 : i32
      %dma_wait3A_226 = arith.constant 0 : i32
      %dma_wait3A_227 = tpu.memref_slice %arg5[%dma_wait3A_225, %dma_wait3A_226] : memref<10000x64xf32, #tpu.memory_space<hbm>> -> memref<10000x64xf32, #tpu.memory_space<hbm>>
      tpu.wait_indirect_dma semaphore(%arg20 : memref<!tpu.dma_semaphore, #tpu.memory_space<semaphore_mem>>) src(%dma_wait3A_227 : memref<10000x64xf32, #tpu.memory_space<hbm>>) dst(%arg15 : memref<128x64xf32, #tpu.memory_space<vmem>>)
      %dma_wait3A_228 = arith.constant 0 : i32
      %dma_wait3A_229 = arith.constant 0 : i32
      %dma_wait3A_230 = tpu.memref_slice %arg10[%dma_wait3A_228, %dma_wait3A_229] : memref<76x128xi32, #tpu.memory_space<vmem>> -> memref<1x128xi32, #tpu.memory_space<vmem>>
      %dma_wait3A_231 = tpu.memref_squeeze %dma_wait3A_230 : memref<1x128xi32, #tpu.memory_space<vmem>> -> memref<128xi32, #tpu.memory_space<vmem>>
      %dma_wait3A_232 = arith.constant 0 : i32
      %dma_wait3A_233 = arith.constant 0 : i32
      %dma_wait3A_234 = tpu.memref_slice %arg6[%dma_wait3A_232, %dma_wait3A_233] : memref<964x64xf32, #tpu.memory_space<hbm>> -> memref<964x64xf32, #tpu.memory_space<hbm>>
      tpu.wait_indirect_dma semaphore(%arg20 : memref<!tpu.dma_semaphore, #tpu.memory_space<semaphore_mem>>) src(%dma_wait3A_234 : memref<964x64xf32, #tpu.memory_space<hbm>>) dst(%arg16 : memref<128x64xf32, #tpu.memory_space<vmem>>)
      %gt3A_235 = arith.constant 0 : i32
      %gt3A_236 = arith.cmpi sgt, %while3A_164, %gt3A_235 : i32
      %convert_element_type3A_237 = arith.extui %gt3A_236 : i1 to i32
      %cond3A_238 = arith.constant 0 : i32
      %cond3A_239 = arith.cmpi ne, %convert_element_type3A_237, %cond3A_238 : i32
      scf.if %cond3A_239 {
        %dma_wait3A_260 = tpu.memref_slice %arg7[%mul3A_10] : memref<327680xf32, #tpu.memory_space<hbm>> -> memref<128xf32, #tpu.memory_space<hbm>>
        %dma_wait3A_261 = tpu.memref_slice %arg7[%mul3A_10] : memref<327680xf32, #tpu.memory_space<hbm>> -> memref<128xf32, #tpu.memory_space<hbm>>
        tpu.wait_dma2 semaphore(%arg22 : memref<!tpu.dma_semaphore, #tpu.memory_space<semaphore_mem>>) src(%arg18 : memref<128xf32, #tpu.memory_space<vmem>>) dst(%dma_wait3A_261 : memref<128xf32, #tpu.memory_space<hbm>>)
      } else {
      }
      %scan3A_240 = arith.constant 0 : i32
      %scan3A_241 = arith.constant 0 : i32
      %scan3A_242 = arith.constant 8 : i32
      %scan3A_243 = arith.addi %scan3A_241, %scan3A_242 : i32
      %scan3A_244 = arith.constant 1 : i32
      scf.for %scan3A_260 = %scan3A_241 to %scan3A_243 step %scan3A_244  : i32 {
        %broadcast_in_dim3A = arith.constant 0.000000e+00 : f32
        %broadcast_in_dim3A_261 = vector.broadcast %broadcast_in_dim3A : f32 to vector<16xf32>
        %scan3A_262 = arith.constant 0 : i32
        %scan3A_263 = arith.constant 16 : i32
        %scan3A_264 = arith.addi %scan3A_262, %scan3A_263 : i32
        %scan3A_265 = arith.constant 1 : i32
        %scan3A_266 = scf.for %scan3A_281 = %scan3A_262 to %scan3A_264 step %scan3A_265 iter_args(%scan3A_282 = %broadcast_in_dim3A_261) -> (vector<16xf32>)  : i32 {
          %mul3A_283 = arith.constant 16 : i32
          %mul3A_284 = arith.muli %scan3A_260, %mul3A_283 : i32
          %add3A_285 = arith.addi %mul3A_284, %scan3A_281 : i32
          %broadcast_in_dim3A_286 = arith.constant 0.000000e+00 : f32
          %broadcast_in_dim3A_287 = vector.broadcast %broadcast_in_dim3A_286 : f32 to vector<16xf32>
          %get3A = arith.index_cast %add3A_285 : i32 to index
          %get3A_288 = arith.constant 0 : index
          %get3A_289 = tpu.vector_load %arg14[%get3A, %get3A_288] {strides = array<i32>} : memref<128x64xf32, #tpu.memory_space<vmem>>, vector<1x16xf32>,
          %get3A_290 = vector.shape_cast %get3A_289 : vector<1x16xf32> to vector<16xf32>
          %bitcast_convert_type3A = tpu.bitcast %get3A_290 : vector<16xf32> -> vector<16xi32>
          %get3A_291 = arith.index_cast %add3A_285 : i32 to index
          %get3A_292 = arith.constant 0 : index
          %get3A_293 = tpu.vector_load %arg15[%get3A_291, %get3A_292] {strides = array<i32>} : memref<128x64xf32, #tpu.memory_space<vmem>>, vector<1x16xf32>,
          %get3A_294 = vector.shape_cast %get3A_293 : vector<1x16xf32> to vector<16xf32>
          %bitcast_convert_type3A_295 = tpu.bitcast %get3A_294 : vector<16xf32> -> vector<16xi32>
          %get3A_296 = arith.index_cast %add3A_285 : i32 to index
          %get3A_297 = arith.constant 0 : index
          %get3A_298 = tpu.vector_load %arg16[%get3A_296, %get3A_297] {strides = array<i32>} : memref<128x64xf32, #tpu.memory_space<vmem>>, vector<1x16xf32>,
          %get3A_299 = vector.shape_cast %get3A_298 : vector<1x16xf32> to vector<16xf32>
          %bitcast_convert_type3A_300 = tpu.bitcast %get3A_299 : vector<16xf32> -> vector<16xi32>
          %shift_left3A = arith.constant 16 : i32
          %shift_left3A_301 = vector.broadcast %shift_left3A : i32 to vector<16xi32>
          %shift_left3A_302 = arith.shli %bitcast_convert_type3A, %shift_left3A_301 : vector<16xi32>
          %bitcast_convert_type3A_303 = tpu.bitcast %shift_left3A_302 : vector<16xi32> -> vector<16xf32>
          %and3A_304 = arith.constant -65536 : i32
          %and3A_305 = vector.broadcast %and3A_304 : i32 to vector<16xi32>
          %and3A_306 = arith.andi %bitcast_convert_type3A, %and3A_305 : vector<16xi32>
          %bitcast_convert_type3A_307 = tpu.bitcast %and3A_306 : vector<16xi32> -> vector<16xf32>
          %shift_left3A_308 = arith.constant 16 : i32
          %shift_left3A_309 = vector.broadcast %shift_left3A_308 : i32 to vector<16xi32>
          %shift_left3A_310 = arith.shli %bitcast_convert_type3A_295, %shift_left3A_309 : vector<16xi32>
          %bitcast_convert_type3A_311 = tpu.bitcast %shift_left3A_310 : vector<16xi32> -> vector<16xf32>
          %and3A_312 = arith.constant -65536 : i32
          %and3A_313 = vector.broadcast %and3A_312 : i32 to vector<16xi32>
          %and3A_314 = arith.andi %bitcast_convert_type3A_295, %and3A_313 : vector<16xi32>
          %bitcast_convert_type3A_315 = tpu.bitcast %and3A_314 : vector<16xi32> -> vector<16xf32>
          %shift_left3A_316 = arith.constant 16 : i32
          %shift_left3A_317 = vector.broadcast %shift_left3A_316 : i32 to vector<16xi32>
          %shift_left3A_318 = arith.shli %bitcast_convert_type3A_300, %shift_left3A_317 : vector<16xi32>
          %bitcast_convert_type3A_319 = tpu.bitcast %shift_left3A_318 : vector<16xi32> -> vector<16xf32>
          %and3A_320 = arith.constant -65536 : i32
          %and3A_321 = vector.broadcast %and3A_320 : i32 to vector<16xi32>
          %and3A_322 = arith.andi %bitcast_convert_type3A_300, %and3A_321 : vector<16xi32>
          %bitcast_convert_type3A_323 = tpu.bitcast %and3A_322 : vector<16xi32> -> vector<16xf32>
          %mul3A_324 = arith.mulf %bitcast_convert_type3A_303, %bitcast_convert_type3A_311 : vector<16xf32>
          %mul3A_325 = arith.mulf %mul3A_324, %bitcast_convert_type3A_319 : vector<16xf32>
          %add3A_326 = arith.addf %broadcast_in_dim3A_287, %mul3A_325 : vector<16xf32>
          %mul3A_327 = arith.mulf %bitcast_convert_type3A_307, %bitcast_convert_type3A_315 : vector<16xf32>
          %mul3A_328 = arith.mulf %mul3A_327, %bitcast_convert_type3A_323 : vector<16xf32>
          %add3A_329 = arith.addf %add3A_326, %mul3A_328 : vector<16xf32>
          %get3A_330 = arith.index_cast %add3A_285 : i32 to index
          %get3A_331 = arith.constant 16 : index
          %get3A_332 = tpu.vector_load %arg14[%get3A_330, %get3A_331] {strides = array<i32>} : memref<128x64xf32, #tpu.memory_space<vmem>>, vector<1x16xf32>,
          %get3A_333 = vector.shape_cast %get3A_332 : vector<1x16xf32> to vector<16xf32>
          %bitcast_convert_type3A_334 = tpu.bitcast %get3A_333 : vector<16xf32> -> vector<16xi32>
          %get3A_335 = arith.index_cast %add3A_285 : i32 to index
          %get3A_336 = arith.constant 16 : index
          %get3A_337 = tpu.vector_load %arg15[%get3A_335, %get3A_336] {strides = array<i32>} : memref<128x64xf32, #tpu.memory_space<vmem>>, vector<1x16xf32>,
          %get3A_338 = vector.shape_cast %get3A_337 : vector<1x16xf32> to vector<16xf32>
          %bitcast_convert_type3A_339 = tpu.bitcast %get3A_338 : vector<16xf32> -> vector<16xi32>
          %get3A_340 = arith.index_cast %add3A_285 : i32 to index
          %get3A_341 = arith.constant 16 : index
          %get3A_342 = tpu.vector_load %arg16[%get3A_340, %get3A_341] {strides = array<i32>} : memref<128x64xf32, #tpu.memory_space<vmem>>, vector<1x16xf32>,
          %get3A_343 = vector.shape_cast %get3A_342 : vector<1x16xf32> to vector<16xf32>
          %bitcast_convert_type3A_344 = tpu.bitcast %get3A_343 : vector<16xf32> -> vector<16xi32>
          %shift_left3A_345 = arith.constant 16 : i32
          %shift_left3A_346 = vector.broadcast %shift_left3A_345 : i32 to vector<16xi32>
          %shift_left3A_347 = arith.shli %bitcast_convert_type3A_334, %shift_left3A_346 : vector<16xi32>
          %bitcast_convert_type3A_348 = tpu.bitcast %shift_left3A_347 : vector<16xi32> -> vector<16xf32>
          %and3A_349 = arith.constant -65536 : i32
          %and3A_350 = vector.broadcast %and3A_349 : i32 to vector<16xi32>
          %and3A_351 = arith.andi %bitcast_convert_type3A_334, %and3A_350 : vector<16xi32>
          %bitcast_convert_type3A_352 = tpu.bitcast %and3A_351 : vector<16xi32> -> vector<16xf32>
          %shift_left3A_353 = arith.constant 16 : i32
          %shift_left3A_354 = vector.broadcast %shift_left3A_353 : i32 to vector<16xi32>
          %shift_left3A_355 = arith.shli %bitcast_convert_type3A_339, %shift_left3A_354 : vector<16xi32>
          %bitcast_convert_type3A_356 = tpu.bitcast %shift_left3A_355 : vector<16xi32> -> vector<16xf32>
          %and3A_357 = arith.constant -65536 : i32
          %and3A_358 = vector.broadcast %and3A_357 : i32 to vector<16xi32>
          %and3A_359 = arith.andi %bitcast_convert_type3A_339, %and3A_358 : vector<16xi32>
          %bitcast_convert_type3A_360 = tpu.bitcast %and3A_359 : vector<16xi32> -> vector<16xf32>
          %shift_left3A_361 = arith.constant 16 : i32
          %shift_left3A_362 = vector.broadcast %shift_left3A_361 : i32 to vector<16xi32>
          %shift_left3A_363 = arith.shli %bitcast_convert_type3A_344, %shift_left3A_362 : vector<16xi32>
          %bitcast_convert_type3A_364 = tpu.bitcast %shift_left3A_363 : vector<16xi32> -> vector<16xf32>
          %and3A_365 = arith.constant -65536 : i32
          %and3A_366 = vector.broadcast %and3A_365 : i32 to vector<16xi32>
          %and3A_367 = arith.andi %bitcast_convert_type3A_344, %and3A_366 : vector<16xi32>
          %bitcast_convert_type3A_368 = tpu.bitcast %and3A_367 : vector<16xi32> -> vector<16xf32>
          %mul3A_369 = arith.mulf %bitcast_convert_type3A_348, %bitcast_convert_type3A_356 : vector<16xf32>
          %mul3A_370 = arith.mulf %mul3A_369, %bitcast_convert_type3A_364 : vector<16xf32>
          %add3A_371 = arith.addf %add3A_329, %mul3A_370 : vector<16xf32>
          %mul3A_372 = arith.mulf %bitcast_convert_type3A_352, %bitcast_convert_type3A_360 : vector<16xf32>
          %mul3A_373 = arith.mulf %mul3A_372, %bitcast_convert_type3A_368 : vector<16xf32>
          %add3A_374 = arith.addf %add3A_371, %mul3A_373 : vector<16xf32>
          %get3A_375 = arith.index_cast %add3A_285 : i32 to index
          %get3A_376 = arith.constant 32 : index
          %get3A_377 = tpu.vector_load %arg14[%get3A_375, %get3A_376] {strides = array<i32>} : memref<128x64xf32, #tpu.memory_space<vmem>>, vector<1x16xf32>,
          %get3A_378 = vector.shape_cast %get3A_377 : vector<1x16xf32> to vector<16xf32>
          %bitcast_convert_type3A_379 = tpu.bitcast %get3A_378 : vector<16xf32> -> vector<16xi32>
          %get3A_380 = arith.index_cast %add3A_285 : i32 to index
          %get3A_381 = arith.constant 32 : index
          %get3A_382 = tpu.vector_load %arg15[%get3A_380, %get3A_381] {strides = array<i32>} : memref<128x64xf32, #tpu.memory_space<vmem>>, vector<1x16xf32>,
          %get3A_383 = vector.shape_cast %get3A_382 : vector<1x16xf32> to vector<16xf32>
          %bitcast_convert_type3A_384 = tpu.bitcast %get3A_383 : vector<16xf32> -> vector<16xi32>
          %get3A_385 = arith.index_cast %add3A_285 : i32 to index
          %get3A_386 = arith.constant 32 : index
          %get3A_387 = tpu.vector_load %arg16[%get3A_385, %get3A_386] {strides = array<i32>} : memref<128x64xf32, #tpu.memory_space<vmem>>, vector<1x16xf32>,
          %get3A_388 = vector.shape_cast %get3A_387 : vector<1x16xf32> to vector<16xf32>
          %bitcast_convert_type3A_389 = tpu.bitcast %get3A_388 : vector<16xf32> -> vector<16xi32>
          %shift_left3A_390 = arith.constant 16 : i32
          %shift_left3A_391 = vector.broadcast %shift_left3A_390 : i32 to vector<16xi32>
          %shift_left3A_392 = arith.shli %bitcast_convert_type3A_379, %shift_left3A_391 : vector<16xi32>
          %bitcast_convert_type3A_393 = tpu.bitcast %shift_left3A_392 : vector<16xi32> -> vector<16xf32>
          %and3A_394 = arith.constant -65536 : i32
          %and3A_395 = vector.broadcast %and3A_394 : i32 to vector<16xi32>
          %and3A_396 = arith.andi %bitcast_convert_type3A_379, %and3A_395 : vector<16xi32>
          %bitcast_convert_type3A_397 = tpu.bitcast %and3A_396 : vector<16xi32> -> vector<16xf32>
          %shift_left3A_398 = arith.constant 16 : i32
          %shift_left3A_399 = vector.broadcast %shift_left3A_398 : i32 to vector<16xi32>
          %shift_left3A_400 = arith.shli %bitcast_convert_type3A_384, %shift_left3A_399 : vector<16xi32>
          %bitcast_convert_type3A_401 = tpu.bitcast %shift_left3A_400 : vector<16xi32> -> vector<16xf32>
          %and3A_402 = arith.constant -65536 : i32
          %and3A_403 = vector.broadcast %and3A_402 : i32 to vector<16xi32>
          %and3A_404 = arith.andi %bitcast_convert_type3A_384, %and3A_403 : vector<16xi32>
          %bitcast_convert_type3A_405 = tpu.bitcast %and3A_404 : vector<16xi32> -> vector<16xf32>
          %shift_left3A_406 = arith.constant 16 : i32
          %shift_left3A_407 = vector.broadcast %shift_left3A_406 : i32 to vector<16xi32>
          %shift_left3A_408 = arith.shli %bitcast_convert_type3A_389, %shift_left3A_407 : vector<16xi32>
          %bitcast_convert_type3A_409 = tpu.bitcast %shift_left3A_408 : vector<16xi32> -> vector<16xf32>
          %and3A_410 = arith.constant -65536 : i32
          %and3A_411 = vector.broadcast %and3A_410 : i32 to vector<16xi32>
          %and3A_412 = arith.andi %bitcast_convert_type3A_389, %and3A_411 : vector<16xi32>
          %bitcast_convert_type3A_413 = tpu.bitcast %and3A_412 : vector<16xi32> -> vector<16xf32>
          %mul3A_414 = arith.mulf %bitcast_convert_type3A_393, %bitcast_convert_type3A_401 : vector<16xf32>
          %mul3A_415 = arith.mulf %mul3A_414, %bitcast_convert_type3A_409 : vector<16xf32>
          %add3A_416 = arith.addf %add3A_374, %mul3A_415 : vector<16xf32>
          %mul3A_417 = arith.mulf %bitcast_convert_type3A_397, %bitcast_convert_type3A_405 : vector<16xf32>
          %mul3A_418 = arith.mulf %mul3A_417, %bitcast_convert_type3A_413 : vector<16xf32>
          %add3A_419 = arith.addf %add3A_416, %mul3A_418 : vector<16xf32>
          %get3A_420 = arith.index_cast %add3A_285 : i32 to index
          %get3A_421 = arith.constant 48 : index
          %get3A_422 = tpu.vector_load %arg14[%get3A_420, %get3A_421] {strides = array<i32>} : memref<128x64xf32, #tpu.memory_space<vmem>>, vector<1x16xf32>,
          %get3A_423 = vector.shape_cast %get3A_422 : vector<1x16xf32> to vector<16xf32>
          %bitcast_convert_type3A_424 = tpu.bitcast %get3A_423 : vector<16xf32> -> vector<16xi32>
          %get3A_425 = arith.index_cast %add3A_285 : i32 to index
          %get3A_426 = arith.constant 48 : index
          %get3A_427 = tpu.vector_load %arg15[%get3A_425, %get3A_426] {strides = array<i32>} : memref<128x64xf32, #tpu.memory_space<vmem>>, vector<1x16xf32>,
          %get3A_428 = vector.shape_cast %get3A_427 : vector<1x16xf32> to vector<16xf32>
          %bitcast_convert_type3A_429 = tpu.bitcast %get3A_428 : vector<16xf32> -> vector<16xi32>
          %get3A_430 = arith.index_cast %add3A_285 : i32 to index
          %get3A_431 = arith.constant 48 : index
          %get3A_432 = tpu.vector_load %arg16[%get3A_430, %get3A_431] {strides = array<i32>} : memref<128x64xf32, #tpu.memory_space<vmem>>, vector<1x16xf32>,
          %get3A_433 = vector.shape_cast %get3A_432 : vector<1x16xf32> to vector<16xf32>
          %bitcast_convert_type3A_434 = tpu.bitcast %get3A_433 : vector<16xf32> -> vector<16xi32>
          %shift_left3A_435 = arith.constant 16 : i32
          %shift_left3A_436 = vector.broadcast %shift_left3A_435 : i32 to vector<16xi32>
          %shift_left3A_437 = arith.shli %bitcast_convert_type3A_424, %shift_left3A_436 : vector<16xi32>
          %bitcast_convert_type3A_438 = tpu.bitcast %shift_left3A_437 : vector<16xi32> -> vector<16xf32>
          %and3A_439 = arith.constant -65536 : i32
          %and3A_440 = vector.broadcast %and3A_439 : i32 to vector<16xi32>
          %and3A_441 = arith.andi %bitcast_convert_type3A_424, %and3A_440 : vector<16xi32>
          %bitcast_convert_type3A_442 = tpu.bitcast %and3A_441 : vector<16xi32> -> vector<16xf32>
          %shift_left3A_443 = arith.constant 16 : i32
          %shift_left3A_444 = vector.broadcast %shift_left3A_443 : i32 to vector<16xi32>
          %shift_left3A_445 = arith.shli %bitcast_convert_type3A_429, %shift_left3A_444 : vector<16xi32>
          %bitcast_convert_type3A_446 = tpu.bitcast %shift_left3A_445 : vector<16xi32> -> vector<16xf32>
          %and3A_447 = arith.constant -65536 : i32
          %and3A_448 = vector.broadcast %and3A_447 : i32 to vector<16xi32>
          %and3A_449 = arith.andi %bitcast_convert_type3A_429, %and3A_448 : vector<16xi32>
          %bitcast_convert_type3A_450 = tpu.bitcast %and3A_449 : vector<16xi32> -> vector<16xf32>
          %shift_left3A_451 = arith.constant 16 : i32
          %shift_left3A_452 = vector.broadcast %shift_left3A_451 : i32 to vector<16xi32>
          %shift_left3A_453 = arith.shli %bitcast_convert_type3A_434, %shift_left3A_452 : vector<16xi32>
          %bitcast_convert_type3A_454 = tpu.bitcast %shift_left3A_453 : vector<16xi32> -> vector<16xf32>
          %and3A_455 = arith.constant -65536 : i32
          %and3A_456 = vector.broadcast %and3A_455 : i32 to vector<16xi32>
          %and3A_457 = arith.andi %bitcast_convert_type3A_434, %and3A_456 : vector<16xi32>
          %bitcast_convert_type3A_458 = tpu.bitcast %and3A_457 : vector<16xi32> -> vector<16xf32>
          %mul3A_459 = arith.mulf %bitcast_convert_type3A_438, %bitcast_convert_type3A_446 : vector<16xf32>
          %mul3A_460 = arith.mulf %mul3A_459, %bitcast_convert_type3A_454 : vector<16xf32>
          %add3A_461 = arith.addf %add3A_419, %mul3A_460 : vector<16xf32>
          %mul3A_462 = arith.mulf %bitcast_convert_type3A_442, %bitcast_convert_type3A_450 : vector<16xf32>
          %mul3A_463 = arith.mulf %mul3A_462, %bitcast_convert_type3A_458 : vector<16xf32>
          %add3A_464 = arith.addf %add3A_461, %mul3A_463 : vector<16xf32>
          %xor3A = arith.constant 8 : i32
          %xor3A_465 = vector.broadcast %xor3A : i32 to vector<16xi32>
          %xor3A_466 = arith.xori %iota3A, %xor3A_465 : vector<16xi32>
          %lt3A_467 = arith.constant 0 : i32
          %lt3A_468 = vector.broadcast %lt3A_467 : i32 to vector<16xi32>
          %lt3A_469 = arith.cmpi slt, %xor3A_466, %lt3A_468 : vector<16xi32>
          %add3A_470 = arith.constant 16 : i32
          %add3A_471 = vector.broadcast %add3A_470 : i32 to vector<16xi32>
          %add3A_472 = arith.addi %xor3A_466, %add3A_471 : vector<16xi32>
          %select_n3A_473 = arith.select %lt3A_469, %add3A_472, %xor3A_466 : vector<16xi1>, vector<16xi32>
          %broadcast_in_dim3A_474 = vector.shape_cast %select_n3A_473 : vector<16xi32> to vector<16x1xi32>
          %gather3A = vector.shape_cast %broadcast_in_dim3A_474 : vector<16x1xi32> to vector<16xi32>
          %gather3A_475 = tpu.dynamic_gather %add3A_464[%gather3A] in [0] : vector<16xf32>, vector<16xi32> -> vector<16xf32>
          %add3A_476 = arith.addf %add3A_464, %gather3A_475 : vector<16xf32>
          %xor3A_477 = arith.constant 4 : i32
          %xor3A_478 = vector.broadcast %xor3A_477 : i32 to vector<16xi32>
          %xor3A_479 = arith.xori %iota3A, %xor3A_478 : vector<16xi32>
          %lt3A_480 = arith.constant 0 : i32
          %lt3A_481 = vector.broadcast %lt3A_480 : i32 to vector<16xi32>
          %lt3A_482 = arith.cmpi slt, %xor3A_479, %lt3A_481 : vector<16xi32>
          %add3A_483 = arith.constant 16 : i32
          %add3A_484 = vector.broadcast %add3A_483 : i32 to vector<16xi32>
          %add3A_485 = arith.addi %xor3A_479, %add3A_484 : vector<16xi32>
          %select_n3A_486 = arith.select %lt3A_482, %add3A_485, %xor3A_479 : vector<16xi1>, vector<16xi32>
          %broadcast_in_dim3A_487 = vector.shape_cast %select_n3A_486 : vector<16xi32> to vector<16x1xi32>
          %gather3A_488 = vector.shape_cast %broadcast_in_dim3A_487 : vector<16x1xi32> to vector<16xi32>
          %gather3A_489 = tpu.dynamic_gather %add3A_476[%gather3A_488] in [0] : vector<16xf32>, vector<16xi32> -> vector<16xf32>
          %add3A_490 = arith.addf %add3A_476, %gather3A_489 : vector<16xf32>
          %xor3A_491 = arith.constant 2 : i32
          %xor3A_492 = vector.broadcast %xor3A_491 : i32 to vector<16xi32>
          %xor3A_493 = arith.xori %iota3A, %xor3A_492 : vector<16xi32>
          %lt3A_494 = arith.constant 0 : i32
          %lt3A_495 = vector.broadcast %lt3A_494 : i32 to vector<16xi32>
          %lt3A_496 = arith.cmpi slt, %xor3A_493, %lt3A_495 : vector<16xi32>
          %add3A_497 = arith.constant 16 : i32
          %add3A_498 = vector.broadcast %add3A_497 : i32 to vector<16xi32>
          %add3A_499 = arith.addi %xor3A_493, %add3A_498 : vector<16xi32>
          %select_n3A_500 = arith.select %lt3A_496, %add3A_499, %xor3A_493 : vector<16xi1>, vector<16xi32>
          %broadcast_in_dim3A_501 = vector.shape_cast %select_n3A_500 : vector<16xi32> to vector<16x1xi32>
          %gather3A_502 = vector.shape_cast %broadcast_in_dim3A_501 : vector<16x1xi32> to vector<16xi32>
          %gather3A_503 = tpu.dynamic_gather %add3A_490[%gather3A_502] in [0] : vector<16xf32>, vector<16xi32> -> vector<16xf32>
          %add3A_504 = arith.addf %add3A_490, %gather3A_503 : vector<16xf32>
          %xor3A_505 = arith.constant 1 : i32
          %xor3A_506 = vector.broadcast %xor3A_505 : i32 to vector<16xi32>
          %xor3A_507 = arith.xori %iota3A, %xor3A_506 : vector<16xi32>
          %lt3A_508 = arith.constant 0 : i32
          %lt3A_509 = vector.broadcast %lt3A_508 : i32 to vector<16xi32>
          %lt3A_510 = arith.cmpi slt, %xor3A_507, %lt3A_509 : vector<16xi32>
          %add3A_511 = arith.constant 16 : i32
          %add3A_512 = vector.broadcast %add3A_511 : i32 to vector<16xi32>
          %add3A_513 = arith.addi %xor3A_507, %add3A_512 : vector<16xi32>
          %select_n3A_514 = arith.select %lt3A_510, %add3A_513, %xor3A_507 : vector<16xi1>, vector<16xi32>
          %broadcast_in_dim3A_515 = vector.shape_cast %select_n3A_514 : vector<16xi32> to vector<16x1xi32>
          %gather3A_516 = vector.shape_cast %broadcast_in_dim3A_515 : vector<16x1xi32> to vector<16xi32>
          %gather3A_517 = tpu.dynamic_gather %add3A_504[%gather3A_516] in [0] : vector<16xf32>, vector<16xi32> -> vector<16xf32>
          %add3A_518 = arith.addf %add3A_504, %gather3A_517 : vector<16xf32>
          %eq3A_519 = vector.broadcast %scan3A_281 : i32 to vector<16xi32>
          %eq3A_520 = arith.cmpi eq, %iota3A, %eq3A_519 : vector<16xi32>
          %select_n3A_521 = arith.select %eq3A_520, %add3A_518, %scan3A_282 : vector<16xi1>, vector<16xf32>
          scf.yield %select_n3A_521 : vector<16xf32>
        }
        %scan3A_267 = arith.constant 16 : i32
        %neg3A = arith.constant 0.000000e+00 : f32
        %neg3A_268 = vector.broadcast %neg3A : f32 to vector<16xf32>
        %neg3A_269 = arith.subf %neg3A_268, %scan3A_266 : vector<16xf32>
        %exp3A = math.exp %neg3A_269 : vector<16xf32>
        %add3A_270 = arith.constant 1.000000e+00 : f32
        %add3A_271 = vector.broadcast %add3A_270 : f32 to vector<16xf32>
        %add3A_272 = arith.addf %add3A_271, %exp3A : vector<16xf32>
        %div3A_273 = arith.constant 1.000000e+00 : f32
        %div3A_274 = vector.broadcast %div3A_273 : f32 to vector<16xf32>
        %div3A_275 = arith.divf %div3A_274, %add3A_272 : vector<16xf32>
        %mul3A_276 = arith.constant 16 : i32
        %mul3A_277 = arith.muli %scan3A_260, %mul3A_276 : i32
        %swap3A = arith.index_cast %mul3A_277 : i32 to index
        %swap3A_278 = tpu.vector_load %arg18[%swap3A] {strides = array<i32>} : memref<128xf32, #tpu.memory_space<vmem>>, vector<16xf32>,
        %swap3A_279 = vector.shape_cast %swap3A_278 : vector<16xf32> to vector<16xf32>
        %swap3A_280 = vector.shape_cast %div3A_275 : vector<16xf32> to vector<16xf32>
        tpu.vector_store %arg18[%swap3A], %swap3A_280 {strides = array<i32>} : memref<128xf32, #tpu.memory_space<vmem>>, vector<16xf32>,
      }
      %scan3A_245 = arith.constant 8 : i32
      %mul3A_246 = arith.constant 0 : i32
      %mul3A_247 = arith.muli %mul3A_246, %select_n3A_28 : i32
      %add3A_248 = arith.addi %mul3A_247, %add3A_213 : i32
      %mul3A_249 = arith.constant 128 : i32
      %mul3A_250 = arith.muli %add3A_248, %mul3A_249 : i32
      %add3A_251 = arith.addi %mul3A_10, %mul3A_250 : i32
      %dma_start3A_252 = tpu.memref_slice %arg7[%add3A_251] : memref<327680xf32, #tpu.memory_space<hbm>> -> memref<128xf32, #tpu.memory_space<hbm>>
      %dma_start3A_253 = tpu.memref_slice %arg7[%add3A_251] : memref<327680xf32, #tpu.memory_space<hbm>> -> memref<128xf32, #tpu.memory_space<hbm>>
      tpu.enqueue_dma source(%arg18 : memref<128xf32, #tpu.memory_space<vmem>>) target(%dma_start3A_253 : memref<128xf32, #tpu.memory_space<hbm>>) target_semaphore(%arg22 : memref<!tpu.dma_semaphore, #tpu.memory_space<semaphore_mem>>)
      %sub3A_254 = arith.constant 1 : i32
      %sub3A_255 = arith.subi %select_n3A_52, %sub3A_254 : i32
      %lt3A_256 = arith.cmpi slt, %while3A_164, %sub3A_255 : i32
      %convert_element_type3A_257 = arith.extui %lt3A_256 : i1 to i32
      %cond3A_258 = arith.constant 0 : i32
      %cond3A_259 = arith.cmpi ne, %convert_element_type3A_257, %cond3A_258 : i32
      scf.if %cond3A_259 {
        %add3A_260 = arith.constant 2 : i32
        %add3A_261 = arith.addi %add3A_213, %add3A_260 : i32
        %dma_start3A_262 = arith.constant 0 : i32
        %dma_start3A_263 = tpu.memref_slice %arg8[%add3A_261, %dma_start3A_262] : memref<76x128xi32, #tpu.memory_space<vmem>> -> memref<1x128xi32, #tpu.memory_space<vmem>>
        %dma_start3A_264 = tpu.memref_squeeze %dma_start3A_263 : memref<1x128xi32, #tpu.memory_space<vmem>> -> memref<128xi32, #tpu.memory_space<vmem>>
        %dma_start3A_265 = arith.constant 0 : i32
        %dma_start3A_266 = arith.constant 0 : i32
        %dma_start3A_267 = tpu.memref_slice %arg5[%dma_start3A_265, %dma_start3A_266] : memref<10000x64xf32, #tpu.memory_space<hbm>> -> memref<10000x64xf32, #tpu.memory_space<hbm>>
        tpu.enqueue_indirect_dma source(%dma_start3A_267 : memref<10000x64xf32, #tpu.memory_space<hbm>>) target(%arg14 : memref<128x64xf32, #tpu.memory_space<vmem>>) offsets(%dma_start3A_264 : memref<128xi32, #tpu.memory_space<vmem>>) semaphore(%arg20 : memref<!tpu.dma_semaphore, #tpu.memory_space<semaphore_mem>>)
        %dma_start3A_268 = arith.constant 0 : i32
        %dma_start3A_269 = tpu.memref_slice %arg9[%add3A_261, %dma_start3A_268] : memref<76x128xi32, #tpu.memory_space<vmem>> -> memref<1x128xi32, #tpu.memory_space<vmem>>
        %dma_start3A_270 = tpu.memref_squeeze %dma_start3A_269 : memref<1x128xi32, #tpu.memory_space<vmem>> -> memref<128xi32, #tpu.memory_space<vmem>>
        %dma_start3A_271 = arith.constant 0 : i32
        %dma_start3A_272 = arith.constant 0 : i32
        %dma_start3A_273 = tpu.memref_slice %arg5[%dma_start3A_271, %dma_start3A_272] : memref<10000x64xf32, #tpu.memory_space<hbm>> -> memref<10000x64xf32, #tpu.memory_space<hbm>>
        tpu.enqueue_indirect_dma source(%dma_start3A_273 : memref<10000x64xf32, #tpu.memory_space<hbm>>) target(%arg15 : memref<128x64xf32, #tpu.memory_space<vmem>>) offsets(%dma_start3A_270 : memref<128xi32, #tpu.memory_space<vmem>>) semaphore(%arg20 : memref<!tpu.dma_semaphore, #tpu.memory_space<semaphore_mem>>)
        %dma_start3A_274 = arith.constant 0 : i32
        %dma_start3A_275 = tpu.memref_slice %arg10[%add3A_261, %dma_start3A_274] : memref<76x128xi32, #tpu.memory_space<vmem>> -> memref<1x128xi32, #tpu.memory_space<vmem>>
        %dma_start3A_276 = tpu.memref_squeeze %dma_start3A_275 : memref<1x128xi32, #tpu.memory_space<vmem>> -> memref<128xi32, #tpu.memory_space<vmem>>
        %dma_start3A_277 = arith.constant 0 : i32
        %dma_start3A_278 = arith.constant 0 : i32
        %dma_start3A_279 = tpu.memref_slice %arg6[%dma_start3A_277, %dma_start3A_278] : memref<964x64xf32, #tpu.memory_space<hbm>> -> memref<964x64xf32, #tpu.memory_space<hbm>>
        tpu.enqueue_indirect_dma source(%dma_start3A_279 : memref<964x64xf32, #tpu.memory_space<hbm>>) target(%arg16 : memref<128x64xf32, #tpu.memory_space<vmem>>) offsets(%dma_start3A_276 : memref<128xi32, #tpu.memory_space<vmem>>) semaphore(%arg20 : memref<!tpu.dma_semaphore, #tpu.memory_space<semaphore_mem>>)
      } else {
      }
    }
    %mul3A_106 = arith.constant 1 : i32
    %mul3A_107 = arith.muli %mul3A_106, %select_n3A_28 : i32
    %add3A_108 = arith.addi %select_n3A, %mul3A_107 : i32
    "tpu.region"() ({
      %run_scoped3A = tpu.sem_alloc : memref<!tpu.dma_semaphore, #tpu.memory_space<semaphore_mem>>
      %dma_start3A_164 = arith.constant 0 : i32
      %dma_start3A_165 = tpu.memref_slice %arg2[%add3A_108, %dma_start3A_164] : memref<2632x128xi32, #tpu.memory_space<hbm>> -> memref<76x128xi32, #tpu.memory_space<hbm>>
      %dma_start3A_166 = arith.constant 0 : i32
      %dma_start3A_167 = tpu.memref_slice %arg2[%add3A_108, %dma_start3A_166] : memref<2632x128xi32, #tpu.memory_space<hbm>> -> memref<76x128xi32, #tpu.memory_space<hbm>>
      tpu.enqueue_dma source(%dma_start3A_167 : memref<76x128xi32, #tpu.memory_space<hbm>>) target(%arg8 : memref<76x128xi32, #tpu.memory_space<vmem>>) target_semaphore(%run_scoped3A : memref<!tpu.dma_semaphore, #tpu.memory_space<semaphore_mem>>)
      %dma_wait3A_168 = arith.constant 0 : i32
      %dma_wait3A_169 = tpu.memref_slice %arg2[%add3A_108, %dma_wait3A_168] : memref<2632x128xi32, #tpu.memory_space<hbm>> -> memref<76x128xi32, #tpu.memory_space<hbm>>
      %dma_wait3A_170 = arith.constant 0 : i32
      %dma_wait3A_171 = tpu.memref_slice %arg2[%add3A_108, %dma_wait3A_170] : memref<2632x128xi32, #tpu.memory_space<hbm>> -> memref<76x128xi32, #tpu.memory_space<hbm>>
      tpu.wait_dma2 semaphore(%run_scoped3A : memref<!tpu.dma_semaphore, #tpu.memory_space<semaphore_mem>>) src(%dma_wait3A_171 : memref<76x128xi32, #tpu.memory_space<hbm>>) dst(%arg8 : memref<76x128xi32, #tpu.memory_space<vmem>>)
      tpu.yield
    }) : () -> ()
    "tpu.region"() ({
      %run_scoped3A = tpu.sem_alloc : memref<!tpu.dma_semaphore, #tpu.memory_space<semaphore_mem>>
      %dma_start3A_164 = arith.constant 0 : i32
      %dma_start3A_165 = tpu.memref_slice %arg3[%add3A_108, %dma_start3A_164] : memref<2632x128xi32, #tpu.memory_space<hbm>> -> memref<76x128xi32, #tpu.memory_space<hbm>>
      %dma_start3A_166 = arith.constant 0 : i32
      %dma_start3A_167 = tpu.memref_slice %arg3[%add3A_108, %dma_start3A_166] : memref<2632x128xi32, #tpu.memory_space<hbm>> -> memref<76x128xi32, #tpu.memory_space<hbm>>
      tpu.enqueue_dma source(%dma_start3A_167 : memref<76x128xi32, #tpu.memory_space<hbm>>) target(%arg9 : memref<76x128xi32, #tpu.memory_space<vmem>>) target_semaphore(%run_scoped3A : memref<!tpu.dma_semaphore, #tpu.memory_space<semaphore_mem>>)
      %dma_wait3A_168 = arith.constant 0 : i32
      %dma_wait3A_169 = tpu.memref_slice %arg3[%add3A_108, %dma_wait3A_168] : memref<2632x128xi32, #tpu.memory_space<hbm>> -> memref<76x128xi32, #tpu.memory_space<hbm>>
      %dma_wait3A_170 = arith.constant 0 : i32
      %dma_wait3A_171 = tpu.memref_slice %arg3[%add3A_108, %dma_wait3A_170] : memref<2632x128xi32, #tpu.memory_space<hbm>> -> memref<76x128xi32, #tpu.memory_space<hbm>>
      tpu.wait_dma2 semaphore(%run_scoped3A : memref<!tpu.dma_semaphore, #tpu.memory_space<semaphore_mem>>) src(%dma_wait3A_171 : memref<76x128xi32, #tpu.memory_space<hbm>>) dst(%arg9 : memref<76x128xi32, #tpu.memory_space<vmem>>)
      tpu.yield
    }) : () -> ()
    "tpu.region"() ({
      %run_scoped3A = tpu.sem_alloc : memref<!tpu.dma_semaphore, #tpu.memory_space<semaphore_mem>>
      %dma_start3A_164 = arith.constant 0 : i32
      %dma_start3A_165 = tpu.memref_slice %arg4[%add3A_108, %dma_start3A_164] : memref<2632x128xi32, #tpu.memory_space<hbm>> -> memref<76x128xi32, #tpu.memory_space<hbm>>
      %dma_start3A_166 = arith.constant 0 : i32
      %dma_start3A_167 = tpu.memref_slice %arg4[%add3A_108, %dma_start3A_166] : memref<2632x128xi32, #tpu.memory_space<hbm>> -> memref<76x128xi32, #tpu.memory_space<hbm>>
      tpu.enqueue_dma source(%dma_start3A_167 : memref<76x128xi32, #tpu.memory_space<hbm>>) target(%arg10 : memref<76x128xi32, #tpu.memory_space<vmem>>) target_semaphore(%run_scoped3A : memref<!tpu.dma_semaphore, #tpu.memory_space<semaphore_mem>>)
      %dma_wait3A_168 = arith.constant 0 : i32
      %dma_wait3A_169 = tpu.memref_slice %arg4[%add3A_108, %dma_wait3A_168] : memref<2632x128xi32, #tpu.memory_space<hbm>> -> memref<76x128xi32, #tpu.memory_space<hbm>>
      %dma_wait3A_170 = arith.constant 0 : i32
      %dma_wait3A_171 = tpu.memref_slice %arg4[%add3A_108, %dma_wait3A_170] : memref<2632x128xi32, #tpu.memory_space<hbm>> -> memref<76x128xi32, #tpu.memory_space<hbm>>
      tpu.wait_dma2 semaphore(%run_scoped3A : memref<!tpu.dma_semaphore, #tpu.memory_space<semaphore_mem>>) src(%dma_wait3A_171 : memref<76x128xi32, #tpu.memory_space<hbm>>) dst(%arg10 : memref<76x128xi32, #tpu.memory_space<vmem>>)
      tpu.yield
    }) : () -> ()
    %dma_start3A_109 = arith.constant 0 : i32
    %dma_start3A_110 = arith.constant 0 : i32
    %dma_start3A_111 = tpu.memref_slice %arg8[%dma_start3A_109, %dma_start3A_110] : memref<76x128xi32, #tpu.memory_space<vmem>> -> memref<1x128xi32, #tpu.memory_space<vmem>>
    %dma_start3A_112 = tpu.memref_squeeze %dma_start3A_111 : memref<1x128xi32, #tpu.memory_space<vmem>> -> memref<128xi32, #tpu.memory_space<vmem>>
    %dma_start3A_113 = arith.constant 0 : i32
    %dma_start3A_114 = arith.constant 0 : i32
    %dma_start3A_115 = tpu.memref_slice %arg5[%dma_start3A_113, %dma_start3A_114] : memref<10000x64xf32, #tpu.memory_space<hbm>> -> memref<10000x64xf32, #tpu.memory_space<hbm>>
    tpu.enqueue_indirect_dma source(%dma_start3A_115 : memref<10000x64xf32, #tpu.memory_space<hbm>>) target(%arg11 : memref<128x64xf32, #tpu.memory_space<vmem>>) offsets(%dma_start3A_112 : memref<128xi32, #tpu.memory_space<vmem>>) semaphore(%arg19 : memref<!tpu.dma_semaphore, #tpu.memory_space<semaphore_mem>>)
    %dma_start3A_116 = arith.constant 0 : i32
    %dma_start3A_117 = arith.constant 0 : i32
    %dma_start3A_118 = tpu.memref_slice %arg9[%dma_start3A_116, %dma_start3A_117] : memref<76x128xi32, #tpu.memory_space<vmem>> -> memref<1x128xi32, #tpu.memory_space<vmem>>
    %dma_start3A_119 = tpu.memref_squeeze %dma_start3A_118 : memref<1x128xi32, #tpu.memory_space<vmem>> -> memref<128xi32, #tpu.memory_space<vmem>>
    %dma_start3A_120 = arith.constant 0 : i32
    %dma_start3A_121 = arith.constant 0 : i32
    %dma_start3A_122 = tpu.memref_slice %arg5[%dma_start3A_120, %dma_start3A_121] : memref<10000x64xf32, #tpu.memory_space<hbm>> -> memref<10000x64xf32, #tpu.memory_space<hbm>>
    tpu.enqueue_indirect_dma source(%dma_start3A_122 : memref<10000x64xf32, #tpu.memory_space<hbm>>) target(%arg12 : memref<128x64xf32, #tpu.memory_space<vmem>>) offsets(%dma_start3A_119 : memref<128xi32, #tpu.memory_space<vmem>>) semaphore(%arg19 : memref<!tpu.dma_semaphore, #tpu.memory_space<semaphore_mem>>)
    %dma_start3A_123 = arith.constant 0 : i32
    %dma_start3A_124 = arith.constant 0 : i32
    %dma_start3A_125 = tpu.memref_slice %arg10[%dma_start3A_123, %dma_start3A_124] : memref<76x128xi32, #tpu.memory_space<vmem>> -> memref<1x128xi32, #tpu.memory_space<vmem>>
    %dma_start3A_126 = tpu.memref_squeeze %dma_start3A_125 : memref<1x128xi32, #tpu.memory_space<vmem>> -> memref<128xi32, #tpu.memory_space<vmem>>
    %dma_start3A_127 = arith.constant 0 : i32
    %dma_start3A_128 = arith.constant 0 : i32
    %dma_start3A_129 = tpu.memref_slice %arg6[%dma_start3A_127, %dma_start3A_128] : memref<964x64xf32, #tpu.memory_space<hbm>> -> memref<964x64xf32, #tpu.memory_space<hbm>>
    tpu.enqueue_indirect_dma source(%dma_start3A_129 : memref<964x64xf32, #tpu.memory_space<hbm>>) target(%arg13 : memref<128x64xf32, #tpu.memory_space<vmem>>) offsets(%dma_start3A_126 : memref<128xi32, #tpu.memory_space<vmem>>) semaphore(%arg19 : memref<!tpu.dma_semaphore, #tpu.memory_space<semaphore_mem>>)
    %dma_start3A_130 = arith.constant 1 : i32
    %dma_start3A_131 = arith.constant 0 : i32
    %dma_start3A_132 = tpu.memref_slice %arg8[%dma_start3A_130, %dma_start3A_131] : memref<76x128xi32, #tpu.memory_space<vmem>> -> memref<1x128xi32, #tpu.memory_space<vmem>>
    %dma_start3A_133 = tpu.memref_squeeze %dma_start3A_132 : memref<1x128xi32, #tpu.memory_space<vmem>> -> memref<128xi32, #tpu.memory_space<vmem>>
    %dma_start3A_134 = arith.constant 0 : i32
    %dma_start3A_135 = arith.constant 0 : i32
    %dma_start3A_136 = tpu.memref_slice %arg5[%dma_start3A_134, %dma_start3A_135] : memref<10000x64xf32, #tpu.memory_space<hbm>> -> memref<10000x64xf32, #tpu.memory_space<hbm>>
    tpu.enqueue_indirect_dma source(%dma_start3A_136 : memref<10000x64xf32, #tpu.memory_space<hbm>>) target(%arg14 : memref<128x64xf32, #tpu.memory_space<vmem>>) offsets(%dma_start3A_133 : memref<128xi32, #tpu.memory_space<vmem>>) semaphore(%arg20 : memref<!tpu.dma_semaphore, #tpu.memory_space<semaphore_mem>>)
    %dma_start3A_137 = arith.constant 1 : i32
    %dma_start3A_138 = arith.constant 0 : i32
    %dma_start3A_139 = tpu.memref_slice %arg9[%dma_start3A_137, %dma_start3A_138] : memref<76x128xi32, #tpu.memory_space<vmem>> -> memref<1x128xi32, #tpu.memory_space<vmem>>
    %dma_start3A_140 = tpu.memref_squeeze %dma_start3A_139 : memref<1x128xi32, #tpu.memory_space<vmem>> -> memref<128xi32, #tpu.memory_space<vmem>>
    %dma_start3A_141 = arith.constant 0 : i32
    %dma_start3A_142 = arith.constant 0 : i32
    %dma_start3A_143 = tpu.memref_slice %arg5[%dma_start3A_141, %dma_start3A_142] : memref<10000x64xf32, #tpu.memory_space<hbm>> -> memref<10000x64xf32, #tpu.memory_space<hbm>>
    tpu.enqueue_indirect_dma source(%dma_start3A_143 : memref<10000x64xf32, #tpu.memory_space<hbm>>) target(%arg15 : memref<128x64xf32, #tpu.memory_space<vmem>>) offsets(%dma_start3A_140 : memref<128xi32, #tpu.memory_space<vmem>>) semaphore(%arg20 : memref<!tpu.dma_semaphore, #tpu.memory_space<semaphore_mem>>)
    %dma_start3A_144 = arith.constant 1 : i32
    %dma_start3A_145 = arith.constant 0 : i32
    %dma_start3A_146 = tpu.memref_slice %arg10[%dma_start3A_144, %dma_start3A_145] : memref<76x128xi32, #tpu.memory_space<vmem>> -> memref<1x128xi32, #tpu.memory_space<vmem>>
    %dma_start3A_147 = tpu.memref_squeeze %dma_start3A_146 : memref<1x128xi32, #tpu.memory_space<vmem>> -> memref<128xi32, #tpu.memory_space<vmem>>
    %dma_start3A_148 = arith.constant 0 : i32
    %dma_start3A_149 = arith.constant 0 : i32
    %dma_start3A_150 = tpu.memref_slice %arg6[%dma_start3A_148, %dma_start3A_149] : memref<964x64xf32, #tpu.memory_space<hbm>> -> memref<964x64xf32, #tpu.memory_space<hbm>>
    tpu.enqueue_indirect_dma source(%dma_start3A_150 : memref<964x64xf32, #tpu.memory_space<hbm>>) target(%arg16 : memref<128x64xf32, #tpu.memory_space<vmem>>) offsets(%dma_start3A_147 : memref<128xi32, #tpu.memory_space<vmem>>) semaphore(%arg20 : memref<!tpu.dma_semaphore, #tpu.memory_space<semaphore_mem>>)
    %while3A_151 = arith.constant 0 : i32
    %while3A_152 = arith.constant 0 : i32
    %while3A_153 = arith.subi %select_n3A_52, %while3A_152 : i32
    %while3A_154 = arith.addi %while3A_152, %while3A_153 : i32
    %while3A_155 = arith.constant 1 : i32
    %while3A_156 = arith.divsi %while3A_153, %while3A_155 : i32
    %while3A_157 = arith.muli %while3A_156, %while3A_155 : i32
    %while3A_158 = arith.addi %while3A_152, %while3A_157 : i32
    %while3A_159 = arith.constant 1 : i32
    scf.for %while3A_164 = %while3A_152 to %while3A_158 step %while3A_159  : i32 {
      %mul3A_165 = arith.constant 2 : i32
      %mul3A_166 = arith.muli %while3A_164, %mul3A_165 : i32
      %add3A_167 = arith.constant 0 : i32
      %add3A_168 = arith.addi %mul3A_166, %add3A_167 : i32
      %dma_wait3A_169 = arith.constant 0 : i32
      %dma_wait3A_170 = arith.constant 0 : i32
      %dma_wait3A_171 = tpu.memref_slice %arg8[%dma_wait3A_169, %dma_wait3A_170] : memref<76x128xi32, #tpu.memory_space<vmem>> -> memref<1x128xi32, #tpu.memory_space<vmem>>
      %dma_wait3A_172 = tpu.memref_squeeze %dma_wait3A_171 : memref<1x128xi32, #tpu.memory_space<vmem>> -> memref<128xi32, #tpu.memory_space<vmem>>
      %dma_wait3A_173 = arith.constant 0 : i32
      %dma_wait3A_174 = arith.constant 0 : i32
      %dma_wait3A_175 = tpu.memref_slice %arg5[%dma_wait3A_173, %dma_wait3A_174] : memref<10000x64xf32, #tpu.memory_space<hbm>> -> memref<10000x64xf32, #tpu.memory_space<hbm>>
      tpu.wait_indirect_dma semaphore(%arg19 : memref<!tpu.dma_semaphore, #tpu.memory_space<semaphore_mem>>) src(%dma_wait3A_175 : memref<10000x64xf32, #tpu.memory_space<hbm>>) dst(%arg11 : memref<128x64xf32, #tpu.memory_space<vmem>>)
      %dma_wait3A_176 = arith.constant 0 : i32
      %dma_wait3A_177 = arith.constant 0 : i32
      %dma_wait3A_178 = tpu.memref_slice %arg9[%dma_wait3A_176, %dma_wait3A_177] : memref<76x128xi32, #tpu.memory_space<vmem>> -> memref<1x128xi32, #tpu.memory_space<vmem>>
      %dma_wait3A_179 = tpu.memref_squeeze %dma_wait3A_178 : memref<1x128xi32, #tpu.memory_space<vmem>> -> memref<128xi32, #tpu.memory_space<vmem>>
      %dma_wait3A_180 = arith.constant 0 : i32
      %dma_wait3A_181 = arith.constant 0 : i32
      %dma_wait3A_182 = tpu.memref_slice %arg5[%dma_wait3A_180, %dma_wait3A_181] : memref<10000x64xf32, #tpu.memory_space<hbm>> -> memref<10000x64xf32, #tpu.memory_space<hbm>>
      tpu.wait_indirect_dma semaphore(%arg19 : memref<!tpu.dma_semaphore, #tpu.memory_space<semaphore_mem>>) src(%dma_wait3A_182 : memref<10000x64xf32, #tpu.memory_space<hbm>>) dst(%arg12 : memref<128x64xf32, #tpu.memory_space<vmem>>)
      %dma_wait3A_183 = arith.constant 0 : i32
      %dma_wait3A_184 = arith.constant 0 : i32
      %dma_wait3A_185 = tpu.memref_slice %arg10[%dma_wait3A_183, %dma_wait3A_184] : memref<76x128xi32, #tpu.memory_space<vmem>> -> memref<1x128xi32, #tpu.memory_space<vmem>>
      %dma_wait3A_186 = tpu.memref_squeeze %dma_wait3A_185 : memref<1x128xi32, #tpu.memory_space<vmem>> -> memref<128xi32, #tpu.memory_space<vmem>>
      %dma_wait3A_187 = arith.constant 0 : i32
      %dma_wait3A_188 = arith.constant 0 : i32
      %dma_wait3A_189 = tpu.memref_slice %arg6[%dma_wait3A_187, %dma_wait3A_188] : memref<964x64xf32, #tpu.memory_space<hbm>> -> memref<964x64xf32, #tpu.memory_space<hbm>>
      tpu.wait_indirect_dma semaphore(%arg19 : memref<!tpu.dma_semaphore, #tpu.memory_space<semaphore_mem>>) src(%dma_wait3A_189 : memref<964x64xf32, #tpu.memory_space<hbm>>) dst(%arg13 : memref<128x64xf32, #tpu.memory_space<vmem>>)
      %dma_wait3A_190 = tpu.memref_slice %arg7[%mul3A_10] : memref<327680xf32, #tpu.memory_space<hbm>> -> memref<128xf32, #tpu.memory_space<hbm>>
      %dma_wait3A_191 = tpu.memref_slice %arg7[%mul3A_10] : memref<327680xf32, #tpu.memory_space<hbm>> -> memref<128xf32, #tpu.memory_space<hbm>>
      tpu.wait_dma2 semaphore(%arg21 : memref<!tpu.dma_semaphore, #tpu.memory_space<semaphore_mem>>) src(%arg17 : memref<128xf32, #tpu.memory_space<vmem>>) dst(%dma_wait3A_191 : memref<128xf32, #tpu.memory_space<hbm>>)
      %scan3A = arith.constant 0 : i32
      %scan3A_192 = arith.constant 0 : i32
      %scan3A_193 = arith.constant 8 : i32
      %scan3A_194 = arith.addi %scan3A_192, %scan3A_193 : i32
      %scan3A_195 = arith.constant 1 : i32
      scf.for %scan3A_255 = %scan3A_192 to %scan3A_194 step %scan3A_195  : i32 {
        %broadcast_in_dim3A = arith.constant 0.000000e+00 : f32
        %broadcast_in_dim3A_256 = vector.broadcast %broadcast_in_dim3A : f32 to vector<16xf32>
        %scan3A_257 = arith.constant 0 : i32
        %scan3A_258 = arith.constant 16 : i32
        %scan3A_259 = arith.addi %scan3A_257, %scan3A_258 : i32
        %scan3A_260 = arith.constant 1 : i32
        %scan3A_261 = scf.for %scan3A_276 = %scan3A_257 to %scan3A_259 step %scan3A_260 iter_args(%scan3A_277 = %broadcast_in_dim3A_256) -> (vector<16xf32>)  : i32 {
          %mul3A_278 = arith.constant 16 : i32
          %mul3A_279 = arith.muli %scan3A_255, %mul3A_278 : i32
          %add3A_280 = arith.addi %mul3A_279, %scan3A_276 : i32
          %broadcast_in_dim3A_281 = arith.constant 0.000000e+00 : f32
          %broadcast_in_dim3A_282 = vector.broadcast %broadcast_in_dim3A_281 : f32 to vector<16xf32>
          %get3A = arith.index_cast %add3A_280 : i32 to index
          %get3A_283 = arith.constant 0 : index
          %get3A_284 = tpu.vector_load %arg11[%get3A, %get3A_283] {strides = array<i32>} : memref<128x64xf32, #tpu.memory_space<vmem>>, vector<1x16xf32>,
          %get3A_285 = vector.shape_cast %get3A_284 : vector<1x16xf32> to vector<16xf32>
          %bitcast_convert_type3A = tpu.bitcast %get3A_285 : vector<16xf32> -> vector<16xi32>
          %get3A_286 = arith.index_cast %add3A_280 : i32 to index
          %get3A_287 = arith.constant 0 : index
          %get3A_288 = tpu.vector_load %arg12[%get3A_286, %get3A_287] {strides = array<i32>} : memref<128x64xf32, #tpu.memory_space<vmem>>, vector<1x16xf32>,
          %get3A_289 = vector.shape_cast %get3A_288 : vector<1x16xf32> to vector<16xf32>
          %bitcast_convert_type3A_290 = tpu.bitcast %get3A_289 : vector<16xf32> -> vector<16xi32>
          %get3A_291 = arith.index_cast %add3A_280 : i32 to index
          %get3A_292 = arith.constant 0 : index
          %get3A_293 = tpu.vector_load %arg13[%get3A_291, %get3A_292] {strides = array<i32>} : memref<128x64xf32, #tpu.memory_space<vmem>>, vector<1x16xf32>,
          %get3A_294 = vector.shape_cast %get3A_293 : vector<1x16xf32> to vector<16xf32>
          %bitcast_convert_type3A_295 = tpu.bitcast %get3A_294 : vector<16xf32> -> vector<16xi32>
          %shift_left3A = arith.constant 16 : i32
          %shift_left3A_296 = vector.broadcast %shift_left3A : i32 to vector<16xi32>
          %shift_left3A_297 = arith.shli %bitcast_convert_type3A, %shift_left3A_296 : vector<16xi32>
          %bitcast_convert_type3A_298 = tpu.bitcast %shift_left3A_297 : vector<16xi32> -> vector<16xf32>
          %and3A_299 = arith.constant -65536 : i32
          %and3A_300 = vector.broadcast %and3A_299 : i32 to vector<16xi32>
          %and3A_301 = arith.andi %bitcast_convert_type3A, %and3A_300 : vector<16xi32>
          %bitcast_convert_type3A_302 = tpu.bitcast %and3A_301 : vector<16xi32> -> vector<16xf32>
          %shift_left3A_303 = arith.constant 16 : i32
          %shift_left3A_304 = vector.broadcast %shift_left3A_303 : i32 to vector<16xi32>
          %shift_left3A_305 = arith.shli %bitcast_convert_type3A_290, %shift_left3A_304 : vector<16xi32>
          %bitcast_convert_type3A_306 = tpu.bitcast %shift_left3A_305 : vector<16xi32> -> vector<16xf32>
          %and3A_307 = arith.constant -65536 : i32
          %and3A_308 = vector.broadcast %and3A_307 : i32 to vector<16xi32>
          %and3A_309 = arith.andi %bitcast_convert_type3A_290, %and3A_308 : vector<16xi32>
          %bitcast_convert_type3A_310 = tpu.bitcast %and3A_309 : vector<16xi32> -> vector<16xf32>
          %shift_left3A_311 = arith.constant 16 : i32
          %shift_left3A_312 = vector.broadcast %shift_left3A_311 : i32 to vector<16xi32>
          %shift_left3A_313 = arith.shli %bitcast_convert_type3A_295, %shift_left3A_312 : vector<16xi32>
          %bitcast_convert_type3A_314 = tpu.bitcast %shift_left3A_313 : vector<16xi32> -> vector<16xf32>
          %and3A_315 = arith.constant -65536 : i32
          %and3A_316 = vector.broadcast %and3A_315 : i32 to vector<16xi32>
          %and3A_317 = arith.andi %bitcast_convert_type3A_295, %and3A_316 : vector<16xi32>
          %bitcast_convert_type3A_318 = tpu.bitcast %and3A_317 : vector<16xi32> -> vector<16xf32>
          %mul3A_319 = arith.mulf %bitcast_convert_type3A_298, %bitcast_convert_type3A_306 : vector<16xf32>
          %mul3A_320 = arith.mulf %mul3A_319, %bitcast_convert_type3A_314 : vector<16xf32>
          %add3A_321 = arith.addf %broadcast_in_dim3A_282, %mul3A_320 : vector<16xf32>
          %mul3A_322 = arith.mulf %bitcast_convert_type3A_302, %bitcast_convert_type3A_310 : vector<16xf32>
          %mul3A_323 = arith.mulf %mul3A_322, %bitcast_convert_type3A_318 : vector<16xf32>
          %add3A_324 = arith.addf %add3A_321, %mul3A_323 : vector<16xf32>
          %get3A_325 = arith.index_cast %add3A_280 : i32 to index
          %get3A_326 = arith.constant 16 : index
          %get3A_327 = tpu.vector_load %arg11[%get3A_325, %get3A_326] {strides = array<i32>} : memref<128x64xf32, #tpu.memory_space<vmem>>, vector<1x16xf32>,
          %get3A_328 = vector.shape_cast %get3A_327 : vector<1x16xf32> to vector<16xf32>
          %bitcast_convert_type3A_329 = tpu.bitcast %get3A_328 : vector<16xf32> -> vector<16xi32>
          %get3A_330 = arith.index_cast %add3A_280 : i32 to index
          %get3A_331 = arith.constant 16 : index
          %get3A_332 = tpu.vector_load %arg12[%get3A_330, %get3A_331] {strides = array<i32>} : memref<128x64xf32, #tpu.memory_space<vmem>>, vector<1x16xf32>,
          %get3A_333 = vector.shape_cast %get3A_332 : vector<1x16xf32> to vector<16xf32>
          %bitcast_convert_type3A_334 = tpu.bitcast %get3A_333 : vector<16xf32> -> vector<16xi32>
          %get3A_335 = arith.index_cast %add3A_280 : i32 to index
          %get3A_336 = arith.constant 16 : index
          %get3A_337 = tpu.vector_load %arg13[%get3A_335, %get3A_336] {strides = array<i32>} : memref<128x64xf32, #tpu.memory_space<vmem>>, vector<1x16xf32>,
          %get3A_338 = vector.shape_cast %get3A_337 : vector<1x16xf32> to vector<16xf32>
          %bitcast_convert_type3A_339 = tpu.bitcast %get3A_338 : vector<16xf32> -> vector<16xi32>
          %shift_left3A_340 = arith.constant 16 : i32
          %shift_left3A_341 = vector.broadcast %shift_left3A_340 : i32 to vector<16xi32>
          %shift_left3A_342 = arith.shli %bitcast_convert_type3A_329, %shift_left3A_341 : vector<16xi32>
          %bitcast_convert_type3A_343 = tpu.bitcast %shift_left3A_342 : vector<16xi32> -> vector<16xf32>
          %and3A_344 = arith.constant -65536 : i32
          %and3A_345 = vector.broadcast %and3A_344 : i32 to vector<16xi32>
          %and3A_346 = arith.andi %bitcast_convert_type3A_329, %and3A_345 : vector<16xi32>
          %bitcast_convert_type3A_347 = tpu.bitcast %and3A_346 : vector<16xi32> -> vector<16xf32>
          %shift_left3A_348 = arith.constant 16 : i32
          %shift_left3A_349 = vector.broadcast %shift_left3A_348 : i32 to vector<16xi32>
          %shift_left3A_350 = arith.shli %bitcast_convert_type3A_334, %shift_left3A_349 : vector<16xi32>
          %bitcast_convert_type3A_351 = tpu.bitcast %shift_left3A_350 : vector<16xi32> -> vector<16xf32>
          %and3A_352 = arith.constant -65536 : i32
          %and3A_353 = vector.broadcast %and3A_352 : i32 to vector<16xi32>
          %and3A_354 = arith.andi %bitcast_convert_type3A_334, %and3A_353 : vector<16xi32>
          %bitcast_convert_type3A_355 = tpu.bitcast %and3A_354 : vector<16xi32> -> vector<16xf32>
          %shift_left3A_356 = arith.constant 16 : i32
          %shift_left3A_357 = vector.broadcast %shift_left3A_356 : i32 to vector<16xi32>
          %shift_left3A_358 = arith.shli %bitcast_convert_type3A_339, %shift_left3A_357 : vector<16xi32>
          %bitcast_convert_type3A_359 = tpu.bitcast %shift_left3A_358 : vector<16xi32> -> vector<16xf32>
          %and3A_360 = arith.constant -65536 : i32
          %and3A_361 = vector.broadcast %and3A_360 : i32 to vector<16xi32>
          %and3A_362 = arith.andi %bitcast_convert_type3A_339, %and3A_361 : vector<16xi32>
          %bitcast_convert_type3A_363 = tpu.bitcast %and3A_362 : vector<16xi32> -> vector<16xf32>
          %mul3A_364 = arith.mulf %bitcast_convert_type3A_343, %bitcast_convert_type3A_351 : vector<16xf32>
          %mul3A_365 = arith.mulf %mul3A_364, %bitcast_convert_type3A_359 : vector<16xf32>
          %add3A_366 = arith.addf %add3A_324, %mul3A_365 : vector<16xf32>
          %mul3A_367 = arith.mulf %bitcast_convert_type3A_347, %bitcast_convert_type3A_355 : vector<16xf32>
          %mul3A_368 = arith.mulf %mul3A_367, %bitcast_convert_type3A_363 : vector<16xf32>
          %add3A_369 = arith.addf %add3A_366, %mul3A_368 : vector<16xf32>
          %get3A_370 = arith.index_cast %add3A_280 : i32 to index
          %get3A_371 = arith.constant 32 : index
          %get3A_372 = tpu.vector_load %arg11[%get3A_370, %get3A_371] {strides = array<i32>} : memref<128x64xf32, #tpu.memory_space<vmem>>, vector<1x16xf32>,
          %get3A_373 = vector.shape_cast %get3A_372 : vector<1x16xf32> to vector<16xf32>
          %bitcast_convert_type3A_374 = tpu.bitcast %get3A_373 : vector<16xf32> -> vector<16xi32>
          %get3A_375 = arith.index_cast %add3A_280 : i32 to index
          %get3A_376 = arith.constant 32 : index
          %get3A_377 = tpu.vector_load %arg12[%get3A_375, %get3A_376] {strides = array<i32>} : memref<128x64xf32, #tpu.memory_space<vmem>>, vector<1x16xf32>,
          %get3A_378 = vector.shape_cast %get3A_377 : vector<1x16xf32> to vector<16xf32>
          %bitcast_convert_type3A_379 = tpu.bitcast %get3A_378 : vector<16xf32> -> vector<16xi32>
          %get3A_380 = arith.index_cast %add3A_280 : i32 to index
          %get3A_381 = arith.constant 32 : index
          %get3A_382 = tpu.vector_load %arg13[%get3A_380, %get3A_381] {strides = array<i32>} : memref<128x64xf32, #tpu.memory_space<vmem>>, vector<1x16xf32>,
          %get3A_383 = vector.shape_cast %get3A_382 : vector<1x16xf32> to vector<16xf32>
          %bitcast_convert_type3A_384 = tpu.bitcast %get3A_383 : vector<16xf32> -> vector<16xi32>
          %shift_left3A_385 = arith.constant 16 : i32
          %shift_left3A_386 = vector.broadcast %shift_left3A_385 : i32 to vector<16xi32>
          %shift_left3A_387 = arith.shli %bitcast_convert_type3A_374, %shift_left3A_386 : vector<16xi32>
          %bitcast_convert_type3A_388 = tpu.bitcast %shift_left3A_387 : vector<16xi32> -> vector<16xf32>
          %and3A_389 = arith.constant -65536 : i32
          %and3A_390 = vector.broadcast %and3A_389 : i32 to vector<16xi32>
          %and3A_391 = arith.andi %bitcast_convert_type3A_374, %and3A_390 : vector<16xi32>
          %bitcast_convert_type3A_392 = tpu.bitcast %and3A_391 : vector<16xi32> -> vector<16xf32>
          %shift_left3A_393 = arith.constant 16 : i32
          %shift_left3A_394 = vector.broadcast %shift_left3A_393 : i32 to vector<16xi32>
          %shift_left3A_395 = arith.shli %bitcast_convert_type3A_379, %shift_left3A_394 : vector<16xi32>
          %bitcast_convert_type3A_396 = tpu.bitcast %shift_left3A_395 : vector<16xi32> -> vector<16xf32>
          %and3A_397 = arith.constant -65536 : i32
          %and3A_398 = vector.broadcast %and3A_397 : i32 to vector<16xi32>
          %and3A_399 = arith.andi %bitcast_convert_type3A_379, %and3A_398 : vector<16xi32>
          %bitcast_convert_type3A_400 = tpu.bitcast %and3A_399 : vector<16xi32> -> vector<16xf32>
          %shift_left3A_401 = arith.constant 16 : i32
          %shift_left3A_402 = vector.broadcast %shift_left3A_401 : i32 to vector<16xi32>
          %shift_left3A_403 = arith.shli %bitcast_convert_type3A_384, %shift_left3A_402 : vector<16xi32>
          %bitcast_convert_type3A_404 = tpu.bitcast %shift_left3A_403 : vector<16xi32> -> vector<16xf32>
          %and3A_405 = arith.constant -65536 : i32
          %and3A_406 = vector.broadcast %and3A_405 : i32 to vector<16xi32>
          %and3A_407 = arith.andi %bitcast_convert_type3A_384, %and3A_406 : vector<16xi32>
          %bitcast_convert_type3A_408 = tpu.bitcast %and3A_407 : vector<16xi32> -> vector<16xf32>
          %mul3A_409 = arith.mulf %bitcast_convert_type3A_388, %bitcast_convert_type3A_396 : vector<16xf32>
          %mul3A_410 = arith.mulf %mul3A_409, %bitcast_convert_type3A_404 : vector<16xf32>
          %add3A_411 = arith.addf %add3A_369, %mul3A_410 : vector<16xf32>
          %mul3A_412 = arith.mulf %bitcast_convert_type3A_392, %bitcast_convert_type3A_400 : vector<16xf32>
          %mul3A_413 = arith.mulf %mul3A_412, %bitcast_convert_type3A_408 : vector<16xf32>
          %add3A_414 = arith.addf %add3A_411, %mul3A_413 : vector<16xf32>
          %get3A_415 = arith.index_cast %add3A_280 : i32 to index
          %get3A_416 = arith.constant 48 : index
          %get3A_417 = tpu.vector_load %arg11[%get3A_415, %get3A_416] {strides = array<i32>} : memref<128x64xf32, #tpu.memory_space<vmem>>, vector<1x16xf32>,
          %get3A_418 = vector.shape_cast %get3A_417 : vector<1x16xf32> to vector<16xf32>
          %bitcast_convert_type3A_419 = tpu.bitcast %get3A_418 : vector<16xf32> -> vector<16xi32>
          %get3A_420 = arith.index_cast %add3A_280 : i32 to index
          %get3A_421 = arith.constant 48 : index
          %get3A_422 = tpu.vector_load %arg12[%get3A_420, %get3A_421] {strides = array<i32>} : memref<128x64xf32, #tpu.memory_space<vmem>>, vector<1x16xf32>,
          %get3A_423 = vector.shape_cast %get3A_422 : vector<1x16xf32> to vector<16xf32>
          %bitcast_convert_type3A_424 = tpu.bitcast %get3A_423 : vector<16xf32> -> vector<16xi32>
          %get3A_425 = arith.index_cast %add3A_280 : i32 to index
          %get3A_426 = arith.constant 48 : index
          %get3A_427 = tpu.vector_load %arg13[%get3A_425, %get3A_426] {strides = array<i32>} : memref<128x64xf32, #tpu.memory_space<vmem>>, vector<1x16xf32>,
          %get3A_428 = vector.shape_cast %get3A_427 : vector<1x16xf32> to vector<16xf32>
          %bitcast_convert_type3A_429 = tpu.bitcast %get3A_428 : vector<16xf32> -> vector<16xi32>
          %shift_left3A_430 = arith.constant 16 : i32
          %shift_left3A_431 = vector.broadcast %shift_left3A_430 : i32 to vector<16xi32>
          %shift_left3A_432 = arith.shli %bitcast_convert_type3A_419, %shift_left3A_431 : vector<16xi32>
          %bitcast_convert_type3A_433 = tpu.bitcast %shift_left3A_432 : vector<16xi32> -> vector<16xf32>
          %and3A_434 = arith.constant -65536 : i32
          %and3A_435 = vector.broadcast %and3A_434 : i32 to vector<16xi32>
          %and3A_436 = arith.andi %bitcast_convert_type3A_419, %and3A_435 : vector<16xi32>
          %bitcast_convert_type3A_437 = tpu.bitcast %and3A_436 : vector<16xi32> -> vector<16xf32>
          %shift_left3A_438 = arith.constant 16 : i32
          %shift_left3A_439 = vector.broadcast %shift_left3A_438 : i32 to vector<16xi32>
          %shift_left3A_440 = arith.shli %bitcast_convert_type3A_424, %shift_left3A_439 : vector<16xi32>
          %bitcast_convert_type3A_441 = tpu.bitcast %shift_left3A_440 : vector<16xi32> -> vector<16xf32>
          %and3A_442 = arith.constant -65536 : i32
          %and3A_443 = vector.broadcast %and3A_442 : i32 to vector<16xi32>
          %and3A_444 = arith.andi %bitcast_convert_type3A_424, %and3A_443 : vector<16xi32>
          %bitcast_convert_type3A_445 = tpu.bitcast %and3A_444 : vector<16xi32> -> vector<16xf32>
          %shift_left3A_446 = arith.constant 16 : i32
          %shift_left3A_447 = vector.broadcast %shift_left3A_446 : i32 to vector<16xi32>
          %shift_left3A_448 = arith.shli %bitcast_convert_type3A_429, %shift_left3A_447 : vector<16xi32>
          %bitcast_convert_type3A_449 = tpu.bitcast %shift_left3A_448 : vector<16xi32> -> vector<16xf32>
          %and3A_450 = arith.constant -65536 : i32
          %and3A_451 = vector.broadcast %and3A_450 : i32 to vector<16xi32>
          %and3A_452 = arith.andi %bitcast_convert_type3A_429, %and3A_451 : vector<16xi32>
          %bitcast_convert_type3A_453 = tpu.bitcast %and3A_452 : vector<16xi32> -> vector<16xf32>
          %mul3A_454 = arith.mulf %bitcast_convert_type3A_433, %bitcast_convert_type3A_441 : vector<16xf32>
          %mul3A_455 = arith.mulf %mul3A_454, %bitcast_convert_type3A_449 : vector<16xf32>
          %add3A_456 = arith.addf %add3A_414, %mul3A_455 : vector<16xf32>
          %mul3A_457 = arith.mulf %bitcast_convert_type3A_437, %bitcast_convert_type3A_445 : vector<16xf32>
          %mul3A_458 = arith.mulf %mul3A_457, %bitcast_convert_type3A_453 : vector<16xf32>
          %add3A_459 = arith.addf %add3A_456, %mul3A_458 : vector<16xf32>
          %xor3A = arith.constant 8 : i32
          %xor3A_460 = vector.broadcast %xor3A : i32 to vector<16xi32>
          %xor3A_461 = arith.xori %iota3A, %xor3A_460 : vector<16xi32>
          %lt3A_462 = arith.constant 0 : i32
          %lt3A_463 = vector.broadcast %lt3A_462 : i32 to vector<16xi32>
          %lt3A_464 = arith.cmpi slt, %xor3A_461, %lt3A_463 : vector<16xi32>
          %add3A_465 = arith.constant 16 : i32
          %add3A_466 = vector.broadcast %add3A_465 : i32 to vector<16xi32>
          %add3A_467 = arith.addi %xor3A_461, %add3A_466 : vector<16xi32>
          %select_n3A_468 = arith.select %lt3A_464, %add3A_467, %xor3A_461 : vector<16xi1>, vector<16xi32>
          %broadcast_in_dim3A_469 = vector.shape_cast %select_n3A_468 : vector<16xi32> to vector<16x1xi32>
          %gather3A = vector.shape_cast %broadcast_in_dim3A_469 : vector<16x1xi32> to vector<16xi32>
          %gather3A_470 = tpu.dynamic_gather %add3A_459[%gather3A] in [0] : vector<16xf32>, vector<16xi32> -> vector<16xf32>
          %add3A_471 = arith.addf %add3A_459, %gather3A_470 : vector<16xf32>
          %xor3A_472 = arith.constant 4 : i32
          %xor3A_473 = vector.broadcast %xor3A_472 : i32 to vector<16xi32>
          %xor3A_474 = arith.xori %iota3A, %xor3A_473 : vector<16xi32>
          %lt3A_475 = arith.constant 0 : i32
          %lt3A_476 = vector.broadcast %lt3A_475 : i32 to vector<16xi32>
          %lt3A_477 = arith.cmpi slt, %xor3A_474, %lt3A_476 : vector<16xi32>
          %add3A_478 = arith.constant 16 : i32
          %add3A_479 = vector.broadcast %add3A_478 : i32 to vector<16xi32>
          %add3A_480 = arith.addi %xor3A_474, %add3A_479 : vector<16xi32>
          %select_n3A_481 = arith.select %lt3A_477, %add3A_480, %xor3A_474 : vector<16xi1>, vector<16xi32>
          %broadcast_in_dim3A_482 = vector.shape_cast %select_n3A_481 : vector<16xi32> to vector<16x1xi32>
          %gather3A_483 = vector.shape_cast %broadcast_in_dim3A_482 : vector<16x1xi32> to vector<16xi32>
          %gather3A_484 = tpu.dynamic_gather %add3A_471[%gather3A_483] in [0] : vector<16xf32>, vector<16xi32> -> vector<16xf32>
          %add3A_485 = arith.addf %add3A_471, %gather3A_484 : vector<16xf32>
          %xor3A_486 = arith.constant 2 : i32
          %xor3A_487 = vector.broadcast %xor3A_486 : i32 to vector<16xi32>
          %xor3A_488 = arith.xori %iota3A, %xor3A_487 : vector<16xi32>
          %lt3A_489 = arith.constant 0 : i32
          %lt3A_490 = vector.broadcast %lt3A_489 : i32 to vector<16xi32>
          %lt3A_491 = arith.cmpi slt, %xor3A_488, %lt3A_490 : vector<16xi32>
          %add3A_492 = arith.constant 16 : i32
          %add3A_493 = vector.broadcast %add3A_492 : i32 to vector<16xi32>
          %add3A_494 = arith.addi %xor3A_488, %add3A_493 : vector<16xi32>
          %select_n3A_495 = arith.select %lt3A_491, %add3A_494, %xor3A_488 : vector<16xi1>, vector<16xi32>
          %broadcast_in_dim3A_496 = vector.shape_cast %select_n3A_495 : vector<16xi32> to vector<16x1xi32>
          %gather3A_497 = vector.shape_cast %broadcast_in_dim3A_496 : vector<16x1xi32> to vector<16xi32>
          %gather3A_498 = tpu.dynamic_gather %add3A_485[%gather3A_497] in [0] : vector<16xf32>, vector<16xi32> -> vector<16xf32>
          %add3A_499 = arith.addf %add3A_485, %gather3A_498 : vector<16xf32>
          %xor3A_500 = arith.constant 1 : i32
          %xor3A_501 = vector.broadcast %xor3A_500 : i32 to vector<16xi32>
          %xor3A_502 = arith.xori %iota3A, %xor3A_501 : vector<16xi32>
          %lt3A_503 = arith.constant 0 : i32
          %lt3A_504 = vector.broadcast %lt3A_503 : i32 to vector<16xi32>
          %lt3A_505 = arith.cmpi slt, %xor3A_502, %lt3A_504 : vector<16xi32>
          %add3A_506 = arith.constant 16 : i32
          %add3A_507 = vector.broadcast %add3A_506 : i32 to vector<16xi32>
          %add3A_508 = arith.addi %xor3A_502, %add3A_507 : vector<16xi32>
          %select_n3A_509 = arith.select %lt3A_505, %add3A_508, %xor3A_502 : vector<16xi1>, vector<16xi32>
          %broadcast_in_dim3A_510 = vector.shape_cast %select_n3A_509 : vector<16xi32> to vector<16x1xi32>
          %gather3A_511 = vector.shape_cast %broadcast_in_dim3A_510 : vector<16x1xi32> to vector<16xi32>
          %gather3A_512 = tpu.dynamic_gather %add3A_499[%gather3A_511] in [0] : vector<16xf32>, vector<16xi32> -> vector<16xf32>
          %add3A_513 = arith.addf %add3A_499, %gather3A_512 : vector<16xf32>
          %eq3A_514 = vector.broadcast %scan3A_276 : i32 to vector<16xi32>
          %eq3A_515 = arith.cmpi eq, %iota3A, %eq3A_514 : vector<16xi32>
          %select_n3A_516 = arith.select %eq3A_515, %add3A_513, %scan3A_277 : vector<16xi1>, vector<16xf32>
          scf.yield %select_n3A_516 : vector<16xf32>
        }
        %scan3A_262 = arith.constant 16 : i32
        %neg3A = arith.constant 0.000000e+00 : f32
        %neg3A_263 = vector.broadcast %neg3A : f32 to vector<16xf32>
        %neg3A_264 = arith.subf %neg3A_263, %scan3A_261 : vector<16xf32>
        %exp3A = math.exp %neg3A_264 : vector<16xf32>
        %add3A_265 = arith.constant 1.000000e+00 : f32
        %add3A_266 = vector.broadcast %add3A_265 : f32 to vector<16xf32>
        %add3A_267 = arith.addf %add3A_266, %exp3A : vector<16xf32>
        %div3A_268 = arith.constant 1.000000e+00 : f32
        %div3A_269 = vector.broadcast %div3A_268 : f32 to vector<16xf32>
        %div3A_270 = arith.divf %div3A_269, %add3A_267 : vector<16xf32>
        %mul3A_271 = arith.constant 16 : i32
        %mul3A_272 = arith.muli %scan3A_255, %mul3A_271 : i32
        %swap3A = arith.index_cast %mul3A_272 : i32 to index
        %swap3A_273 = tpu.vector_load %arg17[%swap3A] {strides = array<i32>} : memref<128xf32, #tpu.memory_space<vmem>>, vector<16xf32>,
        %swap3A_274 = vector.shape_cast %swap3A_273 : vector<16xf32> to vector<16xf32>
        %swap3A_275 = vector.shape_cast %div3A_270 : vector<16xf32> to vector<16xf32>
        tpu.vector_store %arg17[%swap3A], %swap3A_275 {strides = array<i32>} : memref<128xf32, #tpu.memory_space<vmem>>, vector<16xf32>,
      }
      %scan3A_196 = arith.constant 8 : i32
      %mul3A_197 = arith.constant 1 : i32
      %mul3A_198 = arith.muli %mul3A_197, %select_n3A_28 : i32
      %add3A_199 = arith.addi %mul3A_198, %add3A_168 : i32
      %mul3A_200 = arith.constant 128 : i32
      %mul3A_201 = arith.muli %add3A_199, %mul3A_200 : i32
      %add3A_202 = arith.addi %mul3A_10, %mul3A_201 : i32
      %dma_start3A_203 = tpu.memref_slice %arg7[%add3A_202] : memref<327680xf32, #tpu.memory_space<hbm>> -> memref<128xf32, #tpu.memory_space<hbm>>
      %dma_start3A_204 = tpu.memref_slice %arg7[%add3A_202] : memref<327680xf32, #tpu.memory_space<hbm>> -> memref<128xf32, #tpu.memory_space<hbm>>
      tpu.enqueue_dma source(%arg17 : memref<128xf32, #tpu.memory_space<vmem>>) target(%dma_start3A_204 : memref<128xf32, #tpu.memory_space<hbm>>) target_semaphore(%arg21 : memref<!tpu.dma_semaphore, #tpu.memory_space<semaphore_mem>>)
      %sub3A_205 = arith.constant 1 : i32
      %sub3A_206 = arith.subi %select_n3A_52, %sub3A_205 : i32
      %lt3A = arith.cmpi slt, %while3A_164, %sub3A_206 : i32
      %convert_element_type3A = arith.extui %lt3A : i1 to i32
      %cond3A = arith.constant 0 : i32
      %cond3A_207 = arith.cmpi ne, %convert_element_type3A, %cond3A : i32
      scf.if %cond3A_207 {
        %add3A_255 = arith.constant 2 : i32
        %add3A_256 = arith.addi %add3A_168, %add3A_255 : i32
        %dma_start3A_257 = arith.constant 0 : i32
        %dma_start3A_258 = tpu.memref_slice %arg8[%add3A_256, %dma_start3A_257] : memref<76x128xi32, #tpu.memory_space<vmem>> -> memref<1x128xi32, #tpu.memory_space<vmem>>
        %dma_start3A_259 = tpu.memref_squeeze %dma_start3A_258 : memref<1x128xi32, #tpu.memory_space<vmem>> -> memref<128xi32, #tpu.memory_space<vmem>>
        %dma_start3A_260 = arith.constant 0 : i32
        %dma_start3A_261 = arith.constant 0 : i32
        %dma_start3A_262 = tpu.memref_slice %arg5[%dma_start3A_260, %dma_start3A_261] : memref<10000x64xf32, #tpu.memory_space<hbm>> -> memref<10000x64xf32, #tpu.memory_space<hbm>>
        tpu.enqueue_indirect_dma source(%dma_start3A_262 : memref<10000x64xf32, #tpu.memory_space<hbm>>) target(%arg11 : memref<128x64xf32, #tpu.memory_space<vmem>>) offsets(%dma_start3A_259 : memref<128xi32, #tpu.memory_space<vmem>>) semaphore(%arg19 : memref<!tpu.dma_semaphore, #tpu.memory_space<semaphore_mem>>)
        %dma_start3A_263 = arith.constant 0 : i32
        %dma_start3A_264 = tpu.memref_slice %arg9[%add3A_256, %dma_start3A_263] : memref<76x128xi32, #tpu.memory_space<vmem>> -> memref<1x128xi32, #tpu.memory_space<vmem>>
        %dma_start3A_265 = tpu.memref_squeeze %dma_start3A_264 : memref<1x128xi32, #tpu.memory_space<vmem>> -> memref<128xi32, #tpu.memory_space<vmem>>
        %dma_start3A_266 = arith.constant 0 : i32
        %dma_start3A_267 = arith.constant 0 : i32
        %dma_start3A_268 = tpu.memref_slice %arg5[%dma_start3A_266, %dma_start3A_267] : memref<10000x64xf32, #tpu.memory_space<hbm>> -> memref<10000x64xf32, #tpu.memory_space<hbm>>
        tpu.enqueue_indirect_dma source(%dma_start3A_268 : memref<10000x64xf32, #tpu.memory_space<hbm>>) target(%arg12 : memref<128x64xf32, #tpu.memory_space<vmem>>) offsets(%dma_start3A_265 : memref<128xi32, #tpu.memory_space<vmem>>) semaphore(%arg19 : memref<!tpu.dma_semaphore, #tpu.memory_space<semaphore_mem>>)
        %dma_start3A_269 = arith.constant 0 : i32
        %dma_start3A_270 = tpu.memref_slice %arg10[%add3A_256, %dma_start3A_269] : memref<76x128xi32, #tpu.memory_space<vmem>> -> memref<1x128xi32, #tpu.memory_space<vmem>>
        %dma_start3A_271 = tpu.memref_squeeze %dma_start3A_270 : memref<1x128xi32, #tpu.memory_space<vmem>> -> memref<128xi32, #tpu.memory_space<vmem>>
        %dma_start3A_272 = arith.constant 0 : i32
        %dma_start3A_273 = arith.constant 0 : i32
        %dma_start3A_274 = tpu.memref_slice %arg6[%dma_start3A_272, %dma_start3A_273] : memref<964x64xf32, #tpu.memory_space<hbm>> -> memref<964x64xf32, #tpu.memory_space<hbm>>
        tpu.enqueue_indirect_dma source(%dma_start3A_274 : memref<964x64xf32, #tpu.memory_space<hbm>>) target(%arg13 : memref<128x64xf32, #tpu.memory_space<vmem>>) offsets(%dma_start3A_271 : memref<128xi32, #tpu.memory_space<vmem>>) semaphore(%arg19 : memref<!tpu.dma_semaphore, #tpu.memory_space<semaphore_mem>>)
      } else {
      }
      %mul3A_208 = arith.constant 2 : i32
      %mul3A_209 = arith.muli %while3A_164, %mul3A_208 : i32
      %add3A_210 = arith.constant 1 : i32
      %add3A_211 = arith.addi %mul3A_209, %add3A_210 : i32
      %dma_wait3A_212 = arith.constant 0 : i32
      %dma_wait3A_213 = arith.constant 0 : i32
      %dma_wait3A_214 = tpu.memref_slice %arg8[%dma_wait3A_212, %dma_wait3A_213] : memref<76x128xi32, #tpu.memory_space<vmem>> -> memref<1x128xi32, #tpu.memory_space<vmem>>
      %dma_wait3A_215 = tpu.memref_squeeze %dma_wait3A_214 : memref<1x128xi32, #tpu.memory_space<vmem>> -> memref<128xi32, #tpu.memory_space<vmem>>
      %dma_wait3A_216 = arith.constant 0 : i32
      %dma_wait3A_217 = arith.constant 0 : i32
      %dma_wait3A_218 = tpu.memref_slice %arg5[%dma_wait3A_216, %dma_wait3A_217] : memref<10000x64xf32, #tpu.memory_space<hbm>> -> memref<10000x64xf32, #tpu.memory_space<hbm>>
      tpu.wait_indirect_dma semaphore(%arg20 : memref<!tpu.dma_semaphore, #tpu.memory_space<semaphore_mem>>) src(%dma_wait3A_218 : memref<10000x64xf32, #tpu.memory_space<hbm>>) dst(%arg14 : memref<128x64xf32, #tpu.memory_space<vmem>>)
      %dma_wait3A_219 = arith.constant 0 : i32
      %dma_wait3A_220 = arith.constant 0 : i32
      %dma_wait3A_221 = tpu.memref_slice %arg9[%dma_wait3A_219, %dma_wait3A_220] : memref<76x128xi32, #tpu.memory_space<vmem>> -> memref<1x128xi32, #tpu.memory_space<vmem>>
      %dma_wait3A_222 = tpu.memref_squeeze %dma_wait3A_221 : memref<1x128xi32, #tpu.memory_space<vmem>> -> memref<128xi32, #tpu.memory_space<vmem>>
      %dma_wait3A_223 = arith.constant 0 : i32
      %dma_wait3A_224 = arith.constant 0 : i32
      %dma_wait3A_225 = tpu.memref_slice %arg5[%dma_wait3A_223, %dma_wait3A_224] : memref<10000x64xf32, #tpu.memory_space<hbm>> -> memref<10000x64xf32, #tpu.memory_space<hbm>>
      tpu.wait_indirect_dma semaphore(%arg20 : memref<!tpu.dma_semaphore, #tpu.memory_space<semaphore_mem>>) src(%dma_wait3A_225 : memref<10000x64xf32, #tpu.memory_space<hbm>>) dst(%arg15 : memref<128x64xf32, #tpu.memory_space<vmem>>)
      %dma_wait3A_226 = arith.constant 0 : i32
      %dma_wait3A_227 = arith.constant 0 : i32
      %dma_wait3A_228 = tpu.memref_slice %arg10[%dma_wait3A_226, %dma_wait3A_227] : memref<76x128xi32, #tpu.memory_space<vmem>> -> memref<1x128xi32, #tpu.memory_space<vmem>>
      %dma_wait3A_229 = tpu.memref_squeeze %dma_wait3A_228 : memref<1x128xi32, #tpu.memory_space<vmem>> -> memref<128xi32, #tpu.memory_space<vmem>>
      %dma_wait3A_230 = arith.constant 0 : i32
      %dma_wait3A_231 = arith.constant 0 : i32
      %dma_wait3A_232 = tpu.memref_slice %arg6[%dma_wait3A_230, %dma_wait3A_231] : memref<964x64xf32, #tpu.memory_space<hbm>> -> memref<964x64xf32, #tpu.memory_space<hbm>>
      tpu.wait_indirect_dma semaphore(%arg20 : memref<!tpu.dma_semaphore, #tpu.memory_space<semaphore_mem>>) src(%dma_wait3A_232 : memref<964x64xf32, #tpu.memory_space<hbm>>) dst(%arg16 : memref<128x64xf32, #tpu.memory_space<vmem>>)
      %dma_wait3A_233 = tpu.memref_slice %arg7[%mul3A_10] : memref<327680xf32, #tpu.memory_space<hbm>> -> memref<128xf32, #tpu.memory_space<hbm>>
      %dma_wait3A_234 = tpu.memref_slice %arg7[%mul3A_10] : memref<327680xf32, #tpu.memory_space<hbm>> -> memref<128xf32, #tpu.memory_space<hbm>>
      tpu.wait_dma2 semaphore(%arg22 : memref<!tpu.dma_semaphore, #tpu.memory_space<semaphore_mem>>) src(%arg18 : memref<128xf32, #tpu.memory_space<vmem>>) dst(%dma_wait3A_234 : memref<128xf32, #tpu.memory_space<hbm>>)
      %scan3A_235 = arith.constant 0 : i32
      %scan3A_236 = arith.constant 0 : i32
      %scan3A_237 = arith.constant 8 : i32
      %scan3A_238 = arith.addi %scan3A_236, %scan3A_237 : i32
      %scan3A_239 = arith.constant 1 : i32
      scf.for %scan3A_255 = %scan3A_236 to %scan3A_238 step %scan3A_239  : i32 {
        %broadcast_in_dim3A = arith.constant 0.000000e+00 : f32
        %broadcast_in_dim3A_256 = vector.broadcast %broadcast_in_dim3A : f32 to vector<16xf32>
        %scan3A_257 = arith.constant 0 : i32
        %scan3A_258 = arith.constant 16 : i32
        %scan3A_259 = arith.addi %scan3A_257, %scan3A_258 : i32
        %scan3A_260 = arith.constant 1 : i32
        %scan3A_261 = scf.for %scan3A_276 = %scan3A_257 to %scan3A_259 step %scan3A_260 iter_args(%scan3A_277 = %broadcast_in_dim3A_256) -> (vector<16xf32>)  : i32 {
          %mul3A_278 = arith.constant 16 : i32
          %mul3A_279 = arith.muli %scan3A_255, %mul3A_278 : i32
          %add3A_280 = arith.addi %mul3A_279, %scan3A_276 : i32
          %broadcast_in_dim3A_281 = arith.constant 0.000000e+00 : f32
          %broadcast_in_dim3A_282 = vector.broadcast %broadcast_in_dim3A_281 : f32 to vector<16xf32>
          %get3A = arith.index_cast %add3A_280 : i32 to index
          %get3A_283 = arith.constant 0 : index
          %get3A_284 = tpu.vector_load %arg14[%get3A, %get3A_283] {strides = array<i32>} : memref<128x64xf32, #tpu.memory_space<vmem>>, vector<1x16xf32>,
          %get3A_285 = vector.shape_cast %get3A_284 : vector<1x16xf32> to vector<16xf32>
          %bitcast_convert_type3A = tpu.bitcast %get3A_285 : vector<16xf32> -> vector<16xi32>
          %get3A_286 = arith.index_cast %add3A_280 : i32 to index
          %get3A_287 = arith.constant 0 : index
          %get3A_288 = tpu.vector_load %arg15[%get3A_286, %get3A_287] {strides = array<i32>} : memref<128x64xf32, #tpu.memory_space<vmem>>, vector<1x16xf32>,
          %get3A_289 = vector.shape_cast %get3A_288 : vector<1x16xf32> to vector<16xf32>
          %bitcast_convert_type3A_290 = tpu.bitcast %get3A_289 : vector<16xf32> -> vector<16xi32>
          %get3A_291 = arith.index_cast %add3A_280 : i32 to index
          %get3A_292 = arith.constant 0 : index
          %get3A_293 = tpu.vector_load %arg16[%get3A_291, %get3A_292] {strides = array<i32>} : memref<128x64xf32, #tpu.memory_space<vmem>>, vector<1x16xf32>,
          %get3A_294 = vector.shape_cast %get3A_293 : vector<1x16xf32> to vector<16xf32>
          %bitcast_convert_type3A_295 = tpu.bitcast %get3A_294 : vector<16xf32> -> vector<16xi32>
          %shift_left3A = arith.constant 16 : i32
          %shift_left3A_296 = vector.broadcast %shift_left3A : i32 to vector<16xi32>
          %shift_left3A_297 = arith.shli %bitcast_convert_type3A, %shift_left3A_296 : vector<16xi32>
          %bitcast_convert_type3A_298 = tpu.bitcast %shift_left3A_297 : vector<16xi32> -> vector<16xf32>
          %and3A_299 = arith.constant -65536 : i32
          %and3A_300 = vector.broadcast %and3A_299 : i32 to vector<16xi32>
          %and3A_301 = arith.andi %bitcast_convert_type3A, %and3A_300 : vector<16xi32>
          %bitcast_convert_type3A_302 = tpu.bitcast %and3A_301 : vector<16xi32> -> vector<16xf32>
          %shift_left3A_303 = arith.constant 16 : i32
          %shift_left3A_304 = vector.broadcast %shift_left3A_303 : i32 to vector<16xi32>
          %shift_left3A_305 = arith.shli %bitcast_convert_type3A_290, %shift_left3A_304 : vector<16xi32>
          %bitcast_convert_type3A_306 = tpu.bitcast %shift_left3A_305 : vector<16xi32> -> vector<16xf32>
          %and3A_307 = arith.constant -65536 : i32
          %and3A_308 = vector.broadcast %and3A_307 : i32 to vector<16xi32>
          %and3A_309 = arith.andi %bitcast_convert_type3A_290, %and3A_308 : vector<16xi32>
          %bitcast_convert_type3A_310 = tpu.bitcast %and3A_309 : vector<16xi32> -> vector<16xf32>
          %shift_left3A_311 = arith.constant 16 : i32
          %shift_left3A_312 = vector.broadcast %shift_left3A_311 : i32 to vector<16xi32>
          %shift_left3A_313 = arith.shli %bitcast_convert_type3A_295, %shift_left3A_312 : vector<16xi32>
          %bitcast_convert_type3A_314 = tpu.bitcast %shift_left3A_313 : vector<16xi32> -> vector<16xf32>
          %and3A_315 = arith.constant -65536 : i32
          %and3A_316 = vector.broadcast %and3A_315 : i32 to vector<16xi32>
          %and3A_317 = arith.andi %bitcast_convert_type3A_295, %and3A_316 : vector<16xi32>
          %bitcast_convert_type3A_318 = tpu.bitcast %and3A_317 : vector<16xi32> -> vector<16xf32>
          %mul3A_319 = arith.mulf %bitcast_convert_type3A_298, %bitcast_convert_type3A_306 : vector<16xf32>
          %mul3A_320 = arith.mulf %mul3A_319, %bitcast_convert_type3A_314 : vector<16xf32>
          %add3A_321 = arith.addf %broadcast_in_dim3A_282, %mul3A_320 : vector<16xf32>
          %mul3A_322 = arith.mulf %bitcast_convert_type3A_302, %bitcast_convert_type3A_310 : vector<16xf32>
          %mul3A_323 = arith.mulf %mul3A_322, %bitcast_convert_type3A_318 : vector<16xf32>
          %add3A_324 = arith.addf %add3A_321, %mul3A_323 : vector<16xf32>
          %get3A_325 = arith.index_cast %add3A_280 : i32 to index
          %get3A_326 = arith.constant 16 : index
          %get3A_327 = tpu.vector_load %arg14[%get3A_325, %get3A_326] {strides = array<i32>} : memref<128x64xf32, #tpu.memory_space<vmem>>, vector<1x16xf32>,
          %get3A_328 = vector.shape_cast %get3A_327 : vector<1x16xf32> to vector<16xf32>
          %bitcast_convert_type3A_329 = tpu.bitcast %get3A_328 : vector<16xf32> -> vector<16xi32>
          %get3A_330 = arith.index_cast %add3A_280 : i32 to index
          %get3A_331 = arith.constant 16 : index
          %get3A_332 = tpu.vector_load %arg15[%get3A_330, %get3A_331] {strides = array<i32>} : memref<128x64xf32, #tpu.memory_space<vmem>>, vector<1x16xf32>,
          %get3A_333 = vector.shape_cast %get3A_332 : vector<1x16xf32> to vector<16xf32>
          %bitcast_convert_type3A_334 = tpu.bitcast %get3A_333 : vector<16xf32> -> vector<16xi32>
          %get3A_335 = arith.index_cast %add3A_280 : i32 to index
          %get3A_336 = arith.constant 16 : index
          %get3A_337 = tpu.vector_load %arg16[%get3A_335, %get3A_336] {strides = array<i32>} : memref<128x64xf32, #tpu.memory_space<vmem>>, vector<1x16xf32>,
          %get3A_338 = vector.shape_cast %get3A_337 : vector<1x16xf32> to vector<16xf32>
          %bitcast_convert_type3A_339 = tpu.bitcast %get3A_338 : vector<16xf32> -> vector<16xi32>
          %shift_left3A_340 = arith.constant 16 : i32
          %shift_left3A_341 = vector.broadcast %shift_left3A_340 : i32 to vector<16xi32>
          %shift_left3A_342 = arith.shli %bitcast_convert_type3A_329, %shift_left3A_341 : vector<16xi32>
          %bitcast_convert_type3A_343 = tpu.bitcast %shift_left3A_342 : vector<16xi32> -> vector<16xf32>
          %and3A_344 = arith.constant -65536 : i32
          %and3A_345 = vector.broadcast %and3A_344 : i32 to vector<16xi32>
          %and3A_346 = arith.andi %bitcast_convert_type3A_329, %and3A_345 : vector<16xi32>
          %bitcast_convert_type3A_347 = tpu.bitcast %and3A_346 : vector<16xi32> -> vector<16xf32>
          %shift_left3A_348 = arith.constant 16 : i32
          %shift_left3A_349 = vector.broadcast %shift_left3A_348 : i32 to vector<16xi32>
          %shift_left3A_350 = arith.shli %bitcast_convert_type3A_334, %shift_left3A_349 : vector<16xi32>
          %bitcast_convert_type3A_351 = tpu.bitcast %shift_left3A_350 : vector<16xi32> -> vector<16xf32>
          %and3A_352 = arith.constant -65536 : i32
          %and3A_353 = vector.broadcast %and3A_352 : i32 to vector<16xi32>
          %and3A_354 = arith.andi %bitcast_convert_type3A_334, %and3A_353 : vector<16xi32>
          %bitcast_convert_type3A_355 = tpu.bitcast %and3A_354 : vector<16xi32> -> vector<16xf32>
          %shift_left3A_356 = arith.constant 16 : i32
          %shift_left3A_357 = vector.broadcast %shift_left3A_356 : i32 to vector<16xi32>
          %shift_left3A_358 = arith.shli %bitcast_convert_type3A_339, %shift_left3A_357 : vector<16xi32>
          %bitcast_convert_type3A_359 = tpu.bitcast %shift_left3A_358 : vector<16xi32> -> vector<16xf32>
          %and3A_360 = arith.constant -65536 : i32
          %and3A_361 = vector.broadcast %and3A_360 : i32 to vector<16xi32>
          %and3A_362 = arith.andi %bitcast_convert_type3A_339, %and3A_361 : vector<16xi32>
          %bitcast_convert_type3A_363 = tpu.bitcast %and3A_362 : vector<16xi32> -> vector<16xf32>
          %mul3A_364 = arith.mulf %bitcast_convert_type3A_343, %bitcast_convert_type3A_351 : vector<16xf32>
          %mul3A_365 = arith.mulf %mul3A_364, %bitcast_convert_type3A_359 : vector<16xf32>
          %add3A_366 = arith.addf %add3A_324, %mul3A_365 : vector<16xf32>
          %mul3A_367 = arith.mulf %bitcast_convert_type3A_347, %bitcast_convert_type3A_355 : vector<16xf32>
          %mul3A_368 = arith.mulf %mul3A_367, %bitcast_convert_type3A_363 : vector<16xf32>
          %add3A_369 = arith.addf %add3A_366, %mul3A_368 : vector<16xf32>
          %get3A_370 = arith.index_cast %add3A_280 : i32 to index
          %get3A_371 = arith.constant 32 : index
          %get3A_372 = tpu.vector_load %arg14[%get3A_370, %get3A_371] {strides = array<i32>} : memref<128x64xf32, #tpu.memory_space<vmem>>, vector<1x16xf32>,
          %get3A_373 = vector.shape_cast %get3A_372 : vector<1x16xf32> to vector<16xf32>
          %bitcast_convert_type3A_374 = tpu.bitcast %get3A_373 : vector<16xf32> -> vector<16xi32>
          %get3A_375 = arith.index_cast %add3A_280 : i32 to index
          %get3A_376 = arith.constant 32 : index
          %get3A_377 = tpu.vector_load %arg15[%get3A_375, %get3A_376] {strides = array<i32>} : memref<128x64xf32, #tpu.memory_space<vmem>>, vector<1x16xf32>,
          %get3A_378 = vector.shape_cast %get3A_377 : vector<1x16xf32> to vector<16xf32>
          %bitcast_convert_type3A_379 = tpu.bitcast %get3A_378 : vector<16xf32> -> vector<16xi32>
          %get3A_380 = arith.index_cast %add3A_280 : i32 to index
          %get3A_381 = arith.constant 32 : index
          %get3A_382 = tpu.vector_load %arg16[%get3A_380, %get3A_381] {strides = array<i32>} : memref<128x64xf32, #tpu.memory_space<vmem>>, vector<1x16xf32>,
          %get3A_383 = vector.shape_cast %get3A_382 : vector<1x16xf32> to vector<16xf32>
          %bitcast_convert_type3A_384 = tpu.bitcast %get3A_383 : vector<16xf32> -> vector<16xi32>
          %shift_left3A_385 = arith.constant 16 : i32
          %shift_left3A_386 = vector.broadcast %shift_left3A_385 : i32 to vector<16xi32>
          %shift_left3A_387 = arith.shli %bitcast_convert_type3A_374, %shift_left3A_386 : vector<16xi32>
          %bitcast_convert_type3A_388 = tpu.bitcast %shift_left3A_387 : vector<16xi32> -> vector<16xf32>
          %and3A_389 = arith.constant -65536 : i32
          %and3A_390 = vector.broadcast %and3A_389 : i32 to vector<16xi32>
          %and3A_391 = arith.andi %bitcast_convert_type3A_374, %and3A_390 : vector<16xi32>
          %bitcast_convert_type3A_392 = tpu.bitcast %and3A_391 : vector<16xi32> -> vector<16xf32>
          %shift_left3A_393 = arith.constant 16 : i32
          %shift_left3A_394 = vector.broadcast %shift_left3A_393 : i32 to vector<16xi32>
          %shift_left3A_395 = arith.shli %bitcast_convert_type3A_379, %shift_left3A_394 : vector<16xi32>
          %bitcast_convert_type3A_396 = tpu.bitcast %shift_left3A_395 : vector<16xi32> -> vector<16xf32>
          %and3A_397 = arith.constant -65536 : i32
          %and3A_398 = vector.broadcast %and3A_397 : i32 to vector<16xi32>
          %and3A_399 = arith.andi %bitcast_convert_type3A_379, %and3A_398 : vector<16xi32>
          %bitcast_convert_type3A_400 = tpu.bitcast %and3A_399 : vector<16xi32> -> vector<16xf32>
          %shift_left3A_401 = arith.constant 16 : i32
          %shift_left3A_402 = vector.broadcast %shift_left3A_401 : i32 to vector<16xi32>
          %shift_left3A_403 = arith.shli %bitcast_convert_type3A_384, %shift_left3A_402 : vector<16xi32>
          %bitcast_convert_type3A_404 = tpu.bitcast %shift_left3A_403 : vector<16xi32> -> vector<16xf32>
          %and3A_405 = arith.constant -65536 : i32
          %and3A_406 = vector.broadcast %and3A_405 : i32 to vector<16xi32>
          %and3A_407 = arith.andi %bitcast_convert_type3A_384, %and3A_406 : vector<16xi32>
          %bitcast_convert_type3A_408 = tpu.bitcast %and3A_407 : vector<16xi32> -> vector<16xf32>
          %mul3A_409 = arith.mulf %bitcast_convert_type3A_388, %bitcast_convert_type3A_396 : vector<16xf32>
          %mul3A_410 = arith.mulf %mul3A_409, %bitcast_convert_type3A_404 : vector<16xf32>
          %add3A_411 = arith.addf %add3A_369, %mul3A_410 : vector<16xf32>
          %mul3A_412 = arith.mulf %bitcast_convert_type3A_392, %bitcast_convert_type3A_400 : vector<16xf32>
          %mul3A_413 = arith.mulf %mul3A_412, %bitcast_convert_type3A_408 : vector<16xf32>
          %add3A_414 = arith.addf %add3A_411, %mul3A_413 : vector<16xf32>
          %get3A_415 = arith.index_cast %add3A_280 : i32 to index
          %get3A_416 = arith.constant 48 : index
          %get3A_417 = tpu.vector_load %arg14[%get3A_415, %get3A_416] {strides = array<i32>} : memref<128x64xf32, #tpu.memory_space<vmem>>, vector<1x16xf32>,
          %get3A_418 = vector.shape_cast %get3A_417 : vector<1x16xf32> to vector<16xf32>
          %bitcast_convert_type3A_419 = tpu.bitcast %get3A_418 : vector<16xf32> -> vector<16xi32>
          %get3A_420 = arith.index_cast %add3A_280 : i32 to index
          %get3A_421 = arith.constant 48 : index
          %get3A_422 = tpu.vector_load %arg15[%get3A_420, %get3A_421] {strides = array<i32>} : memref<128x64xf32, #tpu.memory_space<vmem>>, vector<1x16xf32>,
          %get3A_423 = vector.shape_cast %get3A_422 : vector<1x16xf32> to vector<16xf32>
          %bitcast_convert_type3A_424 = tpu.bitcast %get3A_423 : vector<16xf32> -> vector<16xi32>
          %get3A_425 = arith.index_cast %add3A_280 : i32 to index
          %get3A_426 = arith.constant 48 : index
          %get3A_427 = tpu.vector_load %arg16[%get3A_425, %get3A_426] {strides = array<i32>} : memref<128x64xf32, #tpu.memory_space<vmem>>, vector<1x16xf32>,
          %get3A_428 = vector.shape_cast %get3A_427 : vector<1x16xf32> to vector<16xf32>
          %bitcast_convert_type3A_429 = tpu.bitcast %get3A_428 : vector<16xf32> -> vector<16xi32>
          %shift_left3A_430 = arith.constant 16 : i32
          %shift_left3A_431 = vector.broadcast %shift_left3A_430 : i32 to vector<16xi32>
          %shift_left3A_432 = arith.shli %bitcast_convert_type3A_419, %shift_left3A_431 : vector<16xi32>
          %bitcast_convert_type3A_433 = tpu.bitcast %shift_left3A_432 : vector<16xi32> -> vector<16xf32>
          %and3A_434 = arith.constant -65536 : i32
          %and3A_435 = vector.broadcast %and3A_434 : i32 to vector<16xi32>
          %and3A_436 = arith.andi %bitcast_convert_type3A_419, %and3A_435 : vector<16xi32>
          %bitcast_convert_type3A_437 = tpu.bitcast %and3A_436 : vector<16xi32> -> vector<16xf32>
          %shift_left3A_438 = arith.constant 16 : i32
          %shift_left3A_439 = vector.broadcast %shift_left3A_438 : i32 to vector<16xi32>
          %shift_left3A_440 = arith.shli %bitcast_convert_type3A_424, %shift_left3A_439 : vector<16xi32>
          %bitcast_convert_type3A_441 = tpu.bitcast %shift_left3A_440 : vector<16xi32> -> vector<16xf32>
          %and3A_442 = arith.constant -65536 : i32
          %and3A_443 = vector.broadcast %and3A_442 : i32 to vector<16xi32>
          %and3A_444 = arith.andi %bitcast_convert_type3A_424, %and3A_443 : vector<16xi32>
          %bitcast_convert_type3A_445 = tpu.bitcast %and3A_444 : vector<16xi32> -> vector<16xf32>
          %shift_left3A_446 = arith.constant 16 : i32
          %shift_left3A_447 = vector.broadcast %shift_left3A_446 : i32 to vector<16xi32>
          %shift_left3A_448 = arith.shli %bitcast_convert_type3A_429, %shift_left3A_447 : vector<16xi32>
          %bitcast_convert_type3A_449 = tpu.bitcast %shift_left3A_448 : vector<16xi32> -> vector<16xf32>
          %and3A_450 = arith.constant -65536 : i32
          %and3A_451 = vector.broadcast %and3A_450 : i32 to vector<16xi32>
          %and3A_452 = arith.andi %bitcast_convert_type3A_429, %and3A_451 : vector<16xi32>
          %bitcast_convert_type3A_453 = tpu.bitcast %and3A_452 : vector<16xi32> -> vector<16xf32>
          %mul3A_454 = arith.mulf %bitcast_convert_type3A_433, %bitcast_convert_type3A_441 : vector<16xf32>
          %mul3A_455 = arith.mulf %mul3A_454, %bitcast_convert_type3A_449 : vector<16xf32>
          %add3A_456 = arith.addf %add3A_414, %mul3A_455 : vector<16xf32>
          %mul3A_457 = arith.mulf %bitcast_convert_type3A_437, %bitcast_convert_type3A_445 : vector<16xf32>
          %mul3A_458 = arith.mulf %mul3A_457, %bitcast_convert_type3A_453 : vector<16xf32>
          %add3A_459 = arith.addf %add3A_456, %mul3A_458 : vector<16xf32>
          %xor3A = arith.constant 8 : i32
          %xor3A_460 = vector.broadcast %xor3A : i32 to vector<16xi32>
          %xor3A_461 = arith.xori %iota3A, %xor3A_460 : vector<16xi32>
          %lt3A_462 = arith.constant 0 : i32
          %lt3A_463 = vector.broadcast %lt3A_462 : i32 to vector<16xi32>
          %lt3A_464 = arith.cmpi slt, %xor3A_461, %lt3A_463 : vector<16xi32>
          %add3A_465 = arith.constant 16 : i32
          %add3A_466 = vector.broadcast %add3A_465 : i32 to vector<16xi32>
          %add3A_467 = arith.addi %xor3A_461, %add3A_466 : vector<16xi32>
          %select_n3A_468 = arith.select %lt3A_464, %add3A_467, %xor3A_461 : vector<16xi1>, vector<16xi32>
          %broadcast_in_dim3A_469 = vector.shape_cast %select_n3A_468 : vector<16xi32> to vector<16x1xi32>
          %gather3A = vector.shape_cast %broadcast_in_dim3A_469 : vector<16x1xi32> to vector<16xi32>
          %gather3A_470 = tpu.dynamic_gather %add3A_459[%gather3A] in [0] : vector<16xf32>, vector<16xi32> -> vector<16xf32>
          %add3A_471 = arith.addf %add3A_459, %gather3A_470 : vector<16xf32>
          %xor3A_472 = arith.constant 4 : i32
          %xor3A_473 = vector.broadcast %xor3A_472 : i32 to vector<16xi32>
          %xor3A_474 = arith.xori %iota3A, %xor3A_473 : vector<16xi32>
          %lt3A_475 = arith.constant 0 : i32
          %lt3A_476 = vector.broadcast %lt3A_475 : i32 to vector<16xi32>
          %lt3A_477 = arith.cmpi slt, %xor3A_474, %lt3A_476 : vector<16xi32>
          %add3A_478 = arith.constant 16 : i32
          %add3A_479 = vector.broadcast %add3A_478 : i32 to vector<16xi32>
          %add3A_480 = arith.addi %xor3A_474, %add3A_479 : vector<16xi32>
          %select_n3A_481 = arith.select %lt3A_477, %add3A_480, %xor3A_474 : vector<16xi1>, vector<16xi32>
          %broadcast_in_dim3A_482 = vector.shape_cast %select_n3A_481 : vector<16xi32> to vector<16x1xi32>
          %gather3A_483 = vector.shape_cast %broadcast_in_dim3A_482 : vector<16x1xi32> to vector<16xi32>
          %gather3A_484 = tpu.dynamic_gather %add3A_471[%gather3A_483] in [0] : vector<16xf32>, vector<16xi32> -> vector<16xf32>
          %add3A_485 = arith.addf %add3A_471, %gather3A_484 : vector<16xf32>
          %xor3A_486 = arith.constant 2 : i32
          %xor3A_487 = vector.broadcast %xor3A_486 : i32 to vector<16xi32>
          %xor3A_488 = arith.xori %iota3A, %xor3A_487 : vector<16xi32>
          %lt3A_489 = arith.constant 0 : i32
          %lt3A_490 = vector.broadcast %lt3A_489 : i32 to vector<16xi32>
          %lt3A_491 = arith.cmpi slt, %xor3A_488, %lt3A_490 : vector<16xi32>
          %add3A_492 = arith.constant 16 : i32
          %add3A_493 = vector.broadcast %add3A_492 : i32 to vector<16xi32>
          %add3A_494 = arith.addi %xor3A_488, %add3A_493 : vector<16xi32>
          %select_n3A_495 = arith.select %lt3A_491, %add3A_494, %xor3A_488 : vector<16xi1>, vector<16xi32>
          %broadcast_in_dim3A_496 = vector.shape_cast %select_n3A_495 : vector<16xi32> to vector<16x1xi32>
          %gather3A_497 = vector.shape_cast %broadcast_in_dim3A_496 : vector<16x1xi32> to vector<16xi32>
          %gather3A_498 = tpu.dynamic_gather %add3A_485[%gather3A_497] in [0] : vector<16xf32>, vector<16xi32> -> vector<16xf32>
          %add3A_499 = arith.addf %add3A_485, %gather3A_498 : vector<16xf32>
          %xor3A_500 = arith.constant 1 : i32
          %xor3A_501 = vector.broadcast %xor3A_500 : i32 to vector<16xi32>
          %xor3A_502 = arith.xori %iota3A, %xor3A_501 : vector<16xi32>
          %lt3A_503 = arith.constant 0 : i32
          %lt3A_504 = vector.broadcast %lt3A_503 : i32 to vector<16xi32>
          %lt3A_505 = arith.cmpi slt, %xor3A_502, %lt3A_504 : vector<16xi32>
          %add3A_506 = arith.constant 16 : i32
          %add3A_507 = vector.broadcast %add3A_506 : i32 to vector<16xi32>
          %add3A_508 = arith.addi %xor3A_502, %add3A_507 : vector<16xi32>
          %select_n3A_509 = arith.select %lt3A_505, %add3A_508, %xor3A_502 : vector<16xi1>, vector<16xi32>
          %broadcast_in_dim3A_510 = vector.shape_cast %select_n3A_509 : vector<16xi32> to vector<16x1xi32>
          %gather3A_511 = vector.shape_cast %broadcast_in_dim3A_510 : vector<16x1xi32> to vector<16xi32>
          %gather3A_512 = tpu.dynamic_gather %add3A_499[%gather3A_511] in [0] : vector<16xf32>, vector<16xi32> -> vector<16xf32>
          %add3A_513 = arith.addf %add3A_499, %gather3A_512 : vector<16xf32>
          %eq3A_514 = vector.broadcast %scan3A_276 : i32 to vector<16xi32>
          %eq3A_515 = arith.cmpi eq, %iota3A, %eq3A_514 : vector<16xi32>
          %select_n3A_516 = arith.select %eq3A_515, %add3A_513, %scan3A_277 : vector<16xi1>, vector<16xf32>
          scf.yield %select_n3A_516 : vector<16xf32>
        }
        %scan3A_262 = arith.constant 16 : i32
        %neg3A = arith.constant 0.000000e+00 : f32
        %neg3A_263 = vector.broadcast %neg3A : f32 to vector<16xf32>
        %neg3A_264 = arith.subf %neg3A_263, %scan3A_261 : vector<16xf32>
        %exp3A = math.exp %neg3A_264 : vector<16xf32>
        %add3A_265 = arith.constant 1.000000e+00 : f32
        %add3A_266 = vector.broadcast %add3A_265 : f32 to vector<16xf32>
        %add3A_267 = arith.addf %add3A_266, %exp3A : vector<16xf32>
        %div3A_268 = arith.constant 1.000000e+00 : f32
        %div3A_269 = vector.broadcast %div3A_268 : f32 to vector<16xf32>
        %div3A_270 = arith.divf %div3A_269, %add3A_267 : vector<16xf32>
        %mul3A_271 = arith.constant 16 : i32
        %mul3A_272 = arith.muli %scan3A_255, %mul3A_271 : i32
        %swap3A = arith.index_cast %mul3A_272 : i32 to index
        %swap3A_273 = tpu.vector_load %arg18[%swap3A] {strides = array<i32>} : memref<128xf32, #tpu.memory_space<vmem>>, vector<16xf32>,
        %swap3A_274 = vector.shape_cast %swap3A_273 : vector<16xf32> to vector<16xf32>
        %swap3A_275 = vector.shape_cast %div3A_270 : vector<16xf32> to vector<16xf32>
        tpu.vector_store %arg18[%swap3A], %swap3A_275 {strides = array<i32>} : memref<128xf32, #tpu.memory_space<vmem>>, vector<16xf32>,
      }
      %scan3A_240 = arith.constant 8 : i32
      %mul3A_241 = arith.constant 1 : i32
      %mul3A_242 = arith.muli %mul3A_241, %select_n3A_28 : i32
      %add3A_243 = arith.addi %mul3A_242, %add3A_211 : i32
      %mul3A_244 = arith.constant 128 : i32
      %mul3A_245 = arith.muli %add3A_243, %mul3A_244 : i32
      %add3A_246 = arith.addi %mul3A_10, %mul3A_245 : i32
      %dma_start3A_247 = tpu.memref_slice %arg7[%add3A_246] : memref<327680xf32, #tpu.memory_space<hbm>> -> memref<128xf32, #tpu.memory_space<hbm>>
      %dma_start3A_248 = tpu.memref_slice %arg7[%add3A_246] : memref<327680xf32, #tpu.memory_space<hbm>> -> memref<128xf32, #tpu.memory_space<hbm>>
      tpu.enqueue_dma source(%arg18 : memref<128xf32, #tpu.memory_space<vmem>>) target(%dma_start3A_248 : memref<128xf32, #tpu.memory_space<hbm>>) target_semaphore(%arg22 : memref<!tpu.dma_semaphore, #tpu.memory_space<semaphore_mem>>)
      %sub3A_249 = arith.constant 1 : i32
      %sub3A_250 = arith.subi %select_n3A_52, %sub3A_249 : i32
      %lt3A_251 = arith.cmpi slt, %while3A_164, %sub3A_250 : i32
      %convert_element_type3A_252 = arith.extui %lt3A_251 : i1 to i32
      %cond3A_253 = arith.constant 0 : i32
      %cond3A_254 = arith.cmpi ne, %convert_element_type3A_252, %cond3A_253 : i32
      scf.if %cond3A_254 {
        %add3A_255 = arith.constant 2 : i32
        %add3A_256 = arith.addi %add3A_211, %add3A_255 : i32
        %dma_start3A_257 = arith.constant 0 : i32
        %dma_start3A_258 = tpu.memref_slice %arg8[%add3A_256, %dma_start3A_257] : memref<76x128xi32, #tpu.memory_space<vmem>> -> memref<1x128xi32, #tpu.memory_space<vmem>>
        %dma_start3A_259 = tpu.memref_squeeze %dma_start3A_258 : memref<1x128xi32, #tpu.memory_space<vmem>> -> memref<128xi32, #tpu.memory_space<vmem>>
        %dma_start3A_260 = arith.constant 0 : i32
        %dma_start3A_261 = arith.constant 0 : i32
        %dma_start3A_262 = tpu.memref_slice %arg5[%dma_start3A_260, %dma_start3A_261] : memref<10000x64xf32, #tpu.memory_space<hbm>> -> memref<10000x64xf32, #tpu.memory_space<hbm>>
        tpu.enqueue_indirect_dma source(%dma_start3A_262 : memref<10000x64xf32, #tpu.memory_space<hbm>>) target(%arg14 : memref<128x64xf32, #tpu.memory_space<vmem>>) offsets(%dma_start3A_259 : memref<128xi32, #tpu.memory_space<vmem>>) semaphore(%arg20 : memref<!tpu.dma_semaphore, #tpu.memory_space<semaphore_mem>>)
        %dma_start3A_263 = arith.constant 0 : i32
        %dma_start3A_264 = tpu.memref_slice %arg9[%add3A_256, %dma_start3A_263] : memref<76x128xi32, #tpu.memory_space<vmem>> -> memref<1x128xi32, #tpu.memory_space<vmem>>
        %dma_start3A_265 = tpu.memref_squeeze %dma_start3A_264 : memref<1x128xi32, #tpu.memory_space<vmem>> -> memref<128xi32, #tpu.memory_space<vmem>>
        %dma_start3A_266 = arith.constant 0 : i32
        %dma_start3A_267 = arith.constant 0 : i32
        %dma_start3A_268 = tpu.memref_slice %arg5[%dma_start3A_266, %dma_start3A_267] : memref<10000x64xf32, #tpu.memory_space<hbm>> -> memref<10000x64xf32, #tpu.memory_space<hbm>>
        tpu.enqueue_indirect_dma source(%dma_start3A_268 : memref<10000x64xf32, #tpu.memory_space<hbm>>) target(%arg15 : memref<128x64xf32, #tpu.memory_space<vmem>>) offsets(%dma_start3A_265 : memref<128xi32, #tpu.memory_space<vmem>>) semaphore(%arg20 : memref<!tpu.dma_semaphore, #tpu.memory_space<semaphore_mem>>)
        %dma_start3A_269 = arith.constant 0 : i32
        %dma_start3A_270 = tpu.memref_slice %arg10[%add3A_256, %dma_start3A_269] : memref<76x128xi32, #tpu.memory_space<vmem>> -> memref<1x128xi32, #tpu.memory_space<vmem>>
        %dma_start3A_271 = tpu.memref_squeeze %dma_start3A_270 : memref<1x128xi32, #tpu.memory_space<vmem>> -> memref<128xi32, #tpu.memory_space<vmem>>
        %dma_start3A_272 = arith.constant 0 : i32
        %dma_start3A_273 = arith.constant 0 : i32
        %dma_start3A_274 = tpu.memref_slice %arg6[%dma_start3A_272, %dma_start3A_273] : memref<964x64xf32, #tpu.memory_space<hbm>> -> memref<964x64xf32, #tpu.memory_space<hbm>>
        tpu.enqueue_indirect_dma source(%dma_start3A_274 : memref<964x64xf32, #tpu.memory_space<hbm>>) target(%arg16 : memref<128x64xf32, #tpu.memory_space<vmem>>) offsets(%dma_start3A_271 : memref<128xi32, #tpu.memory_space<vmem>>) semaphore(%arg20 : memref<!tpu.dma_semaphore, #tpu.memory_space<semaphore_mem>>)
      } else {
      }
    }
    %while3A_160 = arith.constant 1 : i32
    scf.for %while3A_164 = %while3A_158 to %while3A_154 step %while3A_160  : i32 {
      %mul3A_165 = arith.constant 2 : i32
      %mul3A_166 = arith.muli %while3A_164, %mul3A_165 : i32
      %add3A_167 = arith.constant 0 : i32
      %add3A_168 = arith.addi %mul3A_166, %add3A_167 : i32
      %dma_wait3A_169 = arith.constant 0 : i32
      %dma_wait3A_170 = arith.constant 0 : i32
      %dma_wait3A_171 = tpu.memref_slice %arg8[%dma_wait3A_169, %dma_wait3A_170] : memref<76x128xi32, #tpu.memory_space<vmem>> -> memref<1x128xi32, #tpu.memory_space<vmem>>
      %dma_wait3A_172 = tpu.memref_squeeze %dma_wait3A_171 : memref<1x128xi32, #tpu.memory_space<vmem>> -> memref<128xi32, #tpu.memory_space<vmem>>
      %dma_wait3A_173 = arith.constant 0 : i32
      %dma_wait3A_174 = arith.constant 0 : i32
      %dma_wait3A_175 = tpu.memref_slice %arg5[%dma_wait3A_173, %dma_wait3A_174] : memref<10000x64xf32, #tpu.memory_space<hbm>> -> memref<10000x64xf32, #tpu.memory_space<hbm>>
      tpu.wait_indirect_dma semaphore(%arg19 : memref<!tpu.dma_semaphore, #tpu.memory_space<semaphore_mem>>) src(%dma_wait3A_175 : memref<10000x64xf32, #tpu.memory_space<hbm>>) dst(%arg11 : memref<128x64xf32, #tpu.memory_space<vmem>>)
      %dma_wait3A_176 = arith.constant 0 : i32
      %dma_wait3A_177 = arith.constant 0 : i32
      %dma_wait3A_178 = tpu.memref_slice %arg9[%dma_wait3A_176, %dma_wait3A_177] : memref<76x128xi32, #tpu.memory_space<vmem>> -> memref<1x128xi32, #tpu.memory_space<vmem>>
      %dma_wait3A_179 = tpu.memref_squeeze %dma_wait3A_178 : memref<1x128xi32, #tpu.memory_space<vmem>> -> memref<128xi32, #tpu.memory_space<vmem>>
      %dma_wait3A_180 = arith.constant 0 : i32
      %dma_wait3A_181 = arith.constant 0 : i32
      %dma_wait3A_182 = tpu.memref_slice %arg5[%dma_wait3A_180, %dma_wait3A_181] : memref<10000x64xf32, #tpu.memory_space<hbm>> -> memref<10000x64xf32, #tpu.memory_space<hbm>>
      tpu.wait_indirect_dma semaphore(%arg19 : memref<!tpu.dma_semaphore, #tpu.memory_space<semaphore_mem>>) src(%dma_wait3A_182 : memref<10000x64xf32, #tpu.memory_space<hbm>>) dst(%arg12 : memref<128x64xf32, #tpu.memory_space<vmem>>)
      %dma_wait3A_183 = arith.constant 0 : i32
      %dma_wait3A_184 = arith.constant 0 : i32
      %dma_wait3A_185 = tpu.memref_slice %arg10[%dma_wait3A_183, %dma_wait3A_184] : memref<76x128xi32, #tpu.memory_space<vmem>> -> memref<1x128xi32, #tpu.memory_space<vmem>>
      %dma_wait3A_186 = tpu.memref_squeeze %dma_wait3A_185 : memref<1x128xi32, #tpu.memory_space<vmem>> -> memref<128xi32, #tpu.memory_space<vmem>>
      %dma_wait3A_187 = arith.constant 0 : i32
      %dma_wait3A_188 = arith.constant 0 : i32
      %dma_wait3A_189 = tpu.memref_slice %arg6[%dma_wait3A_187, %dma_wait3A_188] : memref<964x64xf32, #tpu.memory_space<hbm>> -> memref<964x64xf32, #tpu.memory_space<hbm>>
      tpu.wait_indirect_dma semaphore(%arg19 : memref<!tpu.dma_semaphore, #tpu.memory_space<semaphore_mem>>) src(%dma_wait3A_189 : memref<964x64xf32, #tpu.memory_space<hbm>>) dst(%arg13 : memref<128x64xf32, #tpu.memory_space<vmem>>)
      %dma_wait3A_190 = tpu.memref_slice %arg7[%mul3A_10] : memref<327680xf32, #tpu.memory_space<hbm>> -> memref<128xf32, #tpu.memory_space<hbm>>
      %dma_wait3A_191 = tpu.memref_slice %arg7[%mul3A_10] : memref<327680xf32, #tpu.memory_space<hbm>> -> memref<128xf32, #tpu.memory_space<hbm>>
      tpu.wait_dma2 semaphore(%arg21 : memref<!tpu.dma_semaphore, #tpu.memory_space<semaphore_mem>>) src(%arg17 : memref<128xf32, #tpu.memory_space<vmem>>) dst(%dma_wait3A_191 : memref<128xf32, #tpu.memory_space<hbm>>)
      %scan3A = arith.constant 0 : i32
      %scan3A_192 = arith.constant 0 : i32
      %scan3A_193 = arith.constant 8 : i32
      %scan3A_194 = arith.addi %scan3A_192, %scan3A_193 : i32
      %scan3A_195 = arith.constant 1 : i32
      scf.for %scan3A_255 = %scan3A_192 to %scan3A_194 step %scan3A_195  : i32 {
        %broadcast_in_dim3A = arith.constant 0.000000e+00 : f32
        %broadcast_in_dim3A_256 = vector.broadcast %broadcast_in_dim3A : f32 to vector<16xf32>
        %scan3A_257 = arith.constant 0 : i32
        %scan3A_258 = arith.constant 16 : i32
        %scan3A_259 = arith.addi %scan3A_257, %scan3A_258 : i32
        %scan3A_260 = arith.constant 1 : i32
        %scan3A_261 = scf.for %scan3A_276 = %scan3A_257 to %scan3A_259 step %scan3A_260 iter_args(%scan3A_277 = %broadcast_in_dim3A_256) -> (vector<16xf32>)  : i32 {
          %mul3A_278 = arith.constant 16 : i32
          %mul3A_279 = arith.muli %scan3A_255, %mul3A_278 : i32
          %add3A_280 = arith.addi %mul3A_279, %scan3A_276 : i32
          %broadcast_in_dim3A_281 = arith.constant 0.000000e+00 : f32
          %broadcast_in_dim3A_282 = vector.broadcast %broadcast_in_dim3A_281 : f32 to vector<16xf32>
          %get3A = arith.index_cast %add3A_280 : i32 to index
          %get3A_283 = arith.constant 0 : index
          %get3A_284 = tpu.vector_load %arg11[%get3A, %get3A_283] {strides = array<i32>} : memref<128x64xf32, #tpu.memory_space<vmem>>, vector<1x16xf32>,
          %get3A_285 = vector.shape_cast %get3A_284 : vector<1x16xf32> to vector<16xf32>
          %bitcast_convert_type3A = tpu.bitcast %get3A_285 : vector<16xf32> -> vector<16xi32>
          %get3A_286 = arith.index_cast %add3A_280 : i32 to index
          %get3A_287 = arith.constant 0 : index
          %get3A_288 = tpu.vector_load %arg12[%get3A_286, %get3A_287] {strides = array<i32>} : memref<128x64xf32, #tpu.memory_space<vmem>>, vector<1x16xf32>,
          %get3A_289 = vector.shape_cast %get3A_288 : vector<1x16xf32> to vector<16xf32>
          %bitcast_convert_type3A_290 = tpu.bitcast %get3A_289 : vector<16xf32> -> vector<16xi32>
          %get3A_291 = arith.index_cast %add3A_280 : i32 to index
          %get3A_292 = arith.constant 0 : index
          %get3A_293 = tpu.vector_load %arg13[%get3A_291, %get3A_292] {strides = array<i32>} : memref<128x64xf32, #tpu.memory_space<vmem>>, vector<1x16xf32>,
          %get3A_294 = vector.shape_cast %get3A_293 : vector<1x16xf32> to vector<16xf32>
          %bitcast_convert_type3A_295 = tpu.bitcast %get3A_294 : vector<16xf32> -> vector<16xi32>
          %shift_left3A = arith.constant 16 : i32
          %shift_left3A_296 = vector.broadcast %shift_left3A : i32 to vector<16xi32>
          %shift_left3A_297 = arith.shli %bitcast_convert_type3A, %shift_left3A_296 : vector<16xi32>
          %bitcast_convert_type3A_298 = tpu.bitcast %shift_left3A_297 : vector<16xi32> -> vector<16xf32>
          %and3A_299 = arith.constant -65536 : i32
          %and3A_300 = vector.broadcast %and3A_299 : i32 to vector<16xi32>
          %and3A_301 = arith.andi %bitcast_convert_type3A, %and3A_300 : vector<16xi32>
          %bitcast_convert_type3A_302 = tpu.bitcast %and3A_301 : vector<16xi32> -> vector<16xf32>
          %shift_left3A_303 = arith.constant 16 : i32
          %shift_left3A_304 = vector.broadcast %shift_left3A_303 : i32 to vector<16xi32>
          %shift_left3A_305 = arith.shli %bitcast_convert_type3A_290, %shift_left3A_304 : vector<16xi32>
          %bitcast_convert_type3A_306 = tpu.bitcast %shift_left3A_305 : vector<16xi32> -> vector<16xf32>
          %and3A_307 = arith.constant -65536 : i32
          %and3A_308 = vector.broadcast %and3A_307 : i32 to vector<16xi32>
          %and3A_309 = arith.andi %bitcast_convert_type3A_290, %and3A_308 : vector<16xi32>
          %bitcast_convert_type3A_310 = tpu.bitcast %and3A_309 : vector<16xi32> -> vector<16xf32>
          %shift_left3A_311 = arith.constant 16 : i32
          %shift_left3A_312 = vector.broadcast %shift_left3A_311 : i32 to vector<16xi32>
          %shift_left3A_313 = arith.shli %bitcast_convert_type3A_295, %shift_left3A_312 : vector<16xi32>
          %bitcast_convert_type3A_314 = tpu.bitcast %shift_left3A_313 : vector<16xi32> -> vector<16xf32>
          %and3A_315 = arith.constant -65536 : i32
          %and3A_316 = vector.broadcast %and3A_315 : i32 to vector<16xi32>
          %and3A_317 = arith.andi %bitcast_convert_type3A_295, %and3A_316 : vector<16xi32>
          %bitcast_convert_type3A_318 = tpu.bitcast %and3A_317 : vector<16xi32> -> vector<16xf32>
          %mul3A_319 = arith.mulf %bitcast_convert_type3A_298, %bitcast_convert_type3A_306 : vector<16xf32>
          %mul3A_320 = arith.mulf %mul3A_319, %bitcast_convert_type3A_314 : vector<16xf32>
          %add3A_321 = arith.addf %broadcast_in_dim3A_282, %mul3A_320 : vector<16xf32>
          %mul3A_322 = arith.mulf %bitcast_convert_type3A_302, %bitcast_convert_type3A_310 : vector<16xf32>
          %mul3A_323 = arith.mulf %mul3A_322, %bitcast_convert_type3A_318 : vector<16xf32>
          %add3A_324 = arith.addf %add3A_321, %mul3A_323 : vector<16xf32>
          %get3A_325 = arith.index_cast %add3A_280 : i32 to index
          %get3A_326 = arith.constant 16 : index
          %get3A_327 = tpu.vector_load %arg11[%get3A_325, %get3A_326] {strides = array<i32>} : memref<128x64xf32, #tpu.memory_space<vmem>>, vector<1x16xf32>,
          %get3A_328 = vector.shape_cast %get3A_327 : vector<1x16xf32> to vector<16xf32>
          %bitcast_convert_type3A_329 = tpu.bitcast %get3A_328 : vector<16xf32> -> vector<16xi32>
          %get3A_330 = arith.index_cast %add3A_280 : i32 to index
          %get3A_331 = arith.constant 16 : index
          %get3A_332 = tpu.vector_load %arg12[%get3A_330, %get3A_331] {strides = array<i32>} : memref<128x64xf32, #tpu.memory_space<vmem>>, vector<1x16xf32>,
          %get3A_333 = vector.shape_cast %get3A_332 : vector<1x16xf32> to vector<16xf32>
          %bitcast_convert_type3A_334 = tpu.bitcast %get3A_333 : vector<16xf32> -> vector<16xi32>
          %get3A_335 = arith.index_cast %add3A_280 : i32 to index
          %get3A_336 = arith.constant 16 : index
          %get3A_337 = tpu.vector_load %arg13[%get3A_335, %get3A_336] {strides = array<i32>} : memref<128x64xf32, #tpu.memory_space<vmem>>, vector<1x16xf32>,
          %get3A_338 = vector.shape_cast %get3A_337 : vector<1x16xf32> to vector<16xf32>
          %bitcast_convert_type3A_339 = tpu.bitcast %get3A_338 : vector<16xf32> -> vector<16xi32>
          %shift_left3A_340 = arith.constant 16 : i32
          %shift_left3A_341 = vector.broadcast %shift_left3A_340 : i32 to vector<16xi32>
          %shift_left3A_342 = arith.shli %bitcast_convert_type3A_329, %shift_left3A_341 : vector<16xi32>
          %bitcast_convert_type3A_343 = tpu.bitcast %shift_left3A_342 : vector<16xi32> -> vector<16xf32>
          %and3A_344 = arith.constant -65536 : i32
          %and3A_345 = vector.broadcast %and3A_344 : i32 to vector<16xi32>
          %and3A_346 = arith.andi %bitcast_convert_type3A_329, %and3A_345 : vector<16xi32>
          %bitcast_convert_type3A_347 = tpu.bitcast %and3A_346 : vector<16xi32> -> vector<16xf32>
          %shift_left3A_348 = arith.constant 16 : i32
          %shift_left3A_349 = vector.broadcast %shift_left3A_348 : i32 to vector<16xi32>
          %shift_left3A_350 = arith.shli %bitcast_convert_type3A_334, %shift_left3A_349 : vector<16xi32>
          %bitcast_convert_type3A_351 = tpu.bitcast %shift_left3A_350 : vector<16xi32> -> vector<16xf32>
          %and3A_352 = arith.constant -65536 : i32
          %and3A_353 = vector.broadcast %and3A_352 : i32 to vector<16xi32>
          %and3A_354 = arith.andi %bitcast_convert_type3A_334, %and3A_353 : vector<16xi32>
          %bitcast_convert_type3A_355 = tpu.bitcast %and3A_354 : vector<16xi32> -> vector<16xf32>
          %shift_left3A_356 = arith.constant 16 : i32
          %shift_left3A_357 = vector.broadcast %shift_left3A_356 : i32 to vector<16xi32>
          %shift_left3A_358 = arith.shli %bitcast_convert_type3A_339, %shift_left3A_357 : vector<16xi32>
          %bitcast_convert_type3A_359 = tpu.bitcast %shift_left3A_358 : vector<16xi32> -> vector<16xf32>
          %and3A_360 = arith.constant -65536 : i32
          %and3A_361 = vector.broadcast %and3A_360 : i32 to vector<16xi32>
          %and3A_362 = arith.andi %bitcast_convert_type3A_339, %and3A_361 : vector<16xi32>
          %bitcast_convert_type3A_363 = tpu.bitcast %and3A_362 : vector<16xi32> -> vector<16xf32>
          %mul3A_364 = arith.mulf %bitcast_convert_type3A_343, %bitcast_convert_type3A_351 : vector<16xf32>
          %mul3A_365 = arith.mulf %mul3A_364, %bitcast_convert_type3A_359 : vector<16xf32>
          %add3A_366 = arith.addf %add3A_324, %mul3A_365 : vector<16xf32>
          %mul3A_367 = arith.mulf %bitcast_convert_type3A_347, %bitcast_convert_type3A_355 : vector<16xf32>
          %mul3A_368 = arith.mulf %mul3A_367, %bitcast_convert_type3A_363 : vector<16xf32>
          %add3A_369 = arith.addf %add3A_366, %mul3A_368 : vector<16xf32>
          %get3A_370 = arith.index_cast %add3A_280 : i32 to index
          %get3A_371 = arith.constant 32 : index
          %get3A_372 = tpu.vector_load %arg11[%get3A_370, %get3A_371] {strides = array<i32>} : memref<128x64xf32, #tpu.memory_space<vmem>>, vector<1x16xf32>,
          %get3A_373 = vector.shape_cast %get3A_372 : vector<1x16xf32> to vector<16xf32>
          %bitcast_convert_type3A_374 = tpu.bitcast %get3A_373 : vector<16xf32> -> vector<16xi32>
          %get3A_375 = arith.index_cast %add3A_280 : i32 to index
          %get3A_376 = arith.constant 32 : index
          %get3A_377 = tpu.vector_load %arg12[%get3A_375, %get3A_376] {strides = array<i32>} : memref<128x64xf32, #tpu.memory_space<vmem>>, vector<1x16xf32>,
          %get3A_378 = vector.shape_cast %get3A_377 : vector<1x16xf32> to vector<16xf32>
          %bitcast_convert_type3A_379 = tpu.bitcast %get3A_378 : vector<16xf32> -> vector<16xi32>
          %get3A_380 = arith.index_cast %add3A_280 : i32 to index
          %get3A_381 = arith.constant 32 : index
          %get3A_382 = tpu.vector_load %arg13[%get3A_380, %get3A_381] {strides = array<i32>} : memref<128x64xf32, #tpu.memory_space<vmem>>, vector<1x16xf32>,
          %get3A_383 = vector.shape_cast %get3A_382 : vector<1x16xf32> to vector<16xf32>
          %bitcast_convert_type3A_384 = tpu.bitcast %get3A_383 : vector<16xf32> -> vector<16xi32>
          %shift_left3A_385 = arith.constant 16 : i32
          %shift_left3A_386 = vector.broadcast %shift_left3A_385 : i32 to vector<16xi32>
          %shift_left3A_387 = arith.shli %bitcast_convert_type3A_374, %shift_left3A_386 : vector<16xi32>
          %bitcast_convert_type3A_388 = tpu.bitcast %shift_left3A_387 : vector<16xi32> -> vector<16xf32>
          %and3A_389 = arith.constant -65536 : i32
          %and3A_390 = vector.broadcast %and3A_389 : i32 to vector<16xi32>
          %and3A_391 = arith.andi %bitcast_convert_type3A_374, %and3A_390 : vector<16xi32>
          %bitcast_convert_type3A_392 = tpu.bitcast %and3A_391 : vector<16xi32> -> vector<16xf32>
          %shift_left3A_393 = arith.constant 16 : i32
          %shift_left3A_394 = vector.broadcast %shift_left3A_393 : i32 to vector<16xi32>
          %shift_left3A_395 = arith.shli %bitcast_convert_type3A_379, %shift_left3A_394 : vector<16xi32>
          %bitcast_convert_type3A_396 = tpu.bitcast %shift_left3A_395 : vector<16xi32> -> vector<16xf32>
          %and3A_397 = arith.constant -65536 : i32
          %and3A_398 = vector.broadcast %and3A_397 : i32 to vector<16xi32>
          %and3A_399 = arith.andi %bitcast_convert_type3A_379, %and3A_398 : vector<16xi32>
          %bitcast_convert_type3A_400 = tpu.bitcast %and3A_399 : vector<16xi32> -> vector<16xf32>
          %shift_left3A_401 = arith.constant 16 : i32
          %shift_left3A_402 = vector.broadcast %shift_left3A_401 : i32 to vector<16xi32>
          %shift_left3A_403 = arith.shli %bitcast_convert_type3A_384, %shift_left3A_402 : vector<16xi32>
          %bitcast_convert_type3A_404 = tpu.bitcast %shift_left3A_403 : vector<16xi32> -> vector<16xf32>
          %and3A_405 = arith.constant -65536 : i32
          %and3A_406 = vector.broadcast %and3A_405 : i32 to vector<16xi32>
          %and3A_407 = arith.andi %bitcast_convert_type3A_384, %and3A_406 : vector<16xi32>
          %bitcast_convert_type3A_408 = tpu.bitcast %and3A_407 : vector<16xi32> -> vector<16xf32>
          %mul3A_409 = arith.mulf %bitcast_convert_type3A_388, %bitcast_convert_type3A_396 : vector<16xf32>
          %mul3A_410 = arith.mulf %mul3A_409, %bitcast_convert_type3A_404 : vector<16xf32>
          %add3A_411 = arith.addf %add3A_369, %mul3A_410 : vector<16xf32>
          %mul3A_412 = arith.mulf %bitcast_convert_type3A_392, %bitcast_convert_type3A_400 : vector<16xf32>
          %mul3A_413 = arith.mulf %mul3A_412, %bitcast_convert_type3A_408 : vector<16xf32>
          %add3A_414 = arith.addf %add3A_411, %mul3A_413 : vector<16xf32>
          %get3A_415 = arith.index_cast %add3A_280 : i32 to index
          %get3A_416 = arith.constant 48 : index
          %get3A_417 = tpu.vector_load %arg11[%get3A_415, %get3A_416] {strides = array<i32>} : memref<128x64xf32, #tpu.memory_space<vmem>>, vector<1x16xf32>,
          %get3A_418 = vector.shape_cast %get3A_417 : vector<1x16xf32> to vector<16xf32>
          %bitcast_convert_type3A_419 = tpu.bitcast %get3A_418 : vector<16xf32> -> vector<16xi32>
          %get3A_420 = arith.index_cast %add3A_280 : i32 to index
          %get3A_421 = arith.constant 48 : index
          %get3A_422 = tpu.vector_load %arg12[%get3A_420, %get3A_421] {strides = array<i32>} : memref<128x64xf32, #tpu.memory_space<vmem>>, vector<1x16xf32>,
          %get3A_423 = vector.shape_cast %get3A_422 : vector<1x16xf32> to vector<16xf32>
          %bitcast_convert_type3A_424 = tpu.bitcast %get3A_423 : vector<16xf32> -> vector<16xi32>
          %get3A_425 = arith.index_cast %add3A_280 : i32 to index
          %get3A_426 = arith.constant 48 : index
          %get3A_427 = tpu.vector_load %arg13[%get3A_425, %get3A_426] {strides = array<i32>} : memref<128x64xf32, #tpu.memory_space<vmem>>, vector<1x16xf32>,
          %get3A_428 = vector.shape_cast %get3A_427 : vector<1x16xf32> to vector<16xf32>
          %bitcast_convert_type3A_429 = tpu.bitcast %get3A_428 : vector<16xf32> -> vector<16xi32>
          %shift_left3A_430 = arith.constant 16 : i32
          %shift_left3A_431 = vector.broadcast %shift_left3A_430 : i32 to vector<16xi32>
          %shift_left3A_432 = arith.shli %bitcast_convert_type3A_419, %shift_left3A_431 : vector<16xi32>
          %bitcast_convert_type3A_433 = tpu.bitcast %shift_left3A_432 : vector<16xi32> -> vector<16xf32>
          %and3A_434 = arith.constant -65536 : i32
          %and3A_435 = vector.broadcast %and3A_434 : i32 to vector<16xi32>
          %and3A_436 = arith.andi %bitcast_convert_type3A_419, %and3A_435 : vector<16xi32>
          %bitcast_convert_type3A_437 = tpu.bitcast %and3A_436 : vector<16xi32> -> vector<16xf32>
          %shift_left3A_438 = arith.constant 16 : i32
          %shift_left3A_439 = vector.broadcast %shift_left3A_438 : i32 to vector<16xi32>
          %shift_left3A_440 = arith.shli %bitcast_convert_type3A_424, %shift_left3A_439 : vector<16xi32>
          %bitcast_convert_type3A_441 = tpu.bitcast %shift_left3A_440 : vector<16xi32> -> vector<16xf32>
          %and3A_442 = arith.constant -65536 : i32
          %and3A_443 = vector.broadcast %and3A_442 : i32 to vector<16xi32>
          %and3A_444 = arith.andi %bitcast_convert_type3A_424, %and3A_443 : vector<16xi32>
          %bitcast_convert_type3A_445 = tpu.bitcast %and3A_444 : vector<16xi32> -> vector<16xf32>
          %shift_left3A_446 = arith.constant 16 : i32
          %shift_left3A_447 = vector.broadcast %shift_left3A_446 : i32 to vector<16xi32>
          %shift_left3A_448 = arith.shli %bitcast_convert_type3A_429, %shift_left3A_447 : vector<16xi32>
          %bitcast_convert_type3A_449 = tpu.bitcast %shift_left3A_448 : vector<16xi32> -> vector<16xf32>
          %and3A_450 = arith.constant -65536 : i32
          %and3A_451 = vector.broadcast %and3A_450 : i32 to vector<16xi32>
          %and3A_452 = arith.andi %bitcast_convert_type3A_429, %and3A_451 : vector<16xi32>
          %bitcast_convert_type3A_453 = tpu.bitcast %and3A_452 : vector<16xi32> -> vector<16xf32>
          %mul3A_454 = arith.mulf %bitcast_convert_type3A_433, %bitcast_convert_type3A_441 : vector<16xf32>
          %mul3A_455 = arith.mulf %mul3A_454, %bitcast_convert_type3A_449 : vector<16xf32>
          %add3A_456 = arith.addf %add3A_414, %mul3A_455 : vector<16xf32>
          %mul3A_457 = arith.mulf %bitcast_convert_type3A_437, %bitcast_convert_type3A_445 : vector<16xf32>
          %mul3A_458 = arith.mulf %mul3A_457, %bitcast_convert_type3A_453 : vector<16xf32>
          %add3A_459 = arith.addf %add3A_456, %mul3A_458 : vector<16xf32>
          %xor3A = arith.constant 8 : i32
          %xor3A_460 = vector.broadcast %xor3A : i32 to vector<16xi32>
          %xor3A_461 = arith.xori %iota3A, %xor3A_460 : vector<16xi32>
          %lt3A_462 = arith.constant 0 : i32
          %lt3A_463 = vector.broadcast %lt3A_462 : i32 to vector<16xi32>
          %lt3A_464 = arith.cmpi slt, %xor3A_461, %lt3A_463 : vector<16xi32>
          %add3A_465 = arith.constant 16 : i32
          %add3A_466 = vector.broadcast %add3A_465 : i32 to vector<16xi32>
          %add3A_467 = arith.addi %xor3A_461, %add3A_466 : vector<16xi32>
          %select_n3A_468 = arith.select %lt3A_464, %add3A_467, %xor3A_461 : vector<16xi1>, vector<16xi32>
          %broadcast_in_dim3A_469 = vector.shape_cast %select_n3A_468 : vector<16xi32> to vector<16x1xi32>
          %gather3A = vector.shape_cast %broadcast_in_dim3A_469 : vector<16x1xi32> to vector<16xi32>
          %gather3A_470 = tpu.dynamic_gather %add3A_459[%gather3A] in [0] : vector<16xf32>, vector<16xi32> -> vector<16xf32>
          %add3A_471 = arith.addf %add3A_459, %gather3A_470 : vector<16xf32>
          %xor3A_472 = arith.constant 4 : i32
          %xor3A_473 = vector.broadcast %xor3A_472 : i32 to vector<16xi32>
          %xor3A_474 = arith.xori %iota3A, %xor3A_473 : vector<16xi32>
          %lt3A_475 = arith.constant 0 : i32
          %lt3A_476 = vector.broadcast %lt3A_475 : i32 to vector<16xi32>
          %lt3A_477 = arith.cmpi slt, %xor3A_474, %lt3A_476 : vector<16xi32>
          %add3A_478 = arith.constant 16 : i32
          %add3A_479 = vector.broadcast %add3A_478 : i32 to vector<16xi32>
          %add3A_480 = arith.addi %xor3A_474, %add3A_479 : vector<16xi32>
          %select_n3A_481 = arith.select %lt3A_477, %add3A_480, %xor3A_474 : vector<16xi1>, vector<16xi32>
          %broadcast_in_dim3A_482 = vector.shape_cast %select_n3A_481 : vector<16xi32> to vector<16x1xi32>
          %gather3A_483 = vector.shape_cast %broadcast_in_dim3A_482 : vector<16x1xi32> to vector<16xi32>
          %gather3A_484 = tpu.dynamic_gather %add3A_471[%gather3A_483] in [0] : vector<16xf32>, vector<16xi32> -> vector<16xf32>
          %add3A_485 = arith.addf %add3A_471, %gather3A_484 : vector<16xf32>
          %xor3A_486 = arith.constant 2 : i32
          %xor3A_487 = vector.broadcast %xor3A_486 : i32 to vector<16xi32>
          %xor3A_488 = arith.xori %iota3A, %xor3A_487 : vector<16xi32>
          %lt3A_489 = arith.constant 0 : i32
          %lt3A_490 = vector.broadcast %lt3A_489 : i32 to vector<16xi32>
          %lt3A_491 = arith.cmpi slt, %xor3A_488, %lt3A_490 : vector<16xi32>
          %add3A_492 = arith.constant 16 : i32
          %add3A_493 = vector.broadcast %add3A_492 : i32 to vector<16xi32>
          %add3A_494 = arith.addi %xor3A_488, %add3A_493 : vector<16xi32>
          %select_n3A_495 = arith.select %lt3A_491, %add3A_494, %xor3A_488 : vector<16xi1>, vector<16xi32>
          %broadcast_in_dim3A_496 = vector.shape_cast %select_n3A_495 : vector<16xi32> to vector<16x1xi32>
          %gather3A_497 = vector.shape_cast %broadcast_in_dim3A_496 : vector<16x1xi32> to vector<16xi32>
          %gather3A_498 = tpu.dynamic_gather %add3A_485[%gather3A_497] in [0] : vector<16xf32>, vector<16xi32> -> vector<16xf32>
          %add3A_499 = arith.addf %add3A_485, %gather3A_498 : vector<16xf32>
          %xor3A_500 = arith.constant 1 : i32
          %xor3A_501 = vector.broadcast %xor3A_500 : i32 to vector<16xi32>
          %xor3A_502 = arith.xori %iota3A, %xor3A_501 : vector<16xi32>
          %lt3A_503 = arith.constant 0 : i32
          %lt3A_504 = vector.broadcast %lt3A_503 : i32 to vector<16xi32>
          %lt3A_505 = arith.cmpi slt, %xor3A_502, %lt3A_504 : vector<16xi32>
          %add3A_506 = arith.constant 16 : i32
          %add3A_507 = vector.broadcast %add3A_506 : i32 to vector<16xi32>
          %add3A_508 = arith.addi %xor3A_502, %add3A_507 : vector<16xi32>
          %select_n3A_509 = arith.select %lt3A_505, %add3A_508, %xor3A_502 : vector<16xi1>, vector<16xi32>
          %broadcast_in_dim3A_510 = vector.shape_cast %select_n3A_509 : vector<16xi32> to vector<16x1xi32>
          %gather3A_511 = vector.shape_cast %broadcast_in_dim3A_510 : vector<16x1xi32> to vector<16xi32>
          %gather3A_512 = tpu.dynamic_gather %add3A_499[%gather3A_511] in [0] : vector<16xf32>, vector<16xi32> -> vector<16xf32>
          %add3A_513 = arith.addf %add3A_499, %gather3A_512 : vector<16xf32>
          %eq3A_514 = vector.broadcast %scan3A_276 : i32 to vector<16xi32>
          %eq3A_515 = arith.cmpi eq, %iota3A, %eq3A_514 : vector<16xi32>
          %select_n3A_516 = arith.select %eq3A_515, %add3A_513, %scan3A_277 : vector<16xi1>, vector<16xf32>
          scf.yield %select_n3A_516 : vector<16xf32>
        }
        %scan3A_262 = arith.constant 16 : i32
        %neg3A = arith.constant 0.000000e+00 : f32
        %neg3A_263 = vector.broadcast %neg3A : f32 to vector<16xf32>
        %neg3A_264 = arith.subf %neg3A_263, %scan3A_261 : vector<16xf32>
        %exp3A = math.exp %neg3A_264 : vector<16xf32>
        %add3A_265 = arith.constant 1.000000e+00 : f32
        %add3A_266 = vector.broadcast %add3A_265 : f32 to vector<16xf32>
        %add3A_267 = arith.addf %add3A_266, %exp3A : vector<16xf32>
        %div3A_268 = arith.constant 1.000000e+00 : f32
        %div3A_269 = vector.broadcast %div3A_268 : f32 to vector<16xf32>
        %div3A_270 = arith.divf %div3A_269, %add3A_267 : vector<16xf32>
        %mul3A_271 = arith.constant 16 : i32
        %mul3A_272 = arith.muli %scan3A_255, %mul3A_271 : i32
        %swap3A = arith.index_cast %mul3A_272 : i32 to index
        %swap3A_273 = tpu.vector_load %arg17[%swap3A] {strides = array<i32>} : memref<128xf32, #tpu.memory_space<vmem>>, vector<16xf32>,
        %swap3A_274 = vector.shape_cast %swap3A_273 : vector<16xf32> to vector<16xf32>
        %swap3A_275 = vector.shape_cast %div3A_270 : vector<16xf32> to vector<16xf32>
        tpu.vector_store %arg17[%swap3A], %swap3A_275 {strides = array<i32>} : memref<128xf32, #tpu.memory_space<vmem>>, vector<16xf32>,
      }
      %scan3A_196 = arith.constant 8 : i32
      %mul3A_197 = arith.constant 1 : i32
      %mul3A_198 = arith.muli %mul3A_197, %select_n3A_28 : i32
      %add3A_199 = arith.addi %mul3A_198, %add3A_168 : i32
      %mul3A_200 = arith.constant 128 : i32
      %mul3A_201 = arith.muli %add3A_199, %mul3A_200 : i32
      %add3A_202 = arith.addi %mul3A_10, %mul3A_201 : i32
      %dma_start3A_203 = tpu.memref_slice %arg7[%add3A_202] : memref<327680xf32, #tpu.memory_space<hbm>> -> memref<128xf32, #tpu.memory_space<hbm>>
      %dma_start3A_204 = tpu.memref_slice %arg7[%add3A_202] : memref<327680xf32, #tpu.memory_space<hbm>> -> memref<128xf32, #tpu.memory_space<hbm>>
      tpu.enqueue_dma source(%arg17 : memref<128xf32, #tpu.memory_space<vmem>>) target(%dma_start3A_204 : memref<128xf32, #tpu.memory_space<hbm>>) target_semaphore(%arg21 : memref<!tpu.dma_semaphore, #tpu.memory_space<semaphore_mem>>)
      %sub3A_205 = arith.constant 1 : i32
      %sub3A_206 = arith.subi %select_n3A_52, %sub3A_205 : i32
      %lt3A = arith.cmpi slt, %while3A_164, %sub3A_206 : i32
      %convert_element_type3A = arith.extui %lt3A : i1 to i32
      %cond3A = arith.constant 0 : i32
      %cond3A_207 = arith.cmpi ne, %convert_element_type3A, %cond3A : i32
      scf.if %cond3A_207 {
        %add3A_255 = arith.constant 2 : i32
        %add3A_256 = arith.addi %add3A_168, %add3A_255 : i32
        %dma_start3A_257 = arith.constant 0 : i32
        %dma_start3A_258 = tpu.memref_slice %arg8[%add3A_256, %dma_start3A_257] : memref<76x128xi32, #tpu.memory_space<vmem>> -> memref<1x128xi32, #tpu.memory_space<vmem>>
        %dma_start3A_259 = tpu.memref_squeeze %dma_start3A_258 : memref<1x128xi32, #tpu.memory_space<vmem>> -> memref<128xi32, #tpu.memory_space<vmem>>
        %dma_start3A_260 = arith.constant 0 : i32
        %dma_start3A_261 = arith.constant 0 : i32
        %dma_start3A_262 = tpu.memref_slice %arg5[%dma_start3A_260, %dma_start3A_261] : memref<10000x64xf32, #tpu.memory_space<hbm>> -> memref<10000x64xf32, #tpu.memory_space<hbm>>
        tpu.enqueue_indirect_dma source(%dma_start3A_262 : memref<10000x64xf32, #tpu.memory_space<hbm>>) target(%arg11 : memref<128x64xf32, #tpu.memory_space<vmem>>) offsets(%dma_start3A_259 : memref<128xi32, #tpu.memory_space<vmem>>) semaphore(%arg19 : memref<!tpu.dma_semaphore, #tpu.memory_space<semaphore_mem>>)
        %dma_start3A_263 = arith.constant 0 : i32
        %dma_start3A_264 = tpu.memref_slice %arg9[%add3A_256, %dma_start3A_263] : memref<76x128xi32, #tpu.memory_space<vmem>> -> memref<1x128xi32, #tpu.memory_space<vmem>>
        %dma_start3A_265 = tpu.memref_squeeze %dma_start3A_264 : memref<1x128xi32, #tpu.memory_space<vmem>> -> memref<128xi32, #tpu.memory_space<vmem>>
        %dma_start3A_266 = arith.constant 0 : i32
        %dma_start3A_267 = arith.constant 0 : i32
        %dma_start3A_268 = tpu.memref_slice %arg5[%dma_start3A_266, %dma_start3A_267] : memref<10000x64xf32, #tpu.memory_space<hbm>> -> memref<10000x64xf32, #tpu.memory_space<hbm>>
        tpu.enqueue_indirect_dma source(%dma_start3A_268 : memref<10000x64xf32, #tpu.memory_space<hbm>>) target(%arg12 : memref<128x64xf32, #tpu.memory_space<vmem>>) offsets(%dma_start3A_265 : memref<128xi32, #tpu.memory_space<vmem>>) semaphore(%arg19 : memref<!tpu.dma_semaphore, #tpu.memory_space<semaphore_mem>>)
        %dma_start3A_269 = arith.constant 0 : i32
        %dma_start3A_270 = tpu.memref_slice %arg10[%add3A_256, %dma_start3A_269] : memref<76x128xi32, #tpu.memory_space<vmem>> -> memref<1x128xi32, #tpu.memory_space<vmem>>
        %dma_start3A_271 = tpu.memref_squeeze %dma_start3A_270 : memref<1x128xi32, #tpu.memory_space<vmem>> -> memref<128xi32, #tpu.memory_space<vmem>>
        %dma_start3A_272 = arith.constant 0 : i32
        %dma_start3A_273 = arith.constant 0 : i32
        %dma_start3A_274 = tpu.memref_slice %arg6[%dma_start3A_272, %dma_start3A_273] : memref<964x64xf32, #tpu.memory_space<hbm>> -> memref<964x64xf32, #tpu.memory_space<hbm>>
        tpu.enqueue_indirect_dma source(%dma_start3A_274 : memref<964x64xf32, #tpu.memory_space<hbm>>) target(%arg13 : memref<128x64xf32, #tpu.memory_space<vmem>>) offsets(%dma_start3A_271 : memref<128xi32, #tpu.memory_space<vmem>>) semaphore(%arg19 : memref<!tpu.dma_semaphore, #tpu.memory_space<semaphore_mem>>)
      } else {
      }
      %mul3A_208 = arith.constant 2 : i32
      %mul3A_209 = arith.muli %while3A_164, %mul3A_208 : i32
      %add3A_210 = arith.constant 1 : i32
      %add3A_211 = arith.addi %mul3A_209, %add3A_210 : i32
      %dma_wait3A_212 = arith.constant 0 : i32
      %dma_wait3A_213 = arith.constant 0 : i32
      %dma_wait3A_214 = tpu.memref_slice %arg8[%dma_wait3A_212, %dma_wait3A_213] : memref<76x128xi32, #tpu.memory_space<vmem>> -> memref<1x128xi32, #tpu.memory_space<vmem>>
      %dma_wait3A_215 = tpu.memref_squeeze %dma_wait3A_214 : memref<1x128xi32, #tpu.memory_space<vmem>> -> memref<128xi32, #tpu.memory_space<vmem>>
      %dma_wait3A_216 = arith.constant 0 : i32
      %dma_wait3A_217 = arith.constant 0 : i32
      %dma_wait3A_218 = tpu.memref_slice %arg5[%dma_wait3A_216, %dma_wait3A_217] : memref<10000x64xf32, #tpu.memory_space<hbm>> -> memref<10000x64xf32, #tpu.memory_space<hbm>>
      tpu.wait_indirect_dma semaphore(%arg20 : memref<!tpu.dma_semaphore, #tpu.memory_space<semaphore_mem>>) src(%dma_wait3A_218 : memref<10000x64xf32, #tpu.memory_space<hbm>>) dst(%arg14 : memref<128x64xf32, #tpu.memory_space<vmem>>)
      %dma_wait3A_219 = arith.constant 0 : i32
      %dma_wait3A_220 = arith.constant 0 : i32
      %dma_wait3A_221 = tpu.memref_slice %arg9[%dma_wait3A_219, %dma_wait3A_220] : memref<76x128xi32, #tpu.memory_space<vmem>> -> memref<1x128xi32, #tpu.memory_space<vmem>>
      %dma_wait3A_222 = tpu.memref_squeeze %dma_wait3A_221 : memref<1x128xi32, #tpu.memory_space<vmem>> -> memref<128xi32, #tpu.memory_space<vmem>>
      %dma_wait3A_223 = arith.constant 0 : i32
      %dma_wait3A_224 = arith.constant 0 : i32
      %dma_wait3A_225 = tpu.memref_slice %arg5[%dma_wait3A_223, %dma_wait3A_224] : memref<10000x64xf32, #tpu.memory_space<hbm>> -> memref<10000x64xf32, #tpu.memory_space<hbm>>
      tpu.wait_indirect_dma semaphore(%arg20 : memref<!tpu.dma_semaphore, #tpu.memory_space<semaphore_mem>>) src(%dma_wait3A_225 : memref<10000x64xf32, #tpu.memory_space<hbm>>) dst(%arg15 : memref<128x64xf32, #tpu.memory_space<vmem>>)
      %dma_wait3A_226 = arith.constant 0 : i32
      %dma_wait3A_227 = arith.constant 0 : i32
      %dma_wait3A_228 = tpu.memref_slice %arg10[%dma_wait3A_226, %dma_wait3A_227] : memref<76x128xi32, #tpu.memory_space<vmem>> -> memref<1x128xi32, #tpu.memory_space<vmem>>
      %dma_wait3A_229 = tpu.memref_squeeze %dma_wait3A_228 : memref<1x128xi32, #tpu.memory_space<vmem>> -> memref<128xi32, #tpu.memory_space<vmem>>
      %dma_wait3A_230 = arith.constant 0 : i32
      %dma_wait3A_231 = arith.constant 0 : i32
      %dma_wait3A_232 = tpu.memref_slice %arg6[%dma_wait3A_230, %dma_wait3A_231] : memref<964x64xf32, #tpu.memory_space<hbm>> -> memref<964x64xf32, #tpu.memory_space<hbm>>
      tpu.wait_indirect_dma semaphore(%arg20 : memref<!tpu.dma_semaphore, #tpu.memory_space<semaphore_mem>>) src(%dma_wait3A_232 : memref<964x64xf32, #tpu.memory_space<hbm>>) dst(%arg16 : memref<128x64xf32, #tpu.memory_space<vmem>>)
      %dma_wait3A_233 = tpu.memref_slice %arg7[%mul3A_10] : memref<327680xf32, #tpu.memory_space<hbm>> -> memref<128xf32, #tpu.memory_space<hbm>>
      %dma_wait3A_234 = tpu.memref_slice %arg7[%mul3A_10] : memref<327680xf32, #tpu.memory_space<hbm>> -> memref<128xf32, #tpu.memory_space<hbm>>
      tpu.wait_dma2 semaphore(%arg22 : memref<!tpu.dma_semaphore, #tpu.memory_space<semaphore_mem>>) src(%arg18 : memref<128xf32, #tpu.memory_space<vmem>>) dst(%dma_wait3A_234 : memref<128xf32, #tpu.memory_space<hbm>>)
      %scan3A_235 = arith.constant 0 : i32
      %scan3A_236 = arith.constant 0 : i32
      %scan3A_237 = arith.constant 8 : i32
      %scan3A_238 = arith.addi %scan3A_236, %scan3A_237 : i32
      %scan3A_239 = arith.constant 1 : i32
      scf.for %scan3A_255 = %scan3A_236 to %scan3A_238 step %scan3A_239  : i32 {
        %broadcast_in_dim3A = arith.constant 0.000000e+00 : f32
        %broadcast_in_dim3A_256 = vector.broadcast %broadcast_in_dim3A : f32 to vector<16xf32>
        %scan3A_257 = arith.constant 0 : i32
        %scan3A_258 = arith.constant 16 : i32
        %scan3A_259 = arith.addi %scan3A_257, %scan3A_258 : i32
        %scan3A_260 = arith.constant 1 : i32
        %scan3A_261 = scf.for %scan3A_276 = %scan3A_257 to %scan3A_259 step %scan3A_260 iter_args(%scan3A_277 = %broadcast_in_dim3A_256) -> (vector<16xf32>)  : i32 {
          %mul3A_278 = arith.constant 16 : i32
          %mul3A_279 = arith.muli %scan3A_255, %mul3A_278 : i32
          %add3A_280 = arith.addi %mul3A_279, %scan3A_276 : i32
          %broadcast_in_dim3A_281 = arith.constant 0.000000e+00 : f32
          %broadcast_in_dim3A_282 = vector.broadcast %broadcast_in_dim3A_281 : f32 to vector<16xf32>
          %get3A = arith.index_cast %add3A_280 : i32 to index
          %get3A_283 = arith.constant 0 : index
          %get3A_284 = tpu.vector_load %arg14[%get3A, %get3A_283] {strides = array<i32>} : memref<128x64xf32, #tpu.memory_space<vmem>>, vector<1x16xf32>,
          %get3A_285 = vector.shape_cast %get3A_284 : vector<1x16xf32> to vector<16xf32>
          %bitcast_convert_type3A = tpu.bitcast %get3A_285 : vector<16xf32> -> vector<16xi32>
          %get3A_286 = arith.index_cast %add3A_280 : i32 to index
          %get3A_287 = arith.constant 0 : index
          %get3A_288 = tpu.vector_load %arg15[%get3A_286, %get3A_287] {strides = array<i32>} : memref<128x64xf32, #tpu.memory_space<vmem>>, vector<1x16xf32>,
          %get3A_289 = vector.shape_cast %get3A_288 : vector<1x16xf32> to vector<16xf32>
          %bitcast_convert_type3A_290 = tpu.bitcast %get3A_289 : vector<16xf32> -> vector<16xi32>
          %get3A_291 = arith.index_cast %add3A_280 : i32 to index
          %get3A_292 = arith.constant 0 : index
          %get3A_293 = tpu.vector_load %arg16[%get3A_291, %get3A_292] {strides = array<i32>} : memref<128x64xf32, #tpu.memory_space<vmem>>, vector<1x16xf32>,
          %get3A_294 = vector.shape_cast %get3A_293 : vector<1x16xf32> to vector<16xf32>
          %bitcast_convert_type3A_295 = tpu.bitcast %get3A_294 : vector<16xf32> -> vector<16xi32>
          %shift_left3A = arith.constant 16 : i32
          %shift_left3A_296 = vector.broadcast %shift_left3A : i32 to vector<16xi32>
          %shift_left3A_297 = arith.shli %bitcast_convert_type3A, %shift_left3A_296 : vector<16xi32>
          %bitcast_convert_type3A_298 = tpu.bitcast %shift_left3A_297 : vector<16xi32> -> vector<16xf32>
          %and3A_299 = arith.constant -65536 : i32
          %and3A_300 = vector.broadcast %and3A_299 : i32 to vector<16xi32>
          %and3A_301 = arith.andi %bitcast_convert_type3A, %and3A_300 : vector<16xi32>
          %bitcast_convert_type3A_302 = tpu.bitcast %and3A_301 : vector<16xi32> -> vector<16xf32>
          %shift_left3A_303 = arith.constant 16 : i32
          %shift_left3A_304 = vector.broadcast %shift_left3A_303 : i32 to vector<16xi32>
          %shift_left3A_305 = arith.shli %bitcast_convert_type3A_290, %shift_left3A_304 : vector<16xi32>
          %bitcast_convert_type3A_306 = tpu.bitcast %shift_left3A_305 : vector<16xi32> -> vector<16xf32>
          %and3A_307 = arith.constant -65536 : i32
          %and3A_308 = vector.broadcast %and3A_307 : i32 to vector<16xi32>
          %and3A_309 = arith.andi %bitcast_convert_type3A_290, %and3A_308 : vector<16xi32>
          %bitcast_convert_type3A_310 = tpu.bitcast %and3A_309 : vector<16xi32> -> vector<16xf32>
          %shift_left3A_311 = arith.constant 16 : i32
          %shift_left3A_312 = vector.broadcast %shift_left3A_311 : i32 to vector<16xi32>
          %shift_left3A_313 = arith.shli %bitcast_convert_type3A_295, %shift_left3A_312 : vector<16xi32>
          %bitcast_convert_type3A_314 = tpu.bitcast %shift_left3A_313 : vector<16xi32> -> vector<16xf32>
          %and3A_315 = arith.constant -65536 : i32
          %and3A_316 = vector.broadcast %and3A_315 : i32 to vector<16xi32>
          %and3A_317 = arith.andi %bitcast_convert_type3A_295, %and3A_316 : vector<16xi32>
          %bitcast_convert_type3A_318 = tpu.bitcast %and3A_317 : vector<16xi32> -> vector<16xf32>
          %mul3A_319 = arith.mulf %bitcast_convert_type3A_298, %bitcast_convert_type3A_306 : vector<16xf32>
          %mul3A_320 = arith.mulf %mul3A_319, %bitcast_convert_type3A_314 : vector<16xf32>
          %add3A_321 = arith.addf %broadcast_in_dim3A_282, %mul3A_320 : vector<16xf32>
          %mul3A_322 = arith.mulf %bitcast_convert_type3A_302, %bitcast_convert_type3A_310 : vector<16xf32>
          %mul3A_323 = arith.mulf %mul3A_322, %bitcast_convert_type3A_318 : vector<16xf32>
          %add3A_324 = arith.addf %add3A_321, %mul3A_323 : vector<16xf32>
          %get3A_325 = arith.index_cast %add3A_280 : i32 to index
          %get3A_326 = arith.constant 16 : index
          %get3A_327 = tpu.vector_load %arg14[%get3A_325, %get3A_326] {strides = array<i32>} : memref<128x64xf32, #tpu.memory_space<vmem>>, vector<1x16xf32>,
          %get3A_328 = vector.shape_cast %get3A_327 : vector<1x16xf32> to vector<16xf32>
          %bitcast_convert_type3A_329 = tpu.bitcast %get3A_328 : vector<16xf32> -> vector<16xi32>
          %get3A_330 = arith.index_cast %add3A_280 : i32 to index
          %get3A_331 = arith.constant 16 : index
          %get3A_332 = tpu.vector_load %arg15[%get3A_330, %get3A_331] {strides = array<i32>} : memref<128x64xf32, #tpu.memory_space<vmem>>, vector<1x16xf32>,
          %get3A_333 = vector.shape_cast %get3A_332 : vector<1x16xf32> to vector<16xf32>
          %bitcast_convert_type3A_334 = tpu.bitcast %get3A_333 : vector<16xf32> -> vector<16xi32>
          %get3A_335 = arith.index_cast %add3A_280 : i32 to index
          %get3A_336 = arith.constant 16 : index
          %get3A_337 = tpu.vector_load %arg16[%get3A_335, %get3A_336] {strides = array<i32>} : memref<128x64xf32, #tpu.memory_space<vmem>>, vector<1x16xf32>,
          %get3A_338 = vector.shape_cast %get3A_337 : vector<1x16xf32> to vector<16xf32>
          %bitcast_convert_type3A_339 = tpu.bitcast %get3A_338 : vector<16xf32> -> vector<16xi32>
          %shift_left3A_340 = arith.constant 16 : i32
          %shift_left3A_341 = vector.broadcast %shift_left3A_340 : i32 to vector<16xi32>
          %shift_left3A_342 = arith.shli %bitcast_convert_type3A_329, %shift_left3A_341 : vector<16xi32>
          %bitcast_convert_type3A_343 = tpu.bitcast %shift_left3A_342 : vector<16xi32> -> vector<16xf32>
          %and3A_344 = arith.constant -65536 : i32
          %and3A_345 = vector.broadcast %and3A_344 : i32 to vector<16xi32>
          %and3A_346 = arith.andi %bitcast_convert_type3A_329, %and3A_345 : vector<16xi32>
          %bitcast_convert_type3A_347 = tpu.bitcast %and3A_346 : vector<16xi32> -> vector<16xf32>
          %shift_left3A_348 = arith.constant 16 : i32
          %shift_left3A_349 = vector.broadcast %shift_left3A_348 : i32 to vector<16xi32>
          %shift_left3A_350 = arith.shli %bitcast_convert_type3A_334, %shift_left3A_349 : vector<16xi32>
          %bitcast_convert_type3A_351 = tpu.bitcast %shift_left3A_350 : vector<16xi32> -> vector<16xf32>
          %and3A_352 = arith.constant -65536 : i32
          %and3A_353 = vector.broadcast %and3A_352 : i32 to vector<16xi32>
          %and3A_354 = arith.andi %bitcast_convert_type3A_334, %and3A_353 : vector<16xi32>
          %bitcast_convert_type3A_355 = tpu.bitcast %and3A_354 : vector<16xi32> -> vector<16xf32>
          %shift_left3A_356 = arith.constant 16 : i32
          %shift_left3A_357 = vector.broadcast %shift_left3A_356 : i32 to vector<16xi32>
          %shift_left3A_358 = arith.shli %bitcast_convert_type3A_339, %shift_left3A_357 : vector<16xi32>
          %bitcast_convert_type3A_359 = tpu.bitcast %shift_left3A_358 : vector<16xi32> -> vector<16xf32>
          %and3A_360 = arith.constant -65536 : i32
          %and3A_361 = vector.broadcast %and3A_360 : i32 to vector<16xi32>
          %and3A_362 = arith.andi %bitcast_convert_type3A_339, %and3A_361 : vector<16xi32>
          %bitcast_convert_type3A_363 = tpu.bitcast %and3A_362 : vector<16xi32> -> vector<16xf32>
          %mul3A_364 = arith.mulf %bitcast_convert_type3A_343, %bitcast_convert_type3A_351 : vector<16xf32>
          %mul3A_365 = arith.mulf %mul3A_364, %bitcast_convert_type3A_359 : vector<16xf32>
          %add3A_366 = arith.addf %add3A_324, %mul3A_365 : vector<16xf32>
          %mul3A_367 = arith.mulf %bitcast_convert_type3A_347, %bitcast_convert_type3A_355 : vector<16xf32>
          %mul3A_368 = arith.mulf %mul3A_367, %bitcast_convert_type3A_363 : vector<16xf32>
          %add3A_369 = arith.addf %add3A_366, %mul3A_368 : vector<16xf32>
          %get3A_370 = arith.index_cast %add3A_280 : i32 to index
          %get3A_371 = arith.constant 32 : index
          %get3A_372 = tpu.vector_load %arg14[%get3A_370, %get3A_371] {strides = array<i32>} : memref<128x64xf32, #tpu.memory_space<vmem>>, vector<1x16xf32>,
          %get3A_373 = vector.shape_cast %get3A_372 : vector<1x16xf32> to vector<16xf32>
          %bitcast_convert_type3A_374 = tpu.bitcast %get3A_373 : vector<16xf32> -> vector<16xi32>
          %get3A_375 = arith.index_cast %add3A_280 : i32 to index
          %get3A_376 = arith.constant 32 : index
          %get3A_377 = tpu.vector_load %arg15[%get3A_375, %get3A_376] {strides = array<i32>} : memref<128x64xf32, #tpu.memory_space<vmem>>, vector<1x16xf32>,
          %get3A_378 = vector.shape_cast %get3A_377 : vector<1x16xf32> to vector<16xf32>
          %bitcast_convert_type3A_379 = tpu.bitcast %get3A_378 : vector<16xf32> -> vector<16xi32>
          %get3A_380 = arith.index_cast %add3A_280 : i32 to index
          %get3A_381 = arith.constant 32 : index
          %get3A_382 = tpu.vector_load %arg16[%get3A_380, %get3A_381] {strides = array<i32>} : memref<128x64xf32, #tpu.memory_space<vmem>>, vector<1x16xf32>,
          %get3A_383 = vector.shape_cast %get3A_382 : vector<1x16xf32> to vector<16xf32>
          %bitcast_convert_type3A_384 = tpu.bitcast %get3A_383 : vector<16xf32> -> vector<16xi32>
          %shift_left3A_385 = arith.constant 16 : i32
          %shift_left3A_386 = vector.broadcast %shift_left3A_385 : i32 to vector<16xi32>
          %shift_left3A_387 = arith.shli %bitcast_convert_type3A_374, %shift_left3A_386 : vector<16xi32>
          %bitcast_convert_type3A_388 = tpu.bitcast %shift_left3A_387 : vector<16xi32> -> vector<16xf32>
          %and3A_389 = arith.constant -65536 : i32
          %and3A_390 = vector.broadcast %and3A_389 : i32 to vector<16xi32>
          %and3A_391 = arith.andi %bitcast_convert_type3A_374, %and3A_390 : vector<16xi32>
          %bitcast_convert_type3A_392 = tpu.bitcast %and3A_391 : vector<16xi32> -> vector<16xf32>
          %shift_left3A_393 = arith.constant 16 : i32
          %shift_left3A_394 = vector.broadcast %shift_left3A_393 : i32 to vector<16xi32>
          %shift_left3A_395 = arith.shli %bitcast_convert_type3A_379, %shift_left3A_394 : vector<16xi32>
          %bitcast_convert_type3A_396 = tpu.bitcast %shift_left3A_395 : vector<16xi32> -> vector<16xf32>
          %and3A_397 = arith.constant -65536 : i32
          %and3A_398 = vector.broadcast %and3A_397 : i32 to vector<16xi32>
          %and3A_399 = arith.andi %bitcast_convert_type3A_379, %and3A_398 : vector<16xi32>
          %bitcast_convert_type3A_400 = tpu.bitcast %and3A_399 : vector<16xi32> -> vector<16xf32>
          %shift_left3A_401 = arith.constant 16 : i32
          %shift_left3A_402 = vector.broadcast %shift_left3A_401 : i32 to vector<16xi32>
          %shift_left3A_403 = arith.shli %bitcast_convert_type3A_384, %shift_left3A_402 : vector<16xi32>
          %bitcast_convert_type3A_404 = tpu.bitcast %shift_left3A_403 : vector<16xi32> -> vector<16xf32>
          %and3A_405 = arith.constant -65536 : i32
          %and3A_406 = vector.broadcast %and3A_405 : i32 to vector<16xi32>
          %and3A_407 = arith.andi %bitcast_convert_type3A_384, %and3A_406 : vector<16xi32>
          %bitcast_convert_type3A_408 = tpu.bitcast %and3A_407 : vector<16xi32> -> vector<16xf32>
          %mul3A_409 = arith.mulf %bitcast_convert_type3A_388, %bitcast_convert_type3A_396 : vector<16xf32>
          %mul3A_410 = arith.mulf %mul3A_409, %bitcast_convert_type3A_404 : vector<16xf32>
          %add3A_411 = arith.addf %add3A_369, %mul3A_410 : vector<16xf32>
          %mul3A_412 = arith.mulf %bitcast_convert_type3A_392, %bitcast_convert_type3A_400 : vector<16xf32>
          %mul3A_413 = arith.mulf %mul3A_412, %bitcast_convert_type3A_408 : vector<16xf32>
          %add3A_414 = arith.addf %add3A_411, %mul3A_413 : vector<16xf32>
          %get3A_415 = arith.index_cast %add3A_280 : i32 to index
          %get3A_416 = arith.constant 48 : index
          %get3A_417 = tpu.vector_load %arg14[%get3A_415, %get3A_416] {strides = array<i32>} : memref<128x64xf32, #tpu.memory_space<vmem>>, vector<1x16xf32>,
          %get3A_418 = vector.shape_cast %get3A_417 : vector<1x16xf32> to vector<16xf32>
          %bitcast_convert_type3A_419 = tpu.bitcast %get3A_418 : vector<16xf32> -> vector<16xi32>
          %get3A_420 = arith.index_cast %add3A_280 : i32 to index
          %get3A_421 = arith.constant 48 : index
          %get3A_422 = tpu.vector_load %arg15[%get3A_420, %get3A_421] {strides = array<i32>} : memref<128x64xf32, #tpu.memory_space<vmem>>, vector<1x16xf32>,
          %get3A_423 = vector.shape_cast %get3A_422 : vector<1x16xf32> to vector<16xf32>
          %bitcast_convert_type3A_424 = tpu.bitcast %get3A_423 : vector<16xf32> -> vector<16xi32>
          %get3A_425 = arith.index_cast %add3A_280 : i32 to index
          %get3A_426 = arith.constant 48 : index
          %get3A_427 = tpu.vector_load %arg16[%get3A_425, %get3A_426] {strides = array<i32>} : memref<128x64xf32, #tpu.memory_space<vmem>>, vector<1x16xf32>,
          %get3A_428 = vector.shape_cast %get3A_427 : vector<1x16xf32> to vector<16xf32>
          %bitcast_convert_type3A_429 = tpu.bitcast %get3A_428 : vector<16xf32> -> vector<16xi32>
          %shift_left3A_430 = arith.constant 16 : i32
          %shift_left3A_431 = vector.broadcast %shift_left3A_430 : i32 to vector<16xi32>
          %shift_left3A_432 = arith.shli %bitcast_convert_type3A_419, %shift_left3A_431 : vector<16xi32>
          %bitcast_convert_type3A_433 = tpu.bitcast %shift_left3A_432 : vector<16xi32> -> vector<16xf32>
          %and3A_434 = arith.constant -65536 : i32
          %and3A_435 = vector.broadcast %and3A_434 : i32 to vector<16xi32>
          %and3A_436 = arith.andi %bitcast_convert_type3A_419, %and3A_435 : vector<16xi32>
          %bitcast_convert_type3A_437 = tpu.bitcast %and3A_436 : vector<16xi32> -> vector<16xf32>
          %shift_left3A_438 = arith.constant 16 : i32
          %shift_left3A_439 = vector.broadcast %shift_left3A_438 : i32 to vector<16xi32>
          %shift_left3A_440 = arith.shli %bitcast_convert_type3A_424, %shift_left3A_439 : vector<16xi32>
          %bitcast_convert_type3A_441 = tpu.bitcast %shift_left3A_440 : vector<16xi32> -> vector<16xf32>
          %and3A_442 = arith.constant -65536 : i32
          %and3A_443 = vector.broadcast %and3A_442 : i32 to vector<16xi32>
          %and3A_444 = arith.andi %bitcast_convert_type3A_424, %and3A_443 : vector<16xi32>
          %bitcast_convert_type3A_445 = tpu.bitcast %and3A_444 : vector<16xi32> -> vector<16xf32>
          %shift_left3A_446 = arith.constant 16 : i32
          %shift_left3A_447 = vector.broadcast %shift_left3A_446 : i32 to vector<16xi32>
          %shift_left3A_448 = arith.shli %bitcast_convert_type3A_429, %shift_left3A_447 : vector<16xi32>
          %bitcast_convert_type3A_449 = tpu.bitcast %shift_left3A_448 : vector<16xi32> -> vector<16xf32>
          %and3A_450 = arith.constant -65536 : i32
          %and3A_451 = vector.broadcast %and3A_450 : i32 to vector<16xi32>
          %and3A_452 = arith.andi %bitcast_convert_type3A_429, %and3A_451 : vector<16xi32>
          %bitcast_convert_type3A_453 = tpu.bitcast %and3A_452 : vector<16xi32> -> vector<16xf32>
          %mul3A_454 = arith.mulf %bitcast_convert_type3A_433, %bitcast_convert_type3A_441 : vector<16xf32>
          %mul3A_455 = arith.mulf %mul3A_454, %bitcast_convert_type3A_449 : vector<16xf32>
          %add3A_456 = arith.addf %add3A_414, %mul3A_455 : vector<16xf32>
          %mul3A_457 = arith.mulf %bitcast_convert_type3A_437, %bitcast_convert_type3A_445 : vector<16xf32>
          %mul3A_458 = arith.mulf %mul3A_457, %bitcast_convert_type3A_453 : vector<16xf32>
          %add3A_459 = arith.addf %add3A_456, %mul3A_458 : vector<16xf32>
          %xor3A = arith.constant 8 : i32
          %xor3A_460 = vector.broadcast %xor3A : i32 to vector<16xi32>
          %xor3A_461 = arith.xori %iota3A, %xor3A_460 : vector<16xi32>
          %lt3A_462 = arith.constant 0 : i32
          %lt3A_463 = vector.broadcast %lt3A_462 : i32 to vector<16xi32>
          %lt3A_464 = arith.cmpi slt, %xor3A_461, %lt3A_463 : vector<16xi32>
          %add3A_465 = arith.constant 16 : i32
          %add3A_466 = vector.broadcast %add3A_465 : i32 to vector<16xi32>
          %add3A_467 = arith.addi %xor3A_461, %add3A_466 : vector<16xi32>
          %select_n3A_468 = arith.select %lt3A_464, %add3A_467, %xor3A_461 : vector<16xi1>, vector<16xi32>
          %broadcast_in_dim3A_469 = vector.shape_cast %select_n3A_468 : vector<16xi32> to vector<16x1xi32>
          %gather3A = vector.shape_cast %broadcast_in_dim3A_469 : vector<16x1xi32> to vector<16xi32>
          %gather3A_470 = tpu.dynamic_gather %add3A_459[%gather3A] in [0] : vector<16xf32>, vector<16xi32> -> vector<16xf32>
          %add3A_471 = arith.addf %add3A_459, %gather3A_470 : vector<16xf32>
          %xor3A_472 = arith.constant 4 : i32
          %xor3A_473 = vector.broadcast %xor3A_472 : i32 to vector<16xi32>
          %xor3A_474 = arith.xori %iota3A, %xor3A_473 : vector<16xi32>
          %lt3A_475 = arith.constant 0 : i32
          %lt3A_476 = vector.broadcast %lt3A_475 : i32 to vector<16xi32>
          %lt3A_477 = arith.cmpi slt, %xor3A_474, %lt3A_476 : vector<16xi32>
          %add3A_478 = arith.constant 16 : i32
          %add3A_479 = vector.broadcast %add3A_478 : i32 to vector<16xi32>
          %add3A_480 = arith.addi %xor3A_474, %add3A_479 : vector<16xi32>
          %select_n3A_481 = arith.select %lt3A_477, %add3A_480, %xor3A_474 : vector<16xi1>, vector<16xi32>
          %broadcast_in_dim3A_482 = vector.shape_cast %select_n3A_481 : vector<16xi32> to vector<16x1xi32>
          %gather3A_483 = vector.shape_cast %broadcast_in_dim3A_482 : vector<16x1xi32> to vector<16xi32>
          %gather3A_484 = tpu.dynamic_gather %add3A_471[%gather3A_483] in [0] : vector<16xf32>, vector<16xi32> -> vector<16xf32>
          %add3A_485 = arith.addf %add3A_471, %gather3A_484 : vector<16xf32>
          %xor3A_486 = arith.constant 2 : i32
          %xor3A_487 = vector.broadcast %xor3A_486 : i32 to vector<16xi32>
          %xor3A_488 = arith.xori %iota3A, %xor3A_487 : vector<16xi32>
          %lt3A_489 = arith.constant 0 : i32
          %lt3A_490 = vector.broadcast %lt3A_489 : i32 to vector<16xi32>
          %lt3A_491 = arith.cmpi slt, %xor3A_488, %lt3A_490 : vector<16xi32>
          %add3A_492 = arith.constant 16 : i32
          %add3A_493 = vector.broadcast %add3A_492 : i32 to vector<16xi32>
          %add3A_494 = arith.addi %xor3A_488, %add3A_493 : vector<16xi32>
          %select_n3A_495 = arith.select %lt3A_491, %add3A_494, %xor3A_488 : vector<16xi1>, vector<16xi32>
          %broadcast_in_dim3A_496 = vector.shape_cast %select_n3A_495 : vector<16xi32> to vector<16x1xi32>
          %gather3A_497 = vector.shape_cast %broadcast_in_dim3A_496 : vector<16x1xi32> to vector<16xi32>
          %gather3A_498 = tpu.dynamic_gather %add3A_485[%gather3A_497] in [0] : vector<16xf32>, vector<16xi32> -> vector<16xf32>
          %add3A_499 = arith.addf %add3A_485, %gather3A_498 : vector<16xf32>
          %xor3A_500 = arith.constant 1 : i32
          %xor3A_501 = vector.broadcast %xor3A_500 : i32 to vector<16xi32>
          %xor3A_502 = arith.xori %iota3A, %xor3A_501 : vector<16xi32>
          %lt3A_503 = arith.constant 0 : i32
          %lt3A_504 = vector.broadcast %lt3A_503 : i32 to vector<16xi32>
          %lt3A_505 = arith.cmpi slt, %xor3A_502, %lt3A_504 : vector<16xi32>
          %add3A_506 = arith.constant 16 : i32
          %add3A_507 = vector.broadcast %add3A_506 : i32 to vector<16xi32>
          %add3A_508 = arith.addi %xor3A_502, %add3A_507 : vector<16xi32>
          %select_n3A_509 = arith.select %lt3A_505, %add3A_508, %xor3A_502 : vector<16xi1>, vector<16xi32>
          %broadcast_in_dim3A_510 = vector.shape_cast %select_n3A_509 : vector<16xi32> to vector<16x1xi32>
          %gather3A_511 = vector.shape_cast %broadcast_in_dim3A_510 : vector<16x1xi32> to vector<16xi32>
          %gather3A_512 = tpu.dynamic_gather %add3A_499[%gather3A_511] in [0] : vector<16xf32>, vector<16xi32> -> vector<16xf32>
          %add3A_513 = arith.addf %add3A_499, %gather3A_512 : vector<16xf32>
          %eq3A_514 = vector.broadcast %scan3A_276 : i32 to vector<16xi32>
          %eq3A_515 = arith.cmpi eq, %iota3A, %eq3A_514 : vector<16xi32>
          %select_n3A_516 = arith.select %eq3A_515, %add3A_513, %scan3A_277 : vector<16xi1>, vector<16xf32>
          scf.yield %select_n3A_516 : vector<16xf32>
        }
        %scan3A_262 = arith.constant 16 : i32
        %neg3A = arith.constant 0.000000e+00 : f32
        %neg3A_263 = vector.broadcast %neg3A : f32 to vector<16xf32>
        %neg3A_264 = arith.subf %neg3A_263, %scan3A_261 : vector<16xf32>
        %exp3A = math.exp %neg3A_264 : vector<16xf32>
        %add3A_265 = arith.constant 1.000000e+00 : f32
        %add3A_266 = vector.broadcast %add3A_265 : f32 to vector<16xf32>
        %add3A_267 = arith.addf %add3A_266, %exp3A : vector<16xf32>
        %div3A_268 = arith.constant 1.000000e+00 : f32
        %div3A_269 = vector.broadcast %div3A_268 : f32 to vector<16xf32>
        %div3A_270 = arith.divf %div3A_269, %add3A_267 : vector<16xf32>
        %mul3A_271 = arith.constant 16 : i32
        %mul3A_272 = arith.muli %scan3A_255, %mul3A_271 : i32
        %swap3A = arith.index_cast %mul3A_272 : i32 to index
        %swap3A_273 = tpu.vector_load %arg18[%swap3A] {strides = array<i32>} : memref<128xf32, #tpu.memory_space<vmem>>, vector<16xf32>,
        %swap3A_274 = vector.shape_cast %swap3A_273 : vector<16xf32> to vector<16xf32>
        %swap3A_275 = vector.shape_cast %div3A_270 : vector<16xf32> to vector<16xf32>
        tpu.vector_store %arg18[%swap3A], %swap3A_275 {strides = array<i32>} : memref<128xf32, #tpu.memory_space<vmem>>, vector<16xf32>,
      }
      %scan3A_240 = arith.constant 8 : i32
      %mul3A_241 = arith.constant 1 : i32
      %mul3A_242 = arith.muli %mul3A_241, %select_n3A_28 : i32
      %add3A_243 = arith.addi %mul3A_242, %add3A_211 : i32
      %mul3A_244 = arith.constant 128 : i32
      %mul3A_245 = arith.muli %add3A_243, %mul3A_244 : i32
      %add3A_246 = arith.addi %mul3A_10, %mul3A_245 : i32
      %dma_start3A_247 = tpu.memref_slice %arg7[%add3A_246] : memref<327680xf32, #tpu.memory_space<hbm>> -> memref<128xf32, #tpu.memory_space<hbm>>
      %dma_start3A_248 = tpu.memref_slice %arg7[%add3A_246] : memref<327680xf32, #tpu.memory_space<hbm>> -> memref<128xf32, #tpu.memory_space<hbm>>
      tpu.enqueue_dma source(%arg18 : memref<128xf32, #tpu.memory_space<vmem>>) target(%dma_start3A_248 : memref<128xf32, #tpu.memory_space<hbm>>) target_semaphore(%arg22 : memref<!tpu.dma_semaphore, #tpu.memory_space<semaphore_mem>>)
      %sub3A_249 = arith.constant 1 : i32
      %sub3A_250 = arith.subi %select_n3A_52, %sub3A_249 : i32
      %lt3A_251 = arith.cmpi slt, %while3A_164, %sub3A_250 : i32
      %convert_element_type3A_252 = arith.extui %lt3A_251 : i1 to i32
      %cond3A_253 = arith.constant 0 : i32
      %cond3A_254 = arith.cmpi ne, %convert_element_type3A_252, %cond3A_253 : i32
      scf.if %cond3A_254 {
        %add3A_255 = arith.constant 2 : i32
        %add3A_256 = arith.addi %add3A_211, %add3A_255 : i32
        %dma_start3A_257 = arith.constant 0 : i32
        %dma_start3A_258 = tpu.memref_slice %arg8[%add3A_256, %dma_start3A_257] : memref<76x128xi32, #tpu.memory_space<vmem>> -> memref<1x128xi32, #tpu.memory_space<vmem>>
        %dma_start3A_259 = tpu.memref_squeeze %dma_start3A_258 : memref<1x128xi32, #tpu.memory_space<vmem>> -> memref<128xi32, #tpu.memory_space<vmem>>
        %dma_start3A_260 = arith.constant 0 : i32
        %dma_start3A_261 = arith.constant 0 : i32
        %dma_start3A_262 = tpu.memref_slice %arg5[%dma_start3A_260, %dma_start3A_261] : memref<10000x64xf32, #tpu.memory_space<hbm>> -> memref<10000x64xf32, #tpu.memory_space<hbm>>
        tpu.enqueue_indirect_dma source(%dma_start3A_262 : memref<10000x64xf32, #tpu.memory_space<hbm>>) target(%arg14 : memref<128x64xf32, #tpu.memory_space<vmem>>) offsets(%dma_start3A_259 : memref<128xi32, #tpu.memory_space<vmem>>) semaphore(%arg20 : memref<!tpu.dma_semaphore, #tpu.memory_space<semaphore_mem>>)
        %dma_start3A_263 = arith.constant 0 : i32
        %dma_start3A_264 = tpu.memref_slice %arg9[%add3A_256, %dma_start3A_263] : memref<76x128xi32, #tpu.memory_space<vmem>> -> memref<1x128xi32, #tpu.memory_space<vmem>>
        %dma_start3A_265 = tpu.memref_squeeze %dma_start3A_264 : memref<1x128xi32, #tpu.memory_space<vmem>> -> memref<128xi32, #tpu.memory_space<vmem>>
        %dma_start3A_266 = arith.constant 0 : i32
        %dma_start3A_267 = arith.constant 0 : i32
        %dma_start3A_268 = tpu.memref_slice %arg5[%dma_start3A_266, %dma_start3A_267] : memref<10000x64xf32, #tpu.memory_space<hbm>> -> memref<10000x64xf32, #tpu.memory_space<hbm>>
        tpu.enqueue_indirect_dma source(%dma_start3A_268 : memref<10000x64xf32, #tpu.memory_space<hbm>>) target(%arg15 : memref<128x64xf32, #tpu.memory_space<vmem>>) offsets(%dma_start3A_265 : memref<128xi32, #tpu.memory_space<vmem>>) semaphore(%arg20 : memref<!tpu.dma_semaphore, #tpu.memory_space<semaphore_mem>>)
        %dma_start3A_269 = arith.constant 0 : i32
        %dma_start3A_270 = tpu.memref_slice %arg10[%add3A_256, %dma_start3A_269] : memref<76x128xi32, #tpu.memory_space<vmem>> -> memref<1x128xi32, #tpu.memory_space<vmem>>
        %dma_start3A_271 = tpu.memref_squeeze %dma_start3A_270 : memref<1x128xi32, #tpu.memory_space<vmem>> -> memref<128xi32, #tpu.memory_space<vmem>>
        %dma_start3A_272 = arith.constant 0 : i32
        %dma_start3A_273 = arith.constant 0 : i32
        %dma_start3A_274 = tpu.memref_slice %arg6[%dma_start3A_272, %dma_start3A_273] : memref<964x64xf32, #tpu.memory_space<hbm>> -> memref<964x64xf32, #tpu.memory_space<hbm>>
        tpu.enqueue_indirect_dma source(%dma_start3A_274 : memref<964x64xf32, #tpu.memory_space<hbm>>) target(%arg16 : memref<128x64xf32, #tpu.memory_space<vmem>>) offsets(%dma_start3A_271 : memref<128xi32, #tpu.memory_space<vmem>>) semaphore(%arg20 : memref<!tpu.dma_semaphore, #tpu.memory_space<semaphore_mem>>)
      } else {
      }
    }
    %dma_wait3A = tpu.memref_slice %arg7[%mul3A_10] : memref<327680xf32, #tpu.memory_space<hbm>> -> memref<128xf32, #tpu.memory_space<hbm>>
    %dma_wait3A_161 = tpu.memref_slice %arg7[%mul3A_10] : memref<327680xf32, #tpu.memory_space<hbm>> -> memref<128xf32, #tpu.memory_space<hbm>>
    tpu.wait_dma2 semaphore(%arg21 : memref<!tpu.dma_semaphore, #tpu.memory_space<semaphore_mem>>) src(%arg17 : memref<128xf32, #tpu.memory_space<vmem>>) dst(%dma_wait3A_161 : memref<128xf32, #tpu.memory_space<hbm>>)
    %dma_wait3A_162 = tpu.memref_slice %arg7[%mul3A_10] : memref<327680xf32, #tpu.memory_space<hbm>> -> memref<128xf32, #tpu.memory_space<hbm>>
    %dma_wait3A_163 = tpu.memref_slice %arg7[%mul3A_10] : memref<327680xf32, #tpu.memory_space<hbm>> -> memref<128xf32, #tpu.memory_space<hbm>>
    tpu.wait_dma2 semaphore(%arg22 : memref<!tpu.dma_semaphore, #tpu.memory_space<semaphore_mem>>) src(%arg18 : memref<128xf32, #tpu.memory_space<vmem>>) dst(%dma_wait3A_163 : memref<128xf32, #tpu.memory_space<hbm>>)
    return
  }
}

</mosaic_0001>

<sc_bundles>
// kernel: _decode.3.cloned.1.call-start
scs
__scs_entry_jumppad:
0x0: {  	(pc) =	sbr.rel $0x88, $3  }
0x1: {  	(tag) =	ssettag $0x0;
	lr =	simm.s32 $0x1  }
0x2: {  	[smem:$0x3F9C] =	sst lr;
	_ =	strace $0xD0000000  }
0x3: {  	_ = 	snop  }
0x4: {  	_ = 	snop  }
0x5: {  	_ = 	snop  }
0x6: {  	_ = 	snop  }
0x7: {  	_ = 	snop  }
__scs_overlays_trampoline_lowered:
0x8: {  	[smem:$0x3FAB] =	sst s0  }
0x9: {  	[smem:$0x3FAC] =	sst s1  }
0xa: {  	[smem:$0x3FAD] =	sst s2  }
0xb: {  	[smem:$0x3FAE] =	sst s3  }
0xc: {  	[smem:$0x3FAF] =	sst s4  }
0xd: {  	[smem:$0x3FB0] =	sst s5  }
0xe: {  	[smem:$0x3FB1] =	sst s6  }
0xf: {  	[smem:$0x3FB2] =	sst s7  }
0x10: {  	[smem:$0x3FB3] =	sst s8  }
0x11: {  	[smem:$0x3FB4] =	sst s9;
	s0 =	simm.s32 @!p0 $0x0  }
0x12: {  	s1 =	sld [smem:$0x3F9A];
	s0 =	simm.s32 @p0 $0x1  }
0x13: {  	[smem:$0x3FB5] =	sst s0;
	s0 =	simm.s32 @!p1 $0x0  }
0x14: {  	s2 =	sld [smem:$0x3F99];
	s0 =	simm.s32 @p1 $0x1  }
0x15: {  	[smem:$0x3FB6] =	sst s0;
	s0 =	simm.s32 @!p2 $0x0  }
0x16: {  	s3 =	sld [smem:$0x3FDB];
	s0 =	simm.s32 @p2 $0x1  }
0x17: {  	s4 =	simm.s32 $0x1BF5;
	[smem:$0x3FB8] =	sst s0  }
0x18: {  	s0 =	sld [smem:$0x3F9B];
	_ =	swait.ge [sflag:s4], $0x0  }
0x19: {  	s7 =	sld [smem:$0x3F9C]  }
0x1a: {  	s8 =	sadd.s32 $0xFFFFE003, lr  }
0x1b: {  	s9 =	sadd.s32 $0xFFFFFEF7, lr;
	s5 =	simm.s32 $0xFFFFFFFF;
	p2 =	slt.u32 s8, $0xFFFFF086  }
0x1c: {  	p1 =	slt.u32 s9, $0xF7A;
	s5 =	simm.s32 @!p2 $0x0  }
0x1d: {  	s5 =	simm.s32 @p1 $0x1;
	p0 =	seq.s32 s7, s2  }
0x1e: {  	s7 =	smul.u32 @!p0 $0xF7A, s2;
	p2 =	seq.s32 @!p0 s5, $0x0  }
0x1f: {  	s9 =	smul.u32 $0xF7A, s1;
	s8 =	simm.s32 @!p0 $0x1BF5;
	p2 =	por !p2, p0  }
0x20: {  	[sflag:s8] =	ssyncset.s32 @!p0 $0xFFFFF086;
	s6 =	sadd.s32 @!p0 s3, s7;
	s7 =	simm.s32 @!p0 $0x108  }
0x21: {  	s3 =	sadd.s32 s3, s9;
	s6 =	sadd.s32 @!p0 $0x88, s6;
	s7 =	simm.s32 @p2 $0x1082  }
0x22: {  	[simem:s7], [sflag:s8] =	dma.local @!p0 [hbm:s6], $0xF7A  }
0x23: {  	s9 =	sor.u32 $0xD0000000, s2;
	s6 =	simm.s32 $0x108;
	_ =	swait.ge @!p0 [sflag:s8], $0x0  }
0x24: {  	s3 =	sadd.s32 $0x88, s3;
	s6 =	simm.s32 @!p1 $0x1082;
	[sflag:s4] =	ssyncset.s32 $0xFFFFF086  }
0x25: {  	[simem:s6], [sflag:s4] =	dma.local [hbm:s3], $0xF7A  }
0x26: {  	[smem:$0x3F9C] =	sst s1;
	(tag) =	ssettag s2;
	_ =	strace s9  }
0x27: {  	s1 =	sld [smem:$0x3FAC]  }
0x28: {  	s2 =	sld [smem:$0x3FAD]  }
0x29: {  	s4 =	sld [smem:$0x3FAF]  }
0x2a: {  	p0 =	seq.s32 s5, $0x0;
	s5 =	sld [smem:$0x3FB0]  }
0x2b: {  	s6 =	sld [smem:$0x3FB1]  }
0x2c: {  	s7 =	sld [smem:$0x3FB2]  }
0x2d: {  	s3 =	simm.s32 $0x108;
	s8 =	sld [smem:$0x3FB3]  }
0x2e: {  	s3 =	simm.s32 @!p0 $0x1082;
	s9 =	sld [smem:$0x3FB4]  }
0x2f: {  	lr =	sadd.s32 s0, s3;
	s0 =	sld [smem:$0x3FAB]  }
0x30: {  	s3 =	sld [smem:$0x3FAE]  }
0x31: {  	[smem:$0x3FB7] =	sst s10  }
0x32: {  	s10 =	sld [smem:$0x3FB5];
	_ =	sdelay $0x3  }
0x33: {  	p0 =	seq.s32 s10, $0x1;
	s10 =	sld [smem:$0x3FB7];
	_ =	sdelay $0x3  }
0x34: {  	[smem:$0x3FB7] =	sst s10  }
0x35: {  	s10 =	sld [smem:$0x3FB6];
	_ =	sdelay $0x3  }
0x36: {  	p1 =	seq.s32 s10, $0x1;
	s10 =	sld [smem:$0x3FB7];
	_ =	sdelay $0x3  }
0x37: {  	[smem:$0x3FB7] =	sst s10  }
0x38: {  	s10 =	sld [smem:$0x3FB8]  }
0x39: {  	_ = 	snop;
	(pc) =	sbr.ind lr, $3  }
0x3a: {  	_ = 	snop  }
0x3b: {  	_ = 	snop  }
0x3c: {  	p2 =	seq.s32 s10, $0x1;
	s10 =	sld [smem:$0x3FB7]  }
0x3d: {  	_ =	shalt  }
0x3e: {  	_ =	shalt  }
0x3f: {  	_ =	shalt  }
0x40: {  	_ =	shalt  }
0x41: {  	_ =	shalt  }
0x42: {  	_ =	shalt  }
0x43: {  	_ =	shalt  }
0x44: {  	_ =	shalt  }
0x45: {  	_ =	shalt  }
0x46: {  	_ =	shalt  }
0x47: {  	_ =	shalt  }
0x48: {  	_ =	shalt  }
0x49: {  	_ =	shalt  }
0x4a: {  	_ =	shalt  }
0x4b: {  	_ =	shalt  }
0x4c: {  	_ =	shalt  }
0x4d: {  	_ =	shalt  }
0x4e: {  	_ =	shalt  }
0x4f: {  	_ =	shalt  }
0x50: {  	_ =	shalt  }
0x51: {  	_ =	shalt  }
0x52: {  	_ =	shalt  }
0x53: {  	_ =	shalt  }
0x54: {  	_ =	shalt  }
0x55: {  	_ =	shalt  }
0x56: {  	_ =	shalt  }
0x57: {  	_ =	shalt  }
0x58: {  	_ =	shalt  }
0x59: {  	_ =	shalt  }
0x5a: {  	_ =	shalt  }
0x5b: {  	_ =	shalt  }
0x5c: {  	_ =	shalt  }
0x5d: {  	_ =	shalt  }
0x5e: {  	_ =	shalt  }
0x5f: {  	_ =	shalt  }
0x60: {  	_ =	shalt  }
0x61: {  	_ =	shalt  }
0x62: {  	_ =	shalt  }
0x63: {  	_ =	shalt  }
0x64: {  	_ =	shalt  }
0x65: {  	_ =	shalt  }
0x66: {  	_ =	shalt  }
0x67: {  	_ =	shalt  }
0x68: {  	_ =	shalt  }
0x69: {  	_ =	shalt  }
0x6a: {  	_ =	shalt  }
0x6b: {  	_ =	shalt  }
0x6c: {  	_ =	shalt  }
0x6d: {  	_ =	shalt  }
0x6e: {  	_ =	shalt  }
0x6f: {  	_ =	shalt  }
0x70: {  	_ =	shalt  }
0x71: {  	_ =	shalt  }
0x72: {  	_ =	shalt  }
0x73: {  	_ =	shalt  }
0x74: {  	_ =	shalt  }
0x75: {  	_ =	shalt  }
0x76: {  	_ =	shalt  }
0x77: {  	_ =	shalt  }
0x78: {  	_ =	shalt  }
0x79: {  	_ =	shalt  }
0x7a: {  	_ =	shalt  }
0x7b: {  	_ =	shalt  }
0x7c: {  	_ =	shalt  }
0x7d: {  	_ =	shalt  }
0x7e: {  	_ =	shalt  }
0x7f: {  	_ =	shalt  }
0x80: {  	_ =	shalt  }
0x81: {  	_ =	shalt  }
0x82: {  	_ =	shalt  }
0x83: {  	_ =	shalt  }
0x84: {  	_ =	shalt  }
0x85: {  	_ =	shalt  }
0x86: {  	_ =	shalt  }
0x87: {  	_ =	shalt  }
.Lfunc_end0:
.L_simem_size_0:
called_computation_lowered:
.L_overlay_start_0:
0x88: {  	s2 =	sld [smem:$0x3FD9]  }
0x89: {  	s3 =	sld [smem:$0x3FFE];
	_ =	sdelay $0x1  }
0x8a: {  	s1 =	srdreg.scid  }
0x8b: {  	s0 =	sand.u32 $0x1, s1  }
0x8c: {  	s17 =	sshll.u32 s0, $0xA;
	s2 =	sadd.s32 s3, s2  }
0x8d: {  	s2 =	sadd.s32 s2, s17  }
0x8e: {  	[smem:$0x3FC3] =	sst s2  }
0x8f: {  	_ = 	snop  }
0x90: {  	s2 =	sld [smem:$0x3FC9]  }
0x91: {  	s18 =	sld [smem:$0x3FC8]  }
0x92: {  	s4 =	sld [smem:$0x3FC7]  }
0x93: {  	s5 =	sld [smem:$0x3FD0];
	(tm) =	ssettm $0x1  }
0x94: {  	s6 =	sld [smem:$0x3FFB];
	_ =	sdelay $0x3  }
0x95: {  	_ =	strace s6  }
0x96: {  	s6 =	sld [smem:$0x3FFC];
	_ =	sdelay $0x3  }
0x97: {  	_ =	strace s6  }
0x98: {  	s6 =	sld [smem:$0x3FFD];
	_ =	sdelay $0x3  }
0x99: {  	_ =	strace s6  }
0x9a: {  	_ =	strace $0x8FFFFFFF  }
0x9b: {  	s19 =	sld [smem:$0x3FDB];
	_ =	sdelay $0x1  }
0x9c: {  	s7 =	simm.s32 $_scs_section_size  }
0x9d: {  	s8 =	simm.s32 $_size__tile_overlayer_lowered;
	s9 =	simm.s32 $_tile_overlayer_lowered  }
0x9e: {  	s22 =	simm.s32 $0x1BFF;
	s21 =	sshll.u32 s9, $0x1;
	s6 =	sadd.s32 s7, s19  }
0x9f: {  	s10 =	simm.s32 $0x0;
	s20 =	sshll.u32 s8, $0x1;
	s8 =	sadd.s32 s21, s6  }
0xa0: {  	[timem:s10], [sflag:s22] =	dma.local [hbm:s8], s20  }
0xa1: {  	_ =	swait.ge [sflag:s22], s20  }
0xa2: {  	s7 =	ssub.s32 $0x0, s20;
	[sflag:s22] =	ssyncset.done $0x0  }
0xa3: {  	[sflag:s22] =	ssyncadd.s32 s7;
	_ =	sdelay $0x1  }
0xa4: {  	s23 =	simm.s32 $0x1B8B  }
0xa5: {  	_ =	swait.ge [sflag:s23], $0x1  }
0xa6: {  	[sflag:s23] =	ssyncset.done $0x0  }
0xa7: {  	s25 =	simm.s32 $0x1B8E;
	s24 =	sld [smem:$0x3FFE];
	[sflag:s23] =	ssyncadd.s32 $0xFFFFFFFF  }
0xa8: {  	s26 =	simm.s32 $execute0_lowered;
	[smem:$0x3FD2] =	sst s25  }
0xa9: {  	s8 =	sshll.u32 s26, $0x1;
	_ =	strace $0x80000046;
	[dreg:$0x1] =	wrdreg $0xFFFFFFFF  }
0xaa: {  	s28 =	simm.s32 $_size_execute0_lowered;
	s6 =	sadd.s32 s6, s8;
	[dreg:$0x0] =	wrdreg $0x0  }
0xab: {  	s8 =	sshll.u32 s28, $0x1;
	[dreg:$0x2] =	wrdreg s6  }
0xac: {  	[dreg:$0x3] =	wrdreg s8  }
0xad: {  	[dreg:$0x4] =	wrdreg $0xC0  }
0xae: {  	_ =	task [dreg:s10], $0x5FFFF  }
0xaf: {  	[dreg:$0x1] =	wrdreg $0xFFFFFFFF  }
0xb0: {  	[dreg:$0x0] =	wrdreg $0x60  }
0xb1: {  	[dreg:$0x2] =	wrdreg s2  }
0xb2: {  	[dreg:$0x3] =	wrdreg s18  }
0xb3: {  	[dreg:$0x4] =	wrdreg s4  }
0xb4: {  	[dreg:$0x5] =	wrdreg s24  }
0xb5: {  	[dreg:$0x6] =	wrdreg s5  }
0xb6: {  	[dreg:$0x7] =	wrdreg $0x9  }
0xb7: {  	_ =	task.clear_ibuf [dreg:s10], $0x8FFFF;
	_ =	strace $0x90000046  }
0xb8: {  	s29 =	simm.s32 $0x9;
	_ =	strace $0x80000048  }
0xb9: {  	_ =	swait.ge [sflag:s29], $0x1  }
0xba: {  	[sflag:s29] =	ssyncadd.s32 $0xFFFFFFFF  }
0xbb: {  	_ =	strace $0x90000048  }
0xbc: {  	_ =	sfence  }
0xbd: {  	s30 =	sld [smem:$0x0];
	_ =	sdelay $0x2  }
0xbe: {  	s31 =	sshll.u32 s1, $0xD;
	s1 =	sshrl.u32 s1, $0x2  }
0xbf: {  	s3 =	sand.u32 $0x4000, s31;
	s1 =	sadd.s32 s1, s30  }
0xc0: {  	s0 =	sor.u32 s3, s0;
	s1 =	sshll.u32 s1, $0x11  }
0xc1: {  	s0 =	sor.u32 s1, s0  }
0xc2: {  	s0 =	sadd.s32 $0x8F2B, s0  }
0xc3: {  	[sflag:s0] =	ssyncadd.remote.s32 $0x1  }
0xc4: {  	_ =	sfence.sel $0xFFFF  }
0xc5: {  	[dreg:$0x0] =	wrdreg $0xFFFFFFFF;
	(pc) =	sbr.abs _section_cstart, $3  }
0xc6: {  	[dreg:$0x1] =	wrdreg $0xFFFFFFFF  }
0xc7: {  	_ =	task.clear_ibuf [dreg:s10], $0x2FFFF;
	_ =	strace $0x9FFFFFFF  }
0xc8: {  	(tm) =	ssettm $0x7FFFFFFF  }
0xc9: {  	_ =	shalt  }
tec
execute0_lowered:
.L_overlay_start_1:
0x0: {  	(tag) =	ssettag $0x1  }
0x1: {  	s0 =	rddreg [dreg:$0x0]  }
0x2: {  	s3 =	rddreg [dreg:$0x1]  }
0x3: {  	s10 =	rddreg [dreg:$0x2]  }
0x4: {  	s5 =	rddreg [dreg:$0x3]  }
0x5: {  	s1 =	rddreg [dreg:$0x4];
	s2 =	simm.s32 $0x0  }
0x6: {  	s6 =	srdreg.scid;
	s8 =	stileid.u32;
	s21 =	simm.s32 $0x5  }
0x7: {  	[smem:$0x7FF] =	sst s2;
	s4 =	sadd.s32 $0x600, s5;
	s5 =	sadd.s32 $0x14000, s5  }
0x8: {  	s6 =	sand.u32 $0x1, s6;
	s9 =	smul.u32 $0x98, s8;
	s11 =	sshll.u32 s8, $0x3  }
0x9: {  	_ =	strace $0x80000047;
	s7 =	ssub.s32 $0x2, s6;
	p0 =	seq.s32 s6, $0x0  }
0xa: {  	s12 =	sor.u32 $0x980, s11;
	s6 =	simm.s32 $0x26;
	s23 =	sshrl.u32 s7, $0x1  }
0xb: {  	v0 =	vimm.s32 $0xFEDCBA98;
	v1 =	vimm.s32 $0x76543210;
	s12 =	smov.u32 @p0 s9;
	s6 =	simm.s32 @!p0 $0x2;
	s13 =	sadd.s32 $0x4C, s9  }
0xc: {  	v2 =	vimm.s32 $0xBA98FEDC;
	v3 =	vimm.s32 $0x32107654;
	s9 =	sor.u32 $0x984, s11;
	s11 =	simm.s32 $0x13280;
	s14 =	ssub.s32 s7, s23  }
0xd: {  	v4 =	vimm.s32 $0xDCFE98BA;
	v5 =	vimm.s32 $0x54761032;
	v6 =	vimm.s32 $0xEFCDAB89;
	s7 =	sshll.u32 s12, $0x7;
	s8 =	sadd.s32 $0xFFFFFFFF, s6;
	s12 =	sshll.u32 s12, $0x4  }
0xe: {  	v7 =	vimm.s32 $0x67452301;
	v0 =	vunpack.c.l.s4.s8 v0;
	v1 =	vunpack.c.l.s4.s8 v1;
	s9 =	smov.u32 @p0 s13;
	s23 =	simm.s32 $0x3;
	s24 =	sadd.s32 s0, s12  }
0xf: {  	v2 =	vunpack.c.l.s4.s8 v2;
	v3 =	vunpack.c.l.s4.s8 v3;
	v4 =	vunpack.c.l.s4.s8 v4;
	s25 =	sadd.s32 s3, s12;
	s26 =	sadd.s32 s10, s12;
	[dreg:$0x6] =	wrdreg s24  }
0x10: {  	v5 =	vunpack.c.l.s4.s8 v5;
	v6 =	vunpack.c.l.s4.s8 v6;
	v7 =	vunpack.c.l.s4.s8 v7;
	s13 =	sor.u32 $0x80, s7;
	s28 =	sshll.u32 s9, $0x4;
	[dreg:$0x7] =	wrdreg s25  }
0x11: {  	v0 =	vunpack.c.0.s8.s32 v0;
	v1 =	vunpack.c.0.s8.s32 v1;
	v2 =	vunpack.c.0.s8.s32 v2;
	s17 =	sor.u32 $0x1, s9;
	s31 =	smax.u32 s14, $0x1;
	[dreg:$0x8] =	wrdreg s26  }
0x12: {  	v3 =	vunpack.c.0.s8.s32 v3;
	v4 =	vunpack.c.0.s8.s32 v4;
	v5 =	vunpack.c.0.s8.s32 v5;
	s14 =	simm.s32 $0x0;
	s0 =	sadd.s32 s0, s28;
	[dreg:$0xc] =	wrdreg s31  }
0x13: {  	v6 =	vunpack.c.0.s8.s32 v6;
	v7 =	vunpack.c.0.s8.s32 v7;
	v0 =	vand.u32 $0xF, v0;
	s29 =	sadd.s32 s3, s28;
	s30 =	sadd.s32 s10, s28;
	[dreg:$0x9] =	wrdreg s0  }
0x14: {  	v0 =	vcombine.low v0, v1;
	v1 =	vcombine.low v3, v2;
	s3 =	simm.s32 $0x13200;
	s10 =	simm.s32 $0x2;
	[dreg:$0xa] =	wrdreg s29  }
0x15: {  	v2 =	vcombine.low v5, v4;
	v3 =	vcombine.low v7, v6;
	v4 =	vlaneseq.u32;
	s24 =	simm.s32 $0x4;
	[dreg:$0xb] =	wrdreg s30;
	s0 =	simm.s32 $0x1  }
.LBB2_1:
0x16: {  	[dreg:$0xd] =	wrdreg s14  }
0x17: {  	s12 =	rddreg [dreg:$0x6]  }
0x18: {  	[tilespmem:s2], [sflag:$0x5] =	stream.linear.gather [hbm4b:s12+s2], $0x2600, $0x38;
	[tilespmem:$0x13300] =	vst v63  }
0x19: {  	_ =	swait.ge [sflag:s21], $0x2600  }
0x1a: {  	[sflag:s21] =	ssyncset.done $0x0  }
0x1b: {  	s18 =	simm.s32 $0x2600;
	s16 =	rddreg [dreg:$0x7];
	[sflag:s21] =	ssyncadd.s32 $0xFFFFDA00  }
0x1c: {  	[tilespmem:s18], [sflag:$0x5] =	stream.linear.gather [hbm4b:s16+s2], $0x2600, $0x38;
	[tilespmem:$0x13300] =	vst v63  }
0x1d: {  	_ =	swait.ge [sflag:s21], $0x2600  }
0x1e: {  	[sflag:s21] =	ssyncset.done $0x0  }
0x1f: {  	s15 =	simm.s32 $0x4C00;
	s19 =	rddreg [dreg:$0x8];
	[sflag:s21] =	ssyncadd.s32 $0xFFFFDA00  }
0x20: {  	[tilespmem:s15], [sflag:$0x5] =	stream.linear.gather [hbm4b:s19+s2], $0x2600, $0x38;
	[tilespmem:$0x13300] =	vst v63  }
0x21: {  	_ =	swait.ge [sflag:s21], $0x2600  }
0x22: {  	[sflag:s21] =	ssyncset.done $0x0  }
0x23: {  	s20 =	simm.s32 $0x80;
	s16 =	simm.s32 $0x7200;
	[sflag:s21] =	ssyncadd.s32 $0xFFFFDA00  }
0x24: {  	[tilespmem:s16], [sflag:$0x1] =	stream.indirect.gather [hbm4b:s4+s20], $0x40, s2, s20, $0xb8;
	[tilespmem:$0x13300] =	vst v63  }
0x25: {  	s22 =	simm.s32 $0x9200  }
0x26: {  	[tilespmem:s22], [sflag:$0x1] =	stream.indirect.gather [hbm4b:s4+s20], $0x40, s18, s20, $0xb8;
	[tilespmem:$0x13300] =	vst v63  }
0x27: {  	s25 =	simm.s32 $0xB200  }
0x28: {  	[tilespmem:s25], [sflag:$0x1] =	stream.indirect.gather [hbm4b:s5+s20], $0x40, s15, s20, $0xb8;
	[tilespmem:$0x13300] =	vst v63  }
0x29: {  	s26 =	simm.s32 $0xD200  }
0x2a: {  	[tilespmem:s26], [sflag:$0x2] =	stream.indirect.gather [hbm4b:s4+s20], $0x40, s20, s20, $0xb8;
	[tilespmem:$0x13300] =	vst v63  }
0x2b: {  	s28 =	simm.s32 $0x2680;
	s29 =	simm.s32 $0xF200  }
0x2c: {  	[tilespmem:s29], [sflag:$0x2] =	stream.indirect.gather [hbm4b:s4+s20], $0x40, s28, s20, $0xb8;
	[tilespmem:$0x13300] =	vst v63  }
0x2d: {  	s30 =	simm.s32 $0x4C80;
	s31 =	simm.s32 $0x11200;
	s25 =	simm.s32 $0x0  }
0x2e: {  	[tilespmem:s31], [sflag:$0x2] =	stream.indirect.gather [hbm4b:s5+s20], $0x40, s30, s20, $0xb8;
	[tilespmem:$0x13300] =	vst v63  }
.LBB2_2:
0x2f: {  	_ =	swait.ge [sflag:s0], $0x2000  }
0x30: {  	[sflag:s0] =	ssyncset.done $0x0  }
0x31: {  	[sflag:s0] =	ssyncadd.s32 $0xFFFFE000  }
0x32: {  	_ =	swait.ge [sflag:s0], $0x2000  }
0x33: {  	[sflag:s0] =	ssyncset.done $0x0  }
0x34: {  	[sflag:s0] =	ssyncadd.s32 $0xFFFFE000  }
0x35: {  	_ =	swait.ge [sflag:s0], $0x2000  }
0x36: {  	p1 =	seq.s32 s25, $0x0;
	[sflag:s0] =	ssyncset.done $0x0  }
0x37: {  	s12 =	simm.s32 @!p1 $0x3;
	[sflag:s0] =	ssyncadd.s32 $0xFFFFE000  }
0x38: {  	s14 =	sshll.u32 s25, $0x8;
	s15 =	simm.s32 $0x0;
	_ =	swait.ge @!p1 [sflag:s12], $0x80  }
0x39: {  	s16 =	simm.s32 $0x7220;
	s26 =	simm.s32 $0x9220;
	[sflag:s12] =	ssyncset.done @!p1 $0x0  }
0x3a: {  	s28 =	simm.s32 $0xB220;
	s29 =	simm.s32 $0x0;
	[sflag:s12] =	ssyncadd.s32 @!p1 $0xFFFFFF80  }
.LBB2_3:
0x3b: {  	v5 =	vld [tilespmem:s16+$0xFFFFFFE0]  }
0x3c: {  	v6 =	vld [tilespmem:s26+$0xFFFFFFE0];
	_ =	sdelay $0x1  }
0x3d: {  	v7 =	vld [tilespmem:s28+$0xFFFFFFE0]  }
0x3e: {  	v8 =	vld [tilespmem:s16+$0xFFFFFFF0]  }
0x3f: {  	v9 =	vld [tilespmem:s26+$0xFFFFFFF0]  }
0x40: {  	v10 =	vshll.u32 v5, $0x10;
	v11 =	vshll.u32 v6, $0x10  }
0x41: {  	v10 =	vmul.f32 v11, v10;
	v11 =	vld [tilespmem:s28+$0xFFFFFFF0]  }
0x42: {  	v12 =	vld [tilespmem:s16+$0x0];
	v5 =	vand.u32 $0xFFFF0000, v5;
	v6 =	vand.u32 $0xFFFF0000, v6;
	v13 =	vshll.u32 v7, $0x10  }
0x43: {  	v14 =	vld [tilespmem:s26+$0x0];
	v5 =	vmul.f32 v6, v5;
	v10 =	vmul.f32 v13, v10  }
0x44: {  	v7 =	vand.u32 $0xFFFF0000, v7;
	v6 =	vshll.u32 v8, $0x10;
	v13 =	vshll.u32 v9, $0x10  }
0x45: {  	v5 =	vmul.f32 v7, v5;
	v7 =	vld [tilespmem:s28+$0x0];
	v6 =	vmul.f32 v13, v6;
	v10 =	vadd.f32 $0.0e+00, v10  }
0x46: {  	v16 =	vld [tilespmem:s26+$0x10];
	v8 =	vand.u32 $0xFFFF0000, v8;
	v9 =	vand.u32 $0xFFFF0000, v9;
	v15 =	vshll.u32 v11, $0x10  }
0x47: {  	v13 =	vld [tilespmem:s16+$0x10];
	v8 =	vmul.f32 v9, v8;
	v5 =	vadd.f32 v10, v5;
	v6 =	vmul.f32 v15, v6  }
0x48: {  	v9 =	vshll.u32 v12, $0x10;
	v11 =	vand.u32 $0xFFFF0000, v11;
	v10 =	vshll.u32 v14, $0x10  }
0x49: {  	v9 =	vmul.f32 v10, v9;
	v5 =	vadd.f32 v6, v5;
	v6 =	vmul.f32 v11, v8;
	v8 =	vld [tilespmem:s28+$0x10]  }
0x4a: {  	s12 =	sadd.s32 $0x40, s16;
	v10 =	vand.u32 $0xFFFF0000, v12;
	v12 =	vshll.u32 v7, $0x10;
	v11 =	vand.u32 $0xFFFF0000, v14  }
0x4b: {  	v14 =	vld [tilespmem:s12+$0x0];
	v10 =	vmul.f32 v11, v10;
	v5 =	vadd.f32 v5, v6;
	v6 =	vmul.f32 v12, v9  }
0x4c: {  	v7 =	vand.u32 $0xFFFF0000, v7;
	v11 =	vld [tilespmem:s12+$0x10];
	v9 =	vshll.u32 v13, $0x10;
	v12 =	vshll.u32 v16, $0x10  }
0x4d: {  	v9 =	vmul.f32 v12, v9;
	v12 =	vld [tilespmem:s12+$0xFFFFFFF0];
	v5 =	vadd.f32 v6, v5;
	v6 =	vmul.f32 v7, v10  }
0x4e: {  	s18 =	sadd.s32 $0x40, s26;
	v7 =	vand.u32 $0xFFFF0000, v13;
	v10 =	vand.u32 $0xFFFF0000, v16;
	v13 =	vld [tilespmem:s12+$0xFFFFFFE0];
	v15 =	vshll.u32 v8, $0x10  }
0x4f: {  	s20 =	sadd.s32 $0x40, s28;
	v7 =	vmul.f32 v10, v7;
	v10 =	vld [tilespmem:s18+$0xFFFFFFE0];
	v6 =	vadd.f32 v5, v6;
	v9 =	vmul.f32 v15, v9  }
0x50: {  	v16 =	vld [tilespmem:s20+$0xFFFFFFE0];
	v8 =	vand.u32 $0xFFFF0000, v8  }
0x51: {  	v15 =	vld [tilespmem:s18+$0xFFFFFFF0];
	v5 =	vimm.f32 $0.0e+00;
	v7 =	vmul.f32 v8, v7;
	v6 =	vadd.f32 v9, v6  }
0x52: {  	v17 =	vand.u32 $0xFFFF0000, v11;
	v8 =	vand.u32 $0xFFFF0000, v14;
	v14 =	vshll.u32 v14, $0x10  }
0x53: {  	v9 =	vshll.u32 v11, $0x10;
	v11 =	vand.u32 $0xFFFF0000, v12;
	v6 =	vadd.f32 v6, v7  }
0x54: {  	v19 =	vld [tilespmem:s18+$0x0];
	v12 =	vshll.u32 v12, $0x10;
	v7 =	vshll.u32 v13, $0x10;
	v18 =	vshll.u32 v10, $0x10  }
0x55: {  	v22 =	vshll.u32 v16, $0x10;
	v7 =	vmul.f32 v18, v7;
	v18 =	vld [tilespmem:s20+$0xFFFFFFF0];
	v21 =	vperm.xlane v6, v0  }
0x56: {  	v13 =	vand.u32 $0xFFFF0000, v13;
	v10 =	vand.u32 $0xFFFF0000, v10;
	v20 =	vshll.u32 v15, $0x10  }
0x57: {  	v10 =	vmul.f32 v10, v13;
	v7 =	vmul.f32 v22, v7;
	v6 =	vadd.f32 v6, v21  }
0x58: {  	v13 =	vand.u32 $0xFFFF0000, v16;
	v15 =	vand.u32 $0xFFFF0000, v15;
	v16 =	vld [tilespmem:s18+$0x10];
	v12 =	vmul.f32 v20, v12  }
0x59: {  	v10 =	vmul.f32 v13, v10;
	v13 =	vld [tilespmem:s20+$0x0];
	v7 =	vadd.f32 $0.0e+00, v7;
	v59 =	vperm.xlane v6, v1  }
0x5a: {  	v11 =	vmul.f32 v15, v11;
	v15 =	vshll.u32 v19, $0x10;
	v60 =	vshll.u32 v18, $0x10  }
0x5b: {  	v7 =	vadd.f32 v7, v10;
	v10 =	vmul.f32 v60, v12;
	v12 =	vadd.f32 v6, v59  }
0x5c: {  	v14 =	vmul.f32 v15, v14;
	v6 =	vand.u32 $0xFFFF0000, v18;
	v18 =	vand.u32 $0xFFFF0000, v19  }
0x5d: {  	v7 =	vadd.f32 v10, v7;
	v10 =	vmul.f32 v6, v11;
	v11 =	vld [tilespmem:s20+$0x10];
	v15 =	vperm.xlane v12, v2  }
0x5e: {  	s19 =	sadd.s32 $0x40, s12;
	v61 =	vshll.u32 v16, $0x10;
	v19 =	vshll.u32 v13, $0x10;
	v18 =	vmul.f32 v18, v8  }
0x5f: {  	v6 =	vld [tilespmem:s19+$0x10];
	v7 =	vadd.f32 v7, v10;
	v10 =	vmul.f32 v19, v14;
	v19 =	vadd.f32 v12, v15  }
0x60: {  	s18 =	sadd.s32 $0x40, s18;
	v9 =	vmul.f32 v61, v9;
	v13 =	vand.u32 $0xFFFF0000, v13;
	v8 =	vld [tilespmem:s19+$0x0];
	v14 =	vand.u32 $0xFFFF0000, v16  }
0x61: {  	v13 =	vmul.f32 v13, v18;
	v16 =	vld [tilespmem:s18+$0xFFFFFFE0];
	v62 =	vadd.f32 v10, v7;
	v18 =	vperm.xlane v19, v3  }
0x62: {  	v12 =	vld [tilespmem:s19+$0xFFFFFFF0];
	v10 =	vmul.f32 v14, v17;
	v7 =	vmov s15;
	v63 =	vshll.u32 v11, $0x10  }
0x63: {  	s31 =	simm.s32 $0x1;
	s30 =	simm.s32 $0x2;
	s22 =	simm.s32 $0x3;
	v15 =	vld [tilespmem:s19+$0xFFFFFFE0];
	v13 =	vadd.f32 v62, v13;
	v14 =	vmul.f32 v63, v9;
	v9 =	vadd.f32 v19, v18  }
.LBB2_4:
0x64: {  	p0 =	sne.s32 s22, $0xF;
	v17 =	vld [tilespmem:s18+$0xFFFFFFF0];
	v11 =	vand.u32 $0xFFFF0000, v11;
	s20 =	sadd.s32 $0x40, s20;
	vm0 =	veq.s32 v7, v4  }
0x65: {  	v7 =	vld [tilespmem:s20+$0xFFFFFFE0];
	v13 =	vadd.f32 v14, v13;
	v10 =	vmul.f32 v11, v10;
	v5 =	vsel vm0, v9, v5  }
0x66: {  	v18 =	vand.u32 $0xFFFF0000, v6;
	v9 =	vand.u32 $0xFFFF0000, v8;
	v14 =	vshll.u32 v6, $0x10  }
0x67: {  	v8 =	vshll.u32 v8, $0x10;
	v6 =	vand.u32 $0xFFFF0000, v12;
	v10 =	vadd.f32 v13, v10  }
0x68: {  	v12 =	vshll.u32 v12, $0x10;
	v11 =	vshll.u32 v15, $0x10;
	v13 =	vshll.u32 v16, $0x10;
	v19 =	vld [tilespmem:s18+$0x0]  }
0x69: {  	v11 =	vmul.f32 v13, v11;
	v13 =	vld [tilespmem:s20+$0xFFFFFFF0];
	v20 =	vshll.u32 v17, $0x10;
	v21 =	vperm.xlane v10, v0  }
0x6a: {  	v15 =	vand.u32 $0xFFFF0000, v15;
	v16 =	vand.u32 $0xFFFF0000, v16;
	v22 =	vshll.u32 v7, $0x10  }
0x6b: {  	v15 =	vmul.f32 v16, v15;
	v11 =	vmul.f32 v22, v11;
	v10 =	vadd.f32 v10, v21  }
0x6c: {  	v16 =	vand.u32 $0xFFFF0000, v17;
	v7 =	vand.u32 $0xFFFF0000, v7;
	v12 =	vmul.f32 v20, v12;
	v17 =	vld [tilespmem:s18+$0x10]  }
0x6d: {  	v7 =	vmul.f32 v7, v15;
	v11 =	vadd.f32 $0.0e+00, v11;
	v15 =	vld [tilespmem:s20+$0x0];
	v20 =	vperm.xlane v10, v1  }
0x6e: {  	v6 =	vmul.f32 v16, v6;
	v16 =	vshll.u32 v19, $0x10;
	v21 =	vshll.u32 v13, $0x10  }
0x6f: {  	v7 =	vadd.f32 v11, v7;
	v11 =	vmul.f32 v21, v12;
	v10 =	vadd.f32 v10, v20  }
0x70: {  	v8 =	vmul.f32 v16, v8;
	v12 =	vand.u32 $0xFFFF0000, v13;
	v13 =	vand.u32 $0xFFFF0000, v19  }
0x71: {  	v12 =	vmul.f32 v12, v6;
	v7 =	vadd.f32 v11, v7;
	v11 =	vld [tilespmem:s20+$0x10];
	v16 =	vperm.xlane v10, v2  }
0x72: {  	s19 =	sadd.s32 $0x40, s19;
	v9 =	vmul.f32 v13, v9;
	v13 =	vshll.u32 v17, $0x10;
	v19 =	vshll.u32 v15, $0x10  }
.Ltmp0:
0x73: {  	v6 =	vld [tilespmem:s19+$0x10];
	v7 =	vadd.f32 v7, v12;
	v19 =	vmul.f32 v19, v8;
	v20 =	vadd.f32 v10, v16;
	(pc) =	sbr.rel @p0 .LBB2_4-.Ltmp0, $4  }
0x74: {  	v14 =	vmul.f32 v13, v14;
	v10 =	vand.u32 $0xFFFF0000, v15;
	v16 =	vand.u32 $0xFFFF0000, v17;
	v8 =	vld [tilespmem:s19+$0x0]  }
0x75: {  	v9 =	vmul.f32 v10, v9;
	v12 =	vld [tilespmem:s19+$0xFFFFFFF0];
	v13 =	vadd.f32 v19, v7;
	v17 =	vperm.xlane v20, v3  }
0x76: {  	s18 =	sadd.s32 $0x40, s18;
	v10 =	vmul.f32 v16, v18;
	v7 =	vmov s31;
	s31 =	smov.u32 s30;
	s30 =	smov.u32 s22;
	v15 =	vld [tilespmem:s19+$0xFFFFFFE0];
	v19 =	vshll.u32 v11, $0x10  }
0x77: {  	s22 =	sadd.s32 $0x1, s22;
	v16 =	vld [tilespmem:s18+$0xFFFFFFE0];
	v13 =	vadd.f32 v13, v9;
	v14 =	vmul.f32 v19, v14;
	v9 =	vadd.f32 v20, v17  }
0x78: {  	s12 =	sadd.s32 $0x40, s20  }
0x79: {  	v17 =	vld [tilespmem:s12+$0xFFFFFFE0];
	_ =	sdelay $0x1  }
0x7a: {  	v18 =	vld [tilespmem:s18+$0xFFFFFFF0]  }
0x7b: {  	v19 =	vshll.u32 v15, $0x10;
	v20 =	vshll.u32 v16, $0x10  }
0x7c: {  	v38 =	vld [tilespmem:s12+$0xFFFFFFF0];
	v19 =	vmul.f32 v20, v19  }
0x7d: {  	v39 =	vand.u32 $0xFFFF0000, v15;
	v40 =	vand.u32 $0xFFFF0000, v16;
	v21 =	vshll.u32 v17, $0x10  }
0x7e: {  	v11 =	vand.u32 $0xFFFF0000, v11;
	v22 =	vld [tilespmem:s18+$0x0];
	v15 =	vmul.f32 v40, v39;
	v19 =	vmul.f32 v21, v19  }
0x7f: {  	v41 =	vshll.u32 v12, $0x10;
	v42 =	vshll.u32 v18, $0x10;
	v17 =	vand.u32 $0xFFFF0000, v17  }
0x80: {  	v43 =	vld [tilespmem:s12+$0x0];
	v16 =	vmul.f32 v42, v41;
	v15 =	vmul.f32 v17, v15;
	v19 =	vadd.f32 $0.0e+00, v19  }
0x81: {  	v44 =	vand.u32 $0xFFFF0000, v12;
	v18 =	vand.u32 $0xFFFF0000, v18;
	v45 =	vshll.u32 v38, $0x10  }
0x82: {  	v46 =	vld [tilespmem:s18+$0x10];
	v12 =	vmul.f32 v18, v44;
	v16 =	vmul.f32 v45, v16;
	v15 =	vadd.f32 v19, v15  }
0x83: {  	v47 =	vshll.u32 v8, $0x10;
	v48 =	vshll.u32 v22, $0x10;
	v20 =	vand.u32 $0xFFFF0000, v38  }
0x84: {  	v49 =	vld [tilespmem:s12+$0x10];
	v12 =	vmul.f32 v20, v12;
	v19 =	vmul.f32 v48, v47;
	v15 =	vadd.f32 v16, v15  }
0x85: {  	v50 =	vand.u32 $0xFFFF0000, v8;
	v51 =	vand.u32 $0xFFFF0000, v22;
	v52 =	vshll.u32 v43, $0x10  }
0x86: {  	v8 =	vmul.f32 v51, v50;
	v53 =	vmul.f32 v52, v19;
	v12 =	vadd.f32 v15, v12  }
0x87: {  	v54 =	vshll.u32 v6, $0x10;
	v55 =	vshll.u32 v46, $0x10;
	v17 =	vand.u32 $0xFFFF0000, v43  }
0x88: {  	v8 =	vmul.f32 v17, v8;
	v19 =	vmul.f32 v55, v54;
	v12 =	vadd.f32 v53, v12  }
0x89: {  	v6 =	vand.u32 $0xFFFF0000, v6;
	v56 =	vand.u32 $0xFFFF0000, v46;
	v57 =	vshll.u32 v49, $0x10  }
0x8a: {  	v6 =	vmul.f32 v56, v6;
	v58 =	vmul.f32 v57, v19;
	v8 =	vadd.f32 v12, v8  }
0x8b: {  	v13 =	vadd.f32 v14, v13;
	v10 =	vmul.f32 v11, v10;
	v59 =	vand.u32 $0xFFFF0000, v49  }
0x8c: {  	v6 =	vmul.f32 v59, v6;
	v8 =	vadd.f32 v58, v8  }
0x8d: {  	v10 =	vadd.f32 v13, v10  }
0x8e: {  	v6 =	vadd.f32 v8, v6  }
0x8f: {  	v60 =	vperm.xlane v10, v0  }
0x90: {  	v61 =	vperm.xlane v6, v0  }
0x91: {  	v8 =	vadd.f32 v10, v60  }
0x92: {  	v6 =	vadd.f32 v6, v61  }
0x93: {  	v10 =	vperm.xlane v8, v1  }
0x94: {  	v11 =	vperm.xlane v6, v1  }
0x95: {  	v8 =	vadd.f32 v8, v10  }
0x96: {  	v6 =	vadd.f32 v6, v11  }
0x97: {  	v10 =	vperm.xlane v8, v2  }
0x98: {  	v11 =	vperm.xlane v6, v2  }
0x99: {  	v8 =	vadd.f32 v8, v10  }
0x9a: {  	v6 =	vadd.f32 v6, v11  }
0x9b: {  	v10 =	vperm.xlane v8, v3  }
0x9c: {  	vm0 =	veq.s32 v7, v4;
	v7 =	vperm.xlane v6, v3  }
0x9d: {  	v62 =	vmov s31;
	v63 =	vmov s30;
	v8 =	vadd.f32 v8, v10  }
0x9e: {  	v5 =	vsel vm0, v9, v5;
	vm14 =	veq.s32 v62, v4;
	v6 =	vadd.f32 v6, v7  }
0x9f: {  	vm15 =	veq.s32 v63, v4;
	v5 =	vsel vm14, v8, v5  }
0xa0: {  	v5 =	vsel vm15, v6, v5  }
0xa1: {  	v5 =	vsub.f32 $0.0e+00, v5;
	_ =	sdelay $0x1  }
0xa2: {  	v5 =	vmul.f32 $1.442695020e+00, v5;
	_ =	sdelay $0x1  }
0xa3: {  	(erf) = vpow2.f32 v5;
	_ =	sdelay $0x8  }
0xa4: {  	v5 =	vpop (erf)  }
0xa5: {  	v5 =	vadd.f32 $1.000000000e+00, v5;
	_ =	sdelay $0x1  }
0xa6: {  	(erf) = vrcp.f32 v5;
	_ =	sdelay $0x3  }
0xa7: {  	s31 =	sshll.u32 s29, $0x4;
	s29 =	sadd.s32 $0x1, s29  }
0xa8: {  	p0 =	sne.s32 s29, $0x8  }
.Ltmp1:
0xa9: {  	_ = 	snop;
	(pc) =	sbr.rel @p0 .LBB2_3-.Ltmp1, $3  }
0xaa: {  	_ =	sdelay $0x1  }
0xab: {  	s12 =	sand.u32 $0x3FFFFFF0, s31;
	v5 =	vpop (erf)  }
0xac: {  	s16 =	sadd.s32 $0x400, s16;
	s26 =	sadd.s32 $0x400, s26;
	s28 =	sadd.s32 $0x400, s28;
	[tilespmem:s12+$0x13200] =	vst v5  }
0xad: {  	s12 =	sadd.s32 s7, s14  }
0xae: {  	s12 =	sshrl.u32 s12, $0x3  }
0xaf: {  	p0 =	sge.u32 s25, s8;
	s12 =	sadd.s32 s1, s12  }
0xb0: {  	[hbm4b:s12+s2] =	stream.linear.scatter [tilespmem:s3], [sflag:$0x3], $0x80, $0x38;
	[tilespmem:$0x13300] =	vst v63  }
0xb1: {  	s15 =	simm.s32 @!p0 $0x80;
	s16 =	simm.s32 @!p0 $0x7200;
	s12 =	sadd.s32 @!p0 $0x100, s14  }
0xb2: {  	[tilespmem:s16], [sflag:$0x1] =	stream.indirect.gather @!p0 [hbm4b:s4+s15], $0x40, s12, s15, $0xb8;
	[tilespmem:$0x13300] =	vst v63  }
0xb3: {  	s12 =	sadd.s32 @!p0 $0x2700, s14;
	s16 =	simm.s32 @!p0 $0x9200  }
0xb4: {  	[tilespmem:s16], [sflag:$0x1] =	stream.indirect.gather @!p0 [hbm4b:s4+s15], $0x40, s12, s15, $0xb8;
	[tilespmem:$0x13300] =	vst v63  }
0xb5: {  	s12 =	sadd.s32 @!p0 $0x4D00, s14;
	s16 =	simm.s32 @!p0 $0xB200  }
0xb6: {  	[tilespmem:s16], [sflag:$0x1] =	stream.indirect.gather @!p0 [hbm4b:s5+s15], $0x40, s12, s15, $0xb8;
	[tilespmem:$0x13300] =	vst v63  }
0xb7: {  	_ =	swait.ge [sflag:s10], $0x2000  }
0xb8: {  	[sflag:s10] =	ssyncset.done $0x0  }
0xb9: {  	[sflag:s10] =	ssyncadd.s32 $0xFFFFE000  }
0xba: {  	_ =	swait.ge [sflag:s10], $0x2000  }
0xbb: {  	[sflag:s10] =	ssyncset.done $0x0  }
0xbc: {  	[sflag:s10] =	ssyncadd.s32 $0xFFFFE000  }
0xbd: {  	_ =	swait.ge [sflag:s10], $0x2000  }
0xbe: {  	[sflag:s10] =	ssyncset.done $0x0  }
0xbf: {  	s12 =	simm.s32 @!p1 $0x4;
	[sflag:s10] =	ssyncadd.s32 $0xFFFFE000  }
0xc0: {  	s26 =	simm.s32 $0xF220;
	_ =	swait.ge @!p1 [sflag:s12], $0x80  }
0xc1: {  	s28 =	simm.s32 $0x11220;
	s29 =	simm.s32 $0x0;
	[sflag:s12] =	ssyncset.done @!p1 $0x0  }
0xc2: {  	s15 =	simm.s32 $0x0;
	s16 =	simm.s32 $0xD220;
	[sflag:s12] =	ssyncadd.s32 @!p1 $0xFFFFFF80  }
.LBB2_7:
0xc3: {  	v5 =	vld [tilespmem:s16+$0xFFFFFFE0]  }
0xc4: {  	v6 =	vld [tilespmem:s26+$0xFFFFFFE0];
	_ =	sdelay $0x1  }
0xc5: {  	v7 =	vld [tilespmem:s28+$0xFFFFFFE0]  }
0xc6: {  	v8 =	vld [tilespmem:s16+$0xFFFFFFF0]  }
0xc7: {  	v9 =	vld [tilespmem:s26+$0xFFFFFFF0]  }
0xc8: {  	v10 =	vshll.u32 v5, $0x10;
	v11 =	vshll.u32 v6, $0x10  }
0xc9: {  	v10 =	vmul.f32 v11, v10;
	v11 =	vld [tilespmem:s28+$0xFFFFFFF0]  }
0xca: {  	v12 =	vld [tilespmem:s16+$0x0];
	v5 =	vand.u32 $0xFFFF0000, v5;
	v6 =	vand.u32 $0xFFFF0000, v6;
	v13 =	vshll.u32 v7, $0x10  }
0xcb: {  	v14 =	vld [tilespmem:s26+$0x0];
	v5 =	vmul.f32 v6, v5;
	v10 =	vmul.f32 v13, v10  }
0xcc: {  	v7 =	vand.u32 $0xFFFF0000, v7;
	v6 =	vshll.u32 v8, $0x10;
	v13 =	vshll.u32 v9, $0x10  }
0xcd: {  	v5 =	vmul.f32 v7, v5;
	v7 =	vld [tilespmem:s28+$0x0];
	v6 =	vmul.f32 v13, v6;
	v10 =	vadd.f32 $0.0e+00, v10  }
0xce: {  	v16 =	vld [tilespmem:s26+$0x10];
	v8 =	vand.u32 $0xFFFF0000, v8;
	v9 =	vand.u32 $0xFFFF0000, v9;
	v15 =	vshll.u32 v11, $0x10  }
0xcf: {  	v13 =	vld [tilespmem:s16+$0x10];
	v8 =	vmul.f32 v9, v8;
	v5 =	vadd.f32 v10, v5;
	v6 =	vmul.f32 v15, v6  }
0xd0: {  	v9 =	vshll.u32 v12, $0x10;
	v11 =	vand.u32 $0xFFFF0000, v11;
	v10 =	vshll.u32 v14, $0x10  }
0xd1: {  	v9 =	vmul.f32 v10, v9;
	v5 =	vadd.f32 v6, v5;
	v6 =	vmul.f32 v11, v8;
	v8 =	vld [tilespmem:s28+$0x10]  }
0xd2: {  	s12 =	sadd.s32 $0x40, s16;
	v10 =	vand.u32 $0xFFFF0000, v12;
	v12 =	vshll.u32 v7, $0x10;
	v11 =	vand.u32 $0xFFFF0000, v14  }
0xd3: {  	v14 =	vld [tilespmem:s12+$0x0];
	v10 =	vmul.f32 v11, v10;
	v5 =	vadd.f32 v5, v6;
	v6 =	vmul.f32 v12, v9  }
0xd4: {  	v7 =	vand.u32 $0xFFFF0000, v7;
	v11 =	vld [tilespmem:s12+$0x10];
	v9 =	vshll.u32 v13, $0x10;
	v12 =	vshll.u32 v16, $0x10  }
0xd5: {  	v9 =	vmul.f32 v12, v9;
	v12 =	vld [tilespmem:s12+$0xFFFFFFF0];
	v5 =	vadd.f32 v6, v5;
	v6 =	vmul.f32 v7, v10  }
0xd6: {  	s18 =	sadd.s32 $0x40, s26;
	v7 =	vand.u32 $0xFFFF0000, v13;
	v10 =	vand.u32 $0xFFFF0000, v16;
	v13 =	vld [tilespmem:s12+$0xFFFFFFE0];
	v15 =	vshll.u32 v8, $0x10  }
0xd7: {  	s20 =	sadd.s32 $0x40, s28;
	v7 =	vmul.f32 v10, v7;
	v10 =	vld [tilespmem:s18+$0xFFFFFFE0];
	v6 =	vadd.f32 v5, v6;
	v9 =	vmul.f32 v15, v9  }
0xd8: {  	v16 =	vld [tilespmem:s20+$0xFFFFFFE0];
	v8 =	vand.u32 $0xFFFF0000, v8  }
0xd9: {  	v15 =	vld [tilespmem:s18+$0xFFFFFFF0];
	v5 =	vimm.f32 $0.0e+00;
	v7 =	vmul.f32 v8, v7;
	v6 =	vadd.f32 v9, v6  }
0xda: {  	v17 =	vand.u32 $0xFFFF0000, v11;
	v8 =	vand.u32 $0xFFFF0000, v14;
	v14 =	vshll.u32 v14, $0x10  }
0xdb: {  	v9 =	vshll.u32 v11, $0x10;
	v11 =	vand.u32 $0xFFFF0000, v12;
	v6 =	vadd.f32 v6, v7  }
0xdc: {  	v19 =	vld [tilespmem:s18+$0x0];
	v12 =	vshll.u32 v12, $0x10;
	v7 =	vshll.u32 v13, $0x10;
	v18 =	vshll.u32 v10, $0x10  }
0xdd: {  	v22 =	vshll.u32 v16, $0x10;
	v7 =	vmul.f32 v18, v7;
	v18 =	vld [tilespmem:s20+$0xFFFFFFF0];
	v21 =	vperm.xlane v6, v0  }
0xde: {  	v13 =	vand.u32 $0xFFFF0000, v13;
	v10 =	vand.u32 $0xFFFF0000, v10;
	v20 =	vshll.u32 v15, $0x10  }
0xdf: {  	v10 =	vmul.f32 v10, v13;
	v7 =	vmul.f32 v22, v7;
	v6 =	vadd.f32 v6, v21  }
0xe0: {  	v13 =	vand.u32 $0xFFFF0000, v16;
	v15 =	vand.u32 $0xFFFF0000, v15;
	v16 =	vld [tilespmem:s18+$0x10];
	v12 =	vmul.f32 v20, v12  }
0xe1: {  	v10 =	vmul.f32 v13, v10;
	v13 =	vld [tilespmem:s20+$0x0];
	v7 =	vadd.f32 $0.0e+00, v7;
	v59 =	vperm.xlane v6, v1  }
0xe2: {  	v11 =	vmul.f32 v15, v11;
	v15 =	vshll.u32 v19, $0x10;
	v60 =	vshll.u32 v18, $0x10  }
0xe3: {  	v7 =	vadd.f32 v7, v10;
	v10 =	vmul.f32 v60, v12;
	v12 =	vadd.f32 v6, v59  }
0xe4: {  	v14 =	vmul.f32 v15, v14;
	v6 =	vand.u32 $0xFFFF0000, v18;
	v18 =	vand.u32 $0xFFFF0000, v19  }
0xe5: {  	v7 =	vadd.f32 v10, v7;
	v10 =	vmul.f32 v6, v11;
	v11 =	vld [tilespmem:s20+$0x10];
	v15 =	vperm.xlane v12, v2  }
0xe6: {  	s19 =	sadd.s32 $0x40, s12;
	v61 =	vshll.u32 v16, $0x10;
	v19 =	vshll.u32 v13, $0x10;
	v18 =	vmul.f32 v18, v8  }
0xe7: {  	v6 =	vld [tilespmem:s19+$0x10];
	v7 =	vadd.f32 v7, v10;
	v10 =	vmul.f32 v19, v14;
	v19 =	vadd.f32 v12, v15  }
0xe8: {  	s18 =	sadd.s32 $0x40, s18;
	v9 =	vmul.f32 v61, v9;
	v13 =	vand.u32 $0xFFFF0000, v13;
	v8 =	vld [tilespmem:s19+$0x0];
	v14 =	vand.u32 $0xFFFF0000, v16  }
0xe9: {  	v13 =	vmul.f32 v13, v18;
	v16 =	vld [tilespmem:s18+$0xFFFFFFE0];
	v62 =	vadd.f32 v10, v7;
	v18 =	vperm.xlane v19, v3  }
0xea: {  	v12 =	vld [tilespmem:s19+$0xFFFFFFF0];
	v10 =	vmul.f32 v14, v17;
	v7 =	vmov s15;
	v63 =	vshll.u32 v11, $0x10  }
0xeb: {  	s31 =	simm.s32 $0x1;
	s30 =	simm.s32 $0x2;
	s22 =	simm.s32 $0x3;
	v15 =	vld [tilespmem:s19+$0xFFFFFFE0];
	v13 =	vadd.f32 v62, v13;
	v14 =	vmul.f32 v63, v9;
	v9 =	vadd.f32 v19, v18  }
.LBB2_8:
0xec: {  	p1 =	sne.s32 s22, $0xF;
	v17 =	vld [tilespmem:s18+$0xFFFFFFF0];
	v11 =	vand.u32 $0xFFFF0000, v11;
	s20 =	sadd.s32 $0x40, s20;
	vm0 =	veq.s32 v7, v4  }
0xed: {  	v7 =	vld [tilespmem:s20+$0xFFFFFFE0];
	v13 =	vadd.f32 v14, v13;
	v10 =	vmul.f32 v11, v10;
	v5 =	vsel vm0, v9, v5  }
0xee: {  	v18 =	vand.u32 $0xFFFF0000, v6;
	v9 =	vand.u32 $0xFFFF0000, v8;
	v14 =	vshll.u32 v6, $0x10  }
0xef: {  	v8 =	vshll.u32 v8, $0x10;
	v6 =	vand.u32 $0xFFFF0000, v12;
	v10 =	vadd.f32 v13, v10  }
0xf0: {  	v12 =	vshll.u32 v12, $0x10;
	v11 =	vshll.u32 v15, $0x10;
	v13 =	vshll.u32 v16, $0x10;
	v19 =	vld [tilespmem:s18+$0x0]  }
0xf1: {  	v11 =	vmul.f32 v13, v11;
	v13 =	vld [tilespmem:s20+$0xFFFFFFF0];
	v20 =	vshll.u32 v17, $0x10;
	v21 =	vperm.xlane v10, v0  }
0xf2: {  	v15 =	vand.u32 $0xFFFF0000, v15;
	v16 =	vand.u32 $0xFFFF0000, v16;
	v22 =	vshll.u32 v7, $0x10  }
0xf3: {  	v15 =	vmul.f32 v16, v15;
	v11 =	vmul.f32 v22, v11;
	v10 =	vadd.f32 v10, v21  }
0xf4: {  	v16 =	vand.u32 $0xFFFF0000, v17;
	v7 =	vand.u32 $0xFFFF0000, v7;
	v12 =	vmul.f32 v20, v12;
	v17 =	vld [tilespmem:s18+$0x10]  }
0xf5: {  	v7 =	vmul.f32 v7, v15;
	v11 =	vadd.f32 $0.0e+00, v11;
	v15 =	vld [tilespmem:s20+$0x0];
	v20 =	vperm.xlane v10, v1  }
0xf6: {  	v6 =	vmul.f32 v16, v6;
	v16 =	vshll.u32 v19, $0x10;
	v21 =	vshll.u32 v13, $0x10  }
0xf7: {  	v7 =	vadd.f32 v11, v7;
	v11 =	vmul.f32 v21, v12;
	v10 =	vadd.f32 v10, v20  }
0xf8: {  	v8 =	vmul.f32 v16, v8;
	v12 =	vand.u32 $0xFFFF0000, v13;
	v13 =	vand.u32 $0xFFFF0000, v19  }
0xf9: {  	v12 =	vmul.f32 v12, v6;
	v7 =	vadd.f32 v11, v7;
	v11 =	vld [tilespmem:s20+$0x10];
	v16 =	vperm.xlane v10, v2  }
0xfa: {  	s19 =	sadd.s32 $0x40, s19;
	v9 =	vmul.f32 v13, v9;
	v13 =	vshll.u32 v17, $0x10;
	v19 =	vshll.u32 v15, $0x10  }
.Ltmp2:
0xfb: {  	v6 =	vld [tilespmem:s19+$0x10];
	v7 =	vadd.f32 v7, v12;
	v19 =	vmul.f32 v19, v8;
	v20 =	vadd.f32 v10, v16;
	(pc) =	sbr.rel @p1 .LBB2_8-.Ltmp2, $4  }
0xfc: {  	v14 =	vmul.f32 v13, v14;
	v10 =	vand.u32 $0xFFFF0000, v15;
	v16 =	vand.u32 $0xFFFF0000, v17;
	v8 =	vld [tilespmem:s19+$0x0]  }
0xfd: {  	v9 =	vmul.f32 v10, v9;
	v12 =	vld [tilespmem:s19+$0xFFFFFFF0];
	v13 =	vadd.f32 v19, v7;
	v17 =	vperm.xlane v20, v3  }
0xfe: {  	s18 =	sadd.s32 $0x40, s18;
	v10 =	vmul.f32 v16, v18;
	v7 =	vmov s31;
	s31 =	smov.u32 s30;
	s30 =	smov.u32 s22;
	v15 =	vld [tilespmem:s19+$0xFFFFFFE0];
	v19 =	vshll.u32 v11, $0x10  }
0xff: {  	s22 =	sadd.s32 $0x1, s22;
	v16 =	vld [tilespmem:s18+$0xFFFFFFE0];
	v13 =	vadd.f32 v13, v9;
	v14 =	vmul.f32 v19, v14;
	v9 =	vadd.f32 v20, v17  }
0x100: {  	s12 =	sadd.s32 $0x40, s20  }
0x101: {  	v17 =	vld [tilespmem:s12+$0xFFFFFFE0];
	_ =	sdelay $0x1  }
0x102: {  	v18 =	vld [tilespmem:s18+$0xFFFFFFF0]  }
0x103: {  	v19 =	vshll.u32 v15, $0x10;
	v20 =	vshll.u32 v16, $0x10  }
0x104: {  	v38 =	vld [tilespmem:s12+$0xFFFFFFF0];
	v19 =	vmul.f32 v20, v19  }
0x105: {  	v39 =	vand.u32 $0xFFFF0000, v15;
	v40 =	vand.u32 $0xFFFF0000, v16;
	v21 =	vshll.u32 v17, $0x10  }
0x106: {  	v11 =	vand.u32 $0xFFFF0000, v11;
	v22 =	vld [tilespmem:s18+$0x0];
	v15 =	vmul.f32 v40, v39;
	v19 =	vmul.f32 v21, v19  }
0x107: {  	v41 =	vshll.u32 v12, $0x10;
	v42 =	vshll.u32 v18, $0x10;
	v17 =	vand.u32 $0xFFFF0000, v17  }
0x108: {  	v43 =	vld [tilespmem:s12+$0x0];
	v16 =	vmul.f32 v42, v41;
	v15 =	vmul.f32 v17, v15;
	v19 =	vadd.f32 $0.0e+00, v19  }
0x109: {  	v44 =	vand.u32 $0xFFFF0000, v12;
	v18 =	vand.u32 $0xFFFF0000, v18;
	v45 =	vshll.u32 v38, $0x10  }
0x10a: {  	v46 =	vld [tilespmem:s18+$0x10];
	v12 =	vmul.f32 v18, v44;
	v16 =	vmul.f32 v45, v16;
	v15 =	vadd.f32 v19, v15  }
0x10b: {  	v47 =	vshll.u32 v8, $0x10;
	v48 =	vshll.u32 v22, $0x10;
	v20 =	vand.u32 $0xFFFF0000, v38  }
0x10c: {  	v49 =	vld [tilespmem:s12+$0x10];
	v12 =	vmul.f32 v20, v12;
	v19 =	vmul.f32 v48, v47;
	v15 =	vadd.f32 v16, v15  }
0x10d: {  	v50 =	vand.u32 $0xFFFF0000, v8;
	v51 =	vand.u32 $0xFFFF0000, v22;
	v52 =	vshll.u32 v43, $0x10  }
0x10e: {  	v8 =	vmul.f32 v51, v50;
	v53 =	vmul.f32 v52, v19;
	v12 =	vadd.f32 v15, v12  }
0x10f: {  	v54 =	vshll.u32 v6, $0x10;
	v55 =	vshll.u32 v46, $0x10;
	v17 =	vand.u32 $0xFFFF0000, v43  }
0x110: {  	v8 =	vmul.f32 v17, v8;
	v19 =	vmul.f32 v55, v54;
	v12 =	vadd.f32 v53, v12  }
0x111: {  	v6 =	vand.u32 $0xFFFF0000, v6;
	v56 =	vand.u32 $0xFFFF0000, v46;
	v57 =	vshll.u32 v49, $0x10  }
0x112: {  	v6 =	vmul.f32 v56, v6;
	v58 =	vmul.f32 v57, v19;
	v8 =	vadd.f32 v12, v8  }
0x113: {  	v13 =	vadd.f32 v14, v13;
	v10 =	vmul.f32 v11, v10;
	v59 =	vand.u32 $0xFFFF0000, v49  }
0x114: {  	v6 =	vmul.f32 v59, v6;
	v8 =	vadd.f32 v58, v8  }
0x115: {  	v10 =	vadd.f32 v13, v10  }
0x116: {  	v6 =	vadd.f32 v8, v6  }
0x117: {  	v60 =	vperm.xlane v10, v0  }
0x118: {  	v61 =	vperm.xlane v6, v0  }
0x119: {  	v8 =	vadd.f32 v10, v60  }
0x11a: {  	v6 =	vadd.f32 v6, v61  }
0x11b: {  	v10 =	vperm.xlane v8, v1  }
0x11c: {  	v11 =	vperm.xlane v6, v1  }
0x11d: {  	v8 =	vadd.f32 v8, v10  }
0x11e: {  	v6 =	vadd.f32 v6, v11  }
0x11f: {  	v10 =	vperm.xlane v8, v2  }
0x120: {  	v11 =	vperm.xlane v6, v2  }
0x121: {  	v8 =	vadd.f32 v8, v10  }
0x122: {  	v6 =	vadd.f32 v6, v11  }
0x123: {  	v10 =	vperm.xlane v8, v3  }
0x124: {  	vm0 =	veq.s32 v7, v4;
	v7 =	vperm.xlane v6, v3  }
0x125: {  	v62 =	vmov s31;
	v63 =	vmov s30;
	v8 =	vadd.f32 v8, v10  }
0x126: {  	v5 =	vsel vm0, v9, v5;
	vm14 =	veq.s32 v62, v4;
	v6 =	vadd.f32 v6, v7  }
0x127: {  	vm15 =	veq.s32 v63, v4;
	v5 =	vsel vm14, v8, v5  }
0x128: {  	v5 =	vsel vm15, v6, v5  }
0x129: {  	v5 =	vsub.f32 $0.0e+00, v5;
	_ =	sdelay $0x1  }
0x12a: {  	v5 =	vmul.f32 $1.442695020e+00, v5;
	_ =	sdelay $0x1  }
0x12b: {  	(erf) = vpow2.f32 v5;
	_ =	sdelay $0x8  }
0x12c: {  	v5 =	vpop (erf)  }
0x12d: {  	v5 =	vadd.f32 $1.000000000e+00, v5;
	_ =	sdelay $0x1  }
0x12e: {  	(erf) = vrcp.f32 v5;
	_ =	sdelay $0x3  }
0x12f: {  	s31 =	sshll.u32 s29, $0x4;
	s29 =	sadd.s32 $0x1, s29  }
0x130: {  	p1 =	sne.s32 s29, $0x8  }
.Ltmp3:
0x131: {  	_ = 	snop;
	(pc) =	sbr.rel @p1 .LBB2_7-.Ltmp3, $3  }
0x132: {  	_ =	sdelay $0x1  }
0x133: {  	s12 =	sand.u32 $0x3FFFFFF0, s31;
	v5 =	vpop (erf)  }
0x134: {  	s16 =	sadd.s32 $0x400, s16;
	s26 =	sadd.s32 $0x400, s26;
	s28 =	sadd.s32 $0x400, s28;
	[tilespmem:s12+$0x13280] =	vst v5  }
0x135: {  	s12 =	sadd.s32 s14, s13  }
0x136: {  	s12 =	sshrl.u32 s12, $0x3  }
0x137: {  	s12 =	sadd.s32 s1, s12  }
0x138: {  	[hbm4b:s12+s2] =	stream.linear.scatter [tilespmem:s11], [sflag:$0x4], $0x80, $0x38;
	[tilespmem:$0x13300] =	vst v63  }
0x139: {  	s15 =	simm.s32 @!p0 $0x80;
	s16 =	simm.s32 @!p0 $0xD200;
	s12 =	sadd.s32 @!p0 $0x180, s14  }
0x13a: {  	[tilespmem:s16], [sflag:$0x2] =	stream.indirect.gather @!p0 [hbm4b:s4+s15], $0x40, s12, s15, $0xb8;
	[tilespmem:$0x13300] =	vst v63  }
0x13b: {  	s12 =	sadd.s32 @!p0 $0x2780, s14;
	s16 =	simm.s32 @!p0 $0xF200  }
0x13c: {  	[tilespmem:s16], [sflag:$0x2] =	stream.indirect.gather @!p0 [hbm4b:s4+s15], $0x40, s12, s15, $0xb8;
	[tilespmem:$0x13300] =	vst v63  }
0x13d: {  	s25 =	sadd.s32 $0x1, s25;
	s12 =	sadd.s32 @!p0 $0x4D80, s14;
	s14 =	simm.s32 @!p0 $0x11200  }
0x13e: {  	[tilespmem:s14], [sflag:$0x2] =	stream.indirect.gather @!p0 [hbm4b:s5+s15], $0x40, s12, s15, $0xb8;
	[tilespmem:$0x13300] =	vst v63  }
0x13f: {  	p0 =	sne.s32 s25, s6  }
.Ltmp4:
0x140: {  	_ = 	snop;
	(pc) =	sbr.rel @p0 .LBB2_2-.Ltmp4, $1  }
0x141: {  	_ =	sdelay $0x3  }
0x142: {  	s25 =	simm.s32 $0x0;
	s12 =	rddreg [dreg:$0x9]  }
0x143: {  	[tilespmem:s25], [sflag:$0x5] =	stream.linear.gather [hbm4b:s12+s25], $0x2600, $0x38;
	[tilespmem:$0x13300] =	vst v63  }
0x144: {  	_ =	swait.ge [sflag:s21], $0x2600  }
0x145: {  	[sflag:s21] =	ssyncset.done $0x0  }
0x146: {  	s14 =	simm.s32 $0x2600;
	s16 =	rddreg [dreg:$0xa];
	[sflag:s21] =	ssyncadd.s32 $0xFFFFDA00  }
0x147: {  	[tilespmem:s14], [sflag:$0x5] =	stream.linear.gather [hbm4b:s16+s25], $0x2600, $0x38;
	[tilespmem:$0x13300] =	vst v63  }
0x148: {  	_ =	swait.ge [sflag:s21], $0x2600  }
0x149: {  	[sflag:s21] =	ssyncset.done $0x0  }
0x14a: {  	s15 =	simm.s32 $0x4C00;
	s18 =	rddreg [dreg:$0xb];
	[sflag:s21] =	ssyncadd.s32 $0xFFFFDA00  }
0x14b: {  	[tilespmem:s15], [sflag:$0x5] =	stream.linear.gather [hbm4b:s18+s25], $0x2600, $0x38;
	[tilespmem:$0x13300] =	vst v63  }
0x14c: {  	_ =	swait.ge [sflag:s21], $0x2600  }
0x14d: {  	[sflag:s21] =	ssyncset.done $0x0  }
0x14e: {  	s19 =	simm.s32 $0x80;
	s16 =	simm.s32 $0x7200;
	[sflag:s21] =	ssyncadd.s32 $0xFFFFDA00  }
0x14f: {  	[tilespmem:s16], [sflag:$0x1] =	stream.indirect.gather [hbm4b:s4+s19], $0x40, s25, s19, $0xb8;
	[tilespmem:$0x13300] =	vst v63  }
0x150: {  	s20 =	simm.s32 $0x9200  }
0x151: {  	[tilespmem:s20], [sflag:$0x1] =	stream.indirect.gather [hbm4b:s4+s19], $0x40, s14, s19, $0xb8;
	[tilespmem:$0x13300] =	vst v63  }
0x152: {  	s22 =	simm.s32 $0xB200  }
0x153: {  	[tilespmem:s22], [sflag:$0x1] =	stream.indirect.gather [hbm4b:s5+s19], $0x40, s15, s19, $0xb8;
	[tilespmem:$0x13300] =	vst v63  }
0x154: {  	s26 =	simm.s32 $0xD200  }
0x155: {  	[tilespmem:s26], [sflag:$0x2] =	stream.indirect.gather [hbm4b:s4+s19], $0x40, s19, s19, $0xb8;
	[tilespmem:$0x13300] =	vst v63  }
0x156: {  	s28 =	simm.s32 $0x2680;
	s29 =	simm.s32 $0xF200  }
0x157: {  	[tilespmem:s29], [sflag:$0x2] =	stream.indirect.gather [hbm4b:s4+s19], $0x40, s28, s19, $0xb8;
	[tilespmem:$0x13300] =	vst v63  }
0x158: {  	s30 =	simm.s32 $0x4C80;
	s31 =	simm.s32 $0x11200  }
0x159: {  	[tilespmem:s31], [sflag:$0x2] =	stream.indirect.gather [hbm4b:s5+s19], $0x40, s30, s19, $0xb8;
	[tilespmem:$0x13300] =	vst v63  }
.LBB2_12:
0x15a: {  	_ =	swait.ge [sflag:s0], $0x2000  }
0x15b: {  	[sflag:s0] =	ssyncset.done $0x0  }
0x15c: {  	[sflag:s0] =	ssyncadd.s32 $0xFFFFE000  }
0x15d: {  	_ =	swait.ge [sflag:s0], $0x2000  }
0x15e: {  	[sflag:s0] =	ssyncset.done $0x0  }
0x15f: {  	[sflag:s0] =	ssyncadd.s32 $0xFFFFE000  }
0x160: {  	_ =	swait.ge [sflag:s0], $0x2000  }
0x161: {  	[sflag:s0] =	ssyncset.done $0x0  }
0x162: {  	[sflag:s0] =	ssyncadd.s32 $0xFFFFE000  }
0x163: {  	_ =	swait.ge [sflag:s23], $0x80  }
0x164: {  	s14 =	simm.s32 $0x7220;
	s15 =	simm.s32 $0x9220;
	[sflag:s23] =	ssyncset.done $0x0  }
0x165: {  	s16 =	simm.s32 $0xB220;
	s26 =	simm.s32 $0x0;
	[sflag:s23] =	ssyncadd.s32 $0xFFFFFF80  }
.LBB2_13:
0x166: {  	v5 =	vld [tilespmem:s14+$0xFFFFFFE0]  }
0x167: {  	v6 =	vld [tilespmem:s15+$0xFFFFFFE0];
	_ =	sdelay $0x1  }
0x168: {  	v7 =	vld [tilespmem:s16+$0xFFFFFFE0]  }
0x169: {  	v8 =	vld [tilespmem:s14+$0xFFFFFFF0]  }
0x16a: {  	v9 =	vld [tilespmem:s15+$0xFFFFFFF0]  }
0x16b: {  	v10 =	vshll.u32 v5, $0x10;
	v11 =	vshll.u32 v6, $0x10  }
0x16c: {  	v10 =	vmul.f32 v11, v10;
	v11 =	vld [tilespmem:s16+$0xFFFFFFF0]  }
0x16d: {  	v12 =	vld [tilespmem:s14+$0x0];
	v5 =	vand.u32 $0xFFFF0000, v5;
	v6 =	vand.u32 $0xFFFF0000, v6;
	v13 =	vshll.u32 v7, $0x10  }
0x16e: {  	v14 =	vld [tilespmem:s15+$0x0];
	v5 =	vmul.f32 v6, v5;
	v10 =	vmul.f32 v13, v10  }
0x16f: {  	v7 =	vand.u32 $0xFFFF0000, v7;
	v6 =	vshll.u32 v8, $0x10;
	v13 =	vshll.u32 v9, $0x10  }
0x170: {  	v5 =	vmul.f32 v7, v5;
	v7 =	vld [tilespmem:s16+$0x0];
	v6 =	vmul.f32 v13, v6;
	v10 =	vadd.f32 $0.0e+00, v10  }
0x171: {  	v16 =	vld [tilespmem:s15+$0x10];
	v8 =	vand.u32 $0xFFFF0000, v8;
	v9 =	vand.u32 $0xFFFF0000, v9;
	v15 =	vshll.u32 v11, $0x10  }
0x172: {  	v13 =	vld [tilespmem:s14+$0x10];
	v8 =	vmul.f32 v9, v8;
	v5 =	vadd.f32 v10, v5;
	v6 =	vmul.f32 v15, v6  }
0x173: {  	v9 =	vshll.u32 v12, $0x10;
	v11 =	vand.u32 $0xFFFF0000, v11;
	v10 =	vshll.u32 v14, $0x10  }
0x174: {  	v9 =	vmul.f32 v10, v9;
	v5 =	vadd.f32 v6, v5;
	v6 =	vmul.f32 v11, v8;
	v8 =	vld [tilespmem:s16+$0x10]  }
0x175: {  	s12 =	sadd.s32 $0x40, s14;
	v10 =	vand.u32 $0xFFFF0000, v12;
	v12 =	vshll.u32 v7, $0x10;
	v11 =	vand.u32 $0xFFFF0000, v14  }
0x176: {  	v14 =	vld [tilespmem:s12+$0x0];
	v10 =	vmul.f32 v11, v10;
	v5 =	vadd.f32 v5, v6;
	v6 =	vmul.f32 v12, v9  }
0x177: {  	v7 =	vand.u32 $0xFFFF0000, v7;
	v11 =	vld [tilespmem:s12+$0x10];
	v9 =	vshll.u32 v13, $0x10;
	v12 =	vshll.u32 v16, $0x10  }
0x178: {  	v9 =	vmul.f32 v12, v9;
	v12 =	vld [tilespmem:s12+$0xFFFFFFF0];
	v5 =	vadd.f32 v6, v5;
	v6 =	vmul.f32 v7, v10  }
0x179: {  	s18 =	sadd.s32 $0x40, s15;
	v7 =	vand.u32 $0xFFFF0000, v13;
	v10 =	vand.u32 $0xFFFF0000, v16;
	v13 =	vld [tilespmem:s12+$0xFFFFFFE0];
	v15 =	vshll.u32 v8, $0x10  }
0x17a: {  	s20 =	sadd.s32 $0x40, s16;
	v7 =	vmul.f32 v10, v7;
	v10 =	vld [tilespmem:s18+$0xFFFFFFE0];
	v6 =	vadd.f32 v5, v6;
	v9 =	vmul.f32 v15, v9  }
0x17b: {  	v16 =	vld [tilespmem:s20+$0xFFFFFFE0];
	v8 =	vand.u32 $0xFFFF0000, v8  }
0x17c: {  	v15 =	vld [tilespmem:s18+$0xFFFFFFF0];
	v5 =	vimm.f32 $0.0e+00;
	v7 =	vmul.f32 v8, v7;
	v6 =	vadd.f32 v9, v6  }
0x17d: {  	v17 =	vand.u32 $0xFFFF0000, v11;
	v8 =	vand.u32 $0xFFFF0000, v14;
	v14 =	vshll.u32 v14, $0x10  }
0x17e: {  	v9 =	vshll.u32 v11, $0x10;
	v11 =	vand.u32 $0xFFFF0000, v12;
	v6 =	vadd.f32 v6, v7  }
0x17f: {  	v19 =	vld [tilespmem:s18+$0x0];
	v12 =	vshll.u32 v12, $0x10;
	v7 =	vshll.u32 v13, $0x10;
	v18 =	vshll.u32 v10, $0x10  }
0x180: {  	v22 =	vshll.u32 v16, $0x10;
	v7 =	vmul.f32 v18, v7;
	v18 =	vld [tilespmem:s20+$0xFFFFFFF0];
	v21 =	vperm.xlane v6, v0  }
0x181: {  	v13 =	vand.u32 $0xFFFF0000, v13;
	v10 =	vand.u32 $0xFFFF0000, v10;
	v20 =	vshll.u32 v15, $0x10  }
0x182: {  	v10 =	vmul.f32 v10, v13;
	v7 =	vmul.f32 v22, v7;
	v6 =	vadd.f32 v6, v21  }
0x183: {  	v13 =	vand.u32 $0xFFFF0000, v16;
	v15 =	vand.u32 $0xFFFF0000, v15;
	v16 =	vld [tilespmem:s18+$0x10];
	v12 =	vmul.f32 v20, v12  }
0x184: {  	v10 =	vmul.f32 v13, v10;
	v13 =	vld [tilespmem:s20+$0x0];
	v7 =	vadd.f32 $0.0e+00, v7;
	v61 =	vperm.xlane v6, v1  }
0x185: {  	v11 =	vmul.f32 v15, v11;
	v15 =	vshll.u32 v19, $0x10;
	v62 =	vshll.u32 v18, $0x10  }
0x186: {  	v7 =	vadd.f32 v7, v10;
	v10 =	vmul.f32 v62, v12;
	v12 =	vadd.f32 v6, v61  }
0x187: {  	v14 =	vmul.f32 v15, v14;
	v6 =	vand.u32 $0xFFFF0000, v18;
	v18 =	vand.u32 $0xFFFF0000, v19  }
0x188: {  	v7 =	vadd.f32 v10, v7;
	v10 =	vmul.f32 v6, v11;
	v11 =	vld [tilespmem:s20+$0x10];
	v15 =	vperm.xlane v12, v2  }
0x189: {  	s19 =	sadd.s32 $0x40, s12;
	v19 =	vshll.u32 v13, $0x10;
	v8 =	vmul.f32 v18, v8;
	v18 =	vshll.u32 v16, $0x10  }
0x18a: {  	v6 =	vld [tilespmem:s19+$0x10];
	v14 =	vmul.f32 v19, v14;
	v10 =	vadd.f32 v7, v10;
	v19 =	vadd.f32 v12, v15  }
0x18b: {  	v13 =	vand.u32 $0xFFFF0000, v13;
	v16 =	vand.u32 $0xFFFF0000, v16;
	v9 =	vmul.f32 v18, v9;
	v7 =	vld [tilespmem:s19+$0x0]  }
0x18c: {  	s31 =	simm.s32 $0x0;
	v13 =	vmul.f32 v13, v8;
	v12 =	vld [tilespmem:s19+$0xFFFFFFF0];
	v14 =	vadd.f32 v14, v10;
	v18 =	vperm.xlane v19, v3  }
0x18d: {  	s18 =	sadd.s32 $0x40, s18;
	v8 =	vmov s31;
	v15 =	vld [tilespmem:s19+$0xFFFFFFE0];
	v10 =	vmul.f32 v16, v17;
	v63 =	vshll.u32 v11, $0x10  }
0x18e: {  	s29 =	simm.s32 $0x1;
	s28 =	simm.s32 $0x2;
	s22 =	simm.s32 $0x3;
	v16 =	vld [tilespmem:s18+$0xFFFFFFE0];
	v13 =	vadd.f32 v14, v13;
	v14 =	vmul.f32 v63, v9;
	v9 =	vadd.f32 v19, v18  }
.LBB2_14:
0x18f: {  	p0 =	sne.s32 s22, $0xF;
	v17 =	vld [tilespmem:s18+$0xFFFFFFF0];
	v11 =	vand.u32 $0xFFFF0000, v11;
	s20 =	sadd.s32 $0x40, s20;
	vm0 =	veq.s32 v8, v4  }
0x190: {  	v8 =	vld [tilespmem:s20+$0xFFFFFFE0];
	v13 =	vadd.f32 v14, v13;
	v10 =	vmul.f32 v11, v10;
	v5 =	vsel vm0, v9, v5  }
0x191: {  	v18 =	vand.u32 $0xFFFF0000, v6;
	v9 =	vand.u32 $0xFFFF0000, v7;
	v14 =	vshll.u32 v6, $0x10  }
0x192: {  	v7 =	vshll.u32 v7, $0x10;
	v6 =	vand.u32 $0xFFFF0000, v12;
	v10 =	vadd.f32 v13, v10  }
0x193: {  	v12 =	vshll.u32 v12, $0x10;
	v11 =	vshll.u32 v15, $0x10;
	v13 =	vshll.u32 v16, $0x10;
	v19 =	vld [tilespmem:s18+$0x0]  }
0x194: {  	v11 =	vmul.f32 v13, v11;
	v13 =	vld [tilespmem:s20+$0xFFFFFFF0];
	v20 =	vshll.u32 v17, $0x10;
	v21 =	vperm.xlane v10, v0  }
0x195: {  	v15 =	vand.u32 $0xFFFF0000, v15;
	v16 =	vand.u32 $0xFFFF0000, v16;
	v22 =	vshll.u32 v8, $0x10  }
0x196: {  	v15 =	vmul.f32 v16, v15;
	v11 =	vmul.f32 v22, v11;
	v10 =	vadd.f32 v10, v21  }
0x197: {  	v16 =	vand.u32 $0xFFFF0000, v17;
	v8 =	vand.u32 $0xFFFF0000, v8;
	v12 =	vmul.f32 v20, v12;
	v17 =	vld [tilespmem:s18+$0x10]  }
0x198: {  	v8 =	vmul.f32 v8, v15;
	v11 =	vadd.f32 $0.0e+00, v11;
	v15 =	vld [tilespmem:s20+$0x0];
	v20 =	vperm.xlane v10, v1  }
0x199: {  	v6 =	vmul.f32 v16, v6;
	v16 =	vshll.u32 v19, $0x10;
	v21 =	vshll.u32 v13, $0x10  }
0x19a: {  	v8 =	vadd.f32 v11, v8;
	v11 =	vmul.f32 v21, v12;
	v10 =	vadd.f32 v10, v20  }
0x19b: {  	v7 =	vmul.f32 v16, v7;
	v12 =	vand.u32 $0xFFFF0000, v13;
	v13 =	vand.u32 $0xFFFF0000, v19  }
0x19c: {  	v12 =	vmul.f32 v12, v6;
	v8 =	vadd.f32 v11, v8;
	v11 =	vld [tilespmem:s20+$0x10];
	v16 =	vperm.xlane v10, v2  }
0x19d: {  	s19 =	sadd.s32 $0x40, s19;
	v9 =	vmul.f32 v13, v9;
	v13 =	vshll.u32 v17, $0x10;
	v19 =	vshll.u32 v15, $0x10  }
.Ltmp5:
0x19e: {  	v6 =	vld [tilespmem:s19+$0x10];
	v8 =	vadd.f32 v8, v12;
	v19 =	vmul.f32 v19, v7;
	v20 =	vadd.f32 v10, v16;
	(pc) =	sbr.rel @p0 .LBB2_14-.Ltmp5, $4  }
0x19f: {  	v14 =	vmul.f32 v13, v14;
	v10 =	vand.u32 $0xFFFF0000, v15;
	v16 =	vand.u32 $0xFFFF0000, v17;
	v7 =	vld [tilespmem:s19+$0x0]  }
0x1a0: {  	v9 =	vmul.f32 v10, v9;
	v12 =	vld [tilespmem:s19+$0xFFFFFFF0];
	v13 =	vadd.f32 v19, v8;
	v17 =	vperm.xlane v20, v3  }
0x1a1: {  	s18 =	sadd.s32 $0x40, s18;
	v10 =	vmul.f32 v16, v18;
	v8 =	vmov s29;
	s29 =	smov.u32 s28;
	s28 =	smov.u32 s22;
	v15 =	vld [tilespmem:s19+$0xFFFFFFE0];
	v19 =	vshll.u32 v11, $0x10  }
0x1a2: {  	s22 =	sadd.s32 $0x1, s22;
	v16 =	vld [tilespmem:s18+$0xFFFFFFE0];
	v13 =	vadd.f32 v13, v9;
	v14 =	vmul.f32 v19, v14;
	v9 =	vadd.f32 v20, v17  }
0x1a3: {  	s12 =	sadd.s32 $0x40, s20  }
0x1a4: {  	v17 =	vld [tilespmem:s12+$0xFFFFFFE0];
	_ =	sdelay $0x1  }
0x1a5: {  	v18 =	vld [tilespmem:s18+$0xFFFFFFF0]  }
0x1a6: {  	v19 =	vshll.u32 v15, $0x10;
	v20 =	vshll.u32 v16, $0x10  }
0x1a7: {  	v39 =	vld [tilespmem:s12+$0xFFFFFFF0];
	v19 =	vmul.f32 v20, v19  }
0x1a8: {  	v40 =	vand.u32 $0xFFFF0000, v15;
	v41 =	vand.u32 $0xFFFF0000, v16;
	v21 =	vshll.u32 v17, $0x10  }
0x1a9: {  	v11 =	vand.u32 $0xFFFF0000, v11;
	v22 =	vld [tilespmem:s18+$0x0];
	v15 =	vmul.f32 v41, v40;
	v19 =	vmul.f32 v21, v19  }
0x1aa: {  	v42 =	vshll.u32 v12, $0x10;
	v43 =	vshll.u32 v18, $0x10;
	v17 =	vand.u32 $0xFFFF0000, v17  }
0x1ab: {  	v44 =	vld [tilespmem:s12+$0x0];
	v16 =	vmul.f32 v43, v42;
	v15 =	vmul.f32 v17, v15;
	v19 =	vadd.f32 $0.0e+00, v19  }
0x1ac: {  	v45 =	vand.u32 $0xFFFF0000, v12;
	v18 =	vand.u32 $0xFFFF0000, v18;
	v46 =	vshll.u32 v39, $0x10  }
0x1ad: {  	v47 =	vld [tilespmem:s18+$0x10];
	v12 =	vmul.f32 v18, v45;
	v16 =	vmul.f32 v46, v16;
	v15 =	vadd.f32 v19, v15  }
0x1ae: {  	v48 =	vshll.u32 v7, $0x10;
	v49 =	vshll.u32 v22, $0x10;
	v20 =	vand.u32 $0xFFFF0000, v39  }
0x1af: {  	v50 =	vld [tilespmem:s12+$0x10];
	v12 =	vmul.f32 v20, v12;
	v19 =	vmul.f32 v49, v48;
	v15 =	vadd.f32 v16, v15  }
0x1b0: {  	v7 =	vand.u32 $0xFFFF0000, v7;
	v51 =	vand.u32 $0xFFFF0000, v22;
	v52 =	vshll.u32 v44, $0x10  }
0x1b1: {  	v7 =	vmul.f32 v51, v7;
	v53 =	vmul.f32 v52, v19;
	v12 =	vadd.f32 v15, v12  }
0x1b2: {  	v54 =	vshll.u32 v6, $0x10;
	v55 =	vshll.u32 v47, $0x10;
	v17 =	vand.u32 $0xFFFF0000, v44  }
0x1b3: {  	v7 =	vmul.f32 v17, v7;
	v19 =	vmul.f32 v55, v54;
	v12 =	vadd.f32 v53, v12  }
0x1b4: {  	v6 =	vand.u32 $0xFFFF0000, v6;
	v56 =	vand.u32 $0xFFFF0000, v47;
	v57 =	vshll.u32 v50, $0x10  }
0x1b5: {  	v6 =	vmul.f32 v56, v6;
	v58 =	vmul.f32 v57, v19;
	v7 =	vadd.f32 v12, v7  }
0x1b6: {  	v13 =	vadd.f32 v14, v13;
	v10 =	vmul.f32 v11, v10;
	v59 =	vand.u32 $0xFFFF0000, v50  }
0x1b7: {  	v6 =	vmul.f32 v59, v6;
	v7 =	vadd.f32 v58, v7  }
0x1b8: {  	v10 =	vadd.f32 v13, v10  }
0x1b9: {  	v6 =	vadd.f32 v7, v6  }
0x1ba: {  	v7 =	vperm.xlane v10, v0  }
0x1bb: {  	v60 =	vperm.xlane v6, v0  }
0x1bc: {  	v7 =	vadd.f32 v10, v7  }
0x1bd: {  	v6 =	vadd.f32 v6, v60  }
0x1be: {  	v10 =	vperm.xlane v7, v1  }
0x1bf: {  	v11 =	vperm.xlane v6, v1  }
0x1c0: {  	v7 =	vadd.f32 v7, v10  }
0x1c1: {  	v6 =	vadd.f32 v6, v11  }
0x1c2: {  	v10 =	vperm.xlane v7, v2  }
0x1c3: {  	v11 =	vperm.xlane v6, v2  }
0x1c4: {  	v7 =	vadd.f32 v7, v10  }
0x1c5: {  	v6 =	vadd.f32 v6, v11  }
0x1c6: {  	v10 =	vperm.xlane v7, v3  }
0x1c7: {  	vm0 =	veq.s32 v8, v4;
	v61 =	vperm.xlane v6, v3  }
0x1c8: {  	v62 =	vmov s29;
	v63 =	vmov s28;
	v7 =	vadd.f32 v7, v10  }
0x1c9: {  	v5 =	vsel vm0, v9, v5;
	vm14 =	veq.s32 v62, v4;
	v6 =	vadd.f32 v6, v61  }
0x1ca: {  	vm15 =	veq.s32 v63, v4;
	v5 =	vsel vm14, v7, v5  }
0x1cb: {  	v5 =	vsel vm15, v6, v5  }
0x1cc: {  	v5 =	vsub.f32 $0.0e+00, v5;
	_ =	sdelay $0x1  }
0x1cd: {  	v5 =	vmul.f32 $1.442695020e+00, v5;
	_ =	sdelay $0x1  }
0x1ce: {  	(erf) = vpow2.f32 v5;
	_ =	sdelay $0x8  }
0x1cf: {  	v5 =	vpop (erf)  }
0x1d0: {  	v5 =	vadd.f32 $1.000000000e+00, v5;
	_ =	sdelay $0x1  }
0x1d1: {  	(erf) = vrcp.f32 v5;
	_ =	sdelay $0x3  }
0x1d2: {  	s31 =	sshll.u32 s26, $0x4;
	s26 =	sadd.s32 $0x1, s26  }
0x1d3: {  	p0 =	sne.s32 s26, $0x8  }
.Ltmp6:
0x1d4: {  	_ = 	snop;
	(pc) =	sbr.rel @p0 .LBB2_13-.Ltmp6, $3  }
0x1d5: {  	_ =	sdelay $0x1  }
0x1d6: {  	s12 =	sand.u32 $0x3FFFFFF0, s31;
	v5 =	vpop (erf)  }
0x1d7: {  	s14 =	sadd.s32 $0x400, s14;
	s15 =	sadd.s32 $0x400, s15;
	s16 =	sadd.s32 $0x400, s16;
	[tilespmem:s12+$0x13200] =	vst v5  }
0x1d8: {  	s15 =	sshll.u32 s25, $0x1  }
0x1d9: {  	s12 =	sadd.s32 s15, s9  }
0x1da: {  	s12 =	sshll.u32 s12, $0x4  }
0x1db: {  	p0 =	sge.u32 s25, s8;
	s12 =	sand.u32 $0x1FFFFFE0, s12  }
0x1dc: {  	s14 =	sshll.u32 @!p0 s25, $0x8;
	s12 =	sadd.s32 s1, s12  }
0x1dd: {  	[hbm4b:s12+s2] =	stream.linear.scatter [tilespmem:s3], [sflag:$0x3], $0x80, $0x38;
	[tilespmem:$0x13300] =	vst v63  }
0x1de: {  	s16 =	simm.s32 @!p0 $0x80;
	s18 =	simm.s32 @!p0 $0x7200;
	s12 =	sadd.s32 @!p0 $0x100, s14  }
0x1df: {  	[tilespmem:s18], [sflag:$0x1] =	stream.indirect.gather @!p0 [hbm4b:s4+s16], $0x40, s12, s16, $0xb8;
	[tilespmem:$0x13300] =	vst v63  }
0x1e0: {  	s12 =	sadd.s32 @!p0 $0x2700, s14;
	s18 =	simm.s32 @!p0 $0x9200  }
0x1e1: {  	[tilespmem:s18], [sflag:$0x1] =	stream.indirect.gather @!p0 [hbm4b:s4+s16], $0x40, s12, s16, $0xb8;
	[tilespmem:$0x13300] =	vst v63  }
0x1e2: {  	s12 =	sadd.s32 @!p0 $0x4D00, s14;
	s18 =	simm.s32 @!p0 $0xB200  }
0x1e3: {  	[tilespmem:s18], [sflag:$0x1] =	stream.indirect.gather @!p0 [hbm4b:s5+s16], $0x40, s12, s16, $0xb8;
	[tilespmem:$0x13300] =	vst v63  }
0x1e4: {  	_ =	swait.ge [sflag:s10], $0x2000  }
0x1e5: {  	[sflag:s10] =	ssyncset.done $0x0  }
0x1e6: {  	[sflag:s10] =	ssyncadd.s32 $0xFFFFE000  }
0x1e7: {  	_ =	swait.ge [sflag:s10], $0x2000  }
0x1e8: {  	[sflag:s10] =	ssyncset.done $0x0  }
0x1e9: {  	[sflag:s10] =	ssyncadd.s32 $0xFFFFE000  }
0x1ea: {  	_ =	swait.ge [sflag:s10], $0x2000  }
0x1eb: {  	[sflag:s10] =	ssyncset.done $0x0  }
0x1ec: {  	[sflag:s10] =	ssyncadd.s32 $0xFFFFE000  }
0x1ed: {  	s26 =	simm.s32 $0xD220;
	_ =	swait.ge [sflag:s24], $0x80  }
0x1ee: {  	s28 =	simm.s32 $0xF220;
	s29 =	simm.s32 $0x11220;
	[sflag:s24] =	ssyncset.done $0x0  }
0x1ef: {  	s30 =	simm.s32 $0x0;
	s16 =	simm.s32 $0x0;
	[sflag:s24] =	ssyncadd.s32 $0xFFFFFF80  }
.LBB2_17:
0x1f0: {  	v5 =	vld [tilespmem:s26+$0xFFFFFFE0]  }
0x1f1: {  	v6 =	vld [tilespmem:s28+$0xFFFFFFE0];
	_ =	sdelay $0x1  }
0x1f2: {  	v7 =	vld [tilespmem:s29+$0xFFFFFFE0]  }
0x1f3: {  	v8 =	vld [tilespmem:s26+$0xFFFFFFF0]  }
0x1f4: {  	v9 =	vld [tilespmem:s28+$0xFFFFFFF0]  }
0x1f5: {  	v10 =	vshll.u32 v5, $0x10;
	v11 =	vshll.u32 v6, $0x10  }
0x1f6: {  	v10 =	vmul.f32 v11, v10;
	v11 =	vld [tilespmem:s29+$0xFFFFFFF0]  }
0x1f7: {  	v12 =	vld [tilespmem:s26+$0x0];
	v5 =	vand.u32 $0xFFFF0000, v5;
	v6 =	vand.u32 $0xFFFF0000, v6;
	v13 =	vshll.u32 v7, $0x10  }
0x1f8: {  	v14 =	vld [tilespmem:s28+$0x0];
	v5 =	vmul.f32 v6, v5;
	v10 =	vmul.f32 v13, v10  }
0x1f9: {  	v7 =	vand.u32 $0xFFFF0000, v7;
	v6 =	vshll.u32 v8, $0x10;
	v13 =	vshll.u32 v9, $0x10  }
0x1fa: {  	v5 =	vmul.f32 v7, v5;
	v7 =	vld [tilespmem:s29+$0x0];
	v6 =	vmul.f32 v13, v6;
	v10 =	vadd.f32 $0.0e+00, v10  }
0x1fb: {  	v16 =	vld [tilespmem:s28+$0x10];
	v8 =	vand.u32 $0xFFFF0000, v8;
	v9 =	vand.u32 $0xFFFF0000, v9;
	v15 =	vshll.u32 v11, $0x10  }
0x1fc: {  	v13 =	vld [tilespmem:s26+$0x10];
	v8 =	vmul.f32 v9, v8;
	v5 =	vadd.f32 v10, v5;
	v6 =	vmul.f32 v15, v6  }
0x1fd: {  	v9 =	vshll.u32 v12, $0x10;
	v11 =	vand.u32 $0xFFFF0000, v11;
	v10 =	vshll.u32 v14, $0x10  }
0x1fe: {  	v9 =	vmul.f32 v10, v9;
	v5 =	vadd.f32 v6, v5;
	v6 =	vmul.f32 v11, v8;
	v8 =	vld [tilespmem:s29+$0x10]  }
0x1ff: {  	s12 =	sadd.s32 $0x40, s26;
	v10 =	vand.u32 $0xFFFF0000, v12;
	v12 =	vshll.u32 v7, $0x10;
	v11 =	vand.u32 $0xFFFF0000, v14  }
0x200: {  	v14 =	vld [tilespmem:s12+$0x0];
	v10 =	vmul.f32 v11, v10;
	v5 =	vadd.f32 v5, v6;
	v6 =	vmul.f32 v12, v9  }
0x201: {  	v7 =	vand.u32 $0xFFFF0000, v7;
	v11 =	vld [tilespmem:s12+$0x10];
	v9 =	vshll.u32 v13, $0x10;
	v12 =	vshll.u32 v16, $0x10  }
0x202: {  	v9 =	vmul.f32 v12, v9;
	v12 =	vld [tilespmem:s12+$0xFFFFFFF0];
	v5 =	vadd.f32 v6, v5;
	v6 =	vmul.f32 v7, v10  }
0x203: {  	s19 =	sadd.s32 $0x40, s28;
	v7 =	vand.u32 $0xFFFF0000, v13;
	v10 =	vand.u32 $0xFFFF0000, v16;
	v13 =	vld [tilespmem:s12+$0xFFFFFFE0];
	v15 =	vshll.u32 v8, $0x10  }
0x204: {  	s18 =	sadd.s32 $0x40, s29;
	v7 =	vmul.f32 v10, v7;
	v10 =	vld [tilespmem:s19+$0xFFFFFFE0];
	v6 =	vadd.f32 v5, v6;
	v9 =	vmul.f32 v15, v9  }
0x205: {  	v16 =	vld [tilespmem:s18+$0xFFFFFFE0];
	v8 =	vand.u32 $0xFFFF0000, v8  }
0x206: {  	v15 =	vld [tilespmem:s19+$0xFFFFFFF0];
	v5 =	vimm.f32 $0.0e+00;
	v7 =	vmul.f32 v8, v7;
	v6 =	vadd.f32 v9, v6  }
0x207: {  	v17 =	vand.u32 $0xFFFF0000, v11;
	v8 =	vand.u32 $0xFFFF0000, v14;
	v14 =	vshll.u32 v14, $0x10  }
0x208: {  	v9 =	vshll.u32 v11, $0x10;
	v11 =	vand.u32 $0xFFFF0000, v12;
	v6 =	vadd.f32 v6, v7  }
0x209: {  	v19 =	vld [tilespmem:s19+$0x0];
	v12 =	vshll.u32 v12, $0x10;
	v7 =	vshll.u32 v13, $0x10;
	v18 =	vshll.u32 v10, $0x10  }
0x20a: {  	v22 =	vshll.u32 v16, $0x10;
	v7 =	vmul.f32 v18, v7;
	v18 =	vld [tilespmem:s18+$0xFFFFFFF0];
	v21 =	vperm.xlane v6, v0  }
0x20b: {  	v13 =	vand.u32 $0xFFFF0000, v13;
	v10 =	vand.u32 $0xFFFF0000, v10;
	v20 =	vshll.u32 v15, $0x10  }
0x20c: {  	v10 =	vmul.f32 v10, v13;
	v7 =	vmul.f32 v22, v7;
	v6 =	vadd.f32 v6, v21  }
0x20d: {  	v13 =	vand.u32 $0xFFFF0000, v16;
	v15 =	vand.u32 $0xFFFF0000, v15;
	v16 =	vld [tilespmem:s19+$0x10];
	v12 =	vmul.f32 v20, v12  }
0x20e: {  	v10 =	vmul.f32 v13, v10;
	v13 =	vld [tilespmem:s18+$0x0];
	v7 =	vadd.f32 $0.0e+00, v7;
	v59 =	vperm.xlane v6, v1  }
0x20f: {  	v11 =	vmul.f32 v15, v11;
	v15 =	vshll.u32 v19, $0x10;
	v60 =	vshll.u32 v18, $0x10  }
0x210: {  	v7 =	vadd.f32 v7, v10;
	v10 =	vmul.f32 v60, v12;
	v12 =	vadd.f32 v6, v59  }
0x211: {  	v14 =	vmul.f32 v15, v14;
	v6 =	vand.u32 $0xFFFF0000, v18;
	v18 =	vand.u32 $0xFFFF0000, v19  }
0x212: {  	v7 =	vadd.f32 v10, v7;
	v10 =	vmul.f32 v6, v11;
	v11 =	vld [tilespmem:s18+$0x10];
	v15 =	vperm.xlane v12, v2  }
0x213: {  	s22 =	sadd.s32 $0x40, s12;
	v61 =	vshll.u32 v16, $0x10;
	v19 =	vshll.u32 v13, $0x10;
	v18 =	vmul.f32 v18, v8  }
0x214: {  	v6 =	vld [tilespmem:s22+$0x10];
	v7 =	vadd.f32 v7, v10;
	v10 =	vmul.f32 v19, v14;
	v19 =	vadd.f32 v12, v15  }
0x215: {  	s19 =	sadd.s32 $0x40, s19;
	v9 =	vmul.f32 v61, v9;
	v13 =	vand.u32 $0xFFFF0000, v13;
	v8 =	vld [tilespmem:s22+$0x0];
	v14 =	vand.u32 $0xFFFF0000, v16  }
0x216: {  	v13 =	vmul.f32 v13, v18;
	v16 =	vld [tilespmem:s19+$0xFFFFFFE0];
	v62 =	vadd.f32 v10, v7;
	v18 =	vperm.xlane v19, v3  }
0x217: {  	v12 =	vld [tilespmem:s22+$0xFFFFFFF0];
	v10 =	vmul.f32 v14, v17;
	v7 =	vmov s16;
	v63 =	vshll.u32 v11, $0x10  }
0x218: {  	s20 =	simm.s32 $0x1;
	s31 =	simm.s32 $0x2;
	s12 =	simm.s32 $0x3;
	v15 =	vld [tilespmem:s22+$0xFFFFFFE0];
	v13 =	vadd.f32 v62, v13;
	v14 =	vmul.f32 v63, v9;
	v9 =	vadd.f32 v19, v18  }
.LBB2_18:
0x219: {  	p1 =	sne.s32 s12, $0xF;
	v17 =	vld [tilespmem:s19+$0xFFFFFFF0];
	v11 =	vand.u32 $0xFFFF0000, v11;
	s18 =	sadd.s32 $0x40, s18;
	vm0 =	veq.s32 v7, v4  }
0x21a: {  	v7 =	vld [tilespmem:s18+$0xFFFFFFE0];
	v13 =	vadd.f32 v14, v13;
	v10 =	vmul.f32 v11, v10;
	v5 =	vsel vm0, v9, v5  }
0x21b: {  	v18 =	vand.u32 $0xFFFF0000, v6;
	v9 =	vand.u32 $0xFFFF0000, v8;
	v14 =	vshll.u32 v6, $0x10  }
0x21c: {  	v8 =	vshll.u32 v8, $0x10;
	v6 =	vand.u32 $0xFFFF0000, v12;
	v10 =	vadd.f32 v13, v10  }
0x21d: {  	v12 =	vshll.u32 v12, $0x10;
	v11 =	vshll.u32 v15, $0x10;
	v13 =	vshll.u32 v16, $0x10;
	v19 =	vld [tilespmem:s19+$0x0]  }
0x21e: {  	v11 =	vmul.f32 v13, v11;
	v13 =	vld [tilespmem:s18+$0xFFFFFFF0];
	v20 =	vshll.u32 v17, $0x10;
	v21 =	vperm.xlane v10, v0  }
0x21f: {  	v15 =	vand.u32 $0xFFFF0000, v15;
	v16 =	vand.u32 $0xFFFF0000, v16;
	v22 =	vshll.u32 v7, $0x10  }
0x220: {  	v15 =	vmul.f32 v16, v15;
	v11 =	vmul.f32 v22, v11;
	v10 =	vadd.f32 v10, v21  }
0x221: {  	v16 =	vand.u32 $0xFFFF0000, v17;
	v7 =	vand.u32 $0xFFFF0000, v7;
	v12 =	vmul.f32 v20, v12;
	v17 =	vld [tilespmem:s19+$0x10]  }
0x222: {  	v7 =	vmul.f32 v7, v15;
	v11 =	vadd.f32 $0.0e+00, v11;
	v15 =	vld [tilespmem:s18+$0x0];
	v20 =	vperm.xlane v10, v1  }
0x223: {  	v6 =	vmul.f32 v16, v6;
	v16 =	vshll.u32 v19, $0x10;
	v21 =	vshll.u32 v13, $0x10  }
0x224: {  	v7 =	vadd.f32 v11, v7;
	v11 =	vmul.f32 v21, v12;
	v10 =	vadd.f32 v10, v20  }
0x225: {  	v8 =	vmul.f32 v16, v8;
	v12 =	vand.u32 $0xFFFF0000, v13;
	v13 =	vand.u32 $0xFFFF0000, v19  }
0x226: {  	v12 =	vmul.f32 v12, v6;
	v7 =	vadd.f32 v11, v7;
	v11 =	vld [tilespmem:s18+$0x10];
	v16 =	vperm.xlane v10, v2  }
0x227: {  	s22 =	sadd.s32 $0x40, s22;
	v9 =	vmul.f32 v13, v9;
	v13 =	vshll.u32 v17, $0x10;
	v19 =	vshll.u32 v15, $0x10  }
.Ltmp7:
0x228: {  	v6 =	vld [tilespmem:s22+$0x10];
	v7 =	vadd.f32 v7, v12;
	v19 =	vmul.f32 v19, v8;
	v20 =	vadd.f32 v10, v16;
	(pc) =	sbr.rel @p1 .LBB2_18-.Ltmp7, $4  }
0x229: {  	v14 =	vmul.f32 v13, v14;
	v10 =	vand.u32 $0xFFFF0000, v15;
	v16 =	vand.u32 $0xFFFF0000, v17;
	v8 =	vld [tilespmem:s22+$0x0]  }
0x22a: {  	v9 =	vmul.f32 v10, v9;
	v12 =	vld [tilespmem:s22+$0xFFFFFFF0];
	v13 =	vadd.f32 v19, v7;
	v17 =	vperm.xlane v20, v3  }
0x22b: {  	s19 =	sadd.s32 $0x40, s19;
	v10 =	vmul.f32 v16, v18;
	v7 =	vmov s20;
	s20 =	smov.u32 s31;
	s31 =	smov.u32 s12;
	v15 =	vld [tilespmem:s22+$0xFFFFFFE0];
	v19 =	vshll.u32 v11, $0x10  }
0x22c: {  	s12 =	sadd.s32 $0x1, s12;
	v16 =	vld [tilespmem:s19+$0xFFFFFFE0];
	v13 =	vadd.f32 v13, v9;
	v14 =	vmul.f32 v19, v14;
	v9 =	vadd.f32 v20, v17  }
0x22d: {  	s12 =	sadd.s32 $0x40, s18  }
0x22e: {  	v17 =	vld [tilespmem:s12+$0xFFFFFFE0];
	_ =	sdelay $0x1  }
0x22f: {  	v18 =	vld [tilespmem:s19+$0xFFFFFFF0]  }
0x230: {  	v19 =	vshll.u32 v15, $0x10;
	v20 =	vshll.u32 v16, $0x10  }
0x231: {  	v38 =	vld [tilespmem:s12+$0xFFFFFFF0];
	v19 =	vmul.f32 v20, v19  }
0x232: {  	v39 =	vand.u32 $0xFFFF0000, v15;
	v40 =	vand.u32 $0xFFFF0000, v16;
	v21 =	vshll.u32 v17, $0x10  }
0x233: {  	v11 =	vand.u32 $0xFFFF0000, v11;
	v22 =	vld [tilespmem:s19+$0x0];
	v15 =	vmul.f32 v40, v39;
	v19 =	vmul.f32 v21, v19  }
0x234: {  	v41 =	vshll.u32 v12, $0x10;
	v42 =	vshll.u32 v18, $0x10;
	v17 =	vand.u32 $0xFFFF0000, v17  }
0x235: {  	v43 =	vld [tilespmem:s12+$0x0];
	v16 =	vmul.f32 v42, v41;
	v15 =	vmul.f32 v17, v15;
	v19 =	vadd.f32 $0.0e+00, v19  }
0x236: {  	v44 =	vand.u32 $0xFFFF0000, v12;
	v18 =	vand.u32 $0xFFFF0000, v18;
	v45 =	vshll.u32 v38, $0x10  }
0x237: {  	v46 =	vld [tilespmem:s19+$0x10];
	v12 =	vmul.f32 v18, v44;
	v16 =	vmul.f32 v45, v16;
	v15 =	vadd.f32 v19, v15  }
0x238: {  	v47 =	vshll.u32 v8, $0x10;
	v48 =	vshll.u32 v22, $0x10;
	v20 =	vand.u32 $0xFFFF0000, v38  }
0x239: {  	v49 =	vld [tilespmem:s12+$0x10];
	v12 =	vmul.f32 v20, v12;
	v19 =	vmul.f32 v48, v47;
	v15 =	vadd.f32 v16, v15  }
0x23a: {  	v50 =	vand.u32 $0xFFFF0000, v8;
	v51 =	vand.u32 $0xFFFF0000, v22;
	v52 =	vshll.u32 v43, $0x10  }
0x23b: {  	v8 =	vmul.f32 v51, v50;
	v53 =	vmul.f32 v52, v19;
	v12 =	vadd.f32 v15, v12  }
0x23c: {  	v54 =	vshll.u32 v6, $0x10;
	v55 =	vshll.u32 v46, $0x10;
	v17 =	vand.u32 $0xFFFF0000, v43  }
0x23d: {  	v8 =	vmul.f32 v17, v8;
	v19 =	vmul.f32 v55, v54;
	v12 =	vadd.f32 v53, v12  }
0x23e: {  	v6 =	vand.u32 $0xFFFF0000, v6;
	v56 =	vand.u32 $0xFFFF0000, v46;
	v57 =	vshll.u32 v49, $0x10  }
0x23f: {  	v6 =	vmul.f32 v56, v6;
	v58 =	vmul.f32 v57, v19;
	v8 =	vadd.f32 v12, v8  }
0x240: {  	v13 =	vadd.f32 v14, v13;
	v10 =	vmul.f32 v11, v10;
	v59 =	vand.u32 $0xFFFF0000, v49  }
0x241: {  	v6 =	vmul.f32 v59, v6;
	v8 =	vadd.f32 v58, v8  }
0x242: {  	v10 =	vadd.f32 v13, v10  }
0x243: {  	v6 =	vadd.f32 v8, v6  }
0x244: {  	v60 =	vperm.xlane v10, v0  }
0x245: {  	v61 =	vperm.xlane v6, v0  }
0x246: {  	v8 =	vadd.f32 v10, v60  }
0x247: {  	v6 =	vadd.f32 v6, v61  }
0x248: {  	v10 =	vperm.xlane v8, v1  }
0x249: {  	v11 =	vperm.xlane v6, v1  }
0x24a: {  	v8 =	vadd.f32 v8, v10  }
0x24b: {  	v6 =	vadd.f32 v6, v11  }
0x24c: {  	v10 =	vperm.xlane v8, v2  }
0x24d: {  	v11 =	vperm.xlane v6, v2  }
0x24e: {  	v8 =	vadd.f32 v8, v10  }
0x24f: {  	v6 =	vadd.f32 v6, v11  }
0x250: {  	v10 =	vperm.xlane v8, v3  }
0x251: {  	vm0 =	veq.s32 v7, v4;
	v7 =	vperm.xlane v6, v3  }
0x252: {  	v62 =	vmov s20;
	v63 =	vmov s31;
	v8 =	vadd.f32 v8, v10  }
0x253: {  	v5 =	vsel vm0, v9, v5;
	vm14 =	veq.s32 v62, v4;
	v6 =	vadd.f32 v6, v7  }
0x254: {  	vm15 =	veq.s32 v63, v4;
	v5 =	vsel vm14, v8, v5  }
0x255: {  	v5 =	vsel vm15, v6, v5  }
0x256: {  	v5 =	vsub.f32 $0.0e+00, v5;
	_ =	sdelay $0x1  }
0x257: {  	v5 =	vmul.f32 $1.442695020e+00, v5;
	_ =	sdelay $0x1  }
0x258: {  	(erf) = vpow2.f32 v5;
	_ =	sdelay $0x8  }
0x259: {  	v5 =	vpop (erf)  }
0x25a: {  	v5 =	vadd.f32 $1.000000000e+00, v5;
	_ =	sdelay $0x1  }
0x25b: {  	(erf) = vrcp.f32 v5;
	_ =	sdelay $0x3  }
0x25c: {  	s31 =	sshll.u32 s30, $0x4;
	s30 =	sadd.s32 $0x1, s30  }
0x25d: {  	p1 =	sne.s32 s30, $0x8  }
.Ltmp8:
0x25e: {  	_ = 	snop;
	(pc) =	sbr.rel @p1 .LBB2_17-.Ltmp8, $3  }
0x25f: {  	_ =	sdelay $0x1  }
0x260: {  	s12 =	sand.u32 $0x3FFFFFF0, s31;
	v5 =	vpop (erf)  }
0x261: {  	s26 =	sadd.s32 $0x400, s26;
	s28 =	sadd.s32 $0x400, s28;
	s29 =	sadd.s32 $0x400, s29;
	[tilespmem:s12+$0x13280] =	vst v5  }
0x262: {  	s12 =	sadd.s32 s15, s17  }
0x263: {  	s12 =	sshll.u32 s12, $0x4  }
0x264: {  	s12 =	sadd.s32 s1, s12  }
0x265: {  	[hbm4b:s12+s2] =	stream.linear.scatter [tilespmem:s11], [sflag:$0x4], $0x80, $0x38;
	[tilespmem:$0x13300] =	vst v63  }
0x266: {  	s15 =	simm.s32 @!p0 $0x80;
	s16 =	simm.s32 @!p0 $0xD200;
	s12 =	sadd.s32 @!p0 $0x180, s14  }
0x267: {  	[tilespmem:s16], [sflag:$0x2] =	stream.indirect.gather @!p0 [hbm4b:s4+s15], $0x40, s12, s15, $0xb8;
	[tilespmem:$0x13300] =	vst v63  }
0x268: {  	s12 =	sadd.s32 @!p0 $0x2780, s14;
	s16 =	simm.s32 @!p0 $0xF200  }
0x269: {  	[tilespmem:s16], [sflag:$0x2] =	stream.indirect.gather @!p0 [hbm4b:s4+s15], $0x40, s12, s15, $0xb8;
	[tilespmem:$0x13300] =	vst v63  }
0x26a: {  	s25 =	sadd.s32 $0x1, s25;
	s12 =	sadd.s32 @!p0 $0x4D80, s14;
	s14 =	simm.s32 @!p0 $0x11200  }
0x26b: {  	[tilespmem:s14], [sflag:$0x2] =	stream.indirect.gather @!p0 [hbm4b:s5+s15], $0x40, s12, s15, $0xb8;
	[tilespmem:$0x13300] =	vst v63  }
0x26c: {  	p0 =	sne.s32 s25, s6  }
.Ltmp9:
0x26d: {  	_ = 	snop;
	(pc) =	sbr.rel @p0 .LBB2_12-.Ltmp9, $1  }
0x26e: {  	_ =	sdelay $0x3  }
0x26f: {  	_ =	swait.ge [sflag:s23], $0x80  }
0x270: {  	[sflag:s23] =	ssyncset.done $0x0  }
0x271: {  	[sflag:s23] =	ssyncadd.s32 $0xFFFFFF80  }
0x272: {  	_ =	swait.ge [sflag:s24], $0x80  }
0x273: {  	s14 =	rddreg [dreg:$0xd]  }
0x274: {  	s12 =	rddreg [dreg:$0xc];
	s14 =	sadd.s32 $0x1, s14  }
0x275: {  	p0 =	sne.s32 s14, s12  }
.Ltmp10:
0x276: {  	_ = 	snop;
	(pc) =	sbr.rel @p0 .LBB2_1-.Ltmp10, $3  }
0x277: {  	_ =	sdelay $0x1  }
0x278: {  	[sflag:s24] =	ssyncset.done $0x0  }
0x279: {  	[sflag:s24] =	ssyncadd.s32 $0xFFFFFF80  }
0x27a: {  	_ =	sfence.sel $0x180000  }
0x27b: {  	[bflag:$0x0] =	sbarrier.arrive $0xFFFF  }
0x27c: {  	_ =	strace $0x90000047  }
0x27d: {  	s0 =	stileid.u32;
	[bflag:$0x2] =	sbarrier.arrive $0xFFFF  }
0x27e: {  	p0 =	sne.s32 s0, $0x0;
	s0 =	rddreg [dreg:$0x5]  }
0x27f: {  	s0 =	sadd.s32 @!p0 $0x100000, s0  }
0x280: {  	[sflag:s0] =	ssyncadd.tile.s32 @!p0 $0x1;
	_ =	shalt  }
.Lfunc_end2:
_tile_overlayer_lowered:
.L_overlay_start_2:
0x281: {  	(tag) =	ssettag $0x2  }
0x282: {  	s0 =	rddreg [dreg:$0x0];
	s2 =	stileid.u32  }
0x283: {  	s1 =	rddreg [dreg:$0x1];
	p0 =	sne.s32 s2, $0x0  }
0x284: {  	s3 =	rddreg [dreg:$0x2];
	[bflag:$0x3] =	sbarrier.arrive $0xFFFF;
	s2 =	simm.s32 @!p0 $0x1C05  }
0x285: {  	[timem:s3], [sflag:s2] =	dma.local @!p0 [hbm:s0], s1  }
0x286: {  	s0 =	simm.s32 @!p0 $0x5  }
0x287: {  	_ =	swait.ge @!p0 [sflag:s0], s1  }
0x288: {  	s1 =	ssub.s32 @!p0 $0x0, s1;
	[sflag:s0] =	ssyncset.done @!p0 $0x0  }
0x289: {  	[sflag:s0] =	ssyncadd.s32 @!p0 s1  }
0x28a: {  	[bflag:$0x3] =	sbarrier.arrive $0xFFFF  }
0x28b: {  	_ =	shalt  }

</sc_bundles>
